<compile_context>
chip_gen: v7x
topology: tpu7x:2x2x1
jax: 0.10.2.dev20260603
libtpu: 0.0.44.dev20260713+nightly
codegen_flags: <defaults>
</compile_context>

<pallas_src>
import functools
import math

import jax
import jax.numpy as jnp
from jax import lax
from jax.experimental import pallas as pl
from jax.experimental.pallas import tpu as pltpu
from jax.experimental.pallas import tpu_sc as plsc

NC = 2
NS = 16
NW = NC * NS
BLK = 128


AGG_BG = 64
AGG_NB = 4


@functools.lru_cache(maxsize=None)
def _make_sc_agg(n, d, nbt, n_pad, dtype=jnp.float32):
  bg = AGG_BG
  nb = AGG_NB
  rpt = n_pad // NS
  nzc = rpt // BLK
  hb = nbt // 2
  assert hb % nb == 0
  mesh = plsc.VectorSubcoreMesh(core_axis_name="c", subcore_axis_name="s")

  def body(x_hbm, src_hbm, dst_hbm, agg_out, src_stage, dst_stage,
           *rest):
    rows = rest[:nb]
    agg_sh = rest[nb]
    x_sh = rest[nb + 1]
    sems = rest[nb + 2:]
    c = lax.axis_index("c")
    s = lax.axis_index("s")
    w = c * NS + s

    for k in range(nzc):
      r0 = s * rpt + k * BLK
      pltpu.sync_copy(x_hbm.at[pl.ds(r0, BLK), :], x_sh.at[pl.ds(r0, BLK)])

    lane = 16 if dtype == jnp.float32 else 32
    zv = jnp.zeros((lane,), dtype)
    def zrow(i, carry):
      for q in range(d // lane):
        rows[0][i, pl.ds(q * lane, lane)] = zv
      return carry
    lax.fori_loop(0, bg, zrow, 0)
    for k in range(nzc * (BLK // bg)):
      pltpu.sync_copy(rows[0], agg_sh.at[pl.ds(s * rpt + k * bg, bg)])
    plsc.subcore_barrier()

    for h in range(2):
      base = w * nbt + h * hb
      pltpu.sync_copy(src_hbm.at[pl.ds(base, hb), :], src_stage)
      pltpu.sync_copy(dst_hbm.at[pl.ds(base, hb), :], dst_stage)
      for b in range(nb):
        pltpu.async_copy(x_sh.at[src_stage.at[b]], rows[b], sems[b])

      def group(g, carry):
        j0 = nb * g
        for b in range(nb):
          j = j0 + b
          pltpu.make_async_copy(
              x_sh.at[src_stage.at[j]], rows[b], sems[b]).wait()
          pltpu.sync_copy(rows[b], agg_sh.at[dst_stage.at[j]], add=True)

          @pl.when(j + nb < hb)
          def _():
            pltpu.async_copy(
                x_sh.at[src_stage.at[j + nb]], rows[b], sems[b])
        return carry
      lax.fori_loop(0, hb // nb, group, 0)
    plsc.subcore_barrier()

    for k in range(nzc):
      r0 = s * rpt + k * BLK
      pltpu.sync_copy(agg_sh.at[pl.ds(r0, BLK)],
                      agg_out.at[c, pl.ds(r0, BLK), :])

  return pl.kernel(
      body,
      out_type=jax.ShapeDtypeStruct((NC, n_pad, d), dtype),
      mesh=mesh,
      compiler_params=pltpu.CompilerParams(use_tc_tiling_on_sc=False),
      scratch_types=(
          pltpu.VMEM((hb, bg), jnp.int32),
          pltpu.VMEM((hb, bg), jnp.int32),
          *[pltpu.VMEM((bg, d), dtype) for _ in range(nb)],
          pltpu.VMEM_SHARED((n_pad, d), dtype),
          pltpu.VMEM_SHARED((n_pad, d), dtype),
          *[pltpu.SemaphoreType.DMA for _ in range(nb)],
      ),
  )


@functools.lru_cache(maxsize=None)
def _make_sc_deg(bpt, n_pad, d):
  rpt = n_pad // NS
  nzc = rpt // BLK
  mesh = plsc.VectorSubcoreMesh(core_axis_name="c", subcore_axis_name="s")

  def body(dst_hbm, deg_out, dst_stage, obuf, deg_sh):
    c = lax.axis_index("c")
    s = lax.axis_index("s")
    w = c * NS + s

    pltpu.sync_copy(dst_hbm.at[pl.ds(w * bpt, bpt), :], dst_stage)
    zv = jnp.zeros((16,), jnp.float32)
    def zfill(i, carry):
      for q in range(d // 16):
        obuf[i, pl.ds(q * 16, 16)] = zv
      return carry
    lax.fori_loop(0, BLK, zfill, 0)
    for k in range(nzc):
      pltpu.sync_copy(obuf, deg_sh.at[pl.ds(s * rpt + k * BLK, BLK)])
    ov = jnp.ones((16,), jnp.float32)
    def ofill(i, carry):
      for q in range(d // 16):
        obuf[i, pl.ds(q * 16, 16)] = ov
      return carry
    lax.fori_loop(0, BLK, ofill, 0)
    plsc.subcore_barrier()

    def step(j, carry):
      pltpu.sync_copy(obuf, deg_sh.at[dst_stage.at[j]], add=True)
      return carry
    lax.fori_loop(0, bpt, step, 0)
    plsc.subcore_barrier()

    for k in range(nzc):
      r0 = s * rpt + k * BLK
      pltpu.sync_copy(deg_sh.at[pl.ds(r0, BLK)],
                      deg_out.at[c, pl.ds(r0, BLK), :])

  return pl.kernel(
      body,
      out_type=jax.ShapeDtypeStruct((NC, n_pad, d), jnp.float32),
      mesh=mesh,
      compiler_params=pltpu.CompilerParams(use_tc_tiling_on_sc=False),
      scratch_types=(
          pltpu.VMEM((bpt, BLK), jnp.int32),
          pltpu.VMEM((BLK, d), jnp.float32),
          pltpu.VMEM_SHARED((n_pad, d), jnp.float32),
      ),
  )


@functools.lru_cache(maxsize=None)
def _make_tc_layer(n, d, n_pad, relu, br):

  def body(x_ref, a0_ref, a1_ref, d0_ref, d1_ref, ws_ref, wn_ref, b_ref,
           o_ref):
    deg = (d0_ref[0] + d1_ref[0])[:, :1]
    rdeg = 1.0 / jnp.maximum(deg, 1.0)
    hn = (a0_ref[0].astype(jnp.float32) + a1_ref[0].astype(jnp.float32)) * rdeg
    acc = jnp.dot(x_ref[...], ws_ref[...], preferred_element_type=jnp.float32)
    acc = acc + jnp.dot(hn, wn_ref[...], preferred_element_type=jnp.float32)
    acc = acc + b_ref[...]
    o_ref[...] = jnp.maximum(acc, 0.0) if relu else acc

  return pl.pallas_call(
      body,
      grid=(n // br,),
      in_specs=[
          pl.BlockSpec((br, d), lambda i: (i, 0)),
          pl.BlockSpec((1, br, d), lambda i: (0, i, 0)),
          pl.BlockSpec((1, br, d), lambda i: (1, i, 0)),
          pl.BlockSpec((1, br, d), lambda i: (0, i, 0)),
          pl.BlockSpec((1, br, d), lambda i: (1, i, 0)),
          pl.BlockSpec((d, d), lambda i: (0, 0)),
          pl.BlockSpec((d, d), lambda i: (0, 0)),
          pl.BlockSpec((1, d), lambda i: (0, 0)),
      ],
      out_specs=pl.BlockSpec((br, d), lambda i: (i, 0)),
      out_shape=jax.ShapeDtypeStruct((n, d), jnp.float32),
  )


def kernel(g_features, edge_index, W1_self, W1_neigh, b1,
           W2_self, W2_neigh, b2, W3_self, W3_neigh, b3):
  n, d = g_features.shape
  e = edge_index.shape[1]
  quantum = NW * AGG_BG * 2 * AGG_NB
  e_pad = math.ceil(e / quantum) * quantum
  ept = e_pad // NW
  nbt = ept // AGG_BG
  bptd = ept // BLK
  n_pad = math.ceil(n / (NS * BLK)) * NS * BLK

  src = edge_index[0]
  dst = edge_index[1]
  if e_pad != e:
    src = jnp.concatenate([src, jnp.zeros((e_pad - e,), jnp.int32)])
    dst = jnp.concatenate([dst, jnp.full((e_pad - e,), n, jnp.int32)])
  src_g = src.reshape(NW * nbt, AGG_BG)
  dst_g = dst.reshape(NW * nbt, AGG_BG)
  dst_d = dst.reshape(NW * bptd, BLK)
  sc_agg = _make_sc_agg(n, d, nbt, n_pad, jnp.bfloat16)
  sc_deg = _make_sc_deg(bptd, n_pad, d)
  br = 1000 if n % 1000 == 0 else (500 if n % 500 == 0 else n)
  tc_hidden = _make_tc_layer(n, d, n_pad, True, br)
  tc_final = _make_tc_layer(n, d, n_pad, False, br)

  def to_bf16_padded(x):
    return jnp.pad(x.astype(jnp.bfloat16), ((0, n_pad - n), (0, 0)))

  deg = sc_deg(dst_d)
  agg1 = sc_agg(to_bf16_padded(g_features), src_g, dst_g)
  h1 = tc_hidden(g_features, agg1, agg1, deg, deg, W1_self, W1_neigh,
                 b1.reshape(1, d))
  agg2 = sc_agg(to_bf16_padded(h1), src_g, dst_g)
  h2 = tc_hidden(h1, agg2, agg2, deg, deg, W2_self, W2_neigh, b2.reshape(1, d))
  agg3 = sc_agg(to_bf16_padded(h2), src_g, dst_g)
  h3 = tc_final(h2, agg3, agg3, deg, deg, W3_self, W3_neigh, b3.reshape(1, d))
  return h3

# --- scband reference (transcript-rebuilt; emitter-appended) ---
"""Pipeline reference for scband-graph-sagebundled-80410377716240 (READ-ONLY COPY).

The authoritative reference and input builder live on the scoring server;
editing this copy changes nothing except your own understanding.
"""

import jax, jax.numpy as jnp
import numpy as np

N_NODES = 10000
N_EDGES = 320000
D_IN = 128
D_HID = 128


def _sage_conv(x, src, dst, w_self, w_neigh, b_neigh, n_nodes):
    # DGL SAGEConv with mean aggregator:
    #   h_neigh = mean_{u in N(v)} x_u ; out = fc_self(x_v) + fc_neigh(h_neigh)
    msg = jnp.take(x, src, axis=0)
    agg = jax.ops.segment_sum(msg, dst, num_segments=n_nodes)
    deg = jax.ops.segment_sum(jnp.ones((src.shape[0],), x.dtype), dst, num_segments=n_nodes)
    h_neigh = agg / jnp.clip(deg, 1.0, None)[:, None]
    return x @ w_self + h_neigh @ w_neigh + b_neigh


def setup_inputs(seed: int = 0) -> dict:
    key = jax.random.key(seed)
    ks = jax.random.split(key, 12)
    g_features = jax.random.normal(ks[0], (N_NODES, D_IN), dtype=jnp.float32)
    edge_index = jax.random.randint(ks[1], (2, N_EDGES), 0, N_NODES, dtype=jnp.int32)
    s = 0.05
    params = {
        'W1_self': jax.random.normal(ks[2], (D_IN, D_HID), jnp.float32) * s,
        'W1_neigh': jax.random.normal(ks[3], (D_IN, D_HID), jnp.float32) * s,
        'b1': jnp.zeros((D_HID,), jnp.float32),
        'W2_self': jax.random.normal(ks[4], (D_HID, D_HID), jnp.float32) * s,
        'W2_neigh': jax.random.normal(ks[5], (D_HID, D_HID), jnp.float32) * s,
        'b2': jnp.zeros((D_HID,), jnp.float32),
        'W3_self': jax.random.normal(ks[6], (D_HID, D_HID), jnp.float32) * s,
        'W3_neigh': jax.random.normal(ks[7], (D_HID, D_HID), jnp.float32) * s,
        'b3': jnp.zeros((D_HID,), jnp.float32),
    }
    out = {'g_features': g_features, 'edge_index': edge_index}
    out.update(params)
    return out


def reference(g_features, edge_index, W1_self, W1_neigh, b1, W2_self, W2_neigh, b2, W3_self, W3_neigh, b3):
    src = edge_index[0]
    dst = edge_index[1]
    n = g_features.shape[0]
    h = _sage_conv(g_features, src, dst, W1_self, W1_neigh, b1, n)
    h = jax.nn.relu(h)
    h = _sage_conv(h, src, dst, W2_self, W2_neigh, b2, n)
    h = jax.nn.relu(h)
    h = _sage_conv(h, src, dst, W3_self, W3_neigh, b3, n)
    return h

if __name__ == "__main__":
    import jax
    _d = setup_inputs()
    print(jax.jit(kernel)(*tuple(_d.values())))

</pallas_src>

<mosaic_0001>
#map = affine_map<(d0, d1) -> (0, 0)>
#map1 = affine_map<(d0, d1) -> (0, 0, 0)>
module attributes {stable_mosaic.version = 14 : i64} {
  func.func @body(%arg0: i32, %arg1: i32, %arg2: memref<10240x128xbf16, #tpu.memory_space<hbm>>, %arg3: memref<5120x64xi32, #tpu.memory_space<hbm>>, %arg4: memref<5120x64xi32, #tpu.memory_space<hbm>>, %arg5: memref<2x10240x128xbf16, #tpu.memory_space<hbm>>, %arg6: memref<80x64xi32, #tpu.memory_space<vmem>>, %arg7: memref<80x64xi32, #tpu.memory_space<vmem>>, %arg8: memref<64x128xbf16, #tpu.memory_space<vmem>>, %arg9: memref<64x128xbf16, #tpu.memory_space<vmem>>, %arg10: memref<64x128xbf16, #tpu.memory_space<vmem>>, %arg11: memref<64x128xbf16, #tpu.memory_space<vmem>>, %arg12: memref<10240x128xbf16, #tpu.memory_space<vmem_shared>>, %arg13: memref<10240x128xbf16, #tpu.memory_space<vmem_shared>>, %arg14: memref<!tpu.dma_semaphore, #tpu.memory_space<semaphore_mem>>, %arg15: memref<!tpu.dma_semaphore, #tpu.memory_space<semaphore_mem>>, %arg16: memref<!tpu.dma_semaphore, #tpu.memory_space<semaphore_mem>>, %arg17: memref<!tpu.dma_semaphore, #tpu.memory_space<semaphore_mem>>) attributes {dimension_semantics = [#tpu.dimension_semantics<core_parallel>, #tpu.dimension_semantics<subcore_parallel>], iteration_bounds = array<i64: 2, 16>, scalar_prefetch = 0 : i64, scratch_operands = 12 : i64, tpu.core_type = #tpu.core_type<sc_vector_subcore>, window_params = [{transform_indices = #map}, {transform_indices = #map}, {transform_indices = #map}, {transform_indices = #map1}]} {
    %mul3A = arith.constant 16 : i32
    %mul3A_0 = arith.muli %arg0, %mul3A : i32
    %add3A = arith.addi %mul3A_0, %arg1 : i32
    %mul3A_1 = arith.constant 640 : i32
    %mul3A_2 = arith.muli %arg1, %mul3A_1 : i32
    %add3A_3 = arith.constant 0 : i32
    %add3A_4 = arith.addi %mul3A_2, %add3A_3 : i32
    "tpu.region"() ({
      %run_scoped3A = tpu.sem_alloc : memref<!tpu.dma_semaphore, #tpu.memory_space<semaphore_mem>>
      %dma_start3A_163 = arith.constant 0 : i32
      %dma_start3A_164 = tpu.memref_slice %arg13[%add3A_4, %dma_start3A_163] : memref<10240x128xbf16, #tpu.memory_space<vmem_shared>> -> memref<128x128xbf16, #tpu.memory_space<vmem_shared>>
      %dma_start3A_165 = arith.constant 0 : i32
      %dma_start3A_166 = tpu.memref_slice %arg2[%add3A_4, %dma_start3A_165] : memref<10240x128xbf16, #tpu.memory_space<hbm>> -> memref<128x128xbf16, #tpu.memory_space<hbm>>
      tpu.enqueue_dma source(%dma_start3A_166 : memref<128x128xbf16, #tpu.memory_space<hbm>>) target(%dma_start3A_164 : memref<128x128xbf16, #tpu.memory_space<vmem_shared>>) target_semaphore(%run_scoped3A : memref<!tpu.dma_semaphore, #tpu.memory_space<semaphore_mem>>)
      %dma_wait3A = arith.constant 0 : i32
      %dma_wait3A_167 = tpu.memref_slice %arg13[%add3A_4, %dma_wait3A] : memref<10240x128xbf16, #tpu.memory_space<vmem_shared>> -> memref<128x128xbf16, #tpu.memory_space<vmem_shared>>
      %dma_wait3A_168 = arith.constant 0 : i32
      %dma_wait3A_169 = tpu.memref_slice %arg2[%add3A_4, %dma_wait3A_168] : memref<10240x128xbf16, #tpu.memory_space<hbm>> -> memref<128x128xbf16, #tpu.memory_space<hbm>>
      tpu.wait_dma2 semaphore(%run_scoped3A : memref<!tpu.dma_semaphore, #tpu.memory_space<semaphore_mem>>) src(%dma_wait3A_169 : memref<128x128xbf16, #tpu.memory_space<hbm>>) dst(%dma_wait3A_167 : memref<128x128xbf16, #tpu.memory_space<vmem_shared>>)
      tpu.yield
    }) : () -> ()
    %mul3A_5 = arith.constant 640 : i32
    %mul3A_6 = arith.muli %arg1, %mul3A_5 : i32
    %add3A_7 = arith.constant 128 : i32
    %add3A_8 = arith.addi %mul3A_6, %add3A_7 : i32
    "tpu.region"() ({
      %run_scoped3A = tpu.sem_alloc : memref<!tpu.dma_semaphore, #tpu.memory_space<semaphore_mem>>
      %dma_start3A_163 = arith.constant 0 : i32
      %dma_start3A_164 = tpu.memref_slice %arg13[%add3A_8, %dma_start3A_163] : memref<10240x128xbf16, #tpu.memory_space<vmem_shared>> -> memref<128x128xbf16, #tpu.memory_space<vmem_shared>>
      %dma_start3A_165 = arith.constant 0 : i32
      %dma_start3A_166 = tpu.memref_slice %arg2[%add3A_8, %dma_start3A_165] : memref<10240x128xbf16, #tpu.memory_space<hbm>> -> memref<128x128xbf16, #tpu.memory_space<hbm>>
      tpu.enqueue_dma source(%dma_start3A_166 : memref<128x128xbf16, #tpu.memory_space<hbm>>) target(%dma_start3A_164 : memref<128x128xbf16, #tpu.memory_space<vmem_shared>>) target_semaphore(%run_scoped3A : memref<!tpu.dma_semaphore, #tpu.memory_space<semaphore_mem>>)
      %dma_wait3A = arith.constant 0 : i32
      %dma_wait3A_167 = tpu.memref_slice %arg13[%add3A_8, %dma_wait3A] : memref<10240x128xbf16, #tpu.memory_space<vmem_shared>> -> memref<128x128xbf16, #tpu.memory_space<vmem_shared>>
      %dma_wait3A_168 = arith.constant 0 : i32
      %dma_wait3A_169 = tpu.memref_slice %arg2[%add3A_8, %dma_wait3A_168] : memref<10240x128xbf16, #tpu.memory_space<hbm>> -> memref<128x128xbf16, #tpu.memory_space<hbm>>
      tpu.wait_dma2 semaphore(%run_scoped3A : memref<!tpu.dma_semaphore, #tpu.memory_space<semaphore_mem>>) src(%dma_wait3A_169 : memref<128x128xbf16, #tpu.memory_space<hbm>>) dst(%dma_wait3A_167 : memref<128x128xbf16, #tpu.memory_space<vmem_shared>>)
      tpu.yield
    }) : () -> ()
    %mul3A_9 = arith.constant 640 : i32
    %mul3A_10 = arith.muli %arg1, %mul3A_9 : i32
    %add3A_11 = arith.constant 256 : i32
    %add3A_12 = arith.addi %mul3A_10, %add3A_11 : i32
    "tpu.region"() ({
      %run_scoped3A = tpu.sem_alloc : memref<!tpu.dma_semaphore, #tpu.memory_space<semaphore_mem>>
      %dma_start3A_163 = arith.constant 0 : i32
      %dma_start3A_164 = tpu.memref_slice %arg13[%add3A_12, %dma_start3A_163] : memref<10240x128xbf16, #tpu.memory_space<vmem_shared>> -> memref<128x128xbf16, #tpu.memory_space<vmem_shared>>
      %dma_start3A_165 = arith.constant 0 : i32
      %dma_start3A_166 = tpu.memref_slice %arg2[%add3A_12, %dma_start3A_165] : memref<10240x128xbf16, #tpu.memory_space<hbm>> -> memref<128x128xbf16, #tpu.memory_space<hbm>>
      tpu.enqueue_dma source(%dma_start3A_166 : memref<128x128xbf16, #tpu.memory_space<hbm>>) target(%dma_start3A_164 : memref<128x128xbf16, #tpu.memory_space<vmem_shared>>) target_semaphore(%run_scoped3A : memref<!tpu.dma_semaphore, #tpu.memory_space<semaphore_mem>>)
      %dma_wait3A = arith.constant 0 : i32
      %dma_wait3A_167 = tpu.memref_slice %arg13[%add3A_12, %dma_wait3A] : memref<10240x128xbf16, #tpu.memory_space<vmem_shared>> -> memref<128x128xbf16, #tpu.memory_space<vmem_shared>>
      %dma_wait3A_168 = arith.constant 0 : i32
      %dma_wait3A_169 = tpu.memref_slice %arg2[%add3A_12, %dma_wait3A_168] : memref<10240x128xbf16, #tpu.memory_space<hbm>> -> memref<128x128xbf16, #tpu.memory_space<hbm>>
      tpu.wait_dma2 semaphore(%run_scoped3A : memref<!tpu.dma_semaphore, #tpu.memory_space<semaphore_mem>>) src(%dma_wait3A_169 : memref<128x128xbf16, #tpu.memory_space<hbm>>) dst(%dma_wait3A_167 : memref<128x128xbf16, #tpu.memory_space<vmem_shared>>)
      tpu.yield
    }) : () -> ()
    %mul3A_13 = arith.constant 640 : i32
    %mul3A_14 = arith.muli %arg1, %mul3A_13 : i32
    %add3A_15 = arith.constant 384 : i32
    %add3A_16 = arith.addi %mul3A_14, %add3A_15 : i32
    "tpu.region"() ({
      %run_scoped3A = tpu.sem_alloc : memref<!tpu.dma_semaphore, #tpu.memory_space<semaphore_mem>>
      %dma_start3A_163 = arith.constant 0 : i32
      %dma_start3A_164 = tpu.memref_slice %arg13[%add3A_16, %dma_start3A_163] : memref<10240x128xbf16, #tpu.memory_space<vmem_shared>> -> memref<128x128xbf16, #tpu.memory_space<vmem_shared>>
      %dma_start3A_165 = arith.constant 0 : i32
      %dma_start3A_166 = tpu.memref_slice %arg2[%add3A_16, %dma_start3A_165] : memref<10240x128xbf16, #tpu.memory_space<hbm>> -> memref<128x128xbf16, #tpu.memory_space<hbm>>
      tpu.enqueue_dma source(%dma_start3A_166 : memref<128x128xbf16, #tpu.memory_space<hbm>>) target(%dma_start3A_164 : memref<128x128xbf16, #tpu.memory_space<vmem_shared>>) target_semaphore(%run_scoped3A : memref<!tpu.dma_semaphore, #tpu.memory_space<semaphore_mem>>)
      %dma_wait3A = arith.constant 0 : i32
      %dma_wait3A_167 = tpu.memref_slice %arg13[%add3A_16, %dma_wait3A] : memref<10240x128xbf16, #tpu.memory_space<vmem_shared>> -> memref<128x128xbf16, #tpu.memory_space<vmem_shared>>
      %dma_wait3A_168 = arith.constant 0 : i32
      %dma_wait3A_169 = tpu.memref_slice %arg2[%add3A_16, %dma_wait3A_168] : memref<10240x128xbf16, #tpu.memory_space<hbm>> -> memref<128x128xbf16, #tpu.memory_space<hbm>>
      tpu.wait_dma2 semaphore(%run_scoped3A : memref<!tpu.dma_semaphore, #tpu.memory_space<semaphore_mem>>) src(%dma_wait3A_169 : memref<128x128xbf16, #tpu.memory_space<hbm>>) dst(%dma_wait3A_167 : memref<128x128xbf16, #tpu.memory_space<vmem_shared>>)
      tpu.yield
    }) : () -> ()
    %mul3A_17 = arith.constant 640 : i32
    %mul3A_18 = arith.muli %arg1, %mul3A_17 : i32
    %add3A_19 = arith.constant 512 : i32
    %add3A_20 = arith.addi %mul3A_18, %add3A_19 : i32
    "tpu.region"() ({
      %run_scoped3A = tpu.sem_alloc : memref<!tpu.dma_semaphore, #tpu.memory_space<semaphore_mem>>
      %dma_start3A_163 = arith.constant 0 : i32
      %dma_start3A_164 = tpu.memref_slice %arg13[%add3A_20, %dma_start3A_163] : memref<10240x128xbf16, #tpu.memory_space<vmem_shared>> -> memref<128x128xbf16, #tpu.memory_space<vmem_shared>>
      %dma_start3A_165 = arith.constant 0 : i32
      %dma_start3A_166 = tpu.memref_slice %arg2[%add3A_20, %dma_start3A_165] : memref<10240x128xbf16, #tpu.memory_space<hbm>> -> memref<128x128xbf16, #tpu.memory_space<hbm>>
      tpu.enqueue_dma source(%dma_start3A_166 : memref<128x128xbf16, #tpu.memory_space<hbm>>) target(%dma_start3A_164 : memref<128x128xbf16, #tpu.memory_space<vmem_shared>>) target_semaphore(%run_scoped3A : memref<!tpu.dma_semaphore, #tpu.memory_space<semaphore_mem>>)
      %dma_wait3A = arith.constant 0 : i32
      %dma_wait3A_167 = tpu.memref_slice %arg13[%add3A_20, %dma_wait3A] : memref<10240x128xbf16, #tpu.memory_space<vmem_shared>> -> memref<128x128xbf16, #tpu.memory_space<vmem_shared>>
      %dma_wait3A_168 = arith.constant 0 : i32
      %dma_wait3A_169 = tpu.memref_slice %arg2[%add3A_20, %dma_wait3A_168] : memref<10240x128xbf16, #tpu.memory_space<hbm>> -> memref<128x128xbf16, #tpu.memory_space<hbm>>
      tpu.wait_dma2 semaphore(%run_scoped3A : memref<!tpu.dma_semaphore, #tpu.memory_space<semaphore_mem>>) src(%dma_wait3A_169 : memref<128x128xbf16, #tpu.memory_space<hbm>>) dst(%dma_wait3A_167 : memref<128x128xbf16, #tpu.memory_space<vmem_shared>>)
      tpu.yield
    }) : () -> ()
    %broadcast_in_dim3A = arith.constant 0.000000e+00 : bf16
    %broadcast_in_dim3A_21 = vector.broadcast %broadcast_in_dim3A : bf16 to vector<32xbf16>
    %scan3A = arith.constant 0 : i32
    %scan3A_22 = arith.constant 0 : i32
    %scan3A_23 = arith.constant 64 : i32
    %scan3A_24 = arith.addi %scan3A_22, %scan3A_23 : i32
    %scan3A_25 = arith.constant 1 : i32
    scf.for %scan3A_163 = %scan3A_22 to %scan3A_24 step %scan3A_25  : i32 {
      %swap3A = arith.index_cast %scan3A_163 : i32 to index
      %swap3A_164 = arith.constant 0 : index
      %swap3A_165 = tpu.vector_load %arg8[%swap3A, %swap3A_164] {strides = array<i32>} : memref<64x128xbf16, #tpu.memory_space<vmem>>, vector<1x32xbf16>,
      %swap3A_166 = vector.shape_cast %swap3A_165 : vector<1x32xbf16> to vector<32xbf16>
      %swap3A_167 = vector.shape_cast %broadcast_in_dim3A_21 : vector<32xbf16> to vector<1x32xbf16>
      tpu.vector_store %arg8[%swap3A, %swap3A_164], %swap3A_167 {strides = array<i32>} : memref<64x128xbf16, #tpu.memory_space<vmem>>, vector<1x32xbf16>,
      %swap3A_168 = arith.index_cast %scan3A_163 : i32 to index
      %swap3A_169 = arith.constant 32 : index
      %swap3A_170 = tpu.vector_load %arg8[%swap3A_168, %swap3A_169] {strides = array<i32>} : memref<64x128xbf16, #tpu.memory_space<vmem>>, vector<1x32xbf16>,
      %swap3A_171 = vector.shape_cast %swap3A_170 : vector<1x32xbf16> to vector<32xbf16>
      %swap3A_172 = vector.shape_cast %broadcast_in_dim3A_21 : vector<32xbf16> to vector<1x32xbf16>
      tpu.vector_store %arg8[%swap3A_168, %swap3A_169], %swap3A_172 {strides = array<i32>} : memref<64x128xbf16, #tpu.memory_space<vmem>>, vector<1x32xbf16>,
      %swap3A_173 = arith.index_cast %scan3A_163 : i32 to index
      %swap3A_174 = arith.constant 64 : index
      %swap3A_175 = tpu.vector_load %arg8[%swap3A_173, %swap3A_174] {strides = array<i32>} : memref<64x128xbf16, #tpu.memory_space<vmem>>, vector<1x32xbf16>,
      %swap3A_176 = vector.shape_cast %swap3A_175 : vector<1x32xbf16> to vector<32xbf16>
      %swap3A_177 = vector.shape_cast %broadcast_in_dim3A_21 : vector<32xbf16> to vector<1x32xbf16>
      tpu.vector_store %arg8[%swap3A_173, %swap3A_174], %swap3A_177 {strides = array<i32>} : memref<64x128xbf16, #tpu.memory_space<vmem>>, vector<1x32xbf16>,
      %swap3A_178 = arith.index_cast %scan3A_163 : i32 to index
      %swap3A_179 = arith.constant 96 : index
      %swap3A_180 = tpu.vector_load %arg8[%swap3A_178, %swap3A_179] {strides = array<i32>} : memref<64x128xbf16, #tpu.memory_space<vmem>>, vector<1x32xbf16>,
      %swap3A_181 = vector.shape_cast %swap3A_180 : vector<1x32xbf16> to vector<32xbf16>
      %swap3A_182 = vector.shape_cast %broadcast_in_dim3A_21 : vector<32xbf16> to vector<1x32xbf16>
      tpu.vector_store %arg8[%swap3A_178, %swap3A_179], %swap3A_182 {strides = array<i32>} : memref<64x128xbf16, #tpu.memory_space<vmem>>, vector<1x32xbf16>,
    }
    %scan3A_26 = arith.constant 64 : i32
    %mul3A_27 = arith.constant 640 : i32
    %mul3A_28 = arith.muli %arg1, %mul3A_27 : i32
    %add3A_29 = arith.constant 0 : i32
    %add3A_30 = arith.addi %mul3A_28, %add3A_29 : i32
    "tpu.region"() ({
      %run_scoped3A = tpu.sem_alloc : memref<!tpu.dma_semaphore, #tpu.memory_space<semaphore_mem>>
      %dma_start3A_163 = arith.constant 0 : i32
      %dma_start3A_164 = tpu.memref_slice %arg12[%add3A_30, %dma_start3A_163] : memref<10240x128xbf16, #tpu.memory_space<vmem_shared>> -> memref<64x128xbf16, #tpu.memory_space<vmem_shared>>
      %dma_start3A_165 = arith.constant 0 : i32
      %dma_start3A_166 = tpu.memref_slice %arg12[%add3A_30, %dma_start3A_165] : memref<10240x128xbf16, #tpu.memory_space<vmem_shared>> -> memref<64x128xbf16, #tpu.memory_space<vmem_shared>>
      tpu.enqueue_dma source(%arg8 : memref<64x128xbf16, #tpu.memory_space<vmem>>) target(%dma_start3A_166 : memref<64x128xbf16, #tpu.memory_space<vmem_shared>>) target_semaphore(%run_scoped3A : memref<!tpu.dma_semaphore, #tpu.memory_space<semaphore_mem>>)
      %dma_wait3A = arith.constant 0 : i32
      %dma_wait3A_167 = tpu.memref_slice %arg12[%add3A_30, %dma_wait3A] : memref<10240x128xbf16, #tpu.memory_space<vmem_shared>> -> memref<64x128xbf16, #tpu.memory_space<vmem_shared>>
      %dma_wait3A_168 = arith.constant 0 : i32
      %dma_wait3A_169 = tpu.memref_slice %arg12[%add3A_30, %dma_wait3A_168] : memref<10240x128xbf16, #tpu.memory_space<vmem_shared>> -> memref<64x128xbf16, #tpu.memory_space<vmem_shared>>
      tpu.wait_dma2 semaphore(%run_scoped3A : memref<!tpu.dma_semaphore, #tpu.memory_space<semaphore_mem>>) src(%arg8 : memref<64x128xbf16, #tpu.memory_space<vmem>>) dst(%dma_wait3A_169 : memref<64x128xbf16, #tpu.memory_space<vmem_shared>>)
      tpu.yield
    }) : () -> ()
    %mul3A_31 = arith.constant 640 : i32
    %mul3A_32 = arith.muli %arg1, %mul3A_31 : i32
    %add3A_33 = arith.constant 64 : i32
    %add3A_34 = arith.addi %mul3A_32, %add3A_33 : i32
    "tpu.region"() ({
      %run_scoped3A = tpu.sem_alloc : memref<!tpu.dma_semaphore, #tpu.memory_space<semaphore_mem>>
      %dma_start3A_163 = arith.constant 0 : i32
      %dma_start3A_164 = tpu.memref_slice %arg12[%add3A_34, %dma_start3A_163] : memref<10240x128xbf16, #tpu.memory_space<vmem_shared>> -> memref<64x128xbf16, #tpu.memory_space<vmem_shared>>
      %dma_start3A_165 = arith.constant 0 : i32
      %dma_start3A_166 = tpu.memref_slice %arg12[%add3A_34, %dma_start3A_165] : memref<10240x128xbf16, #tpu.memory_space<vmem_shared>> -> memref<64x128xbf16, #tpu.memory_space<vmem_shared>>
      tpu.enqueue_dma source(%arg8 : memref<64x128xbf16, #tpu.memory_space<vmem>>) target(%dma_start3A_166 : memref<64x128xbf16, #tpu.memory_space<vmem_shared>>) target_semaphore(%run_scoped3A : memref<!tpu.dma_semaphore, #tpu.memory_space<semaphore_mem>>)
      %dma_wait3A = arith.constant 0 : i32
      %dma_wait3A_167 = tpu.memref_slice %arg12[%add3A_34, %dma_wait3A] : memref<10240x128xbf16, #tpu.memory_space<vmem_shared>> -> memref<64x128xbf16, #tpu.memory_space<vmem_shared>>
      %dma_wait3A_168 = arith.constant 0 : i32
      %dma_wait3A_169 = tpu.memref_slice %arg12[%add3A_34, %dma_wait3A_168] : memref<10240x128xbf16, #tpu.memory_space<vmem_shared>> -> memref<64x128xbf16, #tpu.memory_space<vmem_shared>>
      tpu.wait_dma2 semaphore(%run_scoped3A : memref<!tpu.dma_semaphore, #tpu.memory_space<semaphore_mem>>) src(%arg8 : memref<64x128xbf16, #tpu.memory_space<vmem>>) dst(%dma_wait3A_169 : memref<64x128xbf16, #tpu.memory_space<vmem_shared>>)
      tpu.yield
    }) : () -> ()
    %mul3A_35 = arith.constant 640 : i32
    %mul3A_36 = arith.muli %arg1, %mul3A_35 : i32
    %add3A_37 = arith.constant 128 : i32
    %add3A_38 = arith.addi %mul3A_36, %add3A_37 : i32
    "tpu.region"() ({
      %run_scoped3A = tpu.sem_alloc : memref<!tpu.dma_semaphore, #tpu.memory_space<semaphore_mem>>
      %dma_start3A_163 = arith.constant 0 : i32
      %dma_start3A_164 = tpu.memref_slice %arg12[%add3A_38, %dma_start3A_163] : memref<10240x128xbf16, #tpu.memory_space<vmem_shared>> -> memref<64x128xbf16, #tpu.memory_space<vmem_shared>>
      %dma_start3A_165 = arith.constant 0 : i32
      %dma_start3A_166 = tpu.memref_slice %arg12[%add3A_38, %dma_start3A_165] : memref<10240x128xbf16, #tpu.memory_space<vmem_shared>> -> memref<64x128xbf16, #tpu.memory_space<vmem_shared>>
      tpu.enqueue_dma source(%arg8 : memref<64x128xbf16, #tpu.memory_space<vmem>>) target(%dma_start3A_166 : memref<64x128xbf16, #tpu.memory_space<vmem_shared>>) target_semaphore(%run_scoped3A : memref<!tpu.dma_semaphore, #tpu.memory_space<semaphore_mem>>)
      %dma_wait3A = arith.constant 0 : i32
      %dma_wait3A_167 = tpu.memref_slice %arg12[%add3A_38, %dma_wait3A] : memref<10240x128xbf16, #tpu.memory_space<vmem_shared>> -> memref<64x128xbf16, #tpu.memory_space<vmem_shared>>
      %dma_wait3A_168 = arith.constant 0 : i32
      %dma_wait3A_169 = tpu.memref_slice %arg12[%add3A_38, %dma_wait3A_168] : memref<10240x128xbf16, #tpu.memory_space<vmem_shared>> -> memref<64x128xbf16, #tpu.memory_space<vmem_shared>>
      tpu.wait_dma2 semaphore(%run_scoped3A : memref<!tpu.dma_semaphore, #tpu.memory_space<semaphore_mem>>) src(%arg8 : memref<64x128xbf16, #tpu.memory_space<vmem>>) dst(%dma_wait3A_169 : memref<64x128xbf16, #tpu.memory_space<vmem_shared>>)
      tpu.yield
    }) : () -> ()
    %mul3A_39 = arith.constant 640 : i32
    %mul3A_40 = arith.muli %arg1, %mul3A_39 : i32
    %add3A_41 = arith.constant 192 : i32
    %add3A_42 = arith.addi %mul3A_40, %add3A_41 : i32
    "tpu.region"() ({
      %run_scoped3A = tpu.sem_alloc : memref<!tpu.dma_semaphore, #tpu.memory_space<semaphore_mem>>
      %dma_start3A_163 = arith.constant 0 : i32
      %dma_start3A_164 = tpu.memref_slice %arg12[%add3A_42, %dma_start3A_163] : memref<10240x128xbf16, #tpu.memory_space<vmem_shared>> -> memref<64x128xbf16, #tpu.memory_space<vmem_shared>>
      %dma_start3A_165 = arith.constant 0 : i32
      %dma_start3A_166 = tpu.memref_slice %arg12[%add3A_42, %dma_start3A_165] : memref<10240x128xbf16, #tpu.memory_space<vmem_shared>> -> memref<64x128xbf16, #tpu.memory_space<vmem_shared>>
      tpu.enqueue_dma source(%arg8 : memref<64x128xbf16, #tpu.memory_space<vmem>>) target(%dma_start3A_166 : memref<64x128xbf16, #tpu.memory_space<vmem_shared>>) target_semaphore(%run_scoped3A : memref<!tpu.dma_semaphore, #tpu.memory_space<semaphore_mem>>)
      %dma_wait3A = arith.constant 0 : i32
      %dma_wait3A_167 = tpu.memref_slice %arg12[%add3A_42, %dma_wait3A] : memref<10240x128xbf16, #tpu.memory_space<vmem_shared>> -> memref<64x128xbf16, #tpu.memory_space<vmem_shared>>
      %dma_wait3A_168 = arith.constant 0 : i32
      %dma_wait3A_169 = tpu.memref_slice %arg12[%add3A_42, %dma_wait3A_168] : memref<10240x128xbf16, #tpu.memory_space<vmem_shared>> -> memref<64x128xbf16, #tpu.memory_space<vmem_shared>>
      tpu.wait_dma2 semaphore(%run_scoped3A : memref<!tpu.dma_semaphore, #tpu.memory_space<semaphore_mem>>) src(%arg8 : memref<64x128xbf16, #tpu.memory_space<vmem>>) dst(%dma_wait3A_169 : memref<64x128xbf16, #tpu.memory_space<vmem_shared>>)
      tpu.yield
    }) : () -> ()
    %mul3A_43 = arith.constant 640 : i32
    %mul3A_44 = arith.muli %arg1, %mul3A_43 : i32
    %add3A_45 = arith.constant 256 : i32
    %add3A_46 = arith.addi %mul3A_44, %add3A_45 : i32
    "tpu.region"() ({
      %run_scoped3A = tpu.sem_alloc : memref<!tpu.dma_semaphore, #tpu.memory_space<semaphore_mem>>
      %dma_start3A_163 = arith.constant 0 : i32
      %dma_start3A_164 = tpu.memref_slice %arg12[%add3A_46, %dma_start3A_163] : memref<10240x128xbf16, #tpu.memory_space<vmem_shared>> -> memref<64x128xbf16, #tpu.memory_space<vmem_shared>>
      %dma_start3A_165 = arith.constant 0 : i32
      %dma_start3A_166 = tpu.memref_slice %arg12[%add3A_46, %dma_start3A_165] : memref<10240x128xbf16, #tpu.memory_space<vmem_shared>> -> memref<64x128xbf16, #tpu.memory_space<vmem_shared>>
      tpu.enqueue_dma source(%arg8 : memref<64x128xbf16, #tpu.memory_space<vmem>>) target(%dma_start3A_166 : memref<64x128xbf16, #tpu.memory_space<vmem_shared>>) target_semaphore(%run_scoped3A : memref<!tpu.dma_semaphore, #tpu.memory_space<semaphore_mem>>)
      %dma_wait3A = arith.constant 0 : i32
      %dma_wait3A_167 = tpu.memref_slice %arg12[%add3A_46, %dma_wait3A] : memref<10240x128xbf16, #tpu.memory_space<vmem_shared>> -> memref<64x128xbf16, #tpu.memory_space<vmem_shared>>
      %dma_wait3A_168 = arith.constant 0 : i32
      %dma_wait3A_169 = tpu.memref_slice %arg12[%add3A_46, %dma_wait3A_168] : memref<10240x128xbf16, #tpu.memory_space<vmem_shared>> -> memref<64x128xbf16, #tpu.memory_space<vmem_shared>>
      tpu.wait_dma2 semaphore(%run_scoped3A : memref<!tpu.dma_semaphore, #tpu.memory_space<semaphore_mem>>) src(%arg8 : memref<64x128xbf16, #tpu.memory_space<vmem>>) dst(%dma_wait3A_169 : memref<64x128xbf16, #tpu.memory_space<vmem_shared>>)
      tpu.yield
    }) : () -> ()
    %mul3A_47 = arith.constant 640 : i32
    %mul3A_48 = arith.muli %arg1, %mul3A_47 : i32
    %add3A_49 = arith.constant 320 : i32
    %add3A_50 = arith.addi %mul3A_48, %add3A_49 : i32
    "tpu.region"() ({
      %run_scoped3A = tpu.sem_alloc : memref<!tpu.dma_semaphore, #tpu.memory_space<semaphore_mem>>
      %dma_start3A_163 = arith.constant 0 : i32
      %dma_start3A_164 = tpu.memref_slice %arg12[%add3A_50, %dma_start3A_163] : memref<10240x128xbf16, #tpu.memory_space<vmem_shared>> -> memref<64x128xbf16, #tpu.memory_space<vmem_shared>>
      %dma_start3A_165 = arith.constant 0 : i32
      %dma_start3A_166 = tpu.memref_slice %arg12[%add3A_50, %dma_start3A_165] : memref<10240x128xbf16, #tpu.memory_space<vmem_shared>> -> memref<64x128xbf16, #tpu.memory_space<vmem_shared>>
      tpu.enqueue_dma source(%arg8 : memref<64x128xbf16, #tpu.memory_space<vmem>>) target(%dma_start3A_166 : memref<64x128xbf16, #tpu.memory_space<vmem_shared>>) target_semaphore(%run_scoped3A : memref<!tpu.dma_semaphore, #tpu.memory_space<semaphore_mem>>)
      %dma_wait3A = arith.constant 0 : i32
      %dma_wait3A_167 = tpu.memref_slice %arg12[%add3A_50, %dma_wait3A] : memref<10240x128xbf16, #tpu.memory_space<vmem_shared>> -> memref<64x128xbf16, #tpu.memory_space<vmem_shared>>
      %dma_wait3A_168 = arith.constant 0 : i32
      %dma_wait3A_169 = tpu.memref_slice %arg12[%add3A_50, %dma_wait3A_168] : memref<10240x128xbf16, #tpu.memory_space<vmem_shared>> -> memref<64x128xbf16, #tpu.memory_space<vmem_shared>>
      tpu.wait_dma2 semaphore(%run_scoped3A : memref<!tpu.dma_semaphore, #tpu.memory_space<semaphore_mem>>) src(%arg8 : memref<64x128xbf16, #tpu.memory_space<vmem>>) dst(%dma_wait3A_169 : memref<64x128xbf16, #tpu.memory_space<vmem_shared>>)
      tpu.yield
    }) : () -> ()
    %mul3A_51 = arith.constant 640 : i32
    %mul3A_52 = arith.muli %arg1, %mul3A_51 : i32
    %add3A_53 = arith.constant 384 : i32
    %add3A_54 = arith.addi %mul3A_52, %add3A_53 : i32
    "tpu.region"() ({
      %run_scoped3A = tpu.sem_alloc : memref<!tpu.dma_semaphore, #tpu.memory_space<semaphore_mem>>
      %dma_start3A_163 = arith.constant 0 : i32
      %dma_start3A_164 = tpu.memref_slice %arg12[%add3A_54, %dma_start3A_163] : memref<10240x128xbf16, #tpu.memory_space<vmem_shared>> -> memref<64x128xbf16, #tpu.memory_space<vmem_shared>>
      %dma_start3A_165 = arith.constant 0 : i32
      %dma_start3A_166 = tpu.memref_slice %arg12[%add3A_54, %dma_start3A_165] : memref<10240x128xbf16, #tpu.memory_space<vmem_shared>> -> memref<64x128xbf16, #tpu.memory_space<vmem_shared>>
      tpu.enqueue_dma source(%arg8 : memref<64x128xbf16, #tpu.memory_space<vmem>>) target(%dma_start3A_166 : memref<64x128xbf16, #tpu.memory_space<vmem_shared>>) target_semaphore(%run_scoped3A : memref<!tpu.dma_semaphore, #tpu.memory_space<semaphore_mem>>)
      %dma_wait3A = arith.constant 0 : i32
      %dma_wait3A_167 = tpu.memref_slice %arg12[%add3A_54, %dma_wait3A] : memref<10240x128xbf16, #tpu.memory_space<vmem_shared>> -> memref<64x128xbf16, #tpu.memory_space<vmem_shared>>
      %dma_wait3A_168 = arith.constant 0 : i32
      %dma_wait3A_169 = tpu.memref_slice %arg12[%add3A_54, %dma_wait3A_168] : memref<10240x128xbf16, #tpu.memory_space<vmem_shared>> -> memref<64x128xbf16, #tpu.memory_space<vmem_shared>>
      tpu.wait_dma2 semaphore(%run_scoped3A : memref<!tpu.dma_semaphore, #tpu.memory_space<semaphore_mem>>) src(%arg8 : memref<64x128xbf16, #tpu.memory_space<vmem>>) dst(%dma_wait3A_169 : memref<64x128xbf16, #tpu.memory_space<vmem_shared>>)
      tpu.yield
    }) : () -> ()
    %mul3A_55 = arith.constant 640 : i32
    %mul3A_56 = arith.muli %arg1, %mul3A_55 : i32
    %add3A_57 = arith.constant 448 : i32
    %add3A_58 = arith.addi %mul3A_56, %add3A_57 : i32
    "tpu.region"() ({
      %run_scoped3A = tpu.sem_alloc : memref<!tpu.dma_semaphore, #tpu.memory_space<semaphore_mem>>
      %dma_start3A_163 = arith.constant 0 : i32
      %dma_start3A_164 = tpu.memref_slice %arg12[%add3A_58, %dma_start3A_163] : memref<10240x128xbf16, #tpu.memory_space<vmem_shared>> -> memref<64x128xbf16, #tpu.memory_space<vmem_shared>>
      %dma_start3A_165 = arith.constant 0 : i32
      %dma_start3A_166 = tpu.memref_slice %arg12[%add3A_58, %dma_start3A_165] : memref<10240x128xbf16, #tpu.memory_space<vmem_shared>> -> memref<64x128xbf16, #tpu.memory_space<vmem_shared>>
      tpu.enqueue_dma source(%arg8 : memref<64x128xbf16, #tpu.memory_space<vmem>>) target(%dma_start3A_166 : memref<64x128xbf16, #tpu.memory_space<vmem_shared>>) target_semaphore(%run_scoped3A : memref<!tpu.dma_semaphore, #tpu.memory_space<semaphore_mem>>)
      %dma_wait3A = arith.constant 0 : i32
      %dma_wait3A_167 = tpu.memref_slice %arg12[%add3A_58, %dma_wait3A] : memref<10240x128xbf16, #tpu.memory_space<vmem_shared>> -> memref<64x128xbf16, #tpu.memory_space<vmem_shared>>
      %dma_wait3A_168 = arith.constant 0 : i32
      %dma_wait3A_169 = tpu.memref_slice %arg12[%add3A_58, %dma_wait3A_168] : memref<10240x128xbf16, #tpu.memory_space<vmem_shared>> -> memref<64x128xbf16, #tpu.memory_space<vmem_shared>>
      tpu.wait_dma2 semaphore(%run_scoped3A : memref<!tpu.dma_semaphore, #tpu.memory_space<semaphore_mem>>) src(%arg8 : memref<64x128xbf16, #tpu.memory_space<vmem>>) dst(%dma_wait3A_169 : memref<64x128xbf16, #tpu.memory_space<vmem_shared>>)
      tpu.yield
    }) : () -> ()
    %mul3A_59 = arith.constant 640 : i32
    %mul3A_60 = arith.muli %arg1, %mul3A_59 : i32
    %add3A_61 = arith.constant 512 : i32
    %add3A_62 = arith.addi %mul3A_60, %add3A_61 : i32
    "tpu.region"() ({
      %run_scoped3A = tpu.sem_alloc : memref<!tpu.dma_semaphore, #tpu.memory_space<semaphore_mem>>
      %dma_start3A_163 = arith.constant 0 : i32
      %dma_start3A_164 = tpu.memref_slice %arg12[%add3A_62, %dma_start3A_163] : memref<10240x128xbf16, #tpu.memory_space<vmem_shared>> -> memref<64x128xbf16, #tpu.memory_space<vmem_shared>>
      %dma_start3A_165 = arith.constant 0 : i32
      %dma_start3A_166 = tpu.memref_slice %arg12[%add3A_62, %dma_start3A_165] : memref<10240x128xbf16, #tpu.memory_space<vmem_shared>> -> memref<64x128xbf16, #tpu.memory_space<vmem_shared>>
      tpu.enqueue_dma source(%arg8 : memref<64x128xbf16, #tpu.memory_space<vmem>>) target(%dma_start3A_166 : memref<64x128xbf16, #tpu.memory_space<vmem_shared>>) target_semaphore(%run_scoped3A : memref<!tpu.dma_semaphore, #tpu.memory_space<semaphore_mem>>)
      %dma_wait3A = arith.constant 0 : i32
      %dma_wait3A_167 = tpu.memref_slice %arg12[%add3A_62, %dma_wait3A] : memref<10240x128xbf16, #tpu.memory_space<vmem_shared>> -> memref<64x128xbf16, #tpu.memory_space<vmem_shared>>
      %dma_wait3A_168 = arith.constant 0 : i32
      %dma_wait3A_169 = tpu.memref_slice %arg12[%add3A_62, %dma_wait3A_168] : memref<10240x128xbf16, #tpu.memory_space<vmem_shared>> -> memref<64x128xbf16, #tpu.memory_space<vmem_shared>>
      tpu.wait_dma2 semaphore(%run_scoped3A : memref<!tpu.dma_semaphore, #tpu.memory_space<semaphore_mem>>) src(%arg8 : memref<64x128xbf16, #tpu.memory_space<vmem>>) dst(%dma_wait3A_169 : memref<64x128xbf16, #tpu.memory_space<vmem_shared>>)
      tpu.yield
    }) : () -> ()
    %mul3A_63 = arith.constant 640 : i32
    %mul3A_64 = arith.muli %arg1, %mul3A_63 : i32
    %add3A_65 = arith.constant 576 : i32
    %add3A_66 = arith.addi %mul3A_64, %add3A_65 : i32
    "tpu.region"() ({
      %run_scoped3A = tpu.sem_alloc : memref<!tpu.dma_semaphore, #tpu.memory_space<semaphore_mem>>
      %dma_start3A_163 = arith.constant 0 : i32
      %dma_start3A_164 = tpu.memref_slice %arg12[%add3A_66, %dma_start3A_163] : memref<10240x128xbf16, #tpu.memory_space<vmem_shared>> -> memref<64x128xbf16, #tpu.memory_space<vmem_shared>>
      %dma_start3A_165 = arith.constant 0 : i32
      %dma_start3A_166 = tpu.memref_slice %arg12[%add3A_66, %dma_start3A_165] : memref<10240x128xbf16, #tpu.memory_space<vmem_shared>> -> memref<64x128xbf16, #tpu.memory_space<vmem_shared>>
      tpu.enqueue_dma source(%arg8 : memref<64x128xbf16, #tpu.memory_space<vmem>>) target(%dma_start3A_166 : memref<64x128xbf16, #tpu.memory_space<vmem_shared>>) target_semaphore(%run_scoped3A : memref<!tpu.dma_semaphore, #tpu.memory_space<semaphore_mem>>)
      %dma_wait3A = arith.constant 0 : i32
      %dma_wait3A_167 = tpu.memref_slice %arg12[%add3A_66, %dma_wait3A] : memref<10240x128xbf16, #tpu.memory_space<vmem_shared>> -> memref<64x128xbf16, #tpu.memory_space<vmem_shared>>
      %dma_wait3A_168 = arith.constant 0 : i32
      %dma_wait3A_169 = tpu.memref_slice %arg12[%add3A_66, %dma_wait3A_168] : memref<10240x128xbf16, #tpu.memory_space<vmem_shared>> -> memref<64x128xbf16, #tpu.memory_space<vmem_shared>>
      tpu.wait_dma2 semaphore(%run_scoped3A : memref<!tpu.dma_semaphore, #tpu.memory_space<semaphore_mem>>) src(%arg8 : memref<64x128xbf16, #tpu.memory_space<vmem>>) dst(%dma_wait3A_169 : memref<64x128xbf16, #tpu.memory_space<vmem_shared>>)
      tpu.yield
    }) : () -> ()
    %barrier3A = arith.constant 0 : index
    tpu.barrier barrier_id(%barrier3A)
    %mul3A_67 = arith.constant 160 : i32
    %mul3A_68 = arith.muli %add3A, %mul3A_67 : i32
    %add3A_69 = arith.constant 0 : i32
    %add3A_70 = arith.addi %mul3A_68, %add3A_69 : i32
    "tpu.region"() ({
      %run_scoped3A = tpu.sem_alloc : memref<!tpu.dma_semaphore, #tpu.memory_space<semaphore_mem>>
      %dma_start3A_163 = arith.constant 0 : i32
      %dma_start3A_164 = tpu.memref_slice %arg3[%add3A_70, %dma_start3A_163] : memref<5120x64xi32, #tpu.memory_space<hbm>> -> memref<80x64xi32, #tpu.memory_space<hbm>>
      %dma_start3A_165 = arith.constant 0 : i32
      %dma_start3A_166 = tpu.memref_slice %arg3[%add3A_70, %dma_start3A_165] : memref<5120x64xi32, #tpu.memory_space<hbm>> -> memref<80x64xi32, #tpu.memory_space<hbm>>
      tpu.enqueue_dma source(%dma_start3A_166 : memref<80x64xi32, #tpu.memory_space<hbm>>) target(%arg6 : memref<80x64xi32, #tpu.memory_space<vmem>>) target_semaphore(%run_scoped3A : memref<!tpu.dma_semaphore, #tpu.memory_space<semaphore_mem>>)
      %dma_wait3A = arith.constant 0 : i32
      %dma_wait3A_167 = tpu.memref_slice %arg3[%add3A_70, %dma_wait3A] : memref<5120x64xi32, #tpu.memory_space<hbm>> -> memref<80x64xi32, #tpu.memory_space<hbm>>
      %dma_wait3A_168 = arith.constant 0 : i32
      %dma_wait3A_169 = tpu.memref_slice %arg3[%add3A_70, %dma_wait3A_168] : memref<5120x64xi32, #tpu.memory_space<hbm>> -> memref<80x64xi32, #tpu.memory_space<hbm>>
      tpu.wait_dma2 semaphore(%run_scoped3A : memref<!tpu.dma_semaphore, #tpu.memory_space<semaphore_mem>>) src(%dma_wait3A_169 : memref<80x64xi32, #tpu.memory_space<hbm>>) dst(%arg6 : memref<80x64xi32, #tpu.memory_space<vmem>>)
      tpu.yield
    }) : () -> ()
    "tpu.region"() ({
      %run_scoped3A = tpu.sem_alloc : memref<!tpu.dma_semaphore, #tpu.memory_space<semaphore_mem>>
      %dma_start3A_163 = arith.constant 0 : i32
      %dma_start3A_164 = tpu.memref_slice %arg4[%add3A_70, %dma_start3A_163] : memref<5120x64xi32, #tpu.memory_space<hbm>> -> memref<80x64xi32, #tpu.memory_space<hbm>>
      %dma_start3A_165 = arith.constant 0 : i32
      %dma_start3A_166 = tpu.memref_slice %arg4[%add3A_70, %dma_start3A_165] : memref<5120x64xi32, #tpu.memory_space<hbm>> -> memref<80x64xi32, #tpu.memory_space<hbm>>
      tpu.enqueue_dma source(%dma_start3A_166 : memref<80x64xi32, #tpu.memory_space<hbm>>) target(%arg7 : memref<80x64xi32, #tpu.memory_space<vmem>>) target_semaphore(%run_scoped3A : memref<!tpu.dma_semaphore, #tpu.memory_space<semaphore_mem>>)
      %dma_wait3A = arith.constant 0 : i32
      %dma_wait3A_167 = tpu.memref_slice %arg4[%add3A_70, %dma_wait3A] : memref<5120x64xi32, #tpu.memory_space<hbm>> -> memref<80x64xi32, #tpu.memory_space<hbm>>
      %dma_wait3A_168 = arith.constant 0 : i32
      %dma_wait3A_169 = tpu.memref_slice %arg4[%add3A_70, %dma_wait3A_168] : memref<5120x64xi32, #tpu.memory_space<hbm>> -> memref<80x64xi32, #tpu.memory_space<hbm>>
      tpu.wait_dma2 semaphore(%run_scoped3A : memref<!tpu.dma_semaphore, #tpu.memory_space<semaphore_mem>>) src(%dma_wait3A_169 : memref<80x64xi32, #tpu.memory_space<hbm>>) dst(%arg7 : memref<80x64xi32, #tpu.memory_space<vmem>>)
      tpu.yield
    }) : () -> ()
    %dma_start3A = arith.constant 0 : i32
    %dma_start3A_71 = arith.constant 0 : i32
    %dma_start3A_72 = tpu.memref_slice %arg6[%dma_start3A, %dma_start3A_71] : memref<80x64xi32, #tpu.memory_space<vmem>> -> memref<1x64xi32, #tpu.memory_space<vmem>>
    %dma_start3A_73 = tpu.memref_squeeze %dma_start3A_72 : memref<1x64xi32, #tpu.memory_space<vmem>> -> memref<64xi32, #tpu.memory_space<vmem>>
    %dma_start3A_74 = arith.constant 0 : i32
    %dma_start3A_75 = arith.constant 0 : i32
    %dma_start3A_76 = tpu.memref_slice %arg13[%dma_start3A_74, %dma_start3A_75] : memref<10240x128xbf16, #tpu.memory_space<vmem_shared>> -> memref<10240x128xbf16, #tpu.memory_space<vmem_shared>>
    tpu.enqueue_indirect_dma source(%dma_start3A_76 : memref<10240x128xbf16, #tpu.memory_space<vmem_shared>>) target(%arg8 : memref<64x128xbf16, #tpu.memory_space<vmem>>) offsets(%dma_start3A_73 : memref<64xi32, #tpu.memory_space<vmem>>) semaphore(%arg14 : memref<!tpu.dma_semaphore, #tpu.memory_space<semaphore_mem>>)
    %dma_start3A_77 = arith.constant 1 : i32
    %dma_start3A_78 = arith.constant 0 : i32
    %dma_start3A_79 = tpu.memref_slice %arg6[%dma_start3A_77, %dma_start3A_78] : memref<80x64xi32, #tpu.memory_space<vmem>> -> memref<1x64xi32, #tpu.memory_space<vmem>>
    %dma_start3A_80 = tpu.memref_squeeze %dma_start3A_79 : memref<1x64xi32, #tpu.memory_space<vmem>> -> memref<64xi32, #tpu.memory_space<vmem>>
    %dma_start3A_81 = arith.constant 0 : i32
    %dma_start3A_82 = arith.constant 0 : i32
    %dma_start3A_83 = tpu.memref_slice %arg13[%dma_start3A_81, %dma_start3A_82] : memref<10240x128xbf16, #tpu.memory_space<vmem_shared>> -> memref<10240x128xbf16, #tpu.memory_space<vmem_shared>>
    tpu.enqueue_indirect_dma source(%dma_start3A_83 : memref<10240x128xbf16, #tpu.memory_space<vmem_shared>>) target(%arg9 : memref<64x128xbf16, #tpu.memory_space<vmem>>) offsets(%dma_start3A_80 : memref<64xi32, #tpu.memory_space<vmem>>) semaphore(%arg15 : memref<!tpu.dma_semaphore, #tpu.memory_space<semaphore_mem>>)
    %dma_start3A_84 = arith.constant 2 : i32
    %dma_start3A_85 = arith.constant 0 : i32
    %dma_start3A_86 = tpu.memref_slice %arg6[%dma_start3A_84, %dma_start3A_85] : memref<80x64xi32, #tpu.memory_space<vmem>> -> memref<1x64xi32, #tpu.memory_space<vmem>>
    %dma_start3A_87 = tpu.memref_squeeze %dma_start3A_86 : memref<1x64xi32, #tpu.memory_space<vmem>> -> memref<64xi32, #tpu.memory_space<vmem>>
    %dma_start3A_88 = arith.constant 0 : i32
    %dma_start3A_89 = arith.constant 0 : i32
    %dma_start3A_90 = tpu.memref_slice %arg13[%dma_start3A_88, %dma_start3A_89] : memref<10240x128xbf16, #tpu.memory_space<vmem_shared>> -> memref<10240x128xbf16, #tpu.memory_space<vmem_shared>>
    tpu.enqueue_indirect_dma source(%dma_start3A_90 : memref<10240x128xbf16, #tpu.memory_space<vmem_shared>>) target(%arg10 : memref<64x128xbf16, #tpu.memory_space<vmem>>) offsets(%dma_start3A_87 : memref<64xi32, #tpu.memory_space<vmem>>) semaphore(%arg16 : memref<!tpu.dma_semaphore, #tpu.memory_space<semaphore_mem>>)
    %dma_start3A_91 = arith.constant 3 : i32
    %dma_start3A_92 = arith.constant 0 : i32
    %dma_start3A_93 = tpu.memref_slice %arg6[%dma_start3A_91, %dma_start3A_92] : memref<80x64xi32, #tpu.memory_space<vmem>> -> memref<1x64xi32, #tpu.memory_space<vmem>>
    %dma_start3A_94 = tpu.memref_squeeze %dma_start3A_93 : memref<1x64xi32, #tpu.memory_space<vmem>> -> memref<64xi32, #tpu.memory_space<vmem>>
    %dma_start3A_95 = arith.constant 0 : i32
    %dma_start3A_96 = arith.constant 0 : i32
    %dma_start3A_97 = tpu.memref_slice %arg13[%dma_start3A_95, %dma_start3A_96] : memref<10240x128xbf16, #tpu.memory_space<vmem_shared>> -> memref<10240x128xbf16, #tpu.memory_space<vmem_shared>>
    tpu.enqueue_indirect_dma source(%dma_start3A_97 : memref<10240x128xbf16, #tpu.memory_space<vmem_shared>>) target(%arg11 : memref<64x128xbf16, #tpu.memory_space<vmem>>) offsets(%dma_start3A_94 : memref<64xi32, #tpu.memory_space<vmem>>) semaphore(%arg17 : memref<!tpu.dma_semaphore, #tpu.memory_space<semaphore_mem>>)
    %scan3A_98 = arith.constant 0 : i32
    %scan3A_99 = arith.constant 0 : i32
    %scan3A_100 = arith.constant 20 : i32
    %scan3A_101 = arith.addi %scan3A_99, %scan3A_100 : i32
    %scan3A_102 = arith.constant 1 : i32
    scf.for %scan3A_163 = %scan3A_99 to %scan3A_101 step %scan3A_102  : i32 {
      %mul3A_164 = arith.constant 4 : i32
      %mul3A_165 = arith.muli %mul3A_164, %scan3A_163 : i32
      %add3A_166 = arith.constant 0 : i32
      %add3A_167 = arith.addi %mul3A_165, %add3A_166 : i32
      %dma_wait3A = arith.constant 0 : i32
      %dma_wait3A_168 = tpu.memref_slice %arg6[%add3A_167, %dma_wait3A] : memref<80x64xi32, #tpu.memory_space<vmem>> -> memref<1x64xi32, #tpu.memory_space<vmem>>
      %dma_wait3A_169 = tpu.memref_squeeze %dma_wait3A_168 : memref<1x64xi32, #tpu.memory_space<vmem>> -> memref<64xi32, #tpu.memory_space<vmem>>
      %dma_wait3A_170 = arith.constant 0 : i32
      %dma_wait3A_171 = arith.constant 0 : i32
      %dma_wait3A_172 = tpu.memref_slice %arg13[%dma_wait3A_170, %dma_wait3A_171] : memref<10240x128xbf16, #tpu.memory_space<vmem_shared>> -> memref<10240x128xbf16, #tpu.memory_space<vmem_shared>>
      tpu.wait_indirect_dma semaphore(%arg14 : memref<!tpu.dma_semaphore, #tpu.memory_space<semaphore_mem>>) src(%dma_wait3A_172 : memref<10240x128xbf16, #tpu.memory_space<vmem_shared>>) dst(%arg8 : memref<64x128xbf16, #tpu.memory_space<vmem>>)
      "tpu.region"() ({
        %run_scoped3A = tpu.sem_alloc : memref<!tpu.dma_semaphore, #tpu.memory_space<semaphore_mem>>
        %dma_start3A_222 = arith.constant 0 : i32
        %dma_start3A_223 = tpu.memref_slice %arg7[%add3A_167, %dma_start3A_222] : memref<80x64xi32, #tpu.memory_space<vmem>> -> memref<1x64xi32, #tpu.memory_space<vmem>>
        %dma_start3A_224 = tpu.memref_squeeze %dma_start3A_223 : memref<1x64xi32, #tpu.memory_space<vmem>> -> memref<64xi32, #tpu.memory_space<vmem>>
        %dma_start3A_225 = arith.constant 0 : i32
        %dma_start3A_226 = arith.constant 0 : i32
        %dma_start3A_227 = tpu.memref_slice %arg12[%dma_start3A_225, %dma_start3A_226] : memref<10240x128xbf16, #tpu.memory_space<vmem_shared>> -> memref<10240x128xbf16, #tpu.memory_space<vmem_shared>>
        tpu.enqueue_indirect_dma source(%arg8 : memref<64x128xbf16, #tpu.memory_space<vmem>>) target(%dma_start3A_227 : memref<10240x128xbf16, #tpu.memory_space<vmem_shared>>) offsets(%dma_start3A_224 : memref<64xi32, #tpu.memory_space<vmem>>) semaphore(%run_scoped3A : memref<!tpu.dma_semaphore, #tpu.memory_space<semaphore_mem>>) {add = true}
        %dma_wait3A_228 = arith.constant 0 : i32
        %dma_wait3A_229 = tpu.memref_slice %arg7[%add3A_167, %dma_wait3A_228] : memref<80x64xi32, #tpu.memory_space<vmem>> -> memref<1x64xi32, #tpu.memory_space<vmem>>
        %dma_wait3A_230 = tpu.memref_squeeze %dma_wait3A_229 : memref<1x64xi32, #tpu.memory_space<vmem>> -> memref<64xi32, #tpu.memory_space<vmem>>
        %dma_wait3A_231 = arith.constant 0 : i32
        %dma_wait3A_232 = arith.constant 0 : i32
        %dma_wait3A_233 = tpu.memref_slice %arg12[%dma_wait3A_231, %dma_wait3A_232] : memref<10240x128xbf16, #tpu.memory_space<vmem_shared>> -> memref<10240x128xbf16, #tpu.memory_space<vmem_shared>>
        tpu.wait_indirect_dma semaphore(%run_scoped3A : memref<!tpu.dma_semaphore, #tpu.memory_space<semaphore_mem>>) src(%arg8 : memref<64x128xbf16, #tpu.memory_space<vmem>>) dst(%dma_wait3A_233 : memref<10240x128xbf16, #tpu.memory_space<vmem_shared>>)
        tpu.yield
      }) : () -> ()
      %add3A_173 = arith.constant 4 : i32
      %add3A_174 = arith.addi %add3A_167, %add3A_173 : i32
      %lt3A = arith.constant 80 : i32
      %lt3A_175 = arith.cmpi slt, %add3A_174, %lt3A : i32
      %convert_element_type3A = arith.extui %lt3A_175 : i1 to i32
      %cond3A = arith.constant 0 : i32
      %cond3A_176 = arith.cmpi ne, %convert_element_type3A, %cond3A : i32
      scf.if %cond3A_176 {
        %add3A_222 = arith.constant 4 : i32
        %add3A_223 = arith.addi %add3A_167, %add3A_222 : i32
        %dma_start3A_224 = arith.constant 0 : i32
        %dma_start3A_225 = tpu.memref_slice %arg6[%add3A_223, %dma_start3A_224] : memref<80x64xi32, #tpu.memory_space<vmem>> -> memref<1x64xi32, #tpu.memory_space<vmem>>
        %dma_start3A_226 = tpu.memref_squeeze %dma_start3A_225 : memref<1x64xi32, #tpu.memory_space<vmem>> -> memref<64xi32, #tpu.memory_space<vmem>>
        %dma_start3A_227 = arith.constant 0 : i32
        %dma_start3A_228 = arith.constant 0 : i32
        %dma_start3A_229 = tpu.memref_slice %arg13[%dma_start3A_227, %dma_start3A_228] : memref<10240x128xbf16, #tpu.memory_space<vmem_shared>> -> memref<10240x128xbf16, #tpu.memory_space<vmem_shared>>
        tpu.enqueue_indirect_dma source(%dma_start3A_229 : memref<10240x128xbf16, #tpu.memory_space<vmem_shared>>) target(%arg8 : memref<64x128xbf16, #tpu.memory_space<vmem>>) offsets(%dma_start3A_226 : memref<64xi32, #tpu.memory_space<vmem>>) semaphore(%arg14 : memref<!tpu.dma_semaphore, #tpu.memory_space<semaphore_mem>>)
      } else {
      }
      %add3A_177 = arith.constant 1 : i32
      %add3A_178 = arith.addi %mul3A_165, %add3A_177 : i32
      %dma_wait3A_179 = arith.constant 0 : i32
      %dma_wait3A_180 = tpu.memref_slice %arg6[%add3A_178, %dma_wait3A_179] : memref<80x64xi32, #tpu.memory_space<vmem>> -> memref<1x64xi32, #tpu.memory_space<vmem>>
      %dma_wait3A_181 = tpu.memref_squeeze %dma_wait3A_180 : memref<1x64xi32, #tpu.memory_space<vmem>> -> memref<64xi32, #tpu.memory_space<vmem>>
      %dma_wait3A_182 = arith.constant 0 : i32
      %dma_wait3A_183 = arith.constant 0 : i32
      %dma_wait3A_184 = tpu.memref_slice %arg13[%dma_wait3A_182, %dma_wait3A_183] : memref<10240x128xbf16, #tpu.memory_space<vmem_shared>> -> memref<10240x128xbf16, #tpu.memory_space<vmem_shared>>
      tpu.wait_indirect_dma semaphore(%arg15 : memref<!tpu.dma_semaphore, #tpu.memory_space<semaphore_mem>>) src(%dma_wait3A_184 : memref<10240x128xbf16, #tpu.memory_space<vmem_shared>>) dst(%arg9 : memref<64x128xbf16, #tpu.memory_space<vmem>>)
      "tpu.region"() ({
        %run_scoped3A = tpu.sem_alloc : memref<!tpu.dma_semaphore, #tpu.memory_space<semaphore_mem>>
        %dma_start3A_222 = arith.constant 0 : i32
        %dma_start3A_223 = tpu.memref_slice %arg7[%add3A_178, %dma_start3A_222] : memref<80x64xi32, #tpu.memory_space<vmem>> -> memref<1x64xi32, #tpu.memory_space<vmem>>
        %dma_start3A_224 = tpu.memref_squeeze %dma_start3A_223 : memref<1x64xi32, #tpu.memory_space<vmem>> -> memref<64xi32, #tpu.memory_space<vmem>>
        %dma_start3A_225 = arith.constant 0 : i32
        %dma_start3A_226 = arith.constant 0 : i32
        %dma_start3A_227 = tpu.memref_slice %arg12[%dma_start3A_225, %dma_start3A_226] : memref<10240x128xbf16, #tpu.memory_space<vmem_shared>> -> memref<10240x128xbf16, #tpu.memory_space<vmem_shared>>
        tpu.enqueue_indirect_dma source(%arg9 : memref<64x128xbf16, #tpu.memory_space<vmem>>) target(%dma_start3A_227 : memref<10240x128xbf16, #tpu.memory_space<vmem_shared>>) offsets(%dma_start3A_224 : memref<64xi32, #tpu.memory_space<vmem>>) semaphore(%run_scoped3A : memref<!tpu.dma_semaphore, #tpu.memory_space<semaphore_mem>>) {add = true}
        %dma_wait3A_228 = arith.constant 0 : i32
        %dma_wait3A_229 = tpu.memref_slice %arg7[%add3A_178, %dma_wait3A_228] : memref<80x64xi32, #tpu.memory_space<vmem>> -> memref<1x64xi32, #tpu.memory_space<vmem>>
        %dma_wait3A_230 = tpu.memref_squeeze %dma_wait3A_229 : memref<1x64xi32, #tpu.memory_space<vmem>> -> memref<64xi32, #tpu.memory_space<vmem>>
        %dma_wait3A_231 = arith.constant 0 : i32
        %dma_wait3A_232 = arith.constant 0 : i32
        %dma_wait3A_233 = tpu.memref_slice %arg12[%dma_wait3A_231, %dma_wait3A_232] : memref<10240x128xbf16, #tpu.memory_space<vmem_shared>> -> memref<10240x128xbf16, #tpu.memory_space<vmem_shared>>
        tpu.wait_indirect_dma semaphore(%run_scoped3A : memref<!tpu.dma_semaphore, #tpu.memory_space<semaphore_mem>>) src(%arg9 : memref<64x128xbf16, #tpu.memory_space<vmem>>) dst(%dma_wait3A_233 : memref<10240x128xbf16, #tpu.memory_space<vmem_shared>>)
        tpu.yield
      }) : () -> ()
      %add3A_185 = arith.constant 4 : i32
      %add3A_186 = arith.addi %add3A_178, %add3A_185 : i32
      %lt3A_187 = arith.constant 80 : i32
      %lt3A_188 = arith.cmpi slt, %add3A_186, %lt3A_187 : i32
      %convert_element_type3A_189 = arith.extui %lt3A_188 : i1 to i32
      %cond3A_190 = arith.constant 0 : i32
      %cond3A_191 = arith.cmpi ne, %convert_element_type3A_189, %cond3A_190 : i32
      scf.if %cond3A_191 {
        %add3A_222 = arith.constant 4 : i32
        %add3A_223 = arith.addi %add3A_178, %add3A_222 : i32
        %dma_start3A_224 = arith.constant 0 : i32
        %dma_start3A_225 = tpu.memref_slice %arg6[%add3A_223, %dma_start3A_224] : memref<80x64xi32, #tpu.memory_space<vmem>> -> memref<1x64xi32, #tpu.memory_space<vmem>>
        %dma_start3A_226 = tpu.memref_squeeze %dma_start3A_225 : memref<1x64xi32, #tpu.memory_space<vmem>> -> memref<64xi32, #tpu.memory_space<vmem>>
        %dma_start3A_227 = arith.constant 0 : i32
        %dma_start3A_228 = arith.constant 0 : i32
        %dma_start3A_229 = tpu.memref_slice %arg13[%dma_start3A_227, %dma_start3A_228] : memref<10240x128xbf16, #tpu.memory_space<vmem_shared>> -> memref<10240x128xbf16, #tpu.memory_space<vmem_shared>>
        tpu.enqueue_indirect_dma source(%dma_start3A_229 : memref<10240x128xbf16, #tpu.memory_space<vmem_shared>>) target(%arg9 : memref<64x128xbf16, #tpu.memory_space<vmem>>) offsets(%dma_start3A_226 : memref<64xi32, #tpu.memory_space<vmem>>) semaphore(%arg15 : memref<!tpu.dma_semaphore, #tpu.memory_space<semaphore_mem>>)
      } else {
      }
      %add3A_192 = arith.constant 2 : i32
      %add3A_193 = arith.addi %mul3A_165, %add3A_192 : i32
      %dma_wait3A_194 = arith.constant 0 : i32
      %dma_wait3A_195 = tpu.memref_slice %arg6[%add3A_193, %dma_wait3A_194] : memref<80x64xi32, #tpu.memory_space<vmem>> -> memref<1x64xi32, #tpu.memory_space<vmem>>
      %dma_wait3A_196 = tpu.memref_squeeze %dma_wait3A_195 : memref<1x64xi32, #tpu.memory_space<vmem>> -> memref<64xi32, #tpu.memory_space<vmem>>
      %dma_wait3A_197 = arith.constant 0 : i32
      %dma_wait3A_198 = arith.constant 0 : i32
      %dma_wait3A_199 = tpu.memref_slice %arg13[%dma_wait3A_197, %dma_wait3A_198] : memref<10240x128xbf16, #tpu.memory_space<vmem_shared>> -> memref<10240x128xbf16, #tpu.memory_space<vmem_shared>>
      tpu.wait_indirect_dma semaphore(%arg16 : memref<!tpu.dma_semaphore, #tpu.memory_space<semaphore_mem>>) src(%dma_wait3A_199 : memref<10240x128xbf16, #tpu.memory_space<vmem_shared>>) dst(%arg10 : memref<64x128xbf16, #tpu.memory_space<vmem>>)
      "tpu.region"() ({
        %run_scoped3A = tpu.sem_alloc : memref<!tpu.dma_semaphore, #tpu.memory_space<semaphore_mem>>
        %dma_start3A_222 = arith.constant 0 : i32
        %dma_start3A_223 = tpu.memref_slice %arg7[%add3A_193, %dma_start3A_222] : memref<80x64xi32, #tpu.memory_space<vmem>> -> memref<1x64xi32, #tpu.memory_space<vmem>>
        %dma_start3A_224 = tpu.memref_squeeze %dma_start3A_223 : memref<1x64xi32, #tpu.memory_space<vmem>> -> memref<64xi32, #tpu.memory_space<vmem>>
        %dma_start3A_225 = arith.constant 0 : i32
        %dma_start3A_226 = arith.constant 0 : i32
        %dma_start3A_227 = tpu.memref_slice %arg12[%dma_start3A_225, %dma_start3A_226] : memref<10240x128xbf16, #tpu.memory_space<vmem_shared>> -> memref<10240x128xbf16, #tpu.memory_space<vmem_shared>>
        tpu.enqueue_indirect_dma source(%arg10 : memref<64x128xbf16, #tpu.memory_space<vmem>>) target(%dma_start3A_227 : memref<10240x128xbf16, #tpu.memory_space<vmem_shared>>) offsets(%dma_start3A_224 : memref<64xi32, #tpu.memory_space<vmem>>) semaphore(%run_scoped3A : memref<!tpu.dma_semaphore, #tpu.memory_space<semaphore_mem>>) {add = true}
        %dma_wait3A_228 = arith.constant 0 : i32
        %dma_wait3A_229 = tpu.memref_slice %arg7[%add3A_193, %dma_wait3A_228] : memref<80x64xi32, #tpu.memory_space<vmem>> -> memref<1x64xi32, #tpu.memory_space<vmem>>
        %dma_wait3A_230 = tpu.memref_squeeze %dma_wait3A_229 : memref<1x64xi32, #tpu.memory_space<vmem>> -> memref<64xi32, #tpu.memory_space<vmem>>
        %dma_wait3A_231 = arith.constant 0 : i32
        %dma_wait3A_232 = arith.constant 0 : i32
        %dma_wait3A_233 = tpu.memref_slice %arg12[%dma_wait3A_231, %dma_wait3A_232] : memref<10240x128xbf16, #tpu.memory_space<vmem_shared>> -> memref<10240x128xbf16, #tpu.memory_space<vmem_shared>>
        tpu.wait_indirect_dma semaphore(%run_scoped3A : memref<!tpu.dma_semaphore, #tpu.memory_space<semaphore_mem>>) src(%arg10 : memref<64x128xbf16, #tpu.memory_space<vmem>>) dst(%dma_wait3A_233 : memref<10240x128xbf16, #tpu.memory_space<vmem_shared>>)
        tpu.yield
      }) : () -> ()
      %add3A_200 = arith.constant 4 : i32
      %add3A_201 = arith.addi %add3A_193, %add3A_200 : i32
      %lt3A_202 = arith.constant 80 : i32
      %lt3A_203 = arith.cmpi slt, %add3A_201, %lt3A_202 : i32
      %convert_element_type3A_204 = arith.extui %lt3A_203 : i1 to i32
      %cond3A_205 = arith.constant 0 : i32
      %cond3A_206 = arith.cmpi ne, %convert_element_type3A_204, %cond3A_205 : i32
      scf.if %cond3A_206 {
        %add3A_222 = arith.constant 4 : i32
        %add3A_223 = arith.addi %add3A_193, %add3A_222 : i32
        %dma_start3A_224 = arith.constant 0 : i32
        %dma_start3A_225 = tpu.memref_slice %arg6[%add3A_223, %dma_start3A_224] : memref<80x64xi32, #tpu.memory_space<vmem>> -> memref<1x64xi32, #tpu.memory_space<vmem>>
        %dma_start3A_226 = tpu.memref_squeeze %dma_start3A_225 : memref<1x64xi32, #tpu.memory_space<vmem>> -> memref<64xi32, #tpu.memory_space<vmem>>
        %dma_start3A_227 = arith.constant 0 : i32
        %dma_start3A_228 = arith.constant 0 : i32
        %dma_start3A_229 = tpu.memref_slice %arg13[%dma_start3A_227, %dma_start3A_228] : memref<10240x128xbf16, #tpu.memory_space<vmem_shared>> -> memref<10240x128xbf16, #tpu.memory_space<vmem_shared>>
        tpu.enqueue_indirect_dma source(%dma_start3A_229 : memref<10240x128xbf16, #tpu.memory_space<vmem_shared>>) target(%arg10 : memref<64x128xbf16, #tpu.memory_space<vmem>>) offsets(%dma_start3A_226 : memref<64xi32, #tpu.memory_space<vmem>>) semaphore(%arg16 : memref<!tpu.dma_semaphore, #tpu.memory_space<semaphore_mem>>)
      } else {
      }
      %add3A_207 = arith.constant 3 : i32
      %add3A_208 = arith.addi %mul3A_165, %add3A_207 : i32
      %dma_wait3A_209 = arith.constant 0 : i32
      %dma_wait3A_210 = tpu.memref_slice %arg6[%add3A_208, %dma_wait3A_209] : memref<80x64xi32, #tpu.memory_space<vmem>> -> memref<1x64xi32, #tpu.memory_space<vmem>>
      %dma_wait3A_211 = tpu.memref_squeeze %dma_wait3A_210 : memref<1x64xi32, #tpu.memory_space<vmem>> -> memref<64xi32, #tpu.memory_space<vmem>>
      %dma_wait3A_212 = arith.constant 0 : i32
      %dma_wait3A_213 = arith.constant 0 : i32
      %dma_wait3A_214 = tpu.memref_slice %arg13[%dma_wait3A_212, %dma_wait3A_213] : memref<10240x128xbf16, #tpu.memory_space<vmem_shared>> -> memref<10240x128xbf16, #tpu.memory_space<vmem_shared>>
      tpu.wait_indirect_dma semaphore(%arg17 : memref<!tpu.dma_semaphore, #tpu.memory_space<semaphore_mem>>) src(%dma_wait3A_214 : memref<10240x128xbf16, #tpu.memory_space<vmem_shared>>) dst(%arg11 : memref<64x128xbf16, #tpu.memory_space<vmem>>)
      "tpu.region"() ({
        %run_scoped3A = tpu.sem_alloc : memref<!tpu.dma_semaphore, #tpu.memory_space<semaphore_mem>>
        %dma_start3A_222 = arith.constant 0 : i32
        %dma_start3A_223 = tpu.memref_slice %arg7[%add3A_208, %dma_start3A_222] : memref<80x64xi32, #tpu.memory_space<vmem>> -> memref<1x64xi32, #tpu.memory_space<vmem>>
        %dma_start3A_224 = tpu.memref_squeeze %dma_start3A_223 : memref<1x64xi32, #tpu.memory_space<vmem>> -> memref<64xi32, #tpu.memory_space<vmem>>
        %dma_start3A_225 = arith.constant 0 : i32
        %dma_start3A_226 = arith.constant 0 : i32
        %dma_start3A_227 = tpu.memref_slice %arg12[%dma_start3A_225, %dma_start3A_226] : memref<10240x128xbf16, #tpu.memory_space<vmem_shared>> -> memref<10240x128xbf16, #tpu.memory_space<vmem_shared>>
        tpu.enqueue_indirect_dma source(%arg11 : memref<64x128xbf16, #tpu.memory_space<vmem>>) target(%dma_start3A_227 : memref<10240x128xbf16, #tpu.memory_space<vmem_shared>>) offsets(%dma_start3A_224 : memref<64xi32, #tpu.memory_space<vmem>>) semaphore(%run_scoped3A : memref<!tpu.dma_semaphore, #tpu.memory_space<semaphore_mem>>) {add = true}
        %dma_wait3A_228 = arith.constant 0 : i32
        %dma_wait3A_229 = tpu.memref_slice %arg7[%add3A_208, %dma_wait3A_228] : memref<80x64xi32, #tpu.memory_space<vmem>> -> memref<1x64xi32, #tpu.memory_space<vmem>>
        %dma_wait3A_230 = tpu.memref_squeeze %dma_wait3A_229 : memref<1x64xi32, #tpu.memory_space<vmem>> -> memref<64xi32, #tpu.memory_space<vmem>>
        %dma_wait3A_231 = arith.constant 0 : i32
        %dma_wait3A_232 = arith.constant 0 : i32
        %dma_wait3A_233 = tpu.memref_slice %arg12[%dma_wait3A_231, %dma_wait3A_232] : memref<10240x128xbf16, #tpu.memory_space<vmem_shared>> -> memref<10240x128xbf16, #tpu.memory_space<vmem_shared>>
        tpu.wait_indirect_dma semaphore(%run_scoped3A : memref<!tpu.dma_semaphore, #tpu.memory_space<semaphore_mem>>) src(%arg11 : memref<64x128xbf16, #tpu.memory_space<vmem>>) dst(%dma_wait3A_233 : memref<10240x128xbf16, #tpu.memory_space<vmem_shared>>)
        tpu.yield
      }) : () -> ()
      %add3A_215 = arith.constant 4 : i32
      %add3A_216 = arith.addi %add3A_208, %add3A_215 : i32
      %lt3A_217 = arith.constant 80 : i32
      %lt3A_218 = arith.cmpi slt, %add3A_216, %lt3A_217 : i32
      %convert_element_type3A_219 = arith.extui %lt3A_218 : i1 to i32
      %cond3A_220 = arith.constant 0 : i32
      %cond3A_221 = arith.cmpi ne, %convert_element_type3A_219, %cond3A_220 : i32
      scf.if %cond3A_221 {
        %add3A_222 = arith.constant 4 : i32
        %add3A_223 = arith.addi %add3A_208, %add3A_222 : i32
        %dma_start3A_224 = arith.constant 0 : i32
        %dma_start3A_225 = tpu.memref_slice %arg6[%add3A_223, %dma_start3A_224] : memref<80x64xi32, #tpu.memory_space<vmem>> -> memref<1x64xi32, #tpu.memory_space<vmem>>
        %dma_start3A_226 = tpu.memref_squeeze %dma_start3A_225 : memref<1x64xi32, #tpu.memory_space<vmem>> -> memref<64xi32, #tpu.memory_space<vmem>>
        %dma_start3A_227 = arith.constant 0 : i32
        %dma_start3A_228 = arith.constant 0 : i32
        %dma_start3A_229 = tpu.memref_slice %arg13[%dma_start3A_227, %dma_start3A_228] : memref<10240x128xbf16, #tpu.memory_space<vmem_shared>> -> memref<10240x128xbf16, #tpu.memory_space<vmem_shared>>
        tpu.enqueue_indirect_dma source(%dma_start3A_229 : memref<10240x128xbf16, #tpu.memory_space<vmem_shared>>) target(%arg11 : memref<64x128xbf16, #tpu.memory_space<vmem>>) offsets(%dma_start3A_226 : memref<64xi32, #tpu.memory_space<vmem>>) semaphore(%arg17 : memref<!tpu.dma_semaphore, #tpu.memory_space<semaphore_mem>>)
      } else {
      }
    }
    %scan3A_103 = arith.constant 20 : i32
    %mul3A_104 = arith.constant 160 : i32
    %mul3A_105 = arith.muli %add3A, %mul3A_104 : i32
    %add3A_106 = arith.constant 80 : i32
    %add3A_107 = arith.addi %mul3A_105, %add3A_106 : i32
    "tpu.region"() ({
      %run_scoped3A = tpu.sem_alloc : memref<!tpu.dma_semaphore, #tpu.memory_space<semaphore_mem>>
      %dma_start3A_163 = arith.constant 0 : i32
      %dma_start3A_164 = tpu.memref_slice %arg3[%add3A_107, %dma_start3A_163] : memref<5120x64xi32, #tpu.memory_space<hbm>> -> memref<80x64xi32, #tpu.memory_space<hbm>>
      %dma_start3A_165 = arith.constant 0 : i32
      %dma_start3A_166 = tpu.memref_slice %arg3[%add3A_107, %dma_start3A_165] : memref<5120x64xi32, #tpu.memory_space<hbm>> -> memref<80x64xi32, #tpu.memory_space<hbm>>
      tpu.enqueue_dma source(%dma_start3A_166 : memref<80x64xi32, #tpu.memory_space<hbm>>) target(%arg6 : memref<80x64xi32, #tpu.memory_space<vmem>>) target_semaphore(%run_scoped3A : memref<!tpu.dma_semaphore, #tpu.memory_space<semaphore_mem>>)
      %dma_wait3A = arith.constant 0 : i32
      %dma_wait3A_167 = tpu.memref_slice %arg3[%add3A_107, %dma_wait3A] : memref<5120x64xi32, #tpu.memory_space<hbm>> -> memref<80x64xi32, #tpu.memory_space<hbm>>
      %dma_wait3A_168 = arith.constant 0 : i32
      %dma_wait3A_169 = tpu.memref_slice %arg3[%add3A_107, %dma_wait3A_168] : memref<5120x64xi32, #tpu.memory_space<hbm>> -> memref<80x64xi32, #tpu.memory_space<hbm>>
      tpu.wait_dma2 semaphore(%run_scoped3A : memref<!tpu.dma_semaphore, #tpu.memory_space<semaphore_mem>>) src(%dma_wait3A_169 : memref<80x64xi32, #tpu.memory_space<hbm>>) dst(%arg6 : memref<80x64xi32, #tpu.memory_space<vmem>>)
      tpu.yield
    }) : () -> ()
    "tpu.region"() ({
      %run_scoped3A = tpu.sem_alloc : memref<!tpu.dma_semaphore, #tpu.memory_space<semaphore_mem>>
      %dma_start3A_163 = arith.constant 0 : i32
      %dma_start3A_164 = tpu.memref_slice %arg4[%add3A_107, %dma_start3A_163] : memref<5120x64xi32, #tpu.memory_space<hbm>> -> memref<80x64xi32, #tpu.memory_space<hbm>>
      %dma_start3A_165 = arith.constant 0 : i32
      %dma_start3A_166 = tpu.memref_slice %arg4[%add3A_107, %dma_start3A_165] : memref<5120x64xi32, #tpu.memory_space<hbm>> -> memref<80x64xi32, #tpu.memory_space<hbm>>
      tpu.enqueue_dma source(%dma_start3A_166 : memref<80x64xi32, #tpu.memory_space<hbm>>) target(%arg7 : memref<80x64xi32, #tpu.memory_space<vmem>>) target_semaphore(%run_scoped3A : memref<!tpu.dma_semaphore, #tpu.memory_space<semaphore_mem>>)
      %dma_wait3A = arith.constant 0 : i32
      %dma_wait3A_167 = tpu.memref_slice %arg4[%add3A_107, %dma_wait3A] : memref<5120x64xi32, #tpu.memory_space<hbm>> -> memref<80x64xi32, #tpu.memory_space<hbm>>
      %dma_wait3A_168 = arith.constant 0 : i32
      %dma_wait3A_169 = tpu.memref_slice %arg4[%add3A_107, %dma_wait3A_168] : memref<5120x64xi32, #tpu.memory_space<hbm>> -> memref<80x64xi32, #tpu.memory_space<hbm>>
      tpu.wait_dma2 semaphore(%run_scoped3A : memref<!tpu.dma_semaphore, #tpu.memory_space<semaphore_mem>>) src(%dma_wait3A_169 : memref<80x64xi32, #tpu.memory_space<hbm>>) dst(%arg7 : memref<80x64xi32, #tpu.memory_space<vmem>>)
      tpu.yield
    }) : () -> ()
    %dma_start3A_108 = arith.constant 0 : i32
    %dma_start3A_109 = arith.constant 0 : i32
    %dma_start3A_110 = tpu.memref_slice %arg6[%dma_start3A_108, %dma_start3A_109] : memref<80x64xi32, #tpu.memory_space<vmem>> -> memref<1x64xi32, #tpu.memory_space<vmem>>
    %dma_start3A_111 = tpu.memref_squeeze %dma_start3A_110 : memref<1x64xi32, #tpu.memory_space<vmem>> -> memref<64xi32, #tpu.memory_space<vmem>>
    %dma_start3A_112 = arith.constant 0 : i32
    %dma_start3A_113 = arith.constant 0 : i32
    %dma_start3A_114 = tpu.memref_slice %arg13[%dma_start3A_112, %dma_start3A_113] : memref<10240x128xbf16, #tpu.memory_space<vmem_shared>> -> memref<10240x128xbf16, #tpu.memory_space<vmem_shared>>
    tpu.enqueue_indirect_dma source(%dma_start3A_114 : memref<10240x128xbf16, #tpu.memory_space<vmem_shared>>) target(%arg8 : memref<64x128xbf16, #tpu.memory_space<vmem>>) offsets(%dma_start3A_111 : memref<64xi32, #tpu.memory_space<vmem>>) semaphore(%arg14 : memref<!tpu.dma_semaphore, #tpu.memory_space<semaphore_mem>>)
    %dma_start3A_115 = arith.constant 1 : i32
    %dma_start3A_116 = arith.constant 0 : i32
    %dma_start3A_117 = tpu.memref_slice %arg6[%dma_start3A_115, %dma_start3A_116] : memref<80x64xi32, #tpu.memory_space<vmem>> -> memref<1x64xi32, #tpu.memory_space<vmem>>
    %dma_start3A_118 = tpu.memref_squeeze %dma_start3A_117 : memref<1x64xi32, #tpu.memory_space<vmem>> -> memref<64xi32, #tpu.memory_space<vmem>>
    %dma_start3A_119 = arith.constant 0 : i32
    %dma_start3A_120 = arith.constant 0 : i32
    %dma_start3A_121 = tpu.memref_slice %arg13[%dma_start3A_119, %dma_start3A_120] : memref<10240x128xbf16, #tpu.memory_space<vmem_shared>> -> memref<10240x128xbf16, #tpu.memory_space<vmem_shared>>
    tpu.enqueue_indirect_dma source(%dma_start3A_121 : memref<10240x128xbf16, #tpu.memory_space<vmem_shared>>) target(%arg9 : memref<64x128xbf16, #tpu.memory_space<vmem>>) offsets(%dma_start3A_118 : memref<64xi32, #tpu.memory_space<vmem>>) semaphore(%arg15 : memref<!tpu.dma_semaphore, #tpu.memory_space<semaphore_mem>>)
    %dma_start3A_122 = arith.constant 2 : i32
    %dma_start3A_123 = arith.constant 0 : i32
    %dma_start3A_124 = tpu.memref_slice %arg6[%dma_start3A_122, %dma_start3A_123] : memref<80x64xi32, #tpu.memory_space<vmem>> -> memref<1x64xi32, #tpu.memory_space<vmem>>
    %dma_start3A_125 = tpu.memref_squeeze %dma_start3A_124 : memref<1x64xi32, #tpu.memory_space<vmem>> -> memref<64xi32, #tpu.memory_space<vmem>>
    %dma_start3A_126 = arith.constant 0 : i32
    %dma_start3A_127 = arith.constant 0 : i32
    %dma_start3A_128 = tpu.memref_slice %arg13[%dma_start3A_126, %dma_start3A_127] : memref<10240x128xbf16, #tpu.memory_space<vmem_shared>> -> memref<10240x128xbf16, #tpu.memory_space<vmem_shared>>
    tpu.enqueue_indirect_dma source(%dma_start3A_128 : memref<10240x128xbf16, #tpu.memory_space<vmem_shared>>) target(%arg10 : memref<64x128xbf16, #tpu.memory_space<vmem>>) offsets(%dma_start3A_125 : memref<64xi32, #tpu.memory_space<vmem>>) semaphore(%arg16 : memref<!tpu.dma_semaphore, #tpu.memory_space<semaphore_mem>>)
    %dma_start3A_129 = arith.constant 3 : i32
    %dma_start3A_130 = arith.constant 0 : i32
    %dma_start3A_131 = tpu.memref_slice %arg6[%dma_start3A_129, %dma_start3A_130] : memref<80x64xi32, #tpu.memory_space<vmem>> -> memref<1x64xi32, #tpu.memory_space<vmem>>
    %dma_start3A_132 = tpu.memref_squeeze %dma_start3A_131 : memref<1x64xi32, #tpu.memory_space<vmem>> -> memref<64xi32, #tpu.memory_space<vmem>>
    %dma_start3A_133 = arith.constant 0 : i32
    %dma_start3A_134 = arith.constant 0 : i32
    %dma_start3A_135 = tpu.memref_slice %arg13[%dma_start3A_133, %dma_start3A_134] : memref<10240x128xbf16, #tpu.memory_space<vmem_shared>> -> memref<10240x128xbf16, #tpu.memory_space<vmem_shared>>
    tpu.enqueue_indirect_dma source(%dma_start3A_135 : memref<10240x128xbf16, #tpu.memory_space<vmem_shared>>) target(%arg11 : memref<64x128xbf16, #tpu.memory_space<vmem>>) offsets(%dma_start3A_132 : memref<64xi32, #tpu.memory_space<vmem>>) semaphore(%arg17 : memref<!tpu.dma_semaphore, #tpu.memory_space<semaphore_mem>>)
    %scan3A_136 = arith.constant 0 : i32
    %scan3A_137 = arith.constant 0 : i32
    %scan3A_138 = arith.constant 20 : i32
    %scan3A_139 = arith.addi %scan3A_137, %scan3A_138 : i32
    %scan3A_140 = arith.constant 1 : i32
    scf.for %scan3A_163 = %scan3A_137 to %scan3A_139 step %scan3A_140  : i32 {
      %mul3A_164 = arith.constant 4 : i32
      %mul3A_165 = arith.muli %mul3A_164, %scan3A_163 : i32
      %add3A_166 = arith.constant 0 : i32
      %add3A_167 = arith.addi %mul3A_165, %add3A_166 : i32
      %dma_wait3A = arith.constant 0 : i32
      %dma_wait3A_168 = tpu.memref_slice %arg6[%add3A_167, %dma_wait3A] : memref<80x64xi32, #tpu.memory_space<vmem>> -> memref<1x64xi32, #tpu.memory_space<vmem>>
      %dma_wait3A_169 = tpu.memref_squeeze %dma_wait3A_168 : memref<1x64xi32, #tpu.memory_space<vmem>> -> memref<64xi32, #tpu.memory_space<vmem>>
      %dma_wait3A_170 = arith.constant 0 : i32
      %dma_wait3A_171 = arith.constant 0 : i32
      %dma_wait3A_172 = tpu.memref_slice %arg13[%dma_wait3A_170, %dma_wait3A_171] : memref<10240x128xbf16, #tpu.memory_space<vmem_shared>> -> memref<10240x128xbf16, #tpu.memory_space<vmem_shared>>
      tpu.wait_indirect_dma semaphore(%arg14 : memref<!tpu.dma_semaphore, #tpu.memory_space<semaphore_mem>>) src(%dma_wait3A_172 : memref<10240x128xbf16, #tpu.memory_space<vmem_shared>>) dst(%arg8 : memref<64x128xbf16, #tpu.memory_space<vmem>>)
      "tpu.region"() ({
        %run_scoped3A = tpu.sem_alloc : memref<!tpu.dma_semaphore, #tpu.memory_space<semaphore_mem>>
        %dma_start3A_222 = arith.constant 0 : i32
        %dma_start3A_223 = tpu.memref_slice %arg7[%add3A_167, %dma_start3A_222] : memref<80x64xi32, #tpu.memory_space<vmem>> -> memref<1x64xi32, #tpu.memory_space<vmem>>
        %dma_start3A_224 = tpu.memref_squeeze %dma_start3A_223 : memref<1x64xi32, #tpu.memory_space<vmem>> -> memref<64xi32, #tpu.memory_space<vmem>>
        %dma_start3A_225 = arith.constant 0 : i32
        %dma_start3A_226 = arith.constant 0 : i32
        %dma_start3A_227 = tpu.memref_slice %arg12[%dma_start3A_225, %dma_start3A_226] : memref<10240x128xbf16, #tpu.memory_space<vmem_shared>> -> memref<10240x128xbf16, #tpu.memory_space<vmem_shared>>
        tpu.enqueue_indirect_dma source(%arg8 : memref<64x128xbf16, #tpu.memory_space<vmem>>) target(%dma_start3A_227 : memref<10240x128xbf16, #tpu.memory_space<vmem_shared>>) offsets(%dma_start3A_224 : memref<64xi32, #tpu.memory_space<vmem>>) semaphore(%run_scoped3A : memref<!tpu.dma_semaphore, #tpu.memory_space<semaphore_mem>>) {add = true}
        %dma_wait3A_228 = arith.constant 0 : i32
        %dma_wait3A_229 = tpu.memref_slice %arg7[%add3A_167, %dma_wait3A_228] : memref<80x64xi32, #tpu.memory_space<vmem>> -> memref<1x64xi32, #tpu.memory_space<vmem>>
        %dma_wait3A_230 = tpu.memref_squeeze %dma_wait3A_229 : memref<1x64xi32, #tpu.memory_space<vmem>> -> memref<64xi32, #tpu.memory_space<vmem>>
        %dma_wait3A_231 = arith.constant 0 : i32
        %dma_wait3A_232 = arith.constant 0 : i32
        %dma_wait3A_233 = tpu.memref_slice %arg12[%dma_wait3A_231, %dma_wait3A_232] : memref<10240x128xbf16, #tpu.memory_space<vmem_shared>> -> memref<10240x128xbf16, #tpu.memory_space<vmem_shared>>
        tpu.wait_indirect_dma semaphore(%run_scoped3A : memref<!tpu.dma_semaphore, #tpu.memory_space<semaphore_mem>>) src(%arg8 : memref<64x128xbf16, #tpu.memory_space<vmem>>) dst(%dma_wait3A_233 : memref<10240x128xbf16, #tpu.memory_space<vmem_shared>>)
        tpu.yield
      }) : () -> ()
      %add3A_173 = arith.constant 4 : i32
      %add3A_174 = arith.addi %add3A_167, %add3A_173 : i32
      %lt3A = arith.constant 80 : i32
      %lt3A_175 = arith.cmpi slt, %add3A_174, %lt3A : i32
      %convert_element_type3A = arith.extui %lt3A_175 : i1 to i32
      %cond3A = arith.constant 0 : i32
      %cond3A_176 = arith.cmpi ne, %convert_element_type3A, %cond3A : i32
      scf.if %cond3A_176 {
        %add3A_222 = arith.constant 4 : i32
        %add3A_223 = arith.addi %add3A_167, %add3A_222 : i32
        %dma_start3A_224 = arith.constant 0 : i32
        %dma_start3A_225 = tpu.memref_slice %arg6[%add3A_223, %dma_start3A_224] : memref<80x64xi32, #tpu.memory_space<vmem>> -> memref<1x64xi32, #tpu.memory_space<vmem>>
        %dma_start3A_226 = tpu.memref_squeeze %dma_start3A_225 : memref<1x64xi32, #tpu.memory_space<vmem>> -> memref<64xi32, #tpu.memory_space<vmem>>
        %dma_start3A_227 = arith.constant 0 : i32
        %dma_start3A_228 = arith.constant 0 : i32
        %dma_start3A_229 = tpu.memref_slice %arg13[%dma_start3A_227, %dma_start3A_228] : memref<10240x128xbf16, #tpu.memory_space<vmem_shared>> -> memref<10240x128xbf16, #tpu.memory_space<vmem_shared>>
        tpu.enqueue_indirect_dma source(%dma_start3A_229 : memref<10240x128xbf16, #tpu.memory_space<vmem_shared>>) target(%arg8 : memref<64x128xbf16, #tpu.memory_space<vmem>>) offsets(%dma_start3A_226 : memref<64xi32, #tpu.memory_space<vmem>>) semaphore(%arg14 : memref<!tpu.dma_semaphore, #tpu.memory_space<semaphore_mem>>)
      } else {
      }
      %add3A_177 = arith.constant 1 : i32
      %add3A_178 = arith.addi %mul3A_165, %add3A_177 : i32
      %dma_wait3A_179 = arith.constant 0 : i32
      %dma_wait3A_180 = tpu.memref_slice %arg6[%add3A_178, %dma_wait3A_179] : memref<80x64xi32, #tpu.memory_space<vmem>> -> memref<1x64xi32, #tpu.memory_space<vmem>>
      %dma_wait3A_181 = tpu.memref_squeeze %dma_wait3A_180 : memref<1x64xi32, #tpu.memory_space<vmem>> -> memref<64xi32, #tpu.memory_space<vmem>>
      %dma_wait3A_182 = arith.constant 0 : i32
      %dma_wait3A_183 = arith.constant 0 : i32
      %dma_wait3A_184 = tpu.memref_slice %arg13[%dma_wait3A_182, %dma_wait3A_183] : memref<10240x128xbf16, #tpu.memory_space<vmem_shared>> -> memref<10240x128xbf16, #tpu.memory_space<vmem_shared>>
      tpu.wait_indirect_dma semaphore(%arg15 : memref<!tpu.dma_semaphore, #tpu.memory_space<semaphore_mem>>) src(%dma_wait3A_184 : memref<10240x128xbf16, #tpu.memory_space<vmem_shared>>) dst(%arg9 : memref<64x128xbf16, #tpu.memory_space<vmem>>)
      "tpu.region"() ({
        %run_scoped3A = tpu.sem_alloc : memref<!tpu.dma_semaphore, #tpu.memory_space<semaphore_mem>>
        %dma_start3A_222 = arith.constant 0 : i32
        %dma_start3A_223 = tpu.memref_slice %arg7[%add3A_178, %dma_start3A_222] : memref<80x64xi32, #tpu.memory_space<vmem>> -> memref<1x64xi32, #tpu.memory_space<vmem>>
        %dma_start3A_224 = tpu.memref_squeeze %dma_start3A_223 : memref<1x64xi32, #tpu.memory_space<vmem>> -> memref<64xi32, #tpu.memory_space<vmem>>
        %dma_start3A_225 = arith.constant 0 : i32
        %dma_start3A_226 = arith.constant 0 : i32
        %dma_start3A_227 = tpu.memref_slice %arg12[%dma_start3A_225, %dma_start3A_226] : memref<10240x128xbf16, #tpu.memory_space<vmem_shared>> -> memref<10240x128xbf16, #tpu.memory_space<vmem_shared>>
        tpu.enqueue_indirect_dma source(%arg9 : memref<64x128xbf16, #tpu.memory_space<vmem>>) target(%dma_start3A_227 : memref<10240x128xbf16, #tpu.memory_space<vmem_shared>>) offsets(%dma_start3A_224 : memref<64xi32, #tpu.memory_space<vmem>>) semaphore(%run_scoped3A : memref<!tpu.dma_semaphore, #tpu.memory_space<semaphore_mem>>) {add = true}
        %dma_wait3A_228 = arith.constant 0 : i32
        %dma_wait3A_229 = tpu.memref_slice %arg7[%add3A_178, %dma_wait3A_228] : memref<80x64xi32, #tpu.memory_space<vmem>> -> memref<1x64xi32, #tpu.memory_space<vmem>>
        %dma_wait3A_230 = tpu.memref_squeeze %dma_wait3A_229 : memref<1x64xi32, #tpu.memory_space<vmem>> -> memref<64xi32, #tpu.memory_space<vmem>>
        %dma_wait3A_231 = arith.constant 0 : i32
        %dma_wait3A_232 = arith.constant 0 : i32
        %dma_wait3A_233 = tpu.memref_slice %arg12[%dma_wait3A_231, %dma_wait3A_232] : memref<10240x128xbf16, #tpu.memory_space<vmem_shared>> -> memref<10240x128xbf16, #tpu.memory_space<vmem_shared>>
        tpu.wait_indirect_dma semaphore(%run_scoped3A : memref<!tpu.dma_semaphore, #tpu.memory_space<semaphore_mem>>) src(%arg9 : memref<64x128xbf16, #tpu.memory_space<vmem>>) dst(%dma_wait3A_233 : memref<10240x128xbf16, #tpu.memory_space<vmem_shared>>)
        tpu.yield
      }) : () -> ()
      %add3A_185 = arith.constant 4 : i32
      %add3A_186 = arith.addi %add3A_178, %add3A_185 : i32
      %lt3A_187 = arith.constant 80 : i32
      %lt3A_188 = arith.cmpi slt, %add3A_186, %lt3A_187 : i32
      %convert_element_type3A_189 = arith.extui %lt3A_188 : i1 to i32
      %cond3A_190 = arith.constant 0 : i32
      %cond3A_191 = arith.cmpi ne, %convert_element_type3A_189, %cond3A_190 : i32
      scf.if %cond3A_191 {
        %add3A_222 = arith.constant 4 : i32
        %add3A_223 = arith.addi %add3A_178, %add3A_222 : i32
        %dma_start3A_224 = arith.constant 0 : i32
        %dma_start3A_225 = tpu.memref_slice %arg6[%add3A_223, %dma_start3A_224] : memref<80x64xi32, #tpu.memory_space<vmem>> -> memref<1x64xi32, #tpu.memory_space<vmem>>
        %dma_start3A_226 = tpu.memref_squeeze %dma_start3A_225 : memref<1x64xi32, #tpu.memory_space<vmem>> -> memref<64xi32, #tpu.memory_space<vmem>>
        %dma_start3A_227 = arith.constant 0 : i32
        %dma_start3A_228 = arith.constant 0 : i32
        %dma_start3A_229 = tpu.memref_slice %arg13[%dma_start3A_227, %dma_start3A_228] : memref<10240x128xbf16, #tpu.memory_space<vmem_shared>> -> memref<10240x128xbf16, #tpu.memory_space<vmem_shared>>
        tpu.enqueue_indirect_dma source(%dma_start3A_229 : memref<10240x128xbf16, #tpu.memory_space<vmem_shared>>) target(%arg9 : memref<64x128xbf16, #tpu.memory_space<vmem>>) offsets(%dma_start3A_226 : memref<64xi32, #tpu.memory_space<vmem>>) semaphore(%arg15 : memref<!tpu.dma_semaphore, #tpu.memory_space<semaphore_mem>>)
      } else {
      }
      %add3A_192 = arith.constant 2 : i32
      %add3A_193 = arith.addi %mul3A_165, %add3A_192 : i32
      %dma_wait3A_194 = arith.constant 0 : i32
      %dma_wait3A_195 = tpu.memref_slice %arg6[%add3A_193, %dma_wait3A_194] : memref<80x64xi32, #tpu.memory_space<vmem>> -> memref<1x64xi32, #tpu.memory_space<vmem>>
      %dma_wait3A_196 = tpu.memref_squeeze %dma_wait3A_195 : memref<1x64xi32, #tpu.memory_space<vmem>> -> memref<64xi32, #tpu.memory_space<vmem>>
      %dma_wait3A_197 = arith.constant 0 : i32
      %dma_wait3A_198 = arith.constant 0 : i32
      %dma_wait3A_199 = tpu.memref_slice %arg13[%dma_wait3A_197, %dma_wait3A_198] : memref<10240x128xbf16, #tpu.memory_space<vmem_shared>> -> memref<10240x128xbf16, #tpu.memory_space<vmem_shared>>
      tpu.wait_indirect_dma semaphore(%arg16 : memref<!tpu.dma_semaphore, #tpu.memory_space<semaphore_mem>>) src(%dma_wait3A_199 : memref<10240x128xbf16, #tpu.memory_space<vmem_shared>>) dst(%arg10 : memref<64x128xbf16, #tpu.memory_space<vmem>>)
      "tpu.region"() ({
        %run_scoped3A = tpu.sem_alloc : memref<!tpu.dma_semaphore, #tpu.memory_space<semaphore_mem>>
        %dma_start3A_222 = arith.constant 0 : i32
        %dma_start3A_223 = tpu.memref_slice %arg7[%add3A_193, %dma_start3A_222] : memref<80x64xi32, #tpu.memory_space<vmem>> -> memref<1x64xi32, #tpu.memory_space<vmem>>
        %dma_start3A_224 = tpu.memref_squeeze %dma_start3A_223 : memref<1x64xi32, #tpu.memory_space<vmem>> -> memref<64xi32, #tpu.memory_space<vmem>>
        %dma_start3A_225 = arith.constant 0 : i32
        %dma_start3A_226 = arith.constant 0 : i32
        %dma_start3A_227 = tpu.memref_slice %arg12[%dma_start3A_225, %dma_start3A_226] : memref<10240x128xbf16, #tpu.memory_space<vmem_shared>> -> memref<10240x128xbf16, #tpu.memory_space<vmem_shared>>
        tpu.enqueue_indirect_dma source(%arg10 : memref<64x128xbf16, #tpu.memory_space<vmem>>) target(%dma_start3A_227 : memref<10240x128xbf16, #tpu.memory_space<vmem_shared>>) offsets(%dma_start3A_224 : memref<64xi32, #tpu.memory_space<vmem>>) semaphore(%run_scoped3A : memref<!tpu.dma_semaphore, #tpu.memory_space<semaphore_mem>>) {add = true}
        %dma_wait3A_228 = arith.constant 0 : i32
        %dma_wait3A_229 = tpu.memref_slice %arg7[%add3A_193, %dma_wait3A_228] : memref<80x64xi32, #tpu.memory_space<vmem>> -> memref<1x64xi32, #tpu.memory_space<vmem>>
        %dma_wait3A_230 = tpu.memref_squeeze %dma_wait3A_229 : memref<1x64xi32, #tpu.memory_space<vmem>> -> memref<64xi32, #tpu.memory_space<vmem>>
        %dma_wait3A_231 = arith.constant 0 : i32
        %dma_wait3A_232 = arith.constant 0 : i32
        %dma_wait3A_233 = tpu.memref_slice %arg12[%dma_wait3A_231, %dma_wait3A_232] : memref<10240x128xbf16, #tpu.memory_space<vmem_shared>> -> memref<10240x128xbf16, #tpu.memory_space<vmem_shared>>
        tpu.wait_indirect_dma semaphore(%run_scoped3A : memref<!tpu.dma_semaphore, #tpu.memory_space<semaphore_mem>>) src(%arg10 : memref<64x128xbf16, #tpu.memory_space<vmem>>) dst(%dma_wait3A_233 : memref<10240x128xbf16, #tpu.memory_space<vmem_shared>>)
        tpu.yield
      }) : () -> ()
      %add3A_200 = arith.constant 4 : i32
      %add3A_201 = arith.addi %add3A_193, %add3A_200 : i32
      %lt3A_202 = arith.constant 80 : i32
      %lt3A_203 = arith.cmpi slt, %add3A_201, %lt3A_202 : i32
      %convert_element_type3A_204 = arith.extui %lt3A_203 : i1 to i32
      %cond3A_205 = arith.constant 0 : i32
      %cond3A_206 = arith.cmpi ne, %convert_element_type3A_204, %cond3A_205 : i32
      scf.if %cond3A_206 {
        %add3A_222 = arith.constant 4 : i32
        %add3A_223 = arith.addi %add3A_193, %add3A_222 : i32
        %dma_start3A_224 = arith.constant 0 : i32
        %dma_start3A_225 = tpu.memref_slice %arg6[%add3A_223, %dma_start3A_224] : memref<80x64xi32, #tpu.memory_space<vmem>> -> memref<1x64xi32, #tpu.memory_space<vmem>>
        %dma_start3A_226 = tpu.memref_squeeze %dma_start3A_225 : memref<1x64xi32, #tpu.memory_space<vmem>> -> memref<64xi32, #tpu.memory_space<vmem>>
        %dma_start3A_227 = arith.constant 0 : i32
        %dma_start3A_228 = arith.constant 0 : i32
        %dma_start3A_229 = tpu.memref_slice %arg13[%dma_start3A_227, %dma_start3A_228] : memref<10240x128xbf16, #tpu.memory_space<vmem_shared>> -> memref<10240x128xbf16, #tpu.memory_space<vmem_shared>>
        tpu.enqueue_indirect_dma source(%dma_start3A_229 : memref<10240x128xbf16, #tpu.memory_space<vmem_shared>>) target(%arg10 : memref<64x128xbf16, #tpu.memory_space<vmem>>) offsets(%dma_start3A_226 : memref<64xi32, #tpu.memory_space<vmem>>) semaphore(%arg16 : memref<!tpu.dma_semaphore, #tpu.memory_space<semaphore_mem>>)
      } else {
      }
      %add3A_207 = arith.constant 3 : i32
      %add3A_208 = arith.addi %mul3A_165, %add3A_207 : i32
      %dma_wait3A_209 = arith.constant 0 : i32
      %dma_wait3A_210 = tpu.memref_slice %arg6[%add3A_208, %dma_wait3A_209] : memref<80x64xi32, #tpu.memory_space<vmem>> -> memref<1x64xi32, #tpu.memory_space<vmem>>
      %dma_wait3A_211 = tpu.memref_squeeze %dma_wait3A_210 : memref<1x64xi32, #tpu.memory_space<vmem>> -> memref<64xi32, #tpu.memory_space<vmem>>
      %dma_wait3A_212 = arith.constant 0 : i32
      %dma_wait3A_213 = arith.constant 0 : i32
      %dma_wait3A_214 = tpu.memref_slice %arg13[%dma_wait3A_212, %dma_wait3A_213] : memref<10240x128xbf16, #tpu.memory_space<vmem_shared>> -> memref<10240x128xbf16, #tpu.memory_space<vmem_shared>>
      tpu.wait_indirect_dma semaphore(%arg17 : memref<!tpu.dma_semaphore, #tpu.memory_space<semaphore_mem>>) src(%dma_wait3A_214 : memref<10240x128xbf16, #tpu.memory_space<vmem_shared>>) dst(%arg11 : memref<64x128xbf16, #tpu.memory_space<vmem>>)
      "tpu.region"() ({
        %run_scoped3A = tpu.sem_alloc : memref<!tpu.dma_semaphore, #tpu.memory_space<semaphore_mem>>
        %dma_start3A_222 = arith.constant 0 : i32
        %dma_start3A_223 = tpu.memref_slice %arg7[%add3A_208, %dma_start3A_222] : memref<80x64xi32, #tpu.memory_space<vmem>> -> memref<1x64xi32, #tpu.memory_space<vmem>>
        %dma_start3A_224 = tpu.memref_squeeze %dma_start3A_223 : memref<1x64xi32, #tpu.memory_space<vmem>> -> memref<64xi32, #tpu.memory_space<vmem>>
        %dma_start3A_225 = arith.constant 0 : i32
        %dma_start3A_226 = arith.constant 0 : i32
        %dma_start3A_227 = tpu.memref_slice %arg12[%dma_start3A_225, %dma_start3A_226] : memref<10240x128xbf16, #tpu.memory_space<vmem_shared>> -> memref<10240x128xbf16, #tpu.memory_space<vmem_shared>>
        tpu.enqueue_indirect_dma source(%arg11 : memref<64x128xbf16, #tpu.memory_space<vmem>>) target(%dma_start3A_227 : memref<10240x128xbf16, #tpu.memory_space<vmem_shared>>) offsets(%dma_start3A_224 : memref<64xi32, #tpu.memory_space<vmem>>) semaphore(%run_scoped3A : memref<!tpu.dma_semaphore, #tpu.memory_space<semaphore_mem>>) {add = true}
        %dma_wait3A_228 = arith.constant 0 : i32
        %dma_wait3A_229 = tpu.memref_slice %arg7[%add3A_208, %dma_wait3A_228] : memref<80x64xi32, #tpu.memory_space<vmem>> -> memref<1x64xi32, #tpu.memory_space<vmem>>
        %dma_wait3A_230 = tpu.memref_squeeze %dma_wait3A_229 : memref<1x64xi32, #tpu.memory_space<vmem>> -> memref<64xi32, #tpu.memory_space<vmem>>
        %dma_wait3A_231 = arith.constant 0 : i32
        %dma_wait3A_232 = arith.constant 0 : i32
        %dma_wait3A_233 = tpu.memref_slice %arg12[%dma_wait3A_231, %dma_wait3A_232] : memref<10240x128xbf16, #tpu.memory_space<vmem_shared>> -> memref<10240x128xbf16, #tpu.memory_space<vmem_shared>>
        tpu.wait_indirect_dma semaphore(%run_scoped3A : memref<!tpu.dma_semaphore, #tpu.memory_space<semaphore_mem>>) src(%arg11 : memref<64x128xbf16, #tpu.memory_space<vmem>>) dst(%dma_wait3A_233 : memref<10240x128xbf16, #tpu.memory_space<vmem_shared>>)
        tpu.yield
      }) : () -> ()
      %add3A_215 = arith.constant 4 : i32
      %add3A_216 = arith.addi %add3A_208, %add3A_215 : i32
      %lt3A_217 = arith.constant 80 : i32
      %lt3A_218 = arith.cmpi slt, %add3A_216, %lt3A_217 : i32
      %convert_element_type3A_219 = arith.extui %lt3A_218 : i1 to i32
      %cond3A_220 = arith.constant 0 : i32
      %cond3A_221 = arith.cmpi ne, %convert_element_type3A_219, %cond3A_220 : i32
      scf.if %cond3A_221 {
        %add3A_222 = arith.constant 4 : i32
        %add3A_223 = arith.addi %add3A_208, %add3A_222 : i32
        %dma_start3A_224 = arith.constant 0 : i32
        %dma_start3A_225 = tpu.memref_slice %arg6[%add3A_223, %dma_start3A_224] : memref<80x64xi32, #tpu.memory_space<vmem>> -> memref<1x64xi32, #tpu.memory_space<vmem>>
        %dma_start3A_226 = tpu.memref_squeeze %dma_start3A_225 : memref<1x64xi32, #tpu.memory_space<vmem>> -> memref<64xi32, #tpu.memory_space<vmem>>
        %dma_start3A_227 = arith.constant 0 : i32
        %dma_start3A_228 = arith.constant 0 : i32
        %dma_start3A_229 = tpu.memref_slice %arg13[%dma_start3A_227, %dma_start3A_228] : memref<10240x128xbf16, #tpu.memory_space<vmem_shared>> -> memref<10240x128xbf16, #tpu.memory_space<vmem_shared>>
        tpu.enqueue_indirect_dma source(%dma_start3A_229 : memref<10240x128xbf16, #tpu.memory_space<vmem_shared>>) target(%arg11 : memref<64x128xbf16, #tpu.memory_space<vmem>>) offsets(%dma_start3A_226 : memref<64xi32, #tpu.memory_space<vmem>>) semaphore(%arg17 : memref<!tpu.dma_semaphore, #tpu.memory_space<semaphore_mem>>)
      } else {
      }
    }
    %scan3A_141 = arith.constant 20 : i32
    %barrier3A_142 = arith.constant 0 : index
    tpu.barrier barrier_id(%barrier3A_142)
    %mul3A_143 = arith.constant 640 : i32
    %mul3A_144 = arith.muli %arg1, %mul3A_143 : i32
    %add3A_145 = arith.constant 0 : i32
    %add3A_146 = arith.addi %mul3A_144, %add3A_145 : i32
    "tpu.region"() ({
      %run_scoped3A = tpu.sem_alloc : memref<!tpu.dma_semaphore, #tpu.memory_space<semaphore_mem>>
      %dma_start3A_163 = arith.constant 0 : i32
      %dma_start3A_164 = tpu.memref_slice %arg5[%arg0, %add3A_146, %dma_start3A_163] : memref<2x10240x128xbf16, #tpu.memory_space<hbm>> -> memref<1x128x128xbf16, #tpu.memory_space<hbm>>
      %dma_start3A_165 = tpu.memref_squeeze %dma_start3A_164 : memref<1x128x128xbf16, #tpu.memory_space<hbm>> -> memref<128x128xbf16, #tpu.memory_space<hbm>>
      %dma_start3A_166 = arith.constant 0 : i32
      %dma_start3A_167 = tpu.memref_slice %arg12[%add3A_146, %dma_start3A_166] : memref<10240x128xbf16, #tpu.memory_space<vmem_shared>> -> memref<128x128xbf16, #tpu.memory_space<vmem_shared>>
      tpu.enqueue_dma source(%dma_start3A_167 : memref<128x128xbf16, #tpu.memory_space<vmem_shared>>) target(%dma_start3A_165 : memref<128x128xbf16, #tpu.memory_space<hbm>>) target_semaphore(%run_scoped3A : memref<!tpu.dma_semaphore, #tpu.memory_space<semaphore_mem>>)
      %dma_wait3A = arith.constant 0 : i32
      %dma_wait3A_168 = tpu.memref_slice %arg5[%arg0, %add3A_146, %dma_wait3A] : memref<2x10240x128xbf16, #tpu.memory_space<hbm>> -> memref<1x128x128xbf16, #tpu.memory_space<hbm>>
      %dma_wait3A_169 = tpu.memref_squeeze %dma_wait3A_168 : memref<1x128x128xbf16, #tpu.memory_space<hbm>> -> memref<128x128xbf16, #tpu.memory_space<hbm>>
      %dma_wait3A_170 = arith.constant 0 : i32
      %dma_wait3A_171 = tpu.memref_slice %arg12[%add3A_146, %dma_wait3A_170] : memref<10240x128xbf16, #tpu.memory_space<vmem_shared>> -> memref<128x128xbf16, #tpu.memory_space<vmem_shared>>
      tpu.wait_dma2 semaphore(%run_scoped3A : memref<!tpu.dma_semaphore, #tpu.memory_space<semaphore_mem>>) src(%dma_wait3A_171 : memref<128x128xbf16, #tpu.memory_space<vmem_shared>>) dst(%dma_wait3A_169 : memref<128x128xbf16, #tpu.memory_space<hbm>>)
      tpu.yield
    }) : () -> ()
    %mul3A_147 = arith.constant 640 : i32
    %mul3A_148 = arith.muli %arg1, %mul3A_147 : i32
    %add3A_149 = arith.constant 128 : i32
    %add3A_150 = arith.addi %mul3A_148, %add3A_149 : i32
    "tpu.region"() ({
      %run_scoped3A = tpu.sem_alloc : memref<!tpu.dma_semaphore, #tpu.memory_space<semaphore_mem>>
      %dma_start3A_163 = arith.constant 0 : i32
      %dma_start3A_164 = tpu.memref_slice %arg5[%arg0, %add3A_150, %dma_start3A_163] : memref<2x10240x128xbf16, #tpu.memory_space<hbm>> -> memref<1x128x128xbf16, #tpu.memory_space<hbm>>
      %dma_start3A_165 = tpu.memref_squeeze %dma_start3A_164 : memref<1x128x128xbf16, #tpu.memory_space<hbm>> -> memref<128x128xbf16, #tpu.memory_space<hbm>>
      %dma_start3A_166 = arith.constant 0 : i32
      %dma_start3A_167 = tpu.memref_slice %arg12[%add3A_150, %dma_start3A_166] : memref<10240x128xbf16, #tpu.memory_space<vmem_shared>> -> memref<128x128xbf16, #tpu.memory_space<vmem_shared>>
      tpu.enqueue_dma source(%dma_start3A_167 : memref<128x128xbf16, #tpu.memory_space<vmem_shared>>) target(%dma_start3A_165 : memref<128x128xbf16, #tpu.memory_space<hbm>>) target_semaphore(%run_scoped3A : memref<!tpu.dma_semaphore, #tpu.memory_space<semaphore_mem>>)
      %dma_wait3A = arith.constant 0 : i32
      %dma_wait3A_168 = tpu.memref_slice %arg5[%arg0, %add3A_150, %dma_wait3A] : memref<2x10240x128xbf16, #tpu.memory_space<hbm>> -> memref<1x128x128xbf16, #tpu.memory_space<hbm>>
      %dma_wait3A_169 = tpu.memref_squeeze %dma_wait3A_168 : memref<1x128x128xbf16, #tpu.memory_space<hbm>> -> memref<128x128xbf16, #tpu.memory_space<hbm>>
      %dma_wait3A_170 = arith.constant 0 : i32
      %dma_wait3A_171 = tpu.memref_slice %arg12[%add3A_150, %dma_wait3A_170] : memref<10240x128xbf16, #tpu.memory_space<vmem_shared>> -> memref<128x128xbf16, #tpu.memory_space<vmem_shared>>
      tpu.wait_dma2 semaphore(%run_scoped3A : memref<!tpu.dma_semaphore, #tpu.memory_space<semaphore_mem>>) src(%dma_wait3A_171 : memref<128x128xbf16, #tpu.memory_space<vmem_shared>>) dst(%dma_wait3A_169 : memref<128x128xbf16, #tpu.memory_space<hbm>>)
      tpu.yield
    }) : () -> ()
    %mul3A_151 = arith.constant 640 : i32
    %mul3A_152 = arith.muli %arg1, %mul3A_151 : i32
    %add3A_153 = arith.constant 256 : i32
    %add3A_154 = arith.addi %mul3A_152, %add3A_153 : i32
    "tpu.region"() ({
      %run_scoped3A = tpu.sem_alloc : memref<!tpu.dma_semaphore, #tpu.memory_space<semaphore_mem>>
      %dma_start3A_163 = arith.constant 0 : i32
      %dma_start3A_164 = tpu.memref_slice %arg5[%arg0, %add3A_154, %dma_start3A_163] : memref<2x10240x128xbf16, #tpu.memory_space<hbm>> -> memref<1x128x128xbf16, #tpu.memory_space<hbm>>
      %dma_start3A_165 = tpu.memref_squeeze %dma_start3A_164 : memref<1x128x128xbf16, #tpu.memory_space<hbm>> -> memref<128x128xbf16, #tpu.memory_space<hbm>>
      %dma_start3A_166 = arith.constant 0 : i32
      %dma_start3A_167 = tpu.memref_slice %arg12[%add3A_154, %dma_start3A_166] : memref<10240x128xbf16, #tpu.memory_space<vmem_shared>> -> memref<128x128xbf16, #tpu.memory_space<vmem_shared>>
      tpu.enqueue_dma source(%dma_start3A_167 : memref<128x128xbf16, #tpu.memory_space<vmem_shared>>) target(%dma_start3A_165 : memref<128x128xbf16, #tpu.memory_space<hbm>>) target_semaphore(%run_scoped3A : memref<!tpu.dma_semaphore, #tpu.memory_space<semaphore_mem>>)
      %dma_wait3A = arith.constant 0 : i32
      %dma_wait3A_168 = tpu.memref_slice %arg5[%arg0, %add3A_154, %dma_wait3A] : memref<2x10240x128xbf16, #tpu.memory_space<hbm>> -> memref<1x128x128xbf16, #tpu.memory_space<hbm>>
      %dma_wait3A_169 = tpu.memref_squeeze %dma_wait3A_168 : memref<1x128x128xbf16, #tpu.memory_space<hbm>> -> memref<128x128xbf16, #tpu.memory_space<hbm>>
      %dma_wait3A_170 = arith.constant 0 : i32
      %dma_wait3A_171 = tpu.memref_slice %arg12[%add3A_154, %dma_wait3A_170] : memref<10240x128xbf16, #tpu.memory_space<vmem_shared>> -> memref<128x128xbf16, #tpu.memory_space<vmem_shared>>
      tpu.wait_dma2 semaphore(%run_scoped3A : memref<!tpu.dma_semaphore, #tpu.memory_space<semaphore_mem>>) src(%dma_wait3A_171 : memref<128x128xbf16, #tpu.memory_space<vmem_shared>>) dst(%dma_wait3A_169 : memref<128x128xbf16, #tpu.memory_space<hbm>>)
      tpu.yield
    }) : () -> ()
    %mul3A_155 = arith.constant 640 : i32
    %mul3A_156 = arith.muli %arg1, %mul3A_155 : i32
    %add3A_157 = arith.constant 384 : i32
    %add3A_158 = arith.addi %mul3A_156, %add3A_157 : i32
    "tpu.region"() ({
      %run_scoped3A = tpu.sem_alloc : memref<!tpu.dma_semaphore, #tpu.memory_space<semaphore_mem>>
      %dma_start3A_163 = arith.constant 0 : i32
      %dma_start3A_164 = tpu.memref_slice %arg5[%arg0, %add3A_158, %dma_start3A_163] : memref<2x10240x128xbf16, #tpu.memory_space<hbm>> -> memref<1x128x128xbf16, #tpu.memory_space<hbm>>
      %dma_start3A_165 = tpu.memref_squeeze %dma_start3A_164 : memref<1x128x128xbf16, #tpu.memory_space<hbm>> -> memref<128x128xbf16, #tpu.memory_space<hbm>>
      %dma_start3A_166 = arith.constant 0 : i32
      %dma_start3A_167 = tpu.memref_slice %arg12[%add3A_158, %dma_start3A_166] : memref<10240x128xbf16, #tpu.memory_space<vmem_shared>> -> memref<128x128xbf16, #tpu.memory_space<vmem_shared>>
      tpu.enqueue_dma source(%dma_start3A_167 : memref<128x128xbf16, #tpu.memory_space<vmem_shared>>) target(%dma_start3A_165 : memref<128x128xbf16, #tpu.memory_space<hbm>>) target_semaphore(%run_scoped3A : memref<!tpu.dma_semaphore, #tpu.memory_space<semaphore_mem>>)
      %dma_wait3A = arith.constant 0 : i32
      %dma_wait3A_168 = tpu.memref_slice %arg5[%arg0, %add3A_158, %dma_wait3A] : memref<2x10240x128xbf16, #tpu.memory_space<hbm>> -> memref<1x128x128xbf16, #tpu.memory_space<hbm>>
      %dma_wait3A_169 = tpu.memref_squeeze %dma_wait3A_168 : memref<1x128x128xbf16, #tpu.memory_space<hbm>> -> memref<128x128xbf16, #tpu.memory_space<hbm>>
      %dma_wait3A_170 = arith.constant 0 : i32
      %dma_wait3A_171 = tpu.memref_slice %arg12[%add3A_158, %dma_wait3A_170] : memref<10240x128xbf16, #tpu.memory_space<vmem_shared>> -> memref<128x128xbf16, #tpu.memory_space<vmem_shared>>
      tpu.wait_dma2 semaphore(%run_scoped3A : memref<!tpu.dma_semaphore, #tpu.memory_space<semaphore_mem>>) src(%dma_wait3A_171 : memref<128x128xbf16, #tpu.memory_space<vmem_shared>>) dst(%dma_wait3A_169 : memref<128x128xbf16, #tpu.memory_space<hbm>>)
      tpu.yield
    }) : () -> ()
    %mul3A_159 = arith.constant 640 : i32
    %mul3A_160 = arith.muli %arg1, %mul3A_159 : i32
    %add3A_161 = arith.constant 512 : i32
    %add3A_162 = arith.addi %mul3A_160, %add3A_161 : i32
    "tpu.region"() ({
      %run_scoped3A = tpu.sem_alloc : memref<!tpu.dma_semaphore, #tpu.memory_space<semaphore_mem>>
      %dma_start3A_163 = arith.constant 0 : i32
      %dma_start3A_164 = tpu.memref_slice %arg5[%arg0, %add3A_162, %dma_start3A_163] : memref<2x10240x128xbf16, #tpu.memory_space<hbm>> -> memref<1x128x128xbf16, #tpu.memory_space<hbm>>
      %dma_start3A_165 = tpu.memref_squeeze %dma_start3A_164 : memref<1x128x128xbf16, #tpu.memory_space<hbm>> -> memref<128x128xbf16, #tpu.memory_space<hbm>>
      %dma_start3A_166 = arith.constant 0 : i32
      %dma_start3A_167 = tpu.memref_slice %arg12[%add3A_162, %dma_start3A_166] : memref<10240x128xbf16, #tpu.memory_space<vmem_shared>> -> memref<128x128xbf16, #tpu.memory_space<vmem_shared>>
      tpu.enqueue_dma source(%dma_start3A_167 : memref<128x128xbf16, #tpu.memory_space<vmem_shared>>) target(%dma_start3A_165 : memref<128x128xbf16, #tpu.memory_space<hbm>>) target_semaphore(%run_scoped3A : memref<!tpu.dma_semaphore, #tpu.memory_space<semaphore_mem>>)
      %dma_wait3A = arith.constant 0 : i32
      %dma_wait3A_168 = tpu.memref_slice %arg5[%arg0, %add3A_162, %dma_wait3A] : memref<2x10240x128xbf16, #tpu.memory_space<hbm>> -> memref<1x128x128xbf16, #tpu.memory_space<hbm>>
      %dma_wait3A_169 = tpu.memref_squeeze %dma_wait3A_168 : memref<1x128x128xbf16, #tpu.memory_space<hbm>> -> memref<128x128xbf16, #tpu.memory_space<hbm>>
      %dma_wait3A_170 = arith.constant 0 : i32
      %dma_wait3A_171 = tpu.memref_slice %arg12[%add3A_162, %dma_wait3A_170] : memref<10240x128xbf16, #tpu.memory_space<vmem_shared>> -> memref<128x128xbf16, #tpu.memory_space<vmem_shared>>
      tpu.wait_dma2 semaphore(%run_scoped3A : memref<!tpu.dma_semaphore, #tpu.memory_space<semaphore_mem>>) src(%dma_wait3A_171 : memref<128x128xbf16, #tpu.memory_space<vmem_shared>>) dst(%dma_wait3A_169 : memref<128x128xbf16, #tpu.memory_space<hbm>>)
      tpu.yield
    }) : () -> ()
    return
  }
}

#map = affine_map<(d0, d1) -> (0, 0)>
#map1 = affine_map<(d0, d1) -> (0, 0, 0)>
module attributes {stable_mosaic.version = 14 : i64} {
  func.func @body(%arg0: i32, %arg1: i32, %arg2: memref<10240x128xbf16, #tpu.memory_space<hbm>>, %arg3: memref<5120x64xi32, #tpu.memory_space<hbm>>, %arg4: memref<5120x64xi32, #tpu.memory_space<hbm>>, %arg5: memref<2x10240x128xbf16, #tpu.memory_space<hbm>>, %arg6: memref<80x64xi32, #tpu.memory_space<vmem>>, %arg7: memref<80x64xi32, #tpu.memory_space<vmem>>, %arg8: memref<64x128xbf16, #tpu.memory_space<vmem>>, %arg9: memref<64x128xbf16, #tpu.memory_space<vmem>>, %arg10: memref<64x128xbf16, #tpu.memory_space<vmem>>, %arg11: memref<64x128xbf16, #tpu.memory_space<vmem>>, %arg12: memref<10240x128xbf16, #tpu.memory_space<vmem_shared>>, %arg13: memref<10240x128xbf16, #tpu.memory_space<vmem_shared>>, %arg14: memref<!tpu.dma_semaphore, #tpu.memory_space<semaphore_mem>>, %arg15: memref<!tpu.dma_semaphore, #tpu.memory_space<semaphore_mem>>, %arg16: memref<!tpu.dma_semaphore, #tpu.memory_space<semaphore_mem>>, %arg17: memref<!tpu.dma_semaphore, #tpu.memory_space<semaphore_mem>>) attributes {dimension_semantics = [#tpu.dimension_semantics<core_parallel>, #tpu.dimension_semantics<subcore_parallel>], iteration_bounds = array<i64: 2, 16>, scalar_prefetch = 0 : i64, scratch_operands = 12 : i64, tpu.core_type = #tpu.core_type<sc_vector_subcore>, window_params = [{transform_indices = #map}, {transform_indices = #map}, {transform_indices = #map}, {transform_indices = #map1}]} {
    %mul3A = arith.constant 16 : i32
    %mul3A_0 = arith.muli %arg0, %mul3A : i32
    %add3A = arith.addi %mul3A_0, %arg1 : i32
    %mul3A_1 = arith.constant 640 : i32
    %mul3A_2 = arith.muli %arg1, %mul3A_1 : i32
    %add3A_3 = arith.constant 0 : i32
    %add3A_4 = arith.addi %mul3A_2, %add3A_3 : i32
    "tpu.region"() ({
      %run_scoped3A = tpu.sem_alloc : memref<!tpu.dma_semaphore, #tpu.memory_space<semaphore_mem>>
      %dma_start3A_163 = arith.constant 0 : i32
      %dma_start3A_164 = tpu.memref_slice %arg13[%add3A_4, %dma_start3A_163] : memref<10240x128xbf16, #tpu.memory_space<vmem_shared>> -> memref<128x128xbf16, #tpu.memory_space<vmem_shared>>
      %dma_start3A_165 = arith.constant 0 : i32
      %dma_start3A_166 = tpu.memref_slice %arg2[%add3A_4, %dma_start3A_165] : memref<10240x128xbf16, #tpu.memory_space<hbm>> -> memref<128x128xbf16, #tpu.memory_space<hbm>>
      tpu.enqueue_dma source(%dma_start3A_166 : memref<128x128xbf16, #tpu.memory_space<hbm>>) target(%dma_start3A_164 : memref<128x128xbf16, #tpu.memory_space<vmem_shared>>) target_semaphore(%run_scoped3A : memref<!tpu.dma_semaphore, #tpu.memory_space<semaphore_mem>>)
      %dma_wait3A = arith.constant 0 : i32
      %dma_wait3A_167 = tpu.memref_slice %arg13[%add3A_4, %dma_wait3A] : memref<10240x128xbf16, #tpu.memory_space<vmem_shared>> -> memref<128x128xbf16, #tpu.memory_space<vmem_shared>>
      %dma_wait3A_168 = arith.constant 0 : i32
      %dma_wait3A_169 = tpu.memref_slice %arg2[%add3A_4, %dma_wait3A_168] : memref<10240x128xbf16, #tpu.memory_space<hbm>> -> memref<128x128xbf16, #tpu.memory_space<hbm>>
      tpu.wait_dma2 semaphore(%run_scoped3A : memref<!tpu.dma_semaphore, #tpu.memory_space<semaphore_mem>>) src(%dma_wait3A_169 : memref<128x128xbf16, #tpu.memory_space<hbm>>) dst(%dma_wait3A_167 : memref<128x128xbf16, #tpu.memory_space<vmem_shared>>)
      tpu.yield
    }) : () -> ()
    %mul3A_5 = arith.constant 640 : i32
    %mul3A_6 = arith.muli %arg1, %mul3A_5 : i32
    %add3A_7 = arith.constant 128 : i32
    %add3A_8 = arith.addi %mul3A_6, %add3A_7 : i32
    "tpu.region"() ({
      %run_scoped3A = tpu.sem_alloc : memref<!tpu.dma_semaphore, #tpu.memory_space<semaphore_mem>>
      %dma_start3A_163 = arith.constant 0 : i32
      %dma_start3A_164 = tpu.memref_slice %arg13[%add3A_8, %dma_start3A_163] : memref<10240x128xbf16, #tpu.memory_space<vmem_shared>> -> memref<128x128xbf16, #tpu.memory_space<vmem_shared>>
      %dma_start3A_165 = arith.constant 0 : i32
      %dma_start3A_166 = tpu.memref_slice %arg2[%add3A_8, %dma_start3A_165] : memref<10240x128xbf16, #tpu.memory_space<hbm>> -> memref<128x128xbf16, #tpu.memory_space<hbm>>
      tpu.enqueue_dma source(%dma_start3A_166 : memref<128x128xbf16, #tpu.memory_space<hbm>>) target(%dma_start3A_164 : memref<128x128xbf16, #tpu.memory_space<vmem_shared>>) target_semaphore(%run_scoped3A : memref<!tpu.dma_semaphore, #tpu.memory_space<semaphore_mem>>)
      %dma_wait3A = arith.constant 0 : i32
      %dma_wait3A_167 = tpu.memref_slice %arg13[%add3A_8, %dma_wait3A] : memref<10240x128xbf16, #tpu.memory_space<vmem_shared>> -> memref<128x128xbf16, #tpu.memory_space<vmem_shared>>
      %dma_wait3A_168 = arith.constant 0 : i32
      %dma_wait3A_169 = tpu.memref_slice %arg2[%add3A_8, %dma_wait3A_168] : memref<10240x128xbf16, #tpu.memory_space<hbm>> -> memref<128x128xbf16, #tpu.memory_space<hbm>>
      tpu.wait_dma2 semaphore(%run_scoped3A : memref<!tpu.dma_semaphore, #tpu.memory_space<semaphore_mem>>) src(%dma_wait3A_169 : memref<128x128xbf16, #tpu.memory_space<hbm>>) dst(%dma_wait3A_167 : memref<128x128xbf16, #tpu.memory_space<vmem_shared>>)
      tpu.yield
    }) : () -> ()
    %mul3A_9 = arith.constant 640 : i32
    %mul3A_10 = arith.muli %arg1, %mul3A_9 : i32
    %add3A_11 = arith.constant 256 : i32
    %add3A_12 = arith.addi %mul3A_10, %add3A_11 : i32
    "tpu.region"() ({
      %run_scoped3A = tpu.sem_alloc : memref<!tpu.dma_semaphore, #tpu.memory_space<semaphore_mem>>
      %dma_start3A_163 = arith.constant 0 : i32
      %dma_start3A_164 = tpu.memref_slice %arg13[%add3A_12, %dma_start3A_163] : memref<10240x128xbf16, #tpu.memory_space<vmem_shared>> -> memref<128x128xbf16, #tpu.memory_space<vmem_shared>>
      %dma_start3A_165 = arith.constant 0 : i32
      %dma_start3A_166 = tpu.memref_slice %arg2[%add3A_12, %dma_start3A_165] : memref<10240x128xbf16, #tpu.memory_space<hbm>> -> memref<128x128xbf16, #tpu.memory_space<hbm>>
      tpu.enqueue_dma source(%dma_start3A_166 : memref<128x128xbf16, #tpu.memory_space<hbm>>) target(%dma_start3A_164 : memref<128x128xbf16, #tpu.memory_space<vmem_shared>>) target_semaphore(%run_scoped3A : memref<!tpu.dma_semaphore, #tpu.memory_space<semaphore_mem>>)
      %dma_wait3A = arith.constant 0 : i32
      %dma_wait3A_167 = tpu.memref_slice %arg13[%add3A_12, %dma_wait3A] : memref<10240x128xbf16, #tpu.memory_space<vmem_shared>> -> memref<128x128xbf16, #tpu.memory_space<vmem_shared>>
      %dma_wait3A_168 = arith.constant 0 : i32
      %dma_wait3A_169 = tpu.memref_slice %arg2[%add3A_12, %dma_wait3A_168] : memref<10240x128xbf16, #tpu.memory_space<hbm>> -> memref<128x128xbf16, #tpu.memory_space<hbm>>
      tpu.wait_dma2 semaphore(%run_scoped3A : memref<!tpu.dma_semaphore, #tpu.memory_space<semaphore_mem>>) src(%dma_wait3A_169 : memref<128x128xbf16, #tpu.memory_space<hbm>>) dst(%dma_wait3A_167 : memref<128x128xbf16, #tpu.memory_space<vmem_shared>>)
      tpu.yield
    }) : () -> ()
    %mul3A_13 = arith.constant 640 : i32
    %mul3A_14 = arith.muli %arg1, %mul3A_13 : i32
    %add3A_15 = arith.constant 384 : i32
    %add3A_16 = arith.addi %mul3A_14, %add3A_15 : i32
    "tpu.region"() ({
      %run_scoped3A = tpu.sem_alloc : memref<!tpu.dma_semaphore, #tpu.memory_space<semaphore_mem>>
      %dma_start3A_163 = arith.constant 0 : i32
      %dma_start3A_164 = tpu.memref_slice %arg13[%add3A_16, %dma_start3A_163] : memref<10240x128xbf16, #tpu.memory_space<vmem_shared>> -> memref<128x128xbf16, #tpu.memory_space<vmem_shared>>
      %dma_start3A_165 = arith.constant 0 : i32
      %dma_start3A_166 = tpu.memref_slice %arg2[%add3A_16, %dma_start3A_165] : memref<10240x128xbf16, #tpu.memory_space<hbm>> -> memref<128x128xbf16, #tpu.memory_space<hbm>>
      tpu.enqueue_dma source(%dma_start3A_166 : memref<128x128xbf16, #tpu.memory_space<hbm>>) target(%dma_start3A_164 : memref<128x128xbf16, #tpu.memory_space<vmem_shared>>) target_semaphore(%run_scoped3A : memref<!tpu.dma_semaphore, #tpu.memory_space<semaphore_mem>>)
      %dma_wait3A = arith.constant 0 : i32
      %dma_wait3A_167 = tpu.memref_slice %arg13[%add3A_16, %dma_wait3A] : memref<10240x128xbf16, #tpu.memory_space<vmem_shared>> -> memref<128x128xbf16, #tpu.memory_space<vmem_shared>>
      %dma_wait3A_168 = arith.constant 0 : i32
      %dma_wait3A_169 = tpu.memref_slice %arg2[%add3A_16, %dma_wait3A_168] : memref<10240x128xbf16, #tpu.memory_space<hbm>> -> memref<128x128xbf16, #tpu.memory_space<hbm>>
      tpu.wait_dma2 semaphore(%run_scoped3A : memref<!tpu.dma_semaphore, #tpu.memory_space<semaphore_mem>>) src(%dma_wait3A_169 : memref<128x128xbf16, #tpu.memory_space<hbm>>) dst(%dma_wait3A_167 : memref<128x128xbf16, #tpu.memory_space<vmem_shared>>)
      tpu.yield
    }) : () -> ()
    %mul3A_17 = arith.constant 640 : i32
    %mul3A_18 = arith.muli %arg1, %mul3A_17 : i32
    %add3A_19 = arith.constant 512 : i32
    %add3A_20 = arith.addi %mul3A_18, %add3A_19 : i32
    "tpu.region"() ({
      %run_scoped3A = tpu.sem_alloc : memref<!tpu.dma_semaphore, #tpu.memory_space<semaphore_mem>>
      %dma_start3A_163 = arith.constant 0 : i32
      %dma_start3A_164 = tpu.memref_slice %arg13[%add3A_20, %dma_start3A_163] : memref<10240x128xbf16, #tpu.memory_space<vmem_shared>> -> memref<128x128xbf16, #tpu.memory_space<vmem_shared>>
      %dma_start3A_165 = arith.constant 0 : i32
      %dma_start3A_166 = tpu.memref_slice %arg2[%add3A_20, %dma_start3A_165] : memref<10240x128xbf16, #tpu.memory_space<hbm>> -> memref<128x128xbf16, #tpu.memory_space<hbm>>
      tpu.enqueue_dma source(%dma_start3A_166 : memref<128x128xbf16, #tpu.memory_space<hbm>>) target(%dma_start3A_164 : memref<128x128xbf16, #tpu.memory_space<vmem_shared>>) target_semaphore(%run_scoped3A : memref<!tpu.dma_semaphore, #tpu.memory_space<semaphore_mem>>)
      %dma_wait3A = arith.constant 0 : i32
      %dma_wait3A_167 = tpu.memref_slice %arg13[%add3A_20, %dma_wait3A] : memref<10240x128xbf16, #tpu.memory_space<vmem_shared>> -> memref<128x128xbf16, #tpu.memory_space<vmem_shared>>
      %dma_wait3A_168 = arith.constant 0 : i32
      %dma_wait3A_169 = tpu.memref_slice %arg2[%add3A_20, %dma_wait3A_168] : memref<10240x128xbf16, #tpu.memory_space<hbm>> -> memref<128x128xbf16, #tpu.memory_space<hbm>>
      tpu.wait_dma2 semaphore(%run_scoped3A : memref<!tpu.dma_semaphore, #tpu.memory_space<semaphore_mem>>) src(%dma_wait3A_169 : memref<128x128xbf16, #tpu.memory_space<hbm>>) dst(%dma_wait3A_167 : memref<128x128xbf16, #tpu.memory_space<vmem_shared>>)
      tpu.yield
    }) : () -> ()
    %broadcast_in_dim3A = arith.constant 0.000000e+00 : bf16
    %broadcast_in_dim3A_21 = vector.broadcast %broadcast_in_dim3A : bf16 to vector<32xbf16>
    %scan3A = arith.constant 0 : i32
    %scan3A_22 = arith.constant 0 : i32
    %scan3A_23 = arith.constant 64 : i32
    %scan3A_24 = arith.addi %scan3A_22, %scan3A_23 : i32
    %scan3A_25 = arith.constant 1 : i32
    scf.for %scan3A_163 = %scan3A_22 to %scan3A_24 step %scan3A_25  : i32 {
      %swap3A = arith.index_cast %scan3A_163 : i32 to index
      %swap3A_164 = arith.constant 0 : index
      %swap3A_165 = tpu.vector_load %arg8[%swap3A, %swap3A_164] {strides = array<i32>} : memref<64x128xbf16, #tpu.memory_space<vmem>>, vector<1x32xbf16>,
      %swap3A_166 = vector.shape_cast %swap3A_165 : vector<1x32xbf16> to vector<32xbf16>
      %swap3A_167 = vector.shape_cast %broadcast_in_dim3A_21 : vector<32xbf16> to vector<1x32xbf16>
      tpu.vector_store %arg8[%swap3A, %swap3A_164], %swap3A_167 {strides = array<i32>} : memref<64x128xbf16, #tpu.memory_space<vmem>>, vector<1x32xbf16>,
      %swap3A_168 = arith.index_cast %scan3A_163 : i32 to index
      %swap3A_169 = arith.constant 32 : index
      %swap3A_170 = tpu.vector_load %arg8[%swap3A_168, %swap3A_169] {strides = array<i32>} : memref<64x128xbf16, #tpu.memory_space<vmem>>, vector<1x32xbf16>,
      %swap3A_171 = vector.shape_cast %swap3A_170 : vector<1x32xbf16> to vector<32xbf16>
      %swap3A_172 = vector.shape_cast %broadcast_in_dim3A_21 : vector<32xbf16> to vector<1x32xbf16>
      tpu.vector_store %arg8[%swap3A_168, %swap3A_169], %swap3A_172 {strides = array<i32>} : memref<64x128xbf16, #tpu.memory_space<vmem>>, vector<1x32xbf16>,
      %swap3A_173 = arith.index_cast %scan3A_163 : i32 to index
      %swap3A_174 = arith.constant 64 : index
      %swap3A_175 = tpu.vector_load %arg8[%swap3A_173, %swap3A_174] {strides = array<i32>} : memref<64x128xbf16, #tpu.memory_space<vmem>>, vector<1x32xbf16>,
      %swap3A_176 = vector.shape_cast %swap3A_175 : vector<1x32xbf16> to vector<32xbf16>
      %swap3A_177 = vector.shape_cast %broadcast_in_dim3A_21 : vector<32xbf16> to vector<1x32xbf16>
      tpu.vector_store %arg8[%swap3A_173, %swap3A_174], %swap3A_177 {strides = array<i32>} : memref<64x128xbf16, #tpu.memory_space<vmem>>, vector<1x32xbf16>,
      %swap3A_178 = arith.index_cast %scan3A_163 : i32 to index
      %swap3A_179 = arith.constant 96 : index
      %swap3A_180 = tpu.vector_load %arg8[%swap3A_178, %swap3A_179] {strides = array<i32>} : memref<64x128xbf16, #tpu.memory_space<vmem>>, vector<1x32xbf16>,
      %swap3A_181 = vector.shape_cast %swap3A_180 : vector<1x32xbf16> to vector<32xbf16>
      %swap3A_182 = vector.shape_cast %broadcast_in_dim3A_21 : vector<32xbf16> to vector<1x32xbf16>
      tpu.vector_store %arg8[%swap3A_178, %swap3A_179], %swap3A_182 {strides = array<i32>} : memref<64x128xbf16, #tpu.memory_space<vmem>>, vector<1x32xbf16>,
    }
    %scan3A_26 = arith.constant 64 : i32
    %mul3A_27 = arith.constant 640 : i32
    %mul3A_28 = arith.muli %arg1, %mul3A_27 : i32
    %add3A_29 = arith.constant 0 : i32
    %add3A_30 = arith.addi %mul3A_28, %add3A_29 : i32
    "tpu.region"() ({
      %run_scoped3A = tpu.sem_alloc : memref<!tpu.dma_semaphore, #tpu.memory_space<semaphore_mem>>
      %dma_start3A_163 = arith.constant 0 : i32
      %dma_start3A_164 = tpu.memref_slice %arg12[%add3A_30, %dma_start3A_163] : memref<10240x128xbf16, #tpu.memory_space<vmem_shared>> -> memref<64x128xbf16, #tpu.memory_space<vmem_shared>>
      %dma_start3A_165 = arith.constant 0 : i32
      %dma_start3A_166 = tpu.memref_slice %arg12[%add3A_30, %dma_start3A_165] : memref<10240x128xbf16, #tpu.memory_space<vmem_shared>> -> memref<64x128xbf16, #tpu.memory_space<vmem_shared>>
      tpu.enqueue_dma source(%arg8 : memref<64x128xbf16, #tpu.memory_space<vmem>>) target(%dma_start3A_166 : memref<64x128xbf16, #tpu.memory_space<vmem_shared>>) target_semaphore(%run_scoped3A : memref<!tpu.dma_semaphore, #tpu.memory_space<semaphore_mem>>)
      %dma_wait3A = arith.constant 0 : i32
      %dma_wait3A_167 = tpu.memref_slice %arg12[%add3A_30, %dma_wait3A] : memref<10240x128xbf16, #tpu.memory_space<vmem_shared>> -> memref<64x128xbf16, #tpu.memory_space<vmem_shared>>
      %dma_wait3A_168 = arith.constant 0 : i32
      %dma_wait3A_169 = tpu.memref_slice %arg12[%add3A_30, %dma_wait3A_168] : memref<10240x128xbf16, #tpu.memory_space<vmem_shared>> -> memref<64x128xbf16, #tpu.memory_space<vmem_shared>>
      tpu.wait_dma2 semaphore(%run_scoped3A : memref<!tpu.dma_semaphore, #tpu.memory_space<semaphore_mem>>) src(%arg8 : memref<64x128xbf16, #tpu.memory_space<vmem>>) dst(%dma_wait3A_169 : memref<64x128xbf16, #tpu.memory_space<vmem_shared>>)
      tpu.yield
    }) : () -> ()
    %mul3A_31 = arith.constant 640 : i32
    %mul3A_32 = arith.muli %arg1, %mul3A_31 : i32
    %add3A_33 = arith.constant 64 : i32
    %add3A_34 = arith.addi %mul3A_32, %add3A_33 : i32
    "tpu.region"() ({
      %run_scoped3A = tpu.sem_alloc : memref<!tpu.dma_semaphore, #tpu.memory_space<semaphore_mem>>
      %dma_start3A_163 = arith.constant 0 : i32
      %dma_start3A_164 = tpu.memref_slice %arg12[%add3A_34, %dma_start3A_163] : memref<10240x128xbf16, #tpu.memory_space<vmem_shared>> -> memref<64x128xbf16, #tpu.memory_space<vmem_shared>>
      %dma_start3A_165 = arith.constant 0 : i32
      %dma_start3A_166 = tpu.memref_slice %arg12[%add3A_34, %dma_start3A_165] : memref<10240x128xbf16, #tpu.memory_space<vmem_shared>> -> memref<64x128xbf16, #tpu.memory_space<vmem_shared>>
      tpu.enqueue_dma source(%arg8 : memref<64x128xbf16, #tpu.memory_space<vmem>>) target(%dma_start3A_166 : memref<64x128xbf16, #tpu.memory_space<vmem_shared>>) target_semaphore(%run_scoped3A : memref<!tpu.dma_semaphore, #tpu.memory_space<semaphore_mem>>)
      %dma_wait3A = arith.constant 0 : i32
      %dma_wait3A_167 = tpu.memref_slice %arg12[%add3A_34, %dma_wait3A] : memref<10240x128xbf16, #tpu.memory_space<vmem_shared>> -> memref<64x128xbf16, #tpu.memory_space<vmem_shared>>
      %dma_wait3A_168 = arith.constant 0 : i32
      %dma_wait3A_169 = tpu.memref_slice %arg12[%add3A_34, %dma_wait3A_168] : memref<10240x128xbf16, #tpu.memory_space<vmem_shared>> -> memref<64x128xbf16, #tpu.memory_space<vmem_shared>>
      tpu.wait_dma2 semaphore(%run_scoped3A : memref<!tpu.dma_semaphore, #tpu.memory_space<semaphore_mem>>) src(%arg8 : memref<64x128xbf16, #tpu.memory_space<vmem>>) dst(%dma_wait3A_169 : memref<64x128xbf16, #tpu.memory_space<vmem_shared>>)
      tpu.yield
    }) : () -> ()
    %mul3A_35 = arith.constant 640 : i32
    %mul3A_36 = arith.muli %arg1, %mul3A_35 : i32
    %add3A_37 = arith.constant 128 : i32
    %add3A_38 = arith.addi %mul3A_36, %add3A_37 : i32
    "tpu.region"() ({
      %run_scoped3A = tpu.sem_alloc : memref<!tpu.dma_semaphore, #tpu.memory_space<semaphore_mem>>
      %dma_start3A_163 = arith.constant 0 : i32
      %dma_start3A_164 = tpu.memref_slice %arg12[%add3A_38, %dma_start3A_163] : memref<10240x128xbf16, #tpu.memory_space<vmem_shared>> -> memref<64x128xbf16, #tpu.memory_space<vmem_shared>>
      %dma_start3A_165 = arith.constant 0 : i32
      %dma_start3A_166 = tpu.memref_slice %arg12[%add3A_38, %dma_start3A_165] : memref<10240x128xbf16, #tpu.memory_space<vmem_shared>> -> memref<64x128xbf16, #tpu.memory_space<vmem_shared>>
      tpu.enqueue_dma source(%arg8 : memref<64x128xbf16, #tpu.memory_space<vmem>>) target(%dma_start3A_166 : memref<64x128xbf16, #tpu.memory_space<vmem_shared>>) target_semaphore(%run_scoped3A : memref<!tpu.dma_semaphore, #tpu.memory_space<semaphore_mem>>)
      %dma_wait3A = arith.constant 0 : i32
      %dma_wait3A_167 = tpu.memref_slice %arg12[%add3A_38, %dma_wait3A] : memref<10240x128xbf16, #tpu.memory_space<vmem_shared>> -> memref<64x128xbf16, #tpu.memory_space<vmem_shared>>
      %dma_wait3A_168 = arith.constant 0 : i32
      %dma_wait3A_169 = tpu.memref_slice %arg12[%add3A_38, %dma_wait3A_168] : memref<10240x128xbf16, #tpu.memory_space<vmem_shared>> -> memref<64x128xbf16, #tpu.memory_space<vmem_shared>>
      tpu.wait_dma2 semaphore(%run_scoped3A : memref<!tpu.dma_semaphore, #tpu.memory_space<semaphore_mem>>) src(%arg8 : memref<64x128xbf16, #tpu.memory_space<vmem>>) dst(%dma_wait3A_169 : memref<64x128xbf16, #tpu.memory_space<vmem_shared>>)
      tpu.yield
    }) : () -> ()
    %mul3A_39 = arith.constant 640 : i32
    %mul3A_40 = arith.muli %arg1, %mul3A_39 : i32
    %add3A_41 = arith.constant 192 : i32
    %add3A_42 = arith.addi %mul3A_40, %add3A_41 : i32
    "tpu.region"() ({
      %run_scoped3A = tpu.sem_alloc : memref<!tpu.dma_semaphore, #tpu.memory_space<semaphore_mem>>
      %dma_start3A_163 = arith.constant 0 : i32
      %dma_start3A_164 = tpu.memref_slice %arg12[%add3A_42, %dma_start3A_163] : memref<10240x128xbf16, #tpu.memory_space<vmem_shared>> -> memref<64x128xbf16, #tpu.memory_space<vmem_shared>>
      %dma_start3A_165 = arith.constant 0 : i32
      %dma_start3A_166 = tpu.memref_slice %arg12[%add3A_42, %dma_start3A_165] : memref<10240x128xbf16, #tpu.memory_space<vmem_shared>> -> memref<64x128xbf16, #tpu.memory_space<vmem_shared>>
      tpu.enqueue_dma source(%arg8 : memref<64x128xbf16, #tpu.memory_space<vmem>>) target(%dma_start3A_166 : memref<64x128xbf16, #tpu.memory_space<vmem_shared>>) target_semaphore(%run_scoped3A : memref<!tpu.dma_semaphore, #tpu.memory_space<semaphore_mem>>)
      %dma_wait3A = arith.constant 0 : i32
      %dma_wait3A_167 = tpu.memref_slice %arg12[%add3A_42, %dma_wait3A] : memref<10240x128xbf16, #tpu.memory_space<vmem_shared>> -> memref<64x128xbf16, #tpu.memory_space<vmem_shared>>
      %dma_wait3A_168 = arith.constant 0 : i32
      %dma_wait3A_169 = tpu.memref_slice %arg12[%add3A_42, %dma_wait3A_168] : memref<10240x128xbf16, #tpu.memory_space<vmem_shared>> -> memref<64x128xbf16, #tpu.memory_space<vmem_shared>>
      tpu.wait_dma2 semaphore(%run_scoped3A : memref<!tpu.dma_semaphore, #tpu.memory_space<semaphore_mem>>) src(%arg8 : memref<64x128xbf16, #tpu.memory_space<vmem>>) dst(%dma_wait3A_169 : memref<64x128xbf16, #tpu.memory_space<vmem_shared>>)
      tpu.yield
    }) : () -> ()
    %mul3A_43 = arith.constant 640 : i32
    %mul3A_44 = arith.muli %arg1, %mul3A_43 : i32
    %add3A_45 = arith.constant 256 : i32
    %add3A_46 = arith.addi %mul3A_44, %add3A_45 : i32
    "tpu.region"() ({
      %run_scoped3A = tpu.sem_alloc : memref<!tpu.dma_semaphore, #tpu.memory_space<semaphore_mem>>
      %dma_start3A_163 = arith.constant 0 : i32
      %dma_start3A_164 = tpu.memref_slice %arg12[%add3A_46, %dma_start3A_163] : memref<10240x128xbf16, #tpu.memory_space<vmem_shared>> -> memref<64x128xbf16, #tpu.memory_space<vmem_shared>>
      %dma_start3A_165 = arith.constant 0 : i32
      %dma_start3A_166 = tpu.memref_slice %arg12[%add3A_46, %dma_start3A_165] : memref<10240x128xbf16, #tpu.memory_space<vmem_shared>> -> memref<64x128xbf16, #tpu.memory_space<vmem_shared>>
      tpu.enqueue_dma source(%arg8 : memref<64x128xbf16, #tpu.memory_space<vmem>>) target(%dma_start3A_166 : memref<64x128xbf16, #tpu.memory_space<vmem_shared>>) target_semaphore(%run_scoped3A : memref<!tpu.dma_semaphore, #tpu.memory_space<semaphore_mem>>)
      %dma_wait3A = arith.constant 0 : i32
      %dma_wait3A_167 = tpu.memref_slice %arg12[%add3A_46, %dma_wait3A] : memref<10240x128xbf16, #tpu.memory_space<vmem_shared>> -> memref<64x128xbf16, #tpu.memory_space<vmem_shared>>
      %dma_wait3A_168 = arith.constant 0 : i32
      %dma_wait3A_169 = tpu.memref_slice %arg12[%add3A_46, %dma_wait3A_168] : memref<10240x128xbf16, #tpu.memory_space<vmem_shared>> -> memref<64x128xbf16, #tpu.memory_space<vmem_shared>>
      tpu.wait_dma2 semaphore(%run_scoped3A : memref<!tpu.dma_semaphore, #tpu.memory_space<semaphore_mem>>) src(%arg8 : memref<64x128xbf16, #tpu.memory_space<vmem>>) dst(%dma_wait3A_169 : memref<64x128xbf16, #tpu.memory_space<vmem_shared>>)
      tpu.yield
    }) : () -> ()
    %mul3A_47 = arith.constant 640 : i32
    %mul3A_48 = arith.muli %arg1, %mul3A_47 : i32
    %add3A_49 = arith.constant 320 : i32
    %add3A_50 = arith.addi %mul3A_48, %add3A_49 : i32
    "tpu.region"() ({
      %run_scoped3A = tpu.sem_alloc : memref<!tpu.dma_semaphore, #tpu.memory_space<semaphore_mem>>
      %dma_start3A_163 = arith.constant 0 : i32
      %dma_start3A_164 = tpu.memref_slice %arg12[%add3A_50, %dma_start3A_163] : memref<10240x128xbf16, #tpu.memory_space<vmem_shared>> -> memref<64x128xbf16, #tpu.memory_space<vmem_shared>>
      %dma_start3A_165 = arith.constant 0 : i32
      %dma_start3A_166 = tpu.memref_slice %arg12[%add3A_50, %dma_start3A_165] : memref<10240x128xbf16, #tpu.memory_space<vmem_shared>> -> memref<64x128xbf16, #tpu.memory_space<vmem_shared>>
      tpu.enqueue_dma source(%arg8 : memref<64x128xbf16, #tpu.memory_space<vmem>>) target(%dma_start3A_166 : memref<64x128xbf16, #tpu.memory_space<vmem_shared>>) target_semaphore(%run_scoped3A : memref<!tpu.dma_semaphore, #tpu.memory_space<semaphore_mem>>)
      %dma_wait3A = arith.constant 0 : i32
      %dma_wait3A_167 = tpu.memref_slice %arg12[%add3A_50, %dma_wait3A] : memref<10240x128xbf16, #tpu.memory_space<vmem_shared>> -> memref<64x128xbf16, #tpu.memory_space<vmem_shared>>
      %dma_wait3A_168 = arith.constant 0 : i32
      %dma_wait3A_169 = tpu.memref_slice %arg12[%add3A_50, %dma_wait3A_168] : memref<10240x128xbf16, #tpu.memory_space<vmem_shared>> -> memref<64x128xbf16, #tpu.memory_space<vmem_shared>>
      tpu.wait_dma2 semaphore(%run_scoped3A : memref<!tpu.dma_semaphore, #tpu.memory_space<semaphore_mem>>) src(%arg8 : memref<64x128xbf16, #tpu.memory_space<vmem>>) dst(%dma_wait3A_169 : memref<64x128xbf16, #tpu.memory_space<vmem_shared>>)
      tpu.yield
    }) : () -> ()
    %mul3A_51 = arith.constant 640 : i32
    %mul3A_52 = arith.muli %arg1, %mul3A_51 : i32
    %add3A_53 = arith.constant 384 : i32
    %add3A_54 = arith.addi %mul3A_52, %add3A_53 : i32
    "tpu.region"() ({
      %run_scoped3A = tpu.sem_alloc : memref<!tpu.dma_semaphore, #tpu.memory_space<semaphore_mem>>
      %dma_start3A_163 = arith.constant 0 : i32
      %dma_start3A_164 = tpu.memref_slice %arg12[%add3A_54, %dma_start3A_163] : memref<10240x128xbf16, #tpu.memory_space<vmem_shared>> -> memref<64x128xbf16, #tpu.memory_space<vmem_shared>>
      %dma_start3A_165 = arith.constant 0 : i32
      %dma_start3A_166 = tpu.memref_slice %arg12[%add3A_54, %dma_start3A_165] : memref<10240x128xbf16, #tpu.memory_space<vmem_shared>> -> memref<64x128xbf16, #tpu.memory_space<vmem_shared>>
      tpu.enqueue_dma source(%arg8 : memref<64x128xbf16, #tpu.memory_space<vmem>>) target(%dma_start3A_166 : memref<64x128xbf16, #tpu.memory_space<vmem_shared>>) target_semaphore(%run_scoped3A : memref<!tpu.dma_semaphore, #tpu.memory_space<semaphore_mem>>)
      %dma_wait3A = arith.constant 0 : i32
      %dma_wait3A_167 = tpu.memref_slice %arg12[%add3A_54, %dma_wait3A] : memref<10240x128xbf16, #tpu.memory_space<vmem_shared>> -> memref<64x128xbf16, #tpu.memory_space<vmem_shared>>
      %dma_wait3A_168 = arith.constant 0 : i32
      %dma_wait3A_169 = tpu.memref_slice %arg12[%add3A_54, %dma_wait3A_168] : memref<10240x128xbf16, #tpu.memory_space<vmem_shared>> -> memref<64x128xbf16, #tpu.memory_space<vmem_shared>>
      tpu.wait_dma2 semaphore(%run_scoped3A : memref<!tpu.dma_semaphore, #tpu.memory_space<semaphore_mem>>) src(%arg8 : memref<64x128xbf16, #tpu.memory_space<vmem>>) dst(%dma_wait3A_169 : memref<64x128xbf16, #tpu.memory_space<vmem_shared>>)
      tpu.yield
    }) : () -> ()
    %mul3A_55 = arith.constant 640 : i32
    %mul3A_56 = arith.muli %arg1, %mul3A_55 : i32
    %add3A_57 = arith.constant 448 : i32
    %add3A_58 = arith.addi %mul3A_56, %add3A_57 : i32
    "tpu.region"() ({
      %run_scoped3A = tpu.sem_alloc : memref<!tpu.dma_semaphore, #tpu.memory_space<semaphore_mem>>
      %dma_start3A_163 = arith.constant 0 : i32
      %dma_start3A_164 = tpu.memref_slice %arg12[%add3A_58, %dma_start3A_163] : memref<10240x128xbf16, #tpu.memory_space<vmem_shared>> -> memref<64x128xbf16, #tpu.memory_space<vmem_shared>>
      %dma_start3A_165 = arith.constant 0 : i32
      %dma_start3A_166 = tpu.memref_slice %arg12[%add3A_58, %dma_start3A_165] : memref<10240x128xbf16, #tpu.memory_space<vmem_shared>> -> memref<64x128xbf16, #tpu.memory_space<vmem_shared>>
      tpu.enqueue_dma source(%arg8 : memref<64x128xbf16, #tpu.memory_space<vmem>>) target(%dma_start3A_166 : memref<64x128xbf16, #tpu.memory_space<vmem_shared>>) target_semaphore(%run_scoped3A : memref<!tpu.dma_semaphore, #tpu.memory_space<semaphore_mem>>)
      %dma_wait3A = arith.constant 0 : i32
      %dma_wait3A_167 = tpu.memref_slice %arg12[%add3A_58, %dma_wait3A] : memref<10240x128xbf16, #tpu.memory_space<vmem_shared>> -> memref<64x128xbf16, #tpu.memory_space<vmem_shared>>
      %dma_wait3A_168 = arith.constant 0 : i32
      %dma_wait3A_169 = tpu.memref_slice %arg12[%add3A_58, %dma_wait3A_168] : memref<10240x128xbf16, #tpu.memory_space<vmem_shared>> -> memref<64x128xbf16, #tpu.memory_space<vmem_shared>>
      tpu.wait_dma2 semaphore(%run_scoped3A : memref<!tpu.dma_semaphore, #tpu.memory_space<semaphore_mem>>) src(%arg8 : memref<64x128xbf16, #tpu.memory_space<vmem>>) dst(%dma_wait3A_169 : memref<64x128xbf16, #tpu.memory_space<vmem_shared>>)
      tpu.yield
    }) : () -> ()
    %mul3A_59 = arith.constant 640 : i32
    %mul3A_60 = arith.muli %arg1, %mul3A_59 : i32
    %add3A_61 = arith.constant 512 : i32
    %add3A_62 = arith.addi %mul3A_60, %add3A_61 : i32
    "tpu.region"() ({
      %run_scoped3A = tpu.sem_alloc : memref<!tpu.dma_semaphore, #tpu.memory_space<semaphore_mem>>
      %dma_start3A_163 = arith.constant 0 : i32
      %dma_start3A_164 = tpu.memref_slice %arg12[%add3A_62, %dma_start3A_163] : memref<10240x128xbf16, #tpu.memory_space<vmem_shared>> -> memref<64x128xbf16, #tpu.memory_space<vmem_shared>>
      %dma_start3A_165 = arith.constant 0 : i32
      %dma_start3A_166 = tpu.memref_slice %arg12[%add3A_62, %dma_start3A_165] : memref<10240x128xbf16, #tpu.memory_space<vmem_shared>> -> memref<64x128xbf16, #tpu.memory_space<vmem_shared>>
      tpu.enqueue_dma source(%arg8 : memref<64x128xbf16, #tpu.memory_space<vmem>>) target(%dma_start3A_166 : memref<64x128xbf16, #tpu.memory_space<vmem_shared>>) target_semaphore(%run_scoped3A : memref<!tpu.dma_semaphore, #tpu.memory_space<semaphore_mem>>)
      %dma_wait3A = arith.constant 0 : i32
      %dma_wait3A_167 = tpu.memref_slice %arg12[%add3A_62, %dma_wait3A] : memref<10240x128xbf16, #tpu.memory_space<vmem_shared>> -> memref<64x128xbf16, #tpu.memory_space<vmem_shared>>
      %dma_wait3A_168 = arith.constant 0 : i32
      %dma_wait3A_169 = tpu.memref_slice %arg12[%add3A_62, %dma_wait3A_168] : memref<10240x128xbf16, #tpu.memory_space<vmem_shared>> -> memref<64x128xbf16, #tpu.memory_space<vmem_shared>>
      tpu.wait_dma2 semaphore(%run_scoped3A : memref<!tpu.dma_semaphore, #tpu.memory_space<semaphore_mem>>) src(%arg8 : memref<64x128xbf16, #tpu.memory_space<vmem>>) dst(%dma_wait3A_169 : memref<64x128xbf16, #tpu.memory_space<vmem_shared>>)
      tpu.yield
    }) : () -> ()
    %mul3A_63 = arith.constant 640 : i32
    %mul3A_64 = arith.muli %arg1, %mul3A_63 : i32
    %add3A_65 = arith.constant 576 : i32
    %add3A_66 = arith.addi %mul3A_64, %add3A_65 : i32
    "tpu.region"() ({
      %run_scoped3A = tpu.sem_alloc : memref<!tpu.dma_semaphore, #tpu.memory_space<semaphore_mem>>
      %dma_start3A_163 = arith.constant 0 : i32
      %dma_start3A_164 = tpu.memref_slice %arg12[%add3A_66, %dma_start3A_163] : memref<10240x128xbf16, #tpu.memory_space<vmem_shared>> -> memref<64x128xbf16, #tpu.memory_space<vmem_shared>>
      %dma_start3A_165 = arith.constant 0 : i32
      %dma_start3A_166 = tpu.memref_slice %arg12[%add3A_66, %dma_start3A_165] : memref<10240x128xbf16, #tpu.memory_space<vmem_shared>> -> memref<64x128xbf16, #tpu.memory_space<vmem_shared>>
      tpu.enqueue_dma source(%arg8 : memref<64x128xbf16, #tpu.memory_space<vmem>>) target(%dma_start3A_166 : memref<64x128xbf16, #tpu.memory_space<vmem_shared>>) target_semaphore(%run_scoped3A : memref<!tpu.dma_semaphore, #tpu.memory_space<semaphore_mem>>)
      %dma_wait3A = arith.constant 0 : i32
      %dma_wait3A_167 = tpu.memref_slice %arg12[%add3A_66, %dma_wait3A] : memref<10240x128xbf16, #tpu.memory_space<vmem_shared>> -> memref<64x128xbf16, #tpu.memory_space<vmem_shared>>
      %dma_wait3A_168 = arith.constant 0 : i32
      %dma_wait3A_169 = tpu.memref_slice %arg12[%add3A_66, %dma_wait3A_168] : memref<10240x128xbf16, #tpu.memory_space<vmem_shared>> -> memref<64x128xbf16, #tpu.memory_space<vmem_shared>>
      tpu.wait_dma2 semaphore(%run_scoped3A : memref<!tpu.dma_semaphore, #tpu.memory_space<semaphore_mem>>) src(%arg8 : memref<64x128xbf16, #tpu.memory_space<vmem>>) dst(%dma_wait3A_169 : memref<64x128xbf16, #tpu.memory_space<vmem_shared>>)
      tpu.yield
    }) : () -> ()
    %barrier3A = arith.constant 0 : index
    tpu.barrier barrier_id(%barrier3A)
    %mul3A_67 = arith.constant 160 : i32
    %mul3A_68 = arith.muli %add3A, %mul3A_67 : i32
    %add3A_69 = arith.constant 0 : i32
    %add3A_70 = arith.addi %mul3A_68, %add3A_69 : i32
    "tpu.region"() ({
      %run_scoped3A = tpu.sem_alloc : memref<!tpu.dma_semaphore, #tpu.memory_space<semaphore_mem>>
      %dma_start3A_163 = arith.constant 0 : i32
      %dma_start3A_164 = tpu.memref_slice %arg3[%add3A_70, %dma_start3A_163] : memref<5120x64xi32, #tpu.memory_space<hbm>> -> memref<80x64xi32, #tpu.memory_space<hbm>>
      %dma_start3A_165 = arith.constant 0 : i32
      %dma_start3A_166 = tpu.memref_slice %arg3[%add3A_70, %dma_start3A_165] : memref<5120x64xi32, #tpu.memory_space<hbm>> -> memref<80x64xi32, #tpu.memory_space<hbm>>
      tpu.enqueue_dma source(%dma_start3A_166 : memref<80x64xi32, #tpu.memory_space<hbm>>) target(%arg6 : memref<80x64xi32, #tpu.memory_space<vmem>>) target_semaphore(%run_scoped3A : memref<!tpu.dma_semaphore, #tpu.memory_space<semaphore_mem>>)
      %dma_wait3A = arith.constant 0 : i32
      %dma_wait3A_167 = tpu.memref_slice %arg3[%add3A_70, %dma_wait3A] : memref<5120x64xi32, #tpu.memory_space<hbm>> -> memref<80x64xi32, #tpu.memory_space<hbm>>
      %dma_wait3A_168 = arith.constant 0 : i32
      %dma_wait3A_169 = tpu.memref_slice %arg3[%add3A_70, %dma_wait3A_168] : memref<5120x64xi32, #tpu.memory_space<hbm>> -> memref<80x64xi32, #tpu.memory_space<hbm>>
      tpu.wait_dma2 semaphore(%run_scoped3A : memref<!tpu.dma_semaphore, #tpu.memory_space<semaphore_mem>>) src(%dma_wait3A_169 : memref<80x64xi32, #tpu.memory_space<hbm>>) dst(%arg6 : memref<80x64xi32, #tpu.memory_space<vmem>>)
      tpu.yield
    }) : () -> ()
    "tpu.region"() ({
      %run_scoped3A = tpu.sem_alloc : memref<!tpu.dma_semaphore, #tpu.memory_space<semaphore_mem>>
      %dma_start3A_163 = arith.constant 0 : i32
      %dma_start3A_164 = tpu.memref_slice %arg4[%add3A_70, %dma_start3A_163] : memref<5120x64xi32, #tpu.memory_space<hbm>> -> memref<80x64xi32, #tpu.memory_space<hbm>>
      %dma_start3A_165 = arith.constant 0 : i32
      %dma_start3A_166 = tpu.memref_slice %arg4[%add3A_70, %dma_start3A_165] : memref<5120x64xi32, #tpu.memory_space<hbm>> -> memref<80x64xi32, #tpu.memory_space<hbm>>
      tpu.enqueue_dma source(%dma_start3A_166 : memref<80x64xi32, #tpu.memory_space<hbm>>) target(%arg7 : memref<80x64xi32, #tpu.memory_space<vmem>>) target_semaphore(%run_scoped3A : memref<!tpu.dma_semaphore, #tpu.memory_space<semaphore_mem>>)
      %dma_wait3A = arith.constant 0 : i32
      %dma_wait3A_167 = tpu.memref_slice %arg4[%add3A_70, %dma_wait3A] : memref<5120x64xi32, #tpu.memory_space<hbm>> -> memref<80x64xi32, #tpu.memory_space<hbm>>
      %dma_wait3A_168 = arith.constant 0 : i32
      %dma_wait3A_169 = tpu.memref_slice %arg4[%add3A_70, %dma_wait3A_168] : memref<5120x64xi32, #tpu.memory_space<hbm>> -> memref<80x64xi32, #tpu.memory_space<hbm>>
      tpu.wait_dma2 semaphore(%run_scoped3A : memref<!tpu.dma_semaphore, #tpu.memory_space<semaphore_mem>>) src(%dma_wait3A_169 : memref<80x64xi32, #tpu.memory_space<hbm>>) dst(%arg7 : memref<80x64xi32, #tpu.memory_space<vmem>>)
      tpu.yield
    }) : () -> ()
    %dma_start3A = arith.constant 0 : i32
    %dma_start3A_71 = arith.constant 0 : i32
    %dma_start3A_72 = tpu.memref_slice %arg6[%dma_start3A, %dma_start3A_71] : memref<80x64xi32, #tpu.memory_space<vmem>> -> memref<1x64xi32, #tpu.memory_space<vmem>>
    %dma_start3A_73 = tpu.memref_squeeze %dma_start3A_72 : memref<1x64xi32, #tpu.memory_space<vmem>> -> memref<64xi32, #tpu.memory_space<vmem>>
    %dma_start3A_74 = arith.constant 0 : i32
    %dma_start3A_75 = arith.constant 0 : i32
    %dma_start3A_76 = tpu.memref_slice %arg13[%dma_start3A_74, %dma_start3A_75] : memref<10240x128xbf16, #tpu.memory_space<vmem_shared>> -> memref<10240x128xbf16, #tpu.memory_space<vmem_shared>>
    tpu.enqueue_indirect_dma source(%dma_start3A_76 : memref<10240x128xbf16, #tpu.memory_space<vmem_shared>>) target(%arg8 : memref<64x128xbf16, #tpu.memory_space<vmem>>) offsets(%dma_start3A_73 : memref<64xi32, #tpu.memory_space<vmem>>) semaphore(%arg14 : memref<!tpu.dma_semaphore, #tpu.memory_space<semaphore_mem>>)
    %dma_start3A_77 = arith.constant 1 : i32
    %dma_start3A_78 = arith.constant 0 : i32
    %dma_start3A_79 = tpu.memref_slice %arg6[%dma_start3A_77, %dma_start3A_78] : memref<80x64xi32, #tpu.memory_space<vmem>> -> memref<1x64xi32, #tpu.memory_space<vmem>>
    %dma_start3A_80 = tpu.memref_squeeze %dma_start3A_79 : memref<1x64xi32, #tpu.memory_space<vmem>> -> memref<64xi32, #tpu.memory_space<vmem>>
    %dma_start3A_81 = arith.constant 0 : i32
    %dma_start3A_82 = arith.constant 0 : i32
    %dma_start3A_83 = tpu.memref_slice %arg13[%dma_start3A_81, %dma_start3A_82] : memref<10240x128xbf16, #tpu.memory_space<vmem_shared>> -> memref<10240x128xbf16, #tpu.memory_space<vmem_shared>>
    tpu.enqueue_indirect_dma source(%dma_start3A_83 : memref<10240x128xbf16, #tpu.memory_space<vmem_shared>>) target(%arg9 : memref<64x128xbf16, #tpu.memory_space<vmem>>) offsets(%dma_start3A_80 : memref<64xi32, #tpu.memory_space<vmem>>) semaphore(%arg15 : memref<!tpu.dma_semaphore, #tpu.memory_space<semaphore_mem>>)
    %dma_start3A_84 = arith.constant 2 : i32
    %dma_start3A_85 = arith.constant 0 : i32
    %dma_start3A_86 = tpu.memref_slice %arg6[%dma_start3A_84, %dma_start3A_85] : memref<80x64xi32, #tpu.memory_space<vmem>> -> memref<1x64xi32, #tpu.memory_space<vmem>>
    %dma_start3A_87 = tpu.memref_squeeze %dma_start3A_86 : memref<1x64xi32, #tpu.memory_space<vmem>> -> memref<64xi32, #tpu.memory_space<vmem>>
    %dma_start3A_88 = arith.constant 0 : i32
    %dma_start3A_89 = arith.constant 0 : i32
    %dma_start3A_90 = tpu.memref_slice %arg13[%dma_start3A_88, %dma_start3A_89] : memref<10240x128xbf16, #tpu.memory_space<vmem_shared>> -> memref<10240x128xbf16, #tpu.memory_space<vmem_shared>>
    tpu.enqueue_indirect_dma source(%dma_start3A_90 : memref<10240x128xbf16, #tpu.memory_space<vmem_shared>>) target(%arg10 : memref<64x128xbf16, #tpu.memory_space<vmem>>) offsets(%dma_start3A_87 : memref<64xi32, #tpu.memory_space<vmem>>) semaphore(%arg16 : memref<!tpu.dma_semaphore, #tpu.memory_space<semaphore_mem>>)
    %dma_start3A_91 = arith.constant 3 : i32
    %dma_start3A_92 = arith.constant 0 : i32
    %dma_start3A_93 = tpu.memref_slice %arg6[%dma_start3A_91, %dma_start3A_92] : memref<80x64xi32, #tpu.memory_space<vmem>> -> memref<1x64xi32, #tpu.memory_space<vmem>>
    %dma_start3A_94 = tpu.memref_squeeze %dma_start3A_93 : memref<1x64xi32, #tpu.memory_space<vmem>> -> memref<64xi32, #tpu.memory_space<vmem>>
    %dma_start3A_95 = arith.constant 0 : i32
    %dma_start3A_96 = arith.constant 0 : i32
    %dma_start3A_97 = tpu.memref_slice %arg13[%dma_start3A_95, %dma_start3A_96] : memref<10240x128xbf16, #tpu.memory_space<vmem_shared>> -> memref<10240x128xbf16, #tpu.memory_space<vmem_shared>>
    tpu.enqueue_indirect_dma source(%dma_start3A_97 : memref<10240x128xbf16, #tpu.memory_space<vmem_shared>>) target(%arg11 : memref<64x128xbf16, #tpu.memory_space<vmem>>) offsets(%dma_start3A_94 : memref<64xi32, #tpu.memory_space<vmem>>) semaphore(%arg17 : memref<!tpu.dma_semaphore, #tpu.memory_space<semaphore_mem>>)
    %scan3A_98 = arith.constant 0 : i32
    %scan3A_99 = arith.constant 0 : i32
    %scan3A_100 = arith.constant 20 : i32
    %scan3A_101 = arith.addi %scan3A_99, %scan3A_100 : i32
    %scan3A_102 = arith.constant 1 : i32
    scf.for %scan3A_163 = %scan3A_99 to %scan3A_101 step %scan3A_102  : i32 {
      %mul3A_164 = arith.constant 4 : i32
      %mul3A_165 = arith.muli %mul3A_164, %scan3A_163 : i32
      %add3A_166 = arith.constant 0 : i32
      %add3A_167 = arith.addi %mul3A_165, %add3A_166 : i32
      %dma_wait3A = arith.constant 0 : i32
      %dma_wait3A_168 = tpu.memref_slice %arg6[%add3A_167, %dma_wait3A] : memref<80x64xi32, #tpu.memory_space<vmem>> -> memref<1x64xi32, #tpu.memory_space<vmem>>
      %dma_wait3A_169 = tpu.memref_squeeze %dma_wait3A_168 : memref<1x64xi32, #tpu.memory_space<vmem>> -> memref<64xi32, #tpu.memory_space<vmem>>
      %dma_wait3A_170 = arith.constant 0 : i32
      %dma_wait3A_171 = arith.constant 0 : i32
      %dma_wait3A_172 = tpu.memref_slice %arg13[%dma_wait3A_170, %dma_wait3A_171] : memref<10240x128xbf16, #tpu.memory_space<vmem_shared>> -> memref<10240x128xbf16, #tpu.memory_space<vmem_shared>>
      tpu.wait_indirect_dma semaphore(%arg14 : memref<!tpu.dma_semaphore, #tpu.memory_space<semaphore_mem>>) src(%dma_wait3A_172 : memref<10240x128xbf16, #tpu.memory_space<vmem_shared>>) dst(%arg8 : memref<64x128xbf16, #tpu.memory_space<vmem>>)
      "tpu.region"() ({
        %run_scoped3A = tpu.sem_alloc : memref<!tpu.dma_semaphore, #tpu.memory_space<semaphore_mem>>
        %dma_start3A_222 = arith.constant 0 : i32
        %dma_start3A_223 = tpu.memref_slice %arg7[%add3A_167, %dma_start3A_222] : memref<80x64xi32, #tpu.memory_space<vmem>> -> memref<1x64xi32, #tpu.memory_space<vmem>>
        %dma_start3A_224 = tpu.memref_squeeze %dma_start3A_223 : memref<1x64xi32, #tpu.memory_space<vmem>> -> memref<64xi32, #tpu.memory_space<vmem>>
        %dma_start3A_225 = arith.constant 0 : i32
        %dma_start3A_226 = arith.constant 0 : i32
        %dma_start3A_227 = tpu.memref_slice %arg12[%dma_start3A_225, %dma_start3A_226] : memref<10240x128xbf16, #tpu.memory_space<vmem_shared>> -> memref<10240x128xbf16, #tpu.memory_space<vmem_shared>>
        tpu.enqueue_indirect_dma source(%arg8 : memref<64x128xbf16, #tpu.memory_space<vmem>>) target(%dma_start3A_227 : memref<10240x128xbf16, #tpu.memory_space<vmem_shared>>) offsets(%dma_start3A_224 : memref<64xi32, #tpu.memory_space<vmem>>) semaphore(%run_scoped3A : memref<!tpu.dma_semaphore, #tpu.memory_space<semaphore_mem>>) {add = true}
        %dma_wait3A_228 = arith.constant 0 : i32
        %dma_wait3A_229 = tpu.memref_slice %arg7[%add3A_167, %dma_wait3A_228] : memref<80x64xi32, #tpu.memory_space<vmem>> -> memref<1x64xi32, #tpu.memory_space<vmem>>
        %dma_wait3A_230 = tpu.memref_squeeze %dma_wait3A_229 : memref<1x64xi32, #tpu.memory_space<vmem>> -> memref<64xi32, #tpu.memory_space<vmem>>
        %dma_wait3A_231 = arith.constant 0 : i32
        %dma_wait3A_232 = arith.constant 0 : i32
        %dma_wait3A_233 = tpu.memref_slice %arg12[%dma_wait3A_231, %dma_wait3A_232] : memref<10240x128xbf16, #tpu.memory_space<vmem_shared>> -> memref<10240x128xbf16, #tpu.memory_space<vmem_shared>>
        tpu.wait_indirect_dma semaphore(%run_scoped3A : memref<!tpu.dma_semaphore, #tpu.memory_space<semaphore_mem>>) src(%arg8 : memref<64x128xbf16, #tpu.memory_space<vmem>>) dst(%dma_wait3A_233 : memref<10240x128xbf16, #tpu.memory_space<vmem_shared>>)
        tpu.yield
      }) : () -> ()
      %add3A_173 = arith.constant 4 : i32
      %add3A_174 = arith.addi %add3A_167, %add3A_173 : i32
      %lt3A = arith.constant 80 : i32
      %lt3A_175 = arith.cmpi slt, %add3A_174, %lt3A : i32
      %convert_element_type3A = arith.extui %lt3A_175 : i1 to i32
      %cond3A = arith.constant 0 : i32
      %cond3A_176 = arith.cmpi ne, %convert_element_type3A, %cond3A : i32
      scf.if %cond3A_176 {
        %add3A_222 = arith.constant 4 : i32
        %add3A_223 = arith.addi %add3A_167, %add3A_222 : i32
        %dma_start3A_224 = arith.constant 0 : i32
        %dma_start3A_225 = tpu.memref_slice %arg6[%add3A_223, %dma_start3A_224] : memref<80x64xi32, #tpu.memory_space<vmem>> -> memref<1x64xi32, #tpu.memory_space<vmem>>
        %dma_start3A_226 = tpu.memref_squeeze %dma_start3A_225 : memref<1x64xi32, #tpu.memory_space<vmem>> -> memref<64xi32, #tpu.memory_space<vmem>>
        %dma_start3A_227 = arith.constant 0 : i32
        %dma_start3A_228 = arith.constant 0 : i32
        %dma_start3A_229 = tpu.memref_slice %arg13[%dma_start3A_227, %dma_start3A_228] : memref<10240x128xbf16, #tpu.memory_space<vmem_shared>> -> memref<10240x128xbf16, #tpu.memory_space<vmem_shared>>
        tpu.enqueue_indirect_dma source(%dma_start3A_229 : memref<10240x128xbf16, #tpu.memory_space<vmem_shared>>) target(%arg8 : memref<64x128xbf16, #tpu.memory_space<vmem>>) offsets(%dma_start3A_226 : memref<64xi32, #tpu.memory_space<vmem>>) semaphore(%arg14 : memref<!tpu.dma_semaphore, #tpu.memory_space<semaphore_mem>>)
      } else {
      }
      %add3A_177 = arith.constant 1 : i32
      %add3A_178 = arith.addi %mul3A_165, %add3A_177 : i32
      %dma_wait3A_179 = arith.constant 0 : i32
      %dma_wait3A_180 = tpu.memref_slice %arg6[%add3A_178, %dma_wait3A_179] : memref<80x64xi32, #tpu.memory_space<vmem>> -> memref<1x64xi32, #tpu.memory_space<vmem>>
      %dma_wait3A_181 = tpu.memref_squeeze %dma_wait3A_180 : memref<1x64xi32, #tpu.memory_space<vmem>> -> memref<64xi32, #tpu.memory_space<vmem>>
      %dma_wait3A_182 = arith.constant 0 : i32
      %dma_wait3A_183 = arith.constant 0 : i32
      %dma_wait3A_184 = tpu.memref_slice %arg13[%dma_wait3A_182, %dma_wait3A_183] : memref<10240x128xbf16, #tpu.memory_space<vmem_shared>> -> memref<10240x128xbf16, #tpu.memory_space<vmem_shared>>
      tpu.wait_indirect_dma semaphore(%arg15 : memref<!tpu.dma_semaphore, #tpu.memory_space<semaphore_mem>>) src(%dma_wait3A_184 : memref<10240x128xbf16, #tpu.memory_space<vmem_shared>>) dst(%arg9 : memref<64x128xbf16, #tpu.memory_space<vmem>>)
      "tpu.region"() ({
        %run_scoped3A = tpu.sem_alloc : memref<!tpu.dma_semaphore, #tpu.memory_space<semaphore_mem>>
        %dma_start3A_222 = arith.constant 0 : i32
        %dma_start3A_223 = tpu.memref_slice %arg7[%add3A_178, %dma_start3A_222] : memref<80x64xi32, #tpu.memory_space<vmem>> -> memref<1x64xi32, #tpu.memory_space<vmem>>
        %dma_start3A_224 = tpu.memref_squeeze %dma_start3A_223 : memref<1x64xi32, #tpu.memory_space<vmem>> -> memref<64xi32, #tpu.memory_space<vmem>>
        %dma_start3A_225 = arith.constant 0 : i32
        %dma_start3A_226 = arith.constant 0 : i32
        %dma_start3A_227 = tpu.memref_slice %arg12[%dma_start3A_225, %dma_start3A_226] : memref<10240x128xbf16, #tpu.memory_space<vmem_shared>> -> memref<10240x128xbf16, #tpu.memory_space<vmem_shared>>
        tpu.enqueue_indirect_dma source(%arg9 : memref<64x128xbf16, #tpu.memory_space<vmem>>) target(%dma_start3A_227 : memref<10240x128xbf16, #tpu.memory_space<vmem_shared>>) offsets(%dma_start3A_224 : memref<64xi32, #tpu.memory_space<vmem>>) semaphore(%run_scoped3A : memref<!tpu.dma_semaphore, #tpu.memory_space<semaphore_mem>>) {add = true}
        %dma_wait3A_228 = arith.constant 0 : i32
        %dma_wait3A_229 = tpu.memref_slice %arg7[%add3A_178, %dma_wait3A_228] : memref<80x64xi32, #tpu.memory_space<vmem>> -> memref<1x64xi32, #tpu.memory_space<vmem>>
        %dma_wait3A_230 = tpu.memref_squeeze %dma_wait3A_229 : memref<1x64xi32, #tpu.memory_space<vmem>> -> memref<64xi32, #tpu.memory_space<vmem>>
        %dma_wait3A_231 = arith.constant 0 : i32
        %dma_wait3A_232 = arith.constant 0 : i32
        %dma_wait3A_233 = tpu.memref_slice %arg12[%dma_wait3A_231, %dma_wait3A_232] : memref<10240x128xbf16, #tpu.memory_space<vmem_shared>> -> memref<10240x128xbf16, #tpu.memory_space<vmem_shared>>
        tpu.wait_indirect_dma semaphore(%run_scoped3A : memref<!tpu.dma_semaphore, #tpu.memory_space<semaphore_mem>>) src(%arg9 : memref<64x128xbf16, #tpu.memory_space<vmem>>) dst(%dma_wait3A_233 : memref<10240x128xbf16, #tpu.memory_space<vmem_shared>>)
        tpu.yield
      }) : () -> ()
      %add3A_185 = arith.constant 4 : i32
      %add3A_186 = arith.addi %add3A_178, %add3A_185 : i32
      %lt3A_187 = arith.constant 80 : i32
      %lt3A_188 = arith.cmpi slt, %add3A_186, %lt3A_187 : i32
      %convert_element_type3A_189 = arith.extui %lt3A_188 : i1 to i32
      %cond3A_190 = arith.constant 0 : i32
      %cond3A_191 = arith.cmpi ne, %convert_element_type3A_189, %cond3A_190 : i32
      scf.if %cond3A_191 {
        %add3A_222 = arith.constant 4 : i32
        %add3A_223 = arith.addi %add3A_178, %add3A_222 : i32
        %dma_start3A_224 = arith.constant 0 : i32
        %dma_start3A_225 = tpu.memref_slice %arg6[%add3A_223, %dma_start3A_224] : memref<80x64xi32, #tpu.memory_space<vmem>> -> memref<1x64xi32, #tpu.memory_space<vmem>>
        %dma_start3A_226 = tpu.memref_squeeze %dma_start3A_225 : memref<1x64xi32, #tpu.memory_space<vmem>> -> memref<64xi32, #tpu.memory_space<vmem>>
        %dma_start3A_227 = arith.constant 0 : i32
        %dma_start3A_228 = arith.constant 0 : i32
        %dma_start3A_229 = tpu.memref_slice %arg13[%dma_start3A_227, %dma_start3A_228] : memref<10240x128xbf16, #tpu.memory_space<vmem_shared>> -> memref<10240x128xbf16, #tpu.memory_space<vmem_shared>>
        tpu.enqueue_indirect_dma source(%dma_start3A_229 : memref<10240x128xbf16, #tpu.memory_space<vmem_shared>>) target(%arg9 : memref<64x128xbf16, #tpu.memory_space<vmem>>) offsets(%dma_start3A_226 : memref<64xi32, #tpu.memory_space<vmem>>) semaphore(%arg15 : memref<!tpu.dma_semaphore, #tpu.memory_space<semaphore_mem>>)
      } else {
      }
      %add3A_192 = arith.constant 2 : i32
      %add3A_193 = arith.addi %mul3A_165, %add3A_192 : i32
      %dma_wait3A_194 = arith.constant 0 : i32
      %dma_wait3A_195 = tpu.memref_slice %arg6[%add3A_193, %dma_wait3A_194] : memref<80x64xi32, #tpu.memory_space<vmem>> -> memref<1x64xi32, #tpu.memory_space<vmem>>
      %dma_wait3A_196 = tpu.memref_squeeze %dma_wait3A_195 : memref<1x64xi32, #tpu.memory_space<vmem>> -> memref<64xi32, #tpu.memory_space<vmem>>
      %dma_wait3A_197 = arith.constant 0 : i32
      %dma_wait3A_198 = arith.constant 0 : i32
      %dma_wait3A_199 = tpu.memref_slice %arg13[%dma_wait3A_197, %dma_wait3A_198] : memref<10240x128xbf16, #tpu.memory_space<vmem_shared>> -> memref<10240x128xbf16, #tpu.memory_space<vmem_shared>>
      tpu.wait_indirect_dma semaphore(%arg16 : memref<!tpu.dma_semaphore, #tpu.memory_space<semaphore_mem>>) src(%dma_wait3A_199 : memref<10240x128xbf16, #tpu.memory_space<vmem_shared>>) dst(%arg10 : memref<64x128xbf16, #tpu.memory_space<vmem>>)
      "tpu.region"() ({
        %run_scoped3A = tpu.sem_alloc : memref<!tpu.dma_semaphore, #tpu.memory_space<semaphore_mem>>
        %dma_start3A_222 = arith.constant 0 : i32
        %dma_start3A_223 = tpu.memref_slice %arg7[%add3A_193, %dma_start3A_222] : memref<80x64xi32, #tpu.memory_space<vmem>> -> memref<1x64xi32, #tpu.memory_space<vmem>>
        %dma_start3A_224 = tpu.memref_squeeze %dma_start3A_223 : memref<1x64xi32, #tpu.memory_space<vmem>> -> memref<64xi32, #tpu.memory_space<vmem>>
        %dma_start3A_225 = arith.constant 0 : i32
        %dma_start3A_226 = arith.constant 0 : i32
        %dma_start3A_227 = tpu.memref_slice %arg12[%dma_start3A_225, %dma_start3A_226] : memref<10240x128xbf16, #tpu.memory_space<vmem_shared>> -> memref<10240x128xbf16, #tpu.memory_space<vmem_shared>>
        tpu.enqueue_indirect_dma source(%arg10 : memref<64x128xbf16, #tpu.memory_space<vmem>>) target(%dma_start3A_227 : memref<10240x128xbf16, #tpu.memory_space<vmem_shared>>) offsets(%dma_start3A_224 : memref<64xi32, #tpu.memory_space<vmem>>) semaphore(%run_scoped3A : memref<!tpu.dma_semaphore, #tpu.memory_space<semaphore_mem>>) {add = true}
        %dma_wait3A_228 = arith.constant 0 : i32
        %dma_wait3A_229 = tpu.memref_slice %arg7[%add3A_193, %dma_wait3A_228] : memref<80x64xi32, #tpu.memory_space<vmem>> -> memref<1x64xi32, #tpu.memory_space<vmem>>
        %dma_wait3A_230 = tpu.memref_squeeze %dma_wait3A_229 : memref<1x64xi32, #tpu.memory_space<vmem>> -> memref<64xi32, #tpu.memory_space<vmem>>
        %dma_wait3A_231 = arith.constant 0 : i32
        %dma_wait3A_232 = arith.constant 0 : i32
        %dma_wait3A_233 = tpu.memref_slice %arg12[%dma_wait3A_231, %dma_wait3A_232] : memref<10240x128xbf16, #tpu.memory_space<vmem_shared>> -> memref<10240x128xbf16, #tpu.memory_space<vmem_shared>>
        tpu.wait_indirect_dma semaphore(%run_scoped3A : memref<!tpu.dma_semaphore, #tpu.memory_space<semaphore_mem>>) src(%arg10 : memref<64x128xbf16, #tpu.memory_space<vmem>>) dst(%dma_wait3A_233 : memref<10240x128xbf16, #tpu.memory_space<vmem_shared>>)
        tpu.yield
      }) : () -> ()
      %add3A_200 = arith.constant 4 : i32
      %add3A_201 = arith.addi %add3A_193, %add3A_200 : i32
      %lt3A_202 = arith.constant 80 : i32
      %lt3A_203 = arith.cmpi slt, %add3A_201, %lt3A_202 : i32
      %convert_element_type3A_204 = arith.extui %lt3A_203 : i1 to i32
      %cond3A_205 = arith.constant 0 : i32
      %cond3A_206 = arith.cmpi ne, %convert_element_type3A_204, %cond3A_205 : i32
      scf.if %cond3A_206 {
        %add3A_222 = arith.constant 4 : i32
        %add3A_223 = arith.addi %add3A_193, %add3A_222 : i32
        %dma_start3A_224 = arith.constant 0 : i32
        %dma_start3A_225 = tpu.memref_slice %arg6[%add3A_223, %dma_start3A_224] : memref<80x64xi32, #tpu.memory_space<vmem>> -> memref<1x64xi32, #tpu.memory_space<vmem>>
        %dma_start3A_226 = tpu.memref_squeeze %dma_start3A_225 : memref<1x64xi32, #tpu.memory_space<vmem>> -> memref<64xi32, #tpu.memory_space<vmem>>
        %dma_start3A_227 = arith.constant 0 : i32
        %dma_start3A_228 = arith.constant 0 : i32
        %dma_start3A_229 = tpu.memref_slice %arg13[%dma_start3A_227, %dma_start3A_228] : memref<10240x128xbf16, #tpu.memory_space<vmem_shared>> -> memref<10240x128xbf16, #tpu.memory_space<vmem_shared>>
        tpu.enqueue_indirect_dma source(%dma_start3A_229 : memref<10240x128xbf16, #tpu.memory_space<vmem_shared>>) target(%arg10 : memref<64x128xbf16, #tpu.memory_space<vmem>>) offsets(%dma_start3A_226 : memref<64xi32, #tpu.memory_space<vmem>>) semaphore(%arg16 : memref<!tpu.dma_semaphore, #tpu.memory_space<semaphore_mem>>)
      } else {
      }
      %add3A_207 = arith.constant 3 : i32
      %add3A_208 = arith.addi %mul3A_165, %add3A_207 : i32
      %dma_wait3A_209 = arith.constant 0 : i32
      %dma_wait3A_210 = tpu.memref_slice %arg6[%add3A_208, %dma_wait3A_209] : memref<80x64xi32, #tpu.memory_space<vmem>> -> memref<1x64xi32, #tpu.memory_space<vmem>>
      %dma_wait3A_211 = tpu.memref_squeeze %dma_wait3A_210 : memref<1x64xi32, #tpu.memory_space<vmem>> -> memref<64xi32, #tpu.memory_space<vmem>>
      %dma_wait3A_212 = arith.constant 0 : i32
      %dma_wait3A_213 = arith.constant 0 : i32
      %dma_wait3A_214 = tpu.memref_slice %arg13[%dma_wait3A_212, %dma_wait3A_213] : memref<10240x128xbf16, #tpu.memory_space<vmem_shared>> -> memref<10240x128xbf16, #tpu.memory_space<vmem_shared>>
      tpu.wait_indirect_dma semaphore(%arg17 : memref<!tpu.dma_semaphore, #tpu.memory_space<semaphore_mem>>) src(%dma_wait3A_214 : memref<10240x128xbf16, #tpu.memory_space<vmem_shared>>) dst(%arg11 : memref<64x128xbf16, #tpu.memory_space<vmem>>)
      "tpu.region"() ({
        %run_scoped3A = tpu.sem_alloc : memref<!tpu.dma_semaphore, #tpu.memory_space<semaphore_mem>>
        %dma_start3A_222 = arith.constant 0 : i32
        %dma_start3A_223 = tpu.memref_slice %arg7[%add3A_208, %dma_start3A_222] : memref<80x64xi32, #tpu.memory_space<vmem>> -> memref<1x64xi32, #tpu.memory_space<vmem>>
        %dma_start3A_224 = tpu.memref_squeeze %dma_start3A_223 : memref<1x64xi32, #tpu.memory_space<vmem>> -> memref<64xi32, #tpu.memory_space<vmem>>
        %dma_start3A_225 = arith.constant 0 : i32
        %dma_start3A_226 = arith.constant 0 : i32
        %dma_start3A_227 = tpu.memref_slice %arg12[%dma_start3A_225, %dma_start3A_226] : memref<10240x128xbf16, #tpu.memory_space<vmem_shared>> -> memref<10240x128xbf16, #tpu.memory_space<vmem_shared>>
        tpu.enqueue_indirect_dma source(%arg11 : memref<64x128xbf16, #tpu.memory_space<vmem>>) target(%dma_start3A_227 : memref<10240x128xbf16, #tpu.memory_space<vmem_shared>>) offsets(%dma_start3A_224 : memref<64xi32, #tpu.memory_space<vmem>>) semaphore(%run_scoped3A : memref<!tpu.dma_semaphore, #tpu.memory_space<semaphore_mem>>) {add = true}
        %dma_wait3A_228 = arith.constant 0 : i32
        %dma_wait3A_229 = tpu.memref_slice %arg7[%add3A_208, %dma_wait3A_228] : memref<80x64xi32, #tpu.memory_space<vmem>> -> memref<1x64xi32, #tpu.memory_space<vmem>>
        %dma_wait3A_230 = tpu.memref_squeeze %dma_wait3A_229 : memref<1x64xi32, #tpu.memory_space<vmem>> -> memref<64xi32, #tpu.memory_space<vmem>>
        %dma_wait3A_231 = arith.constant 0 : i32
        %dma_wait3A_232 = arith.constant 0 : i32
        %dma_wait3A_233 = tpu.memref_slice %arg12[%dma_wait3A_231, %dma_wait3A_232] : memref<10240x128xbf16, #tpu.memory_space<vmem_shared>> -> memref<10240x128xbf16, #tpu.memory_space<vmem_shared>>
        tpu.wait_indirect_dma semaphore(%run_scoped3A : memref<!tpu.dma_semaphore, #tpu.memory_space<semaphore_mem>>) src(%arg11 : memref<64x128xbf16, #tpu.memory_space<vmem>>) dst(%dma_wait3A_233 : memref<10240x128xbf16, #tpu.memory_space<vmem_shared>>)
        tpu.yield
      }) : () -> ()
      %add3A_215 = arith.constant 4 : i32
      %add3A_216 = arith.addi %add3A_208, %add3A_215 : i32
      %lt3A_217 = arith.constant 80 : i32
      %lt3A_218 = arith.cmpi slt, %add3A_216, %lt3A_217 : i32
      %convert_element_type3A_219 = arith.extui %lt3A_218 : i1 to i32
      %cond3A_220 = arith.constant 0 : i32
      %cond3A_221 = arith.cmpi ne, %convert_element_type3A_219, %cond3A_220 : i32
      scf.if %cond3A_221 {
        %add3A_222 = arith.constant 4 : i32
        %add3A_223 = arith.addi %add3A_208, %add3A_222 : i32
        %dma_start3A_224 = arith.constant 0 : i32
        %dma_start3A_225 = tpu.memref_slice %arg6[%add3A_223, %dma_start3A_224] : memref<80x64xi32, #tpu.memory_space<vmem>> -> memref<1x64xi32, #tpu.memory_space<vmem>>
        %dma_start3A_226 = tpu.memref_squeeze %dma_start3A_225 : memref<1x64xi32, #tpu.memory_space<vmem>> -> memref<64xi32, #tpu.memory_space<vmem>>
        %dma_start3A_227 = arith.constant 0 : i32
        %dma_start3A_228 = arith.constant 0 : i32
        %dma_start3A_229 = tpu.memref_slice %arg13[%dma_start3A_227, %dma_start3A_228] : memref<10240x128xbf16, #tpu.memory_space<vmem_shared>> -> memref<10240x128xbf16, #tpu.memory_space<vmem_shared>>
        tpu.enqueue_indirect_dma source(%dma_start3A_229 : memref<10240x128xbf16, #tpu.memory_space<vmem_shared>>) target(%arg11 : memref<64x128xbf16, #tpu.memory_space<vmem>>) offsets(%dma_start3A_226 : memref<64xi32, #tpu.memory_space<vmem>>) semaphore(%arg17 : memref<!tpu.dma_semaphore, #tpu.memory_space<semaphore_mem>>)
      } else {
      }
    }
    %scan3A_103 = arith.constant 20 : i32
    %mul3A_104 = arith.constant 160 : i32
    %mul3A_105 = arith.muli %add3A, %mul3A_104 : i32
    %add3A_106 = arith.constant 80 : i32
    %add3A_107 = arith.addi %mul3A_105, %add3A_106 : i32
    "tpu.region"() ({
      %run_scoped3A = tpu.sem_alloc : memref<!tpu.dma_semaphore, #tpu.memory_space<semaphore_mem>>
      %dma_start3A_163 = arith.constant 0 : i32
      %dma_start3A_164 = tpu.memref_slice %arg3[%add3A_107, %dma_start3A_163] : memref<5120x64xi32, #tpu.memory_space<hbm>> -> memref<80x64xi32, #tpu.memory_space<hbm>>
      %dma_start3A_165 = arith.constant 0 : i32
      %dma_start3A_166 = tpu.memref_slice %arg3[%add3A_107, %dma_start3A_165] : memref<5120x64xi32, #tpu.memory_space<hbm>> -> memref<80x64xi32, #tpu.memory_space<hbm>>
      tpu.enqueue_dma source(%dma_start3A_166 : memref<80x64xi32, #tpu.memory_space<hbm>>) target(%arg6 : memref<80x64xi32, #tpu.memory_space<vmem>>) target_semaphore(%run_scoped3A : memref<!tpu.dma_semaphore, #tpu.memory_space<semaphore_mem>>)
      %dma_wait3A = arith.constant 0 : i32
      %dma_wait3A_167 = tpu.memref_slice %arg3[%add3A_107, %dma_wait3A] : memref<5120x64xi32, #tpu.memory_space<hbm>> -> memref<80x64xi32, #tpu.memory_space<hbm>>
      %dma_wait3A_168 = arith.constant 0 : i32
      %dma_wait3A_169 = tpu.memref_slice %arg3[%add3A_107, %dma_wait3A_168] : memref<5120x64xi32, #tpu.memory_space<hbm>> -> memref<80x64xi32, #tpu.memory_space<hbm>>
      tpu.wait_dma2 semaphore(%run_scoped3A : memref<!tpu.dma_semaphore, #tpu.memory_space<semaphore_mem>>) src(%dma_wait3A_169 : memref<80x64xi32, #tpu.memory_space<hbm>>) dst(%arg6 : memref<80x64xi32, #tpu.memory_space<vmem>>)
      tpu.yield
    }) : () -> ()
    "tpu.region"() ({
      %run_scoped3A = tpu.sem_alloc : memref<!tpu.dma_semaphore, #tpu.memory_space<semaphore_mem>>
      %dma_start3A_163 = arith.constant 0 : i32
      %dma_start3A_164 = tpu.memref_slice %arg4[%add3A_107, %dma_start3A_163] : memref<5120x64xi32, #tpu.memory_space<hbm>> -> memref<80x64xi32, #tpu.memory_space<hbm>>
      %dma_start3A_165 = arith.constant 0 : i32
      %dma_start3A_166 = tpu.memref_slice %arg4[%add3A_107, %dma_start3A_165] : memref<5120x64xi32, #tpu.memory_space<hbm>> -> memref<80x64xi32, #tpu.memory_space<hbm>>
      tpu.enqueue_dma source(%dma_start3A_166 : memref<80x64xi32, #tpu.memory_space<hbm>>) target(%arg7 : memref<80x64xi32, #tpu.memory_space<vmem>>) target_semaphore(%run_scoped3A : memref<!tpu.dma_semaphore, #tpu.memory_space<semaphore_mem>>)
      %dma_wait3A = arith.constant 0 : i32
      %dma_wait3A_167 = tpu.memref_slice %arg4[%add3A_107, %dma_wait3A] : memref<5120x64xi32, #tpu.memory_space<hbm>> -> memref<80x64xi32, #tpu.memory_space<hbm>>
      %dma_wait3A_168 = arith.constant 0 : i32
      %dma_wait3A_169 = tpu.memref_slice %arg4[%add3A_107, %dma_wait3A_168] : memref<5120x64xi32, #tpu.memory_space<hbm>> -> memref<80x64xi32, #tpu.memory_space<hbm>>
      tpu.wait_dma2 semaphore(%run_scoped3A : memref<!tpu.dma_semaphore, #tpu.memory_space<semaphore_mem>>) src(%dma_wait3A_169 : memref<80x64xi32, #tpu.memory_space<hbm>>) dst(%arg7 : memref<80x64xi32, #tpu.memory_space<vmem>>)
      tpu.yield
    }) : () -> ()
    %dma_start3A_108 = arith.constant 0 : i32
    %dma_start3A_109 = arith.constant 0 : i32
    %dma_start3A_110 = tpu.memref_slice %arg6[%dma_start3A_108, %dma_start3A_109] : memref<80x64xi32, #tpu.memory_space<vmem>> -> memref<1x64xi32, #tpu.memory_space<vmem>>
    %dma_start3A_111 = tpu.memref_squeeze %dma_start3A_110 : memref<1x64xi32, #tpu.memory_space<vmem>> -> memref<64xi32, #tpu.memory_space<vmem>>
    %dma_start3A_112 = arith.constant 0 : i32
    %dma_start3A_113 = arith.constant 0 : i32
    %dma_start3A_114 = tpu.memref_slice %arg13[%dma_start3A_112, %dma_start3A_113] : memref<10240x128xbf16, #tpu.memory_space<vmem_shared>> -> memref<10240x128xbf16, #tpu.memory_space<vmem_shared>>
    tpu.enqueue_indirect_dma source(%dma_start3A_114 : memref<10240x128xbf16, #tpu.memory_space<vmem_shared>>) target(%arg8 : memref<64x128xbf16, #tpu.memory_space<vmem>>) offsets(%dma_start3A_111 : memref<64xi32, #tpu.memory_space<vmem>>) semaphore(%arg14 : memref<!tpu.dma_semaphore, #tpu.memory_space<semaphore_mem>>)
    %dma_start3A_115 = arith.constant 1 : i32
    %dma_start3A_116 = arith.constant 0 : i32
    %dma_start3A_117 = tpu.memref_slice %arg6[%dma_start3A_115, %dma_start3A_116] : memref<80x64xi32, #tpu.memory_space<vmem>> -> memref<1x64xi32, #tpu.memory_space<vmem>>
    %dma_start3A_118 = tpu.memref_squeeze %dma_start3A_117 : memref<1x64xi32, #tpu.memory_space<vmem>> -> memref<64xi32, #tpu.memory_space<vmem>>
    %dma_start3A_119 = arith.constant 0 : i32
    %dma_start3A_120 = arith.constant 0 : i32
    %dma_start3A_121 = tpu.memref_slice %arg13[%dma_start3A_119, %dma_start3A_120] : memref<10240x128xbf16, #tpu.memory_space<vmem_shared>> -> memref<10240x128xbf16, #tpu.memory_space<vmem_shared>>
    tpu.enqueue_indirect_dma source(%dma_start3A_121 : memref<10240x128xbf16, #tpu.memory_space<vmem_shared>>) target(%arg9 : memref<64x128xbf16, #tpu.memory_space<vmem>>) offsets(%dma_start3A_118 : memref<64xi32, #tpu.memory_space<vmem>>) semaphore(%arg15 : memref<!tpu.dma_semaphore, #tpu.memory_space<semaphore_mem>>)
    %dma_start3A_122 = arith.constant 2 : i32
    %dma_start3A_123 = arith.constant 0 : i32
    %dma_start3A_124 = tpu.memref_slice %arg6[%dma_start3A_122, %dma_start3A_123] : memref<80x64xi32, #tpu.memory_space<vmem>> -> memref<1x64xi32, #tpu.memory_space<vmem>>
    %dma_start3A_125 = tpu.memref_squeeze %dma_start3A_124 : memref<1x64xi32, #tpu.memory_space<vmem>> -> memref<64xi32, #tpu.memory_space<vmem>>
    %dma_start3A_126 = arith.constant 0 : i32
    %dma_start3A_127 = arith.constant 0 : i32
    %dma_start3A_128 = tpu.memref_slice %arg13[%dma_start3A_126, %dma_start3A_127] : memref<10240x128xbf16, #tpu.memory_space<vmem_shared>> -> memref<10240x128xbf16, #tpu.memory_space<vmem_shared>>
    tpu.enqueue_indirect_dma source(%dma_start3A_128 : memref<10240x128xbf16, #tpu.memory_space<vmem_shared>>) target(%arg10 : memref<64x128xbf16, #tpu.memory_space<vmem>>) offsets(%dma_start3A_125 : memref<64xi32, #tpu.memory_space<vmem>>) semaphore(%arg16 : memref<!tpu.dma_semaphore, #tpu.memory_space<semaphore_mem>>)
    %dma_start3A_129 = arith.constant 3 : i32
    %dma_start3A_130 = arith.constant 0 : i32
    %dma_start3A_131 = tpu.memref_slice %arg6[%dma_start3A_129, %dma_start3A_130] : memref<80x64xi32, #tpu.memory_space<vmem>> -> memref<1x64xi32, #tpu.memory_space<vmem>>
    %dma_start3A_132 = tpu.memref_squeeze %dma_start3A_131 : memref<1x64xi32, #tpu.memory_space<vmem>> -> memref<64xi32, #tpu.memory_space<vmem>>
    %dma_start3A_133 = arith.constant 0 : i32
    %dma_start3A_134 = arith.constant 0 : i32
    %dma_start3A_135 = tpu.memref_slice %arg13[%dma_start3A_133, %dma_start3A_134] : memref<10240x128xbf16, #tpu.memory_space<vmem_shared>> -> memref<10240x128xbf16, #tpu.memory_space<vmem_shared>>
    tpu.enqueue_indirect_dma source(%dma_start3A_135 : memref<10240x128xbf16, #tpu.memory_space<vmem_shared>>) target(%arg11 : memref<64x128xbf16, #tpu.memory_space<vmem>>) offsets(%dma_start3A_132 : memref<64xi32, #tpu.memory_space<vmem>>) semaphore(%arg17 : memref<!tpu.dma_semaphore, #tpu.memory_space<semaphore_mem>>)
    %scan3A_136 = arith.constant 0 : i32
    %scan3A_137 = arith.constant 0 : i32
    %scan3A_138 = arith.constant 20 : i32
    %scan3A_139 = arith.addi %scan3A_137, %scan3A_138 : i32
    %scan3A_140 = arith.constant 1 : i32
    scf.for %scan3A_163 = %scan3A_137 to %scan3A_139 step %scan3A_140  : i32 {
      %mul3A_164 = arith.constant 4 : i32
      %mul3A_165 = arith.muli %mul3A_164, %scan3A_163 : i32
      %add3A_166 = arith.constant 0 : i32
      %add3A_167 = arith.addi %mul3A_165, %add3A_166 : i32
      %dma_wait3A = arith.constant 0 : i32
      %dma_wait3A_168 = tpu.memref_slice %arg6[%add3A_167, %dma_wait3A] : memref<80x64xi32, #tpu.memory_space<vmem>> -> memref<1x64xi32, #tpu.memory_space<vmem>>
      %dma_wait3A_169 = tpu.memref_squeeze %dma_wait3A_168 : memref<1x64xi32, #tpu.memory_space<vmem>> -> memref<64xi32, #tpu.memory_space<vmem>>
      %dma_wait3A_170 = arith.constant 0 : i32
      %dma_wait3A_171 = arith.constant 0 : i32
      %dma_wait3A_172 = tpu.memref_slice %arg13[%dma_wait3A_170, %dma_wait3A_171] : memref<10240x128xbf16, #tpu.memory_space<vmem_shared>> -> memref<10240x128xbf16, #tpu.memory_space<vmem_shared>>
      tpu.wait_indirect_dma semaphore(%arg14 : memref<!tpu.dma_semaphore, #tpu.memory_space<semaphore_mem>>) src(%dma_wait3A_172 : memref<10240x128xbf16, #tpu.memory_space<vmem_shared>>) dst(%arg8 : memref<64x128xbf16, #tpu.memory_space<vmem>>)
      "tpu.region"() ({
        %run_scoped3A = tpu.sem_alloc : memref<!tpu.dma_semaphore, #tpu.memory_space<semaphore_mem>>
        %dma_start3A_222 = arith.constant 0 : i32
        %dma_start3A_223 = tpu.memref_slice %arg7[%add3A_167, %dma_start3A_222] : memref<80x64xi32, #tpu.memory_space<vmem>> -> memref<1x64xi32, #tpu.memory_space<vmem>>
        %dma_start3A_224 = tpu.memref_squeeze %dma_start3A_223 : memref<1x64xi32, #tpu.memory_space<vmem>> -> memref<64xi32, #tpu.memory_space<vmem>>
        %dma_start3A_225 = arith.constant 0 : i32
        %dma_start3A_226 = arith.constant 0 : i32
        %dma_start3A_227 = tpu.memref_slice %arg12[%dma_start3A_225, %dma_start3A_226] : memref<10240x128xbf16, #tpu.memory_space<vmem_shared>> -> memref<10240x128xbf16, #tpu.memory_space<vmem_shared>>
        tpu.enqueue_indirect_dma source(%arg8 : memref<64x128xbf16, #tpu.memory_space<vmem>>) target(%dma_start3A_227 : memref<10240x128xbf16, #tpu.memory_space<vmem_shared>>) offsets(%dma_start3A_224 : memref<64xi32, #tpu.memory_space<vmem>>) semaphore(%run_scoped3A : memref<!tpu.dma_semaphore, #tpu.memory_space<semaphore_mem>>) {add = true}
        %dma_wait3A_228 = arith.constant 0 : i32
        %dma_wait3A_229 = tpu.memref_slice %arg7[%add3A_167, %dma_wait3A_228] : memref<80x64xi32, #tpu.memory_space<vmem>> -> memref<1x64xi32, #tpu.memory_space<vmem>>
        %dma_wait3A_230 = tpu.memref_squeeze %dma_wait3A_229 : memref<1x64xi32, #tpu.memory_space<vmem>> -> memref<64xi32, #tpu.memory_space<vmem>>
        %dma_wait3A_231 = arith.constant 0 : i32
        %dma_wait3A_232 = arith.constant 0 : i32
        %dma_wait3A_233 = tpu.memref_slice %arg12[%dma_wait3A_231, %dma_wait3A_232] : memref<10240x128xbf16, #tpu.memory_space<vmem_shared>> -> memref<10240x128xbf16, #tpu.memory_space<vmem_shared>>
        tpu.wait_indirect_dma semaphore(%run_scoped3A : memref<!tpu.dma_semaphore, #tpu.memory_space<semaphore_mem>>) src(%arg8 : memref<64x128xbf16, #tpu.memory_space<vmem>>) dst(%dma_wait3A_233 : memref<10240x128xbf16, #tpu.memory_space<vmem_shared>>)
        tpu.yield
      }) : () -> ()
      %add3A_173 = arith.constant 4 : i32
      %add3A_174 = arith.addi %add3A_167, %add3A_173 : i32
      %lt3A = arith.constant 80 : i32
      %lt3A_175 = arith.cmpi slt, %add3A_174, %lt3A : i32
      %convert_element_type3A = arith.extui %lt3A_175 : i1 to i32
      %cond3A = arith.constant 0 : i32
      %cond3A_176 = arith.cmpi ne, %convert_element_type3A, %cond3A : i32
      scf.if %cond3A_176 {
        %add3A_222 = arith.constant 4 : i32
        %add3A_223 = arith.addi %add3A_167, %add3A_222 : i32
        %dma_start3A_224 = arith.constant 0 : i32
        %dma_start3A_225 = tpu.memref_slice %arg6[%add3A_223, %dma_start3A_224] : memref<80x64xi32, #tpu.memory_space<vmem>> -> memref<1x64xi32, #tpu.memory_space<vmem>>
        %dma_start3A_226 = tpu.memref_squeeze %dma_start3A_225 : memref<1x64xi32, #tpu.memory_space<vmem>> -> memref<64xi32, #tpu.memory_space<vmem>>
        %dma_start3A_227 = arith.constant 0 : i32
        %dma_start3A_228 = arith.constant 0 : i32
        %dma_start3A_229 = tpu.memref_slice %arg13[%dma_start3A_227, %dma_start3A_228] : memref<10240x128xbf16, #tpu.memory_space<vmem_shared>> -> memref<10240x128xbf16, #tpu.memory_space<vmem_shared>>
        tpu.enqueue_indirect_dma source(%dma_start3A_229 : memref<10240x128xbf16, #tpu.memory_space<vmem_shared>>) target(%arg8 : memref<64x128xbf16, #tpu.memory_space<vmem>>) offsets(%dma_start3A_226 : memref<64xi32, #tpu.memory_space<vmem>>) semaphore(%arg14 : memref<!tpu.dma_semaphore, #tpu.memory_space<semaphore_mem>>)
      } else {
      }
      %add3A_177 = arith.constant 1 : i32
      %add3A_178 = arith.addi %mul3A_165, %add3A_177 : i32
      %dma_wait3A_179 = arith.constant 0 : i32
      %dma_wait3A_180 = tpu.memref_slice %arg6[%add3A_178, %dma_wait3A_179] : memref<80x64xi32, #tpu.memory_space<vmem>> -> memref<1x64xi32, #tpu.memory_space<vmem>>
      %dma_wait3A_181 = tpu.memref_squeeze %dma_wait3A_180 : memref<1x64xi32, #tpu.memory_space<vmem>> -> memref<64xi32, #tpu.memory_space<vmem>>
      %dma_wait3A_182 = arith.constant 0 : i32
      %dma_wait3A_183 = arith.constant 0 : i32
      %dma_wait3A_184 = tpu.memref_slice %arg13[%dma_wait3A_182, %dma_wait3A_183] : memref<10240x128xbf16, #tpu.memory_space<vmem_shared>> -> memref<10240x128xbf16, #tpu.memory_space<vmem_shared>>
      tpu.wait_indirect_dma semaphore(%arg15 : memref<!tpu.dma_semaphore, #tpu.memory_space<semaphore_mem>>) src(%dma_wait3A_184 : memref<10240x128xbf16, #tpu.memory_space<vmem_shared>>) dst(%arg9 : memref<64x128xbf16, #tpu.memory_space<vmem>>)
      "tpu.region"() ({
        %run_scoped3A = tpu.sem_alloc : memref<!tpu.dma_semaphore, #tpu.memory_space<semaphore_mem>>
        %dma_start3A_222 = arith.constant 0 : i32
        %dma_start3A_223 = tpu.memref_slice %arg7[%add3A_178, %dma_start3A_222] : memref<80x64xi32, #tpu.memory_space<vmem>> -> memref<1x64xi32, #tpu.memory_space<vmem>>
        %dma_start3A_224 = tpu.memref_squeeze %dma_start3A_223 : memref<1x64xi32, #tpu.memory_space<vmem>> -> memref<64xi32, #tpu.memory_space<vmem>>
        %dma_start3A_225 = arith.constant 0 : i32
        %dma_start3A_226 = arith.constant 0 : i32
        %dma_start3A_227 = tpu.memref_slice %arg12[%dma_start3A_225, %dma_start3A_226] : memref<10240x128xbf16, #tpu.memory_space<vmem_shared>> -> memref<10240x128xbf16, #tpu.memory_space<vmem_shared>>
        tpu.enqueue_indirect_dma source(%arg9 : memref<64x128xbf16, #tpu.memory_space<vmem>>) target(%dma_start3A_227 : memref<10240x128xbf16, #tpu.memory_space<vmem_shared>>) offsets(%dma_start3A_224 : memref<64xi32, #tpu.memory_space<vmem>>) semaphore(%run_scoped3A : memref<!tpu.dma_semaphore, #tpu.memory_space<semaphore_mem>>) {add = true}
        %dma_wait3A_228 = arith.constant 0 : i32
        %dma_wait3A_229 = tpu.memref_slice %arg7[%add3A_178, %dma_wait3A_228] : memref<80x64xi32, #tpu.memory_space<vmem>> -> memref<1x64xi32, #tpu.memory_space<vmem>>
        %dma_wait3A_230 = tpu.memref_squeeze %dma_wait3A_229 : memref<1x64xi32, #tpu.memory_space<vmem>> -> memref<64xi32, #tpu.memory_space<vmem>>
        %dma_wait3A_231 = arith.constant 0 : i32
        %dma_wait3A_232 = arith.constant 0 : i32
        %dma_wait3A_233 = tpu.memref_slice %arg12[%dma_wait3A_231, %dma_wait3A_232] : memref<10240x128xbf16, #tpu.memory_space<vmem_shared>> -> memref<10240x128xbf16, #tpu.memory_space<vmem_shared>>
        tpu.wait_indirect_dma semaphore(%run_scoped3A : memref<!tpu.dma_semaphore, #tpu.memory_space<semaphore_mem>>) src(%arg9 : memref<64x128xbf16, #tpu.memory_space<vmem>>) dst(%dma_wait3A_233 : memref<10240x128xbf16, #tpu.memory_space<vmem_shared>>)
        tpu.yield
      }) : () -> ()
      %add3A_185 = arith.constant 4 : i32
      %add3A_186 = arith.addi %add3A_178, %add3A_185 : i32
      %lt3A_187 = arith.constant 80 : i32
      %lt3A_188 = arith.cmpi slt, %add3A_186, %lt3A_187 : i32
      %convert_element_type3A_189 = arith.extui %lt3A_188 : i1 to i32
      %cond3A_190 = arith.constant 0 : i32
      %cond3A_191 = arith.cmpi ne, %convert_element_type3A_189, %cond3A_190 : i32
      scf.if %cond3A_191 {
        %add3A_222 = arith.constant 4 : i32
        %add3A_223 = arith.addi %add3A_178, %add3A_222 : i32
        %dma_start3A_224 = arith.constant 0 : i32
        %dma_start3A_225 = tpu.memref_slice %arg6[%add3A_223, %dma_start3A_224] : memref<80x64xi32, #tpu.memory_space<vmem>> -> memref<1x64xi32, #tpu.memory_space<vmem>>
        %dma_start3A_226 = tpu.memref_squeeze %dma_start3A_225 : memref<1x64xi32, #tpu.memory_space<vmem>> -> memref<64xi32, #tpu.memory_space<vmem>>
        %dma_start3A_227 = arith.constant 0 : i32
        %dma_start3A_228 = arith.constant 0 : i32
        %dma_start3A_229 = tpu.memref_slice %arg13[%dma_start3A_227, %dma_start3A_228] : memref<10240x128xbf16, #tpu.memory_space<vmem_shared>> -> memref<10240x128xbf16, #tpu.memory_space<vmem_shared>>
        tpu.enqueue_indirect_dma source(%dma_start3A_229 : memref<10240x128xbf16, #tpu.memory_space<vmem_shared>>) target(%arg9 : memref<64x128xbf16, #tpu.memory_space<vmem>>) offsets(%dma_start3A_226 : memref<64xi32, #tpu.memory_space<vmem>>) semaphore(%arg15 : memref<!tpu.dma_semaphore, #tpu.memory_space<semaphore_mem>>)
      } else {
      }
      %add3A_192 = arith.constant 2 : i32
      %add3A_193 = arith.addi %mul3A_165, %add3A_192 : i32
      %dma_wait3A_194 = arith.constant 0 : i32
      %dma_wait3A_195 = tpu.memref_slice %arg6[%add3A_193, %dma_wait3A_194] : memref<80x64xi32, #tpu.memory_space<vmem>> -> memref<1x64xi32, #tpu.memory_space<vmem>>
      %dma_wait3A_196 = tpu.memref_squeeze %dma_wait3A_195 : memref<1x64xi32, #tpu.memory_space<vmem>> -> memref<64xi32, #tpu.memory_space<vmem>>
      %dma_wait3A_197 = arith.constant 0 : i32
      %dma_wait3A_198 = arith.constant 0 : i32
      %dma_wait3A_199 = tpu.memref_slice %arg13[%dma_wait3A_197, %dma_wait3A_198] : memref<10240x128xbf16, #tpu.memory_space<vmem_shared>> -> memref<10240x128xbf16, #tpu.memory_space<vmem_shared>>
      tpu.wait_indirect_dma semaphore(%arg16 : memref<!tpu.dma_semaphore, #tpu.memory_space<semaphore_mem>>) src(%dma_wait3A_199 : memref<10240x128xbf16, #tpu.memory_space<vmem_shared>>) dst(%arg10 : memref<64x128xbf16, #tpu.memory_space<vmem>>)
      "tpu.region"() ({
        %run_scoped3A = tpu.sem_alloc : memref<!tpu.dma_semaphore, #tpu.memory_space<semaphore_mem>>
        %dma_start3A_222 = arith.constant 0 : i32
        %dma_start3A_223 = tpu.memref_slice %arg7[%add3A_193, %dma_start3A_222] : memref<80x64xi32, #tpu.memory_space<vmem>> -> memref<1x64xi32, #tpu.memory_space<vmem>>
        %dma_start3A_224 = tpu.memref_squeeze %dma_start3A_223 : memref<1x64xi32, #tpu.memory_space<vmem>> -> memref<64xi32, #tpu.memory_space<vmem>>
        %dma_start3A_225 = arith.constant 0 : i32
        %dma_start3A_226 = arith.constant 0 : i32
        %dma_start3A_227 = tpu.memref_slice %arg12[%dma_start3A_225, %dma_start3A_226] : memref<10240x128xbf16, #tpu.memory_space<vmem_shared>> -> memref<10240x128xbf16, #tpu.memory_space<vmem_shared>>
        tpu.enqueue_indirect_dma source(%arg10 : memref<64x128xbf16, #tpu.memory_space<vmem>>) target(%dma_start3A_227 : memref<10240x128xbf16, #tpu.memory_space<vmem_shared>>) offsets(%dma_start3A_224 : memref<64xi32, #tpu.memory_space<vmem>>) semaphore(%run_scoped3A : memref<!tpu.dma_semaphore, #tpu.memory_space<semaphore_mem>>) {add = true}
        %dma_wait3A_228 = arith.constant 0 : i32
        %dma_wait3A_229 = tpu.memref_slice %arg7[%add3A_193, %dma_wait3A_228] : memref<80x64xi32, #tpu.memory_space<vmem>> -> memref<1x64xi32, #tpu.memory_space<vmem>>
        %dma_wait3A_230 = tpu.memref_squeeze %dma_wait3A_229 : memref<1x64xi32, #tpu.memory_space<vmem>> -> memref<64xi32, #tpu.memory_space<vmem>>
        %dma_wait3A_231 = arith.constant 0 : i32
        %dma_wait3A_232 = arith.constant 0 : i32
        %dma_wait3A_233 = tpu.memref_slice %arg12[%dma_wait3A_231, %dma_wait3A_232] : memref<10240x128xbf16, #tpu.memory_space<vmem_shared>> -> memref<10240x128xbf16, #tpu.memory_space<vmem_shared>>
        tpu.wait_indirect_dma semaphore(%run_scoped3A : memref<!tpu.dma_semaphore, #tpu.memory_space<semaphore_mem>>) src(%arg10 : memref<64x128xbf16, #tpu.memory_space<vmem>>) dst(%dma_wait3A_233 : memref<10240x128xbf16, #tpu.memory_space<vmem_shared>>)
        tpu.yield
      }) : () -> ()
      %add3A_200 = arith.constant 4 : i32
      %add3A_201 = arith.addi %add3A_193, %add3A_200 : i32
      %lt3A_202 = arith.constant 80 : i32
      %lt3A_203 = arith.cmpi slt, %add3A_201, %lt3A_202 : i32
      %convert_element_type3A_204 = arith.extui %lt3A_203 : i1 to i32
      %cond3A_205 = arith.constant 0 : i32
      %cond3A_206 = arith.cmpi ne, %convert_element_type3A_204, %cond3A_205 : i32
      scf.if %cond3A_206 {
        %add3A_222 = arith.constant 4 : i32
        %add3A_223 = arith.addi %add3A_193, %add3A_222 : i32
        %dma_start3A_224 = arith.constant 0 : i32
        %dma_start3A_225 = tpu.memref_slice %arg6[%add3A_223, %dma_start3A_224] : memref<80x64xi32, #tpu.memory_space<vmem>> -> memref<1x64xi32, #tpu.memory_space<vmem>>
        %dma_start3A_226 = tpu.memref_squeeze %dma_start3A_225 : memref<1x64xi32, #tpu.memory_space<vmem>> -> memref<64xi32, #tpu.memory_space<vmem>>
        %dma_start3A_227 = arith.constant 0 : i32
        %dma_start3A_228 = arith.constant 0 : i32
        %dma_start3A_229 = tpu.memref_slice %arg13[%dma_start3A_227, %dma_start3A_228] : memref<10240x128xbf16, #tpu.memory_space<vmem_shared>> -> memref<10240x128xbf16, #tpu.memory_space<vmem_shared>>
        tpu.enqueue_indirect_dma source(%dma_start3A_229 : memref<10240x128xbf16, #tpu.memory_space<vmem_shared>>) target(%arg10 : memref<64x128xbf16, #tpu.memory_space<vmem>>) offsets(%dma_start3A_226 : memref<64xi32, #tpu.memory_space<vmem>>) semaphore(%arg16 : memref<!tpu.dma_semaphore, #tpu.memory_space<semaphore_mem>>)
      } else {
      }
      %add3A_207 = arith.constant 3 : i32
      %add3A_208 = arith.addi %mul3A_165, %add3A_207 : i32
      %dma_wait3A_209 = arith.constant 0 : i32
      %dma_wait3A_210 = tpu.memref_slice %arg6[%add3A_208, %dma_wait3A_209] : memref<80x64xi32, #tpu.memory_space<vmem>> -> memref<1x64xi32, #tpu.memory_space<vmem>>
      %dma_wait3A_211 = tpu.memref_squeeze %dma_wait3A_210 : memref<1x64xi32, #tpu.memory_space<vmem>> -> memref<64xi32, #tpu.memory_space<vmem>>
      %dma_wait3A_212 = arith.constant 0 : i32
      %dma_wait3A_213 = arith.constant 0 : i32
      %dma_wait3A_214 = tpu.memref_slice %arg13[%dma_wait3A_212, %dma_wait3A_213] : memref<10240x128xbf16, #tpu.memory_space<vmem_shared>> -> memref<10240x128xbf16, #tpu.memory_space<vmem_shared>>
      tpu.wait_indirect_dma semaphore(%arg17 : memref<!tpu.dma_semaphore, #tpu.memory_space<semaphore_mem>>) src(%dma_wait3A_214 : memref<10240x128xbf16, #tpu.memory_space<vmem_shared>>) dst(%arg11 : memref<64x128xbf16, #tpu.memory_space<vmem>>)
      "tpu.region"() ({
        %run_scoped3A = tpu.sem_alloc : memref<!tpu.dma_semaphore, #tpu.memory_space<semaphore_mem>>
        %dma_start3A_222 = arith.constant 0 : i32
        %dma_start3A_223 = tpu.memref_slice %arg7[%add3A_208, %dma_start3A_222] : memref<80x64xi32, #tpu.memory_space<vmem>> -> memref<1x64xi32, #tpu.memory_space<vmem>>
        %dma_start3A_224 = tpu.memref_squeeze %dma_start3A_223 : memref<1x64xi32, #tpu.memory_space<vmem>> -> memref<64xi32, #tpu.memory_space<vmem>>
        %dma_start3A_225 = arith.constant 0 : i32
        %dma_start3A_226 = arith.constant 0 : i32
        %dma_start3A_227 = tpu.memref_slice %arg12[%dma_start3A_225, %dma_start3A_226] : memref<10240x128xbf16, #tpu.memory_space<vmem_shared>> -> memref<10240x128xbf16, #tpu.memory_space<vmem_shared>>
        tpu.enqueue_indirect_dma source(%arg11 : memref<64x128xbf16, #tpu.memory_space<vmem>>) target(%dma_start3A_227 : memref<10240x128xbf16, #tpu.memory_space<vmem_shared>>) offsets(%dma_start3A_224 : memref<64xi32, #tpu.memory_space<vmem>>) semaphore(%run_scoped3A : memref<!tpu.dma_semaphore, #tpu.memory_space<semaphore_mem>>) {add = true}
        %dma_wait3A_228 = arith.constant 0 : i32
        %dma_wait3A_229 = tpu.memref_slice %arg7[%add3A_208, %dma_wait3A_228] : memref<80x64xi32, #tpu.memory_space<vmem>> -> memref<1x64xi32, #tpu.memory_space<vmem>>
        %dma_wait3A_230 = tpu.memref_squeeze %dma_wait3A_229 : memref<1x64xi32, #tpu.memory_space<vmem>> -> memref<64xi32, #tpu.memory_space<vmem>>
        %dma_wait3A_231 = arith.constant 0 : i32
        %dma_wait3A_232 = arith.constant 0 : i32
        %dma_wait3A_233 = tpu.memref_slice %arg12[%dma_wait3A_231, %dma_wait3A_232] : memref<10240x128xbf16, #tpu.memory_space<vmem_shared>> -> memref<10240x128xbf16, #tpu.memory_space<vmem_shared>>
        tpu.wait_indirect_dma semaphore(%run_scoped3A : memref<!tpu.dma_semaphore, #tpu.memory_space<semaphore_mem>>) src(%arg11 : memref<64x128xbf16, #tpu.memory_space<vmem>>) dst(%dma_wait3A_233 : memref<10240x128xbf16, #tpu.memory_space<vmem_shared>>)
        tpu.yield
      }) : () -> ()
      %add3A_215 = arith.constant 4 : i32
      %add3A_216 = arith.addi %add3A_208, %add3A_215 : i32
      %lt3A_217 = arith.constant 80 : i32
      %lt3A_218 = arith.cmpi slt, %add3A_216, %lt3A_217 : i32
      %convert_element_type3A_219 = arith.extui %lt3A_218 : i1 to i32
      %cond3A_220 = arith.constant 0 : i32
      %cond3A_221 = arith.cmpi ne, %convert_element_type3A_219, %cond3A_220 : i32
      scf.if %cond3A_221 {
        %add3A_222 = arith.constant 4 : i32
        %add3A_223 = arith.addi %add3A_208, %add3A_222 : i32
        %dma_start3A_224 = arith.constant 0 : i32
        %dma_start3A_225 = tpu.memref_slice %arg6[%add3A_223, %dma_start3A_224] : memref<80x64xi32, #tpu.memory_space<vmem>> -> memref<1x64xi32, #tpu.memory_space<vmem>>
        %dma_start3A_226 = tpu.memref_squeeze %dma_start3A_225 : memref<1x64xi32, #tpu.memory_space<vmem>> -> memref<64xi32, #tpu.memory_space<vmem>>
        %dma_start3A_227 = arith.constant 0 : i32
        %dma_start3A_228 = arith.constant 0 : i32
        %dma_start3A_229 = tpu.memref_slice %arg13[%dma_start3A_227, %dma_start3A_228] : memref<10240x128xbf16, #tpu.memory_space<vmem_shared>> -> memref<10240x128xbf16, #tpu.memory_space<vmem_shared>>
        tpu.enqueue_indirect_dma source(%dma_start3A_229 : memref<10240x128xbf16, #tpu.memory_space<vmem_shared>>) target(%arg11 : memref<64x128xbf16, #tpu.memory_space<vmem>>) offsets(%dma_start3A_226 : memref<64xi32, #tpu.memory_space<vmem>>) semaphore(%arg17 : memref<!tpu.dma_semaphore, #tpu.memory_space<semaphore_mem>>)
      } else {
      }
    }
    %scan3A_141 = arith.constant 20 : i32
    %barrier3A_142 = arith.constant 0 : index
    tpu.barrier barrier_id(%barrier3A_142)
    %mul3A_143 = arith.constant 640 : i32
    %mul3A_144 = arith.muli %arg1, %mul3A_143 : i32
    %add3A_145 = arith.constant 0 : i32
    %add3A_146 = arith.addi %mul3A_144, %add3A_145 : i32
    "tpu.region"() ({
      %run_scoped3A = tpu.sem_alloc : memref<!tpu.dma_semaphore, #tpu.memory_space<semaphore_mem>>
      %dma_start3A_163 = arith.constant 0 : i32
      %dma_start3A_164 = tpu.memref_slice %arg5[%arg0, %add3A_146, %dma_start3A_163] : memref<2x10240x128xbf16, #tpu.memory_space<hbm>> -> memref<1x128x128xbf16, #tpu.memory_space<hbm>>
      %dma_start3A_165 = tpu.memref_squeeze %dma_start3A_164 : memref<1x128x128xbf16, #tpu.memory_space<hbm>> -> memref<128x128xbf16, #tpu.memory_space<hbm>>
      %dma_start3A_166 = arith.constant 0 : i32
      %dma_start3A_167 = tpu.memref_slice %arg12[%add3A_146, %dma_start3A_166] : memref<10240x128xbf16, #tpu.memory_space<vmem_shared>> -> memref<128x128xbf16, #tpu.memory_space<vmem_shared>>
      tpu.enqueue_dma source(%dma_start3A_167 : memref<128x128xbf16, #tpu.memory_space<vmem_shared>>) target(%dma_start3A_165 : memref<128x128xbf16, #tpu.memory_space<hbm>>) target_semaphore(%run_scoped3A : memref<!tpu.dma_semaphore, #tpu.memory_space<semaphore_mem>>)
      %dma_wait3A = arith.constant 0 : i32
      %dma_wait3A_168 = tpu.memref_slice %arg5[%arg0, %add3A_146, %dma_wait3A] : memref<2x10240x128xbf16, #tpu.memory_space<hbm>> -> memref<1x128x128xbf16, #tpu.memory_space<hbm>>
      %dma_wait3A_169 = tpu.memref_squeeze %dma_wait3A_168 : memref<1x128x128xbf16, #tpu.memory_space<hbm>> -> memref<128x128xbf16, #tpu.memory_space<hbm>>
      %dma_wait3A_170 = arith.constant 0 : i32
      %dma_wait3A_171 = tpu.memref_slice %arg12[%add3A_146, %dma_wait3A_170] : memref<10240x128xbf16, #tpu.memory_space<vmem_shared>> -> memref<128x128xbf16, #tpu.memory_space<vmem_shared>>
      tpu.wait_dma2 semaphore(%run_scoped3A : memref<!tpu.dma_semaphore, #tpu.memory_space<semaphore_mem>>) src(%dma_wait3A_171 : memref<128x128xbf16, #tpu.memory_space<vmem_shared>>) dst(%dma_wait3A_169 : memref<128x128xbf16, #tpu.memory_space<hbm>>)
      tpu.yield
    }) : () -> ()
    %mul3A_147 = arith.constant 640 : i32
    %mul3A_148 = arith.muli %arg1, %mul3A_147 : i32
    %add3A_149 = arith.constant 128 : i32
    %add3A_150 = arith.addi %mul3A_148, %add3A_149 : i32
    "tpu.region"() ({
      %run_scoped3A = tpu.sem_alloc : memref<!tpu.dma_semaphore, #tpu.memory_space<semaphore_mem>>
      %dma_start3A_163 = arith.constant 0 : i32
      %dma_start3A_164 = tpu.memref_slice %arg5[%arg0, %add3A_150, %dma_start3A_163] : memref<2x10240x128xbf16, #tpu.memory_space<hbm>> -> memref<1x128x128xbf16, #tpu.memory_space<hbm>>
      %dma_start3A_165 = tpu.memref_squeeze %dma_start3A_164 : memref<1x128x128xbf16, #tpu.memory_space<hbm>> -> memref<128x128xbf16, #tpu.memory_space<hbm>>
      %dma_start3A_166 = arith.constant 0 : i32
      %dma_start3A_167 = tpu.memref_slice %arg12[%add3A_150, %dma_start3A_166] : memref<10240x128xbf16, #tpu.memory_space<vmem_shared>> -> memref<128x128xbf16, #tpu.memory_space<vmem_shared>>
      tpu.enqueue_dma source(%dma_start3A_167 : memref<128x128xbf16, #tpu.memory_space<vmem_shared>>) target(%dma_start3A_165 : memref<128x128xbf16, #tpu.memory_space<hbm>>) target_semaphore(%run_scoped3A : memref<!tpu.dma_semaphore, #tpu.memory_space<semaphore_mem>>)
      %dma_wait3A = arith.constant 0 : i32
      %dma_wait3A_168 = tpu.memref_slice %arg5[%arg0, %add3A_150, %dma_wait3A] : memref<2x10240x128xbf16, #tpu.memory_space<hbm>> -> memref<1x128x128xbf16, #tpu.memory_space<hbm>>
      %dma_wait3A_169 = tpu.memref_squeeze %dma_wait3A_168 : memref<1x128x128xbf16, #tpu.memory_space<hbm>> -> memref<128x128xbf16, #tpu.memory_space<hbm>>
      %dma_wait3A_170 = arith.constant 0 : i32
      %dma_wait3A_171 = tpu.memref_slice %arg12[%add3A_150, %dma_wait3A_170] : memref<10240x128xbf16, #tpu.memory_space<vmem_shared>> -> memref<128x128xbf16, #tpu.memory_space<vmem_shared>>
      tpu.wait_dma2 semaphore(%run_scoped3A : memref<!tpu.dma_semaphore, #tpu.memory_space<semaphore_mem>>) src(%dma_wait3A_171 : memref<128x128xbf16, #tpu.memory_space<vmem_shared>>) dst(%dma_wait3A_169 : memref<128x128xbf16, #tpu.memory_space<hbm>>)
      tpu.yield
    }) : () -> ()
    %mul3A_151 = arith.constant 640 : i32
    %mul3A_152 = arith.muli %arg1, %mul3A_151 : i32
    %add3A_153 = arith.constant 256 : i32
    %add3A_154 = arith.addi %mul3A_152, %add3A_153 : i32
    "tpu.region"() ({
      %run_scoped3A = tpu.sem_alloc : memref<!tpu.dma_semaphore, #tpu.memory_space<semaphore_mem>>
      %dma_start3A_163 = arith.constant 0 : i32
      %dma_start3A_164 = tpu.memref_slice %arg5[%arg0, %add3A_154, %dma_start3A_163] : memref<2x10240x128xbf16, #tpu.memory_space<hbm>> -> memref<1x128x128xbf16, #tpu.memory_space<hbm>>
      %dma_start3A_165 = tpu.memref_squeeze %dma_start3A_164 : memref<1x128x128xbf16, #tpu.memory_space<hbm>> -> memref<128x128xbf16, #tpu.memory_space<hbm>>
      %dma_start3A_166 = arith.constant 0 : i32
      %dma_start3A_167 = tpu.memref_slice %arg12[%add3A_154, %dma_start3A_166] : memref<10240x128xbf16, #tpu.memory_space<vmem_shared>> -> memref<128x128xbf16, #tpu.memory_space<vmem_shared>>
      tpu.enqueue_dma source(%dma_start3A_167 : memref<128x128xbf16, #tpu.memory_space<vmem_shared>>) target(%dma_start3A_165 : memref<128x128xbf16, #tpu.memory_space<hbm>>) target_semaphore(%run_scoped3A : memref<!tpu.dma_semaphore, #tpu.memory_space<semaphore_mem>>)
      %dma_wait3A = arith.constant 0 : i32
      %dma_wait3A_168 = tpu.memref_slice %arg5[%arg0, %add3A_154, %dma_wait3A] : memref<2x10240x128xbf16, #tpu.memory_space<hbm>> -> memref<1x128x128xbf16, #tpu.memory_space<hbm>>
      %dma_wait3A_169 = tpu.memref_squeeze %dma_wait3A_168 : memref<1x128x128xbf16, #tpu.memory_space<hbm>> -> memref<128x128xbf16, #tpu.memory_space<hbm>>
      %dma_wait3A_170 = arith.constant 0 : i32
      %dma_wait3A_171 = tpu.memref_slice %arg12[%add3A_154, %dma_wait3A_170] : memref<10240x128xbf16, #tpu.memory_space<vmem_shared>> -> memref<128x128xbf16, #tpu.memory_space<vmem_shared>>
      tpu.wait_dma2 semaphore(%run_scoped3A : memref<!tpu.dma_semaphore, #tpu.memory_space<semaphore_mem>>) src(%dma_wait3A_171 : memref<128x128xbf16, #tpu.memory_space<vmem_shared>>) dst(%dma_wait3A_169 : memref<128x128xbf16, #tpu.memory_space<hbm>>)
      tpu.yield
    }) : () -> ()
    %mul3A_155 = arith.constant 640 : i32
    %mul3A_156 = arith.muli %arg1, %mul3A_155 : i32
    %add3A_157 = arith.constant 384 : i32
    %add3A_158 = arith.addi %mul3A_156, %add3A_157 : i32
    "tpu.region"() ({
      %run_scoped3A = tpu.sem_alloc : memref<!tpu.dma_semaphore, #tpu.memory_space<semaphore_mem>>
      %dma_start3A_163 = arith.constant 0 : i32
      %dma_start3A_164 = tpu.memref_slice %arg5[%arg0, %add3A_158, %dma_start3A_163] : memref<2x10240x128xbf16, #tpu.memory_space<hbm>> -> memref<1x128x128xbf16, #tpu.memory_space<hbm>>
      %dma_start3A_165 = tpu.memref_squeeze %dma_start3A_164 : memref<1x128x128xbf16, #tpu.memory_space<hbm>> -> memref<128x128xbf16, #tpu.memory_space<hbm>>
      %dma_start3A_166 = arith.constant 0 : i32
      %dma_start3A_167 = tpu.memref_slice %arg12[%add3A_158, %dma_start3A_166] : memref<10240x128xbf16, #tpu.memory_space<vmem_shared>> -> memref<128x128xbf16, #tpu.memory_space<vmem_shared>>
      tpu.enqueue_dma source(%dma_start3A_167 : memref<128x128xbf16, #tpu.memory_space<vmem_shared>>) target(%dma_start3A_165 : memref<128x128xbf16, #tpu.memory_space<hbm>>) target_semaphore(%run_scoped3A : memref<!tpu.dma_semaphore, #tpu.memory_space<semaphore_mem>>)
      %dma_wait3A = arith.constant 0 : i32
      %dma_wait3A_168 = tpu.memref_slice %arg5[%arg0, %add3A_158, %dma_wait3A] : memref<2x10240x128xbf16, #tpu.memory_space<hbm>> -> memref<1x128x128xbf16, #tpu.memory_space<hbm>>
      %dma_wait3A_169 = tpu.memref_squeeze %dma_wait3A_168 : memref<1x128x128xbf16, #tpu.memory_space<hbm>> -> memref<128x128xbf16, #tpu.memory_space<hbm>>
      %dma_wait3A_170 = arith.constant 0 : i32
      %dma_wait3A_171 = tpu.memref_slice %arg12[%add3A_158, %dma_wait3A_170] : memref<10240x128xbf16, #tpu.memory_space<vmem_shared>> -> memref<128x128xbf16, #tpu.memory_space<vmem_shared>>
      tpu.wait_dma2 semaphore(%run_scoped3A : memref<!tpu.dma_semaphore, #tpu.memory_space<semaphore_mem>>) src(%dma_wait3A_171 : memref<128x128xbf16, #tpu.memory_space<vmem_shared>>) dst(%dma_wait3A_169 : memref<128x128xbf16, #tpu.memory_space<hbm>>)
      tpu.yield
    }) : () -> ()
    %mul3A_159 = arith.constant 640 : i32
    %mul3A_160 = arith.muli %arg1, %mul3A_159 : i32
    %add3A_161 = arith.constant 512 : i32
    %add3A_162 = arith.addi %mul3A_160, %add3A_161 : i32
    "tpu.region"() ({
      %run_scoped3A = tpu.sem_alloc : memref<!tpu.dma_semaphore, #tpu.memory_space<semaphore_mem>>
      %dma_start3A_163 = arith.constant 0 : i32
      %dma_start3A_164 = tpu.memref_slice %arg5[%arg0, %add3A_162, %dma_start3A_163] : memref<2x10240x128xbf16, #tpu.memory_space<hbm>> -> memref<1x128x128xbf16, #tpu.memory_space<hbm>>
      %dma_start3A_165 = tpu.memref_squeeze %dma_start3A_164 : memref<1x128x128xbf16, #tpu.memory_space<hbm>> -> memref<128x128xbf16, #tpu.memory_space<hbm>>
      %dma_start3A_166 = arith.constant 0 : i32
      %dma_start3A_167 = tpu.memref_slice %arg12[%add3A_162, %dma_start3A_166] : memref<10240x128xbf16, #tpu.memory_space<vmem_shared>> -> memref<128x128xbf16, #tpu.memory_space<vmem_shared>>
      tpu.enqueue_dma source(%dma_start3A_167 : memref<128x128xbf16, #tpu.memory_space<vmem_shared>>) target(%dma_start3A_165 : memref<128x128xbf16, #tpu.memory_space<hbm>>) target_semaphore(%run_scoped3A : memref<!tpu.dma_semaphore, #tpu.memory_space<semaphore_mem>>)
      %dma_wait3A = arith.constant 0 : i32
      %dma_wait3A_168 = tpu.memref_slice %arg5[%arg0, %add3A_162, %dma_wait3A] : memref<2x10240x128xbf16, #tpu.memory_space<hbm>> -> memref<1x128x128xbf16, #tpu.memory_space<hbm>>
      %dma_wait3A_169 = tpu.memref_squeeze %dma_wait3A_168 : memref<1x128x128xbf16, #tpu.memory_space<hbm>> -> memref<128x128xbf16, #tpu.memory_space<hbm>>
      %dma_wait3A_170 = arith.constant 0 : i32
      %dma_wait3A_171 = tpu.memref_slice %arg12[%add3A_162, %dma_wait3A_170] : memref<10240x128xbf16, #tpu.memory_space<vmem_shared>> -> memref<128x128xbf16, #tpu.memory_space<vmem_shared>>
      tpu.wait_dma2 semaphore(%run_scoped3A : memref<!tpu.dma_semaphore, #tpu.memory_space<semaphore_mem>>) src(%dma_wait3A_171 : memref<128x128xbf16, #tpu.memory_space<vmem_shared>>) dst(%dma_wait3A_169 : memref<128x128xbf16, #tpu.memory_space<hbm>>)
      tpu.yield
    }) : () -> ()
    return
  }
}

#map = affine_map<(d0, d1) -> (0, 0)>
#map1 = affine_map<(d0, d1) -> (0, 0, 0)>
module attributes {stable_mosaic.version = 14 : i64} {
  func.func @body(%arg0: i32, %arg1: i32, %arg2: memref<2560x128xi32, #tpu.memory_space<hbm>>, %arg3: memref<2x10240x128xf32, #tpu.memory_space<hbm>>, %arg4: memref<80x128xi32, #tpu.memory_space<vmem>>, %arg5: memref<128x128xf32, #tpu.memory_space<vmem>>, %arg6: memref<10240x128xf32, #tpu.memory_space<vmem_shared>>) attributes {dimension_semantics = [#tpu.dimension_semantics<core_parallel>, #tpu.dimension_semantics<subcore_parallel>], iteration_bounds = array<i64: 2, 16>, scalar_prefetch = 0 : i64, scratch_operands = 3 : i64, tpu.core_type = #tpu.core_type<sc_vector_subcore>, window_params = [{transform_indices = #map}, {transform_indices = #map1}]} {
    %mul3A = arith.constant 16 : i32
    %mul3A_0 = arith.muli %arg0, %mul3A : i32
    %add3A = arith.addi %mul3A_0, %arg1 : i32
    %mul3A_1 = arith.constant 80 : i32
    %mul3A_2 = arith.muli %add3A, %mul3A_1 : i32
    "tpu.region"() ({
      %run_scoped3A = tpu.sem_alloc : memref<!tpu.dma_semaphore, #tpu.memory_space<semaphore_mem>>
      %dma_start3A = arith.constant 0 : i32
      %dma_start3A_64 = tpu.memref_slice %arg2[%mul3A_2, %dma_start3A] : memref<2560x128xi32, #tpu.memory_space<hbm>> -> memref<80x128xi32, #tpu.memory_space<hbm>>
      %dma_start3A_65 = arith.constant 0 : i32
      %dma_start3A_66 = tpu.memref_slice %arg2[%mul3A_2, %dma_start3A_65] : memref<2560x128xi32, #tpu.memory_space<hbm>> -> memref<80x128xi32, #tpu.memory_space<hbm>>
      tpu.enqueue_dma source(%dma_start3A_66 : memref<80x128xi32, #tpu.memory_space<hbm>>) target(%arg4 : memref<80x128xi32, #tpu.memory_space<vmem>>) target_semaphore(%run_scoped3A : memref<!tpu.dma_semaphore, #tpu.memory_space<semaphore_mem>>)
      %dma_wait3A = arith.constant 0 : i32
      %dma_wait3A_67 = tpu.memref_slice %arg2[%mul3A_2, %dma_wait3A] : memref<2560x128xi32, #tpu.memory_space<hbm>> -> memref<80x128xi32, #tpu.memory_space<hbm>>
      %dma_wait3A_68 = arith.constant 0 : i32
      %dma_wait3A_69 = tpu.memref_slice %arg2[%mul3A_2, %dma_wait3A_68] : memref<2560x128xi32, #tpu.memory_space<hbm>> -> memref<80x128xi32, #tpu.memory_space<hbm>>
      tpu.wait_dma2 semaphore(%run_scoped3A : memref<!tpu.dma_semaphore, #tpu.memory_space<semaphore_mem>>) src(%dma_wait3A_69 : memref<80x128xi32, #tpu.memory_space<hbm>>) dst(%arg4 : memref<80x128xi32, #tpu.memory_space<vmem>>)
      tpu.yield
    }) : () -> ()
    %broadcast_in_dim3A = arith.constant 0.000000e+00 : f32
    %broadcast_in_dim3A_3 = vector.broadcast %broadcast_in_dim3A : f32 to vector<16xf32>
    %scan3A = arith.constant 0 : i32
    %scan3A_4 = arith.constant 0 : i32
    %scan3A_5 = arith.constant 128 : i32
    %scan3A_6 = arith.addi %scan3A_4, %scan3A_5 : i32
    %scan3A_7 = arith.constant 1 : i32
    scf.for %scan3A_64 = %scan3A_4 to %scan3A_6 step %scan3A_7  : i32 {
      %swap3A = arith.index_cast %scan3A_64 : i32 to index
      %swap3A_65 = arith.constant 0 : index
      %swap3A_66 = tpu.vector_load %arg5[%swap3A, %swap3A_65] {strides = array<i32>} : memref<128x128xf32, #tpu.memory_space<vmem>>, vector<1x16xf32>,
      %swap3A_67 = vector.shape_cast %swap3A_66 : vector<1x16xf32> to vector<16xf32>
      %swap3A_68 = vector.shape_cast %broadcast_in_dim3A_3 : vector<16xf32> to vector<1x16xf32>
      tpu.vector_store %arg5[%swap3A, %swap3A_65], %swap3A_68 {strides = array<i32>} : memref<128x128xf32, #tpu.memory_space<vmem>>, vector<1x16xf32>,
      %swap3A_69 = arith.index_cast %scan3A_64 : i32 to index
      %swap3A_70 = arith.constant 16 : index
      %swap3A_71 = tpu.vector_load %arg5[%swap3A_69, %swap3A_70] {strides = array<i32>} : memref<128x128xf32, #tpu.memory_space<vmem>>, vector<1x16xf32>,
      %swap3A_72 = vector.shape_cast %swap3A_71 : vector<1x16xf32> to vector<16xf32>
      %swap3A_73 = vector.shape_cast %broadcast_in_dim3A_3 : vector<16xf32> to vector<1x16xf32>
      tpu.vector_store %arg5[%swap3A_69, %swap3A_70], %swap3A_73 {strides = array<i32>} : memref<128x128xf32, #tpu.memory_space<vmem>>, vector<1x16xf32>,
      %swap3A_74 = arith.index_cast %scan3A_64 : i32 to index
      %swap3A_75 = arith.constant 32 : index
      %swap3A_76 = tpu.vector_load %arg5[%swap3A_74, %swap3A_75] {strides = array<i32>} : memref<128x128xf32, #tpu.memory_space<vmem>>, vector<1x16xf32>,
      %swap3A_77 = vector.shape_cast %swap3A_76 : vector<1x16xf32> to vector<16xf32>
      %swap3A_78 = vector.shape_cast %broadcast_in_dim3A_3 : vector<16xf32> to vector<1x16xf32>
      tpu.vector_store %arg5[%swap3A_74, %swap3A_75], %swap3A_78 {strides = array<i32>} : memref<128x128xf32, #tpu.memory_space<vmem>>, vector<1x16xf32>,
      %swap3A_79 = arith.index_cast %scan3A_64 : i32 to index
      %swap3A_80 = arith.constant 48 : index
      %swap3A_81 = tpu.vector_load %arg5[%swap3A_79, %swap3A_80] {strides = array<i32>} : memref<128x128xf32, #tpu.memory_space<vmem>>, vector<1x16xf32>,
      %swap3A_82 = vector.shape_cast %swap3A_81 : vector<1x16xf32> to vector<16xf32>
      %swap3A_83 = vector.shape_cast %broadcast_in_dim3A_3 : vector<16xf32> to vector<1x16xf32>
      tpu.vector_store %arg5[%swap3A_79, %swap3A_80], %swap3A_83 {strides = array<i32>} : memref<128x128xf32, #tpu.memory_space<vmem>>, vector<1x16xf32>,
      %swap3A_84 = arith.index_cast %scan3A_64 : i32 to index
      %swap3A_85 = arith.constant 64 : index
      %swap3A_86 = tpu.vector_load %arg5[%swap3A_84, %swap3A_85] {strides = array<i32>} : memref<128x128xf32, #tpu.memory_space<vmem>>, vector<1x16xf32>,
      %swap3A_87 = vector.shape_cast %swap3A_86 : vector<1x16xf32> to vector<16xf32>
      %swap3A_88 = vector.shape_cast %broadcast_in_dim3A_3 : vector<16xf32> to vector<1x16xf32>
      tpu.vector_store %arg5[%swap3A_84, %swap3A_85], %swap3A_88 {strides = array<i32>} : memref<128x128xf32, #tpu.memory_space<vmem>>, vector<1x16xf32>,
      %swap3A_89 = arith.index_cast %scan3A_64 : i32 to index
      %swap3A_90 = arith.constant 80 : index
      %swap3A_91 = tpu.vector_load %arg5[%swap3A_89, %swap3A_90] {strides = array<i32>} : memref<128x128xf32, #tpu.memory_space<vmem>>, vector<1x16xf32>,
      %swap3A_92 = vector.shape_cast %swap3A_91 : vector<1x16xf32> to vector<16xf32>
      %swap3A_93 = vector.shape_cast %broadcast_in_dim3A_3 : vector<16xf32> to vector<1x16xf32>
      tpu.vector_store %arg5[%swap3A_89, %swap3A_90], %swap3A_93 {strides = array<i32>} : memref<128x128xf32, #tpu.memory_space<vmem>>, vector<1x16xf32>,
      %swap3A_94 = arith.index_cast %scan3A_64 : i32 to index
      %swap3A_95 = arith.constant 96 : index
      %swap3A_96 = tpu.vector_load %arg5[%swap3A_94, %swap3A_95] {strides = array<i32>} : memref<128x128xf32, #tpu.memory_space<vmem>>, vector<1x16xf32>,
      %swap3A_97 = vector.shape_cast %swap3A_96 : vector<1x16xf32> to vector<16xf32>
      %swap3A_98 = vector.shape_cast %broadcast_in_dim3A_3 : vector<16xf32> to vector<1x16xf32>
      tpu.vector_store %arg5[%swap3A_94, %swap3A_95], %swap3A_98 {strides = array<i32>} : memref<128x128xf32, #tpu.memory_space<vmem>>, vector<1x16xf32>,
      %swap3A_99 = arith.index_cast %scan3A_64 : i32 to index
      %swap3A_100 = arith.constant 112 : index
      %swap3A_101 = tpu.vector_load %arg5[%swap3A_99, %swap3A_100] {strides = array<i32>} : memref<128x128xf32, #tpu.memory_space<vmem>>, vector<1x16xf32>,
      %swap3A_102 = vector.shape_cast %swap3A_101 : vector<1x16xf32> to vector<16xf32>
      %swap3A_103 = vector.shape_cast %broadcast_in_dim3A_3 : vector<16xf32> to vector<1x16xf32>
      tpu.vector_store %arg5[%swap3A_99, %swap3A_100], %swap3A_103 {strides = array<i32>} : memref<128x128xf32, #tpu.memory_space<vmem>>, vector<1x16xf32>,
    }
    %scan3A_8 = arith.constant 128 : i32
    %mul3A_9 = arith.constant 640 : i32
    %mul3A_10 = arith.muli %arg1, %mul3A_9 : i32
    %add3A_11 = arith.constant 0 : i32
    %add3A_12 = arith.addi %mul3A_10, %add3A_11 : i32
    "tpu.region"() ({
      %run_scoped3A = tpu.sem_alloc : memref<!tpu.dma_semaphore, #tpu.memory_space<semaphore_mem>>
      %dma_start3A = arith.constant 0 : i32
      %dma_start3A_64 = tpu.memref_slice %arg6[%add3A_12, %dma_start3A] : memref<10240x128xf32, #tpu.memory_space<vmem_shared>> -> memref<128x128xf32, #tpu.memory_space<vmem_shared>>
      %dma_start3A_65 = arith.constant 0 : i32
      %dma_start3A_66 = tpu.memref_slice %arg6[%add3A_12, %dma_start3A_65] : memref<10240x128xf32, #tpu.memory_space<vmem_shared>> -> memref<128x128xf32, #tpu.memory_space<vmem_shared>>
      tpu.enqueue_dma source(%arg5 : memref<128x128xf32, #tpu.memory_space<vmem>>) target(%dma_start3A_66 : memref<128x128xf32, #tpu.memory_space<vmem_shared>>) target_semaphore(%run_scoped3A : memref<!tpu.dma_semaphore, #tpu.memory_space<semaphore_mem>>)
      %dma_wait3A = arith.constant 0 : i32
      %dma_wait3A_67 = tpu.memref_slice %arg6[%add3A_12, %dma_wait3A] : memref<10240x128xf32, #tpu.memory_space<vmem_shared>> -> memref<128x128xf32, #tpu.memory_space<vmem_shared>>
      %dma_wait3A_68 = arith.constant 0 : i32
      %dma_wait3A_69 = tpu.memref_slice %arg6[%add3A_12, %dma_wait3A_68] : memref<10240x128xf32, #tpu.memory_space<vmem_shared>> -> memref<128x128xf32, #tpu.memory_space<vmem_shared>>
      tpu.wait_dma2 semaphore(%run_scoped3A : memref<!tpu.dma_semaphore, #tpu.memory_space<semaphore_mem>>) src(%arg5 : memref<128x128xf32, #tpu.memory_space<vmem>>) dst(%dma_wait3A_69 : memref<128x128xf32, #tpu.memory_space<vmem_shared>>)
      tpu.yield
    }) : () -> ()
    %mul3A_13 = arith.constant 640 : i32
    %mul3A_14 = arith.muli %arg1, %mul3A_13 : i32
    %add3A_15 = arith.constant 128 : i32
    %add3A_16 = arith.addi %mul3A_14, %add3A_15 : i32
    "tpu.region"() ({
      %run_scoped3A = tpu.sem_alloc : memref<!tpu.dma_semaphore, #tpu.memory_space<semaphore_mem>>
      %dma_start3A = arith.constant 0 : i32
      %dma_start3A_64 = tpu.memref_slice %arg6[%add3A_16, %dma_start3A] : memref<10240x128xf32, #tpu.memory_space<vmem_shared>> -> memref<128x128xf32, #tpu.memory_space<vmem_shared>>
      %dma_start3A_65 = arith.constant 0 : i32
      %dma_start3A_66 = tpu.memref_slice %arg6[%add3A_16, %dma_start3A_65] : memref<10240x128xf32, #tpu.memory_space<vmem_shared>> -> memref<128x128xf32, #tpu.memory_space<vmem_shared>>
      tpu.enqueue_dma source(%arg5 : memref<128x128xf32, #tpu.memory_space<vmem>>) target(%dma_start3A_66 : memref<128x128xf32, #tpu.memory_space<vmem_shared>>) target_semaphore(%run_scoped3A : memref<!tpu.dma_semaphore, #tpu.memory_space<semaphore_mem>>)
      %dma_wait3A = arith.constant 0 : i32
      %dma_wait3A_67 = tpu.memref_slice %arg6[%add3A_16, %dma_wait3A] : memref<10240x128xf32, #tpu.memory_space<vmem_shared>> -> memref<128x128xf32, #tpu.memory_space<vmem_shared>>
      %dma_wait3A_68 = arith.constant 0 : i32
      %dma_wait3A_69 = tpu.memref_slice %arg6[%add3A_16, %dma_wait3A_68] : memref<10240x128xf32, #tpu.memory_space<vmem_shared>> -> memref<128x128xf32, #tpu.memory_space<vmem_shared>>
      tpu.wait_dma2 semaphore(%run_scoped3A : memref<!tpu.dma_semaphore, #tpu.memory_space<semaphore_mem>>) src(%arg5 : memref<128x128xf32, #tpu.memory_space<vmem>>) dst(%dma_wait3A_69 : memref<128x128xf32, #tpu.memory_space<vmem_shared>>)
      tpu.yield
    }) : () -> ()
    %mul3A_17 = arith.constant 640 : i32
    %mul3A_18 = arith.muli %arg1, %mul3A_17 : i32
    %add3A_19 = arith.constant 256 : i32
    %add3A_20 = arith.addi %mul3A_18, %add3A_19 : i32
    "tpu.region"() ({
      %run_scoped3A = tpu.sem_alloc : memref<!tpu.dma_semaphore, #tpu.memory_space<semaphore_mem>>
      %dma_start3A = arith.constant 0 : i32
      %dma_start3A_64 = tpu.memref_slice %arg6[%add3A_20, %dma_start3A] : memref<10240x128xf32, #tpu.memory_space<vmem_shared>> -> memref<128x128xf32, #tpu.memory_space<vmem_shared>>
      %dma_start3A_65 = arith.constant 0 : i32
      %dma_start3A_66 = tpu.memref_slice %arg6[%add3A_20, %dma_start3A_65] : memref<10240x128xf32, #tpu.memory_space<vmem_shared>> -> memref<128x128xf32, #tpu.memory_space<vmem_shared>>
      tpu.enqueue_dma source(%arg5 : memref<128x128xf32, #tpu.memory_space<vmem>>) target(%dma_start3A_66 : memref<128x128xf32, #tpu.memory_space<vmem_shared>>) target_semaphore(%run_scoped3A : memref<!tpu.dma_semaphore, #tpu.memory_space<semaphore_mem>>)
      %dma_wait3A = arith.constant 0 : i32
      %dma_wait3A_67 = tpu.memref_slice %arg6[%add3A_20, %dma_wait3A] : memref<10240x128xf32, #tpu.memory_space<vmem_shared>> -> memref<128x128xf32, #tpu.memory_space<vmem_shared>>
      %dma_wait3A_68 = arith.constant 0 : i32
      %dma_wait3A_69 = tpu.memref_slice %arg6[%add3A_20, %dma_wait3A_68] : memref<10240x128xf32, #tpu.memory_space<vmem_shared>> -> memref<128x128xf32, #tpu.memory_space<vmem_shared>>
      tpu.wait_dma2 semaphore(%run_scoped3A : memref<!tpu.dma_semaphore, #tpu.memory_space<semaphore_mem>>) src(%arg5 : memref<128x128xf32, #tpu.memory_space<vmem>>) dst(%dma_wait3A_69 : memref<128x128xf32, #tpu.memory_space<vmem_shared>>)
      tpu.yield
    }) : () -> ()
    %mul3A_21 = arith.constant 640 : i32
    %mul3A_22 = arith.muli %arg1, %mul3A_21 : i32
    %add3A_23 = arith.constant 384 : i32
    %add3A_24 = arith.addi %mul3A_22, %add3A_23 : i32
    "tpu.region"() ({
      %run_scoped3A = tpu.sem_alloc : memref<!tpu.dma_semaphore, #tpu.memory_space<semaphore_mem>>
      %dma_start3A = arith.constant 0 : i32
      %dma_start3A_64 = tpu.memref_slice %arg6[%add3A_24, %dma_start3A] : memref<10240x128xf32, #tpu.memory_space<vmem_shared>> -> memref<128x128xf32, #tpu.memory_space<vmem_shared>>
      %dma_start3A_65 = arith.constant 0 : i32
      %dma_start3A_66 = tpu.memref_slice %arg6[%add3A_24, %dma_start3A_65] : memref<10240x128xf32, #tpu.memory_space<vmem_shared>> -> memref<128x128xf32, #tpu.memory_space<vmem_shared>>
      tpu.enqueue_dma source(%arg5 : memref<128x128xf32, #tpu.memory_space<vmem>>) target(%dma_start3A_66 : memref<128x128xf32, #tpu.memory_space<vmem_shared>>) target_semaphore(%run_scoped3A : memref<!tpu.dma_semaphore, #tpu.memory_space<semaphore_mem>>)
      %dma_wait3A = arith.constant 0 : i32
      %dma_wait3A_67 = tpu.memref_slice %arg6[%add3A_24, %dma_wait3A] : memref<10240x128xf32, #tpu.memory_space<vmem_shared>> -> memref<128x128xf32, #tpu.memory_space<vmem_shared>>
      %dma_wait3A_68 = arith.constant 0 : i32
      %dma_wait3A_69 = tpu.memref_slice %arg6[%add3A_24, %dma_wait3A_68] : memref<10240x128xf32, #tpu.memory_space<vmem_shared>> -> memref<128x128xf32, #tpu.memory_space<vmem_shared>>
      tpu.wait_dma2 semaphore(%run_scoped3A : memref<!tpu.dma_semaphore, #tpu.memory_space<semaphore_mem>>) src(%arg5 : memref<128x128xf32, #tpu.memory_space<vmem>>) dst(%dma_wait3A_69 : memref<128x128xf32, #tpu.memory_space<vmem_shared>>)
      tpu.yield
    }) : () -> ()
    %mul3A_25 = arith.constant 640 : i32
    %mul3A_26 = arith.muli %arg1, %mul3A_25 : i32
    %add3A_27 = arith.constant 512 : i32
    %add3A_28 = arith.addi %mul3A_26, %add3A_27 : i32
    "tpu.region"() ({
      %run_scoped3A = tpu.sem_alloc : memref<!tpu.dma_semaphore, #tpu.memory_space<semaphore_mem>>
      %dma_start3A = arith.constant 0 : i32
      %dma_start3A_64 = tpu.memref_slice %arg6[%add3A_28, %dma_start3A] : memref<10240x128xf32, #tpu.memory_space<vmem_shared>> -> memref<128x128xf32, #tpu.memory_space<vmem_shared>>
      %dma_start3A_65 = arith.constant 0 : i32
      %dma_start3A_66 = tpu.memref_slice %arg6[%add3A_28, %dma_start3A_65] : memref<10240x128xf32, #tpu.memory_space<vmem_shared>> -> memref<128x128xf32, #tpu.memory_space<vmem_shared>>
      tpu.enqueue_dma source(%arg5 : memref<128x128xf32, #tpu.memory_space<vmem>>) target(%dma_start3A_66 : memref<128x128xf32, #tpu.memory_space<vmem_shared>>) target_semaphore(%run_scoped3A : memref<!tpu.dma_semaphore, #tpu.memory_space<semaphore_mem>>)
      %dma_wait3A = arith.constant 0 : i32
      %dma_wait3A_67 = tpu.memref_slice %arg6[%add3A_28, %dma_wait3A] : memref<10240x128xf32, #tpu.memory_space<vmem_shared>> -> memref<128x128xf32, #tpu.memory_space<vmem_shared>>
      %dma_wait3A_68 = arith.constant 0 : i32
      %dma_wait3A_69 = tpu.memref_slice %arg6[%add3A_28, %dma_wait3A_68] : memref<10240x128xf32, #tpu.memory_space<vmem_shared>> -> memref<128x128xf32, #tpu.memory_space<vmem_shared>>
      tpu.wait_dma2 semaphore(%run_scoped3A : memref<!tpu.dma_semaphore, #tpu.memory_space<semaphore_mem>>) src(%arg5 : memref<128x128xf32, #tpu.memory_space<vmem>>) dst(%dma_wait3A_69 : memref<128x128xf32, #tpu.memory_space<vmem_shared>>)
      tpu.yield
    }) : () -> ()
    %broadcast_in_dim3A_29 = arith.constant 1.000000e+00 : f32
    %broadcast_in_dim3A_30 = vector.broadcast %broadcast_in_dim3A_29 : f32 to vector<16xf32>
    %scan3A_31 = arith.constant 0 : i32
    %scan3A_32 = arith.constant 0 : i32
    %scan3A_33 = arith.constant 128 : i32
    %scan3A_34 = arith.addi %scan3A_32, %scan3A_33 : i32
    %scan3A_35 = arith.constant 1 : i32
    scf.for %scan3A_64 = %scan3A_32 to %scan3A_34 step %scan3A_35  : i32 {
      %swap3A = arith.index_cast %scan3A_64 : i32 to index
      %swap3A_65 = arith.constant 0 : index
      %swap3A_66 = tpu.vector_load %arg5[%swap3A, %swap3A_65] {strides = array<i32>} : memref<128x128xf32, #tpu.memory_space<vmem>>, vector<1x16xf32>,
      %swap3A_67 = vector.shape_cast %swap3A_66 : vector<1x16xf32> to vector<16xf32>
      %swap3A_68 = vector.shape_cast %broadcast_in_dim3A_30 : vector<16xf32> to vector<1x16xf32>
      tpu.vector_store %arg5[%swap3A, %swap3A_65], %swap3A_68 {strides = array<i32>} : memref<128x128xf32, #tpu.memory_space<vmem>>, vector<1x16xf32>,
      %swap3A_69 = arith.index_cast %scan3A_64 : i32 to index
      %swap3A_70 = arith.constant 16 : index
      %swap3A_71 = tpu.vector_load %arg5[%swap3A_69, %swap3A_70] {strides = array<i32>} : memref<128x128xf32, #tpu.memory_space<vmem>>, vector<1x16xf32>,
      %swap3A_72 = vector.shape_cast %swap3A_71 : vector<1x16xf32> to vector<16xf32>
      %swap3A_73 = vector.shape_cast %broadcast_in_dim3A_30 : vector<16xf32> to vector<1x16xf32>
      tpu.vector_store %arg5[%swap3A_69, %swap3A_70], %swap3A_73 {strides = array<i32>} : memref<128x128xf32, #tpu.memory_space<vmem>>, vector<1x16xf32>,
      %swap3A_74 = arith.index_cast %scan3A_64 : i32 to index
      %swap3A_75 = arith.constant 32 : index
      %swap3A_76 = tpu.vector_load %arg5[%swap3A_74, %swap3A_75] {strides = array<i32>} : memref<128x128xf32, #tpu.memory_space<vmem>>, vector<1x16xf32>,
      %swap3A_77 = vector.shape_cast %swap3A_76 : vector<1x16xf32> to vector<16xf32>
      %swap3A_78 = vector.shape_cast %broadcast_in_dim3A_30 : vector<16xf32> to vector<1x16xf32>
      tpu.vector_store %arg5[%swap3A_74, %swap3A_75], %swap3A_78 {strides = array<i32>} : memref<128x128xf32, #tpu.memory_space<vmem>>, vector<1x16xf32>,
      %swap3A_79 = arith.index_cast %scan3A_64 : i32 to index
      %swap3A_80 = arith.constant 48 : index
      %swap3A_81 = tpu.vector_load %arg5[%swap3A_79, %swap3A_80] {strides = array<i32>} : memref<128x128xf32, #tpu.memory_space<vmem>>, vector<1x16xf32>,
      %swap3A_82 = vector.shape_cast %swap3A_81 : vector<1x16xf32> to vector<16xf32>
      %swap3A_83 = vector.shape_cast %broadcast_in_dim3A_30 : vector<16xf32> to vector<1x16xf32>
      tpu.vector_store %arg5[%swap3A_79, %swap3A_80], %swap3A_83 {strides = array<i32>} : memref<128x128xf32, #tpu.memory_space<vmem>>, vector<1x16xf32>,
      %swap3A_84 = arith.index_cast %scan3A_64 : i32 to index
      %swap3A_85 = arith.constant 64 : index
      %swap3A_86 = tpu.vector_load %arg5[%swap3A_84, %swap3A_85] {strides = array<i32>} : memref<128x128xf32, #tpu.memory_space<vmem>>, vector<1x16xf32>,
      %swap3A_87 = vector.shape_cast %swap3A_86 : vector<1x16xf32> to vector<16xf32>
      %swap3A_88 = vector.shape_cast %broadcast_in_dim3A_30 : vector<16xf32> to vector<1x16xf32>
      tpu.vector_store %arg5[%swap3A_84, %swap3A_85], %swap3A_88 {strides = array<i32>} : memref<128x128xf32, #tpu.memory_space<vmem>>, vector<1x16xf32>,
      %swap3A_89 = arith.index_cast %scan3A_64 : i32 to index
      %swap3A_90 = arith.constant 80 : index
      %swap3A_91 = tpu.vector_load %arg5[%swap3A_89, %swap3A_90] {strides = array<i32>} : memref<128x128xf32, #tpu.memory_space<vmem>>, vector<1x16xf32>,
      %swap3A_92 = vector.shape_cast %swap3A_91 : vector<1x16xf32> to vector<16xf32>
      %swap3A_93 = vector.shape_cast %broadcast_in_dim3A_30 : vector<16xf32> to vector<1x16xf32>
      tpu.vector_store %arg5[%swap3A_89, %swap3A_90], %swap3A_93 {strides = array<i32>} : memref<128x128xf32, #tpu.memory_space<vmem>>, vector<1x16xf32>,
      %swap3A_94 = arith.index_cast %scan3A_64 : i32 to index
      %swap3A_95 = arith.constant 96 : index
      %swap3A_96 = tpu.vector_load %arg5[%swap3A_94, %swap3A_95] {strides = array<i32>} : memref<128x128xf32, #tpu.memory_space<vmem>>, vector<1x16xf32>,
      %swap3A_97 = vector.shape_cast %swap3A_96 : vector<1x16xf32> to vector<16xf32>
      %swap3A_98 = vector.shape_cast %broadcast_in_dim3A_30 : vector<16xf32> to vector<1x16xf32>
      tpu.vector_store %arg5[%swap3A_94, %swap3A_95], %swap3A_98 {strides = array<i32>} : memref<128x128xf32, #tpu.memory_space<vmem>>, vector<1x16xf32>,
      %swap3A_99 = arith.index_cast %scan3A_64 : i32 to index
      %swap3A_100 = arith.constant 112 : index
      %swap3A_101 = tpu.vector_load %arg5[%swap3A_99, %swap3A_100] {strides = array<i32>} : memref<128x128xf32, #tpu.memory_space<vmem>>, vector<1x16xf32>,
      %swap3A_102 = vector.shape_cast %swap3A_101 : vector<1x16xf32> to vector<16xf32>
      %swap3A_103 = vector.shape_cast %broadcast_in_dim3A_30 : vector<16xf32> to vector<1x16xf32>
      tpu.vector_store %arg5[%swap3A_99, %swap3A_100], %swap3A_103 {strides = array<i32>} : memref<128x128xf32, #tpu.memory_space<vmem>>, vector<1x16xf32>,
    }
    %scan3A_36 = arith.constant 128 : i32
    %barrier3A = arith.constant 0 : index
    tpu.barrier barrier_id(%barrier3A)
    %scan3A_37 = arith.constant 0 : i32
    %scan3A_38 = arith.constant 0 : i32
    %scan3A_39 = arith.constant 80 : i32
    %scan3A_40 = arith.addi %scan3A_38, %scan3A_39 : i32
    %scan3A_41 = arith.constant 1 : i32
    scf.for %scan3A_64 = %scan3A_38 to %scan3A_40 step %scan3A_41  : i32 {
      "tpu.region"() ({
        %run_scoped3A = tpu.sem_alloc : memref<!tpu.dma_semaphore, #tpu.memory_space<semaphore_mem>>
        %dma_start3A = arith.constant 0 : i32
        %dma_start3A_65 = tpu.memref_slice %arg4[%scan3A_64, %dma_start3A] : memref<80x128xi32, #tpu.memory_space<vmem>> -> memref<1x128xi32, #tpu.memory_space<vmem>>
        %dma_start3A_66 = tpu.memref_squeeze %dma_start3A_65 : memref<1x128xi32, #tpu.memory_space<vmem>> -> memref<128xi32, #tpu.memory_space<vmem>>
        %dma_start3A_67 = arith.constant 0 : i32
        %dma_start3A_68 = arith.constant 0 : i32
        %dma_start3A_69 = tpu.memref_slice %arg6[%dma_start3A_67, %dma_start3A_68] : memref<10240x128xf32, #tpu.memory_space<vmem_shared>> -> memref<10240x128xf32, #tpu.memory_space<vmem_shared>>
        tpu.enqueue_indirect_dma source(%arg5 : memref<128x128xf32, #tpu.memory_space<vmem>>) target(%dma_start3A_69 : memref<10240x128xf32, #tpu.memory_space<vmem_shared>>) offsets(%dma_start3A_66 : memref<128xi32, #tpu.memory_space<vmem>>) semaphore(%run_scoped3A : memref<!tpu.dma_semaphore, #tpu.memory_space<semaphore_mem>>) {add = true}
        %dma_wait3A = arith.constant 0 : i32
        %dma_wait3A_70 = tpu.memref_slice %arg4[%scan3A_64, %dma_wait3A] : memref<80x128xi32, #tpu.memory_space<vmem>> -> memref<1x128xi32, #tpu.memory_space<vmem>>
        %dma_wait3A_71 = tpu.memref_squeeze %dma_wait3A_70 : memref<1x128xi32, #tpu.memory_space<vmem>> -> memref<128xi32, #tpu.memory_space<vmem>>
        %dma_wait3A_72 = arith.constant 0 : i32
        %dma_wait3A_73 = arith.constant 0 : i32
        %dma_wait3A_74 = tpu.memref_slice %arg6[%dma_wait3A_72, %dma_wait3A_73] : memref<10240x128xf32, #tpu.memory_space<vmem_shared>> -> memref<10240x128xf32, #tpu.memory_space<vmem_shared>>
        tpu.wait_indirect_dma semaphore(%run_scoped3A : memref<!tpu.dma_semaphore, #tpu.memory_space<semaphore_mem>>) src(%arg5 : memref<128x128xf32, #tpu.memory_space<vmem>>) dst(%dma_wait3A_74 : memref<10240x128xf32, #tpu.memory_space<vmem_shared>>)
        tpu.yield
      }) : () -> ()
    }
    %scan3A_42 = arith.constant 80 : i32
    %barrier3A_43 = arith.constant 0 : index
    tpu.barrier barrier_id(%barrier3A_43)
    %mul3A_44 = arith.constant 640 : i32
    %mul3A_45 = arith.muli %arg1, %mul3A_44 : i32
    %add3A_46 = arith.constant 0 : i32
    %add3A_47 = arith.addi %mul3A_45, %add3A_46 : i32
    "tpu.region"() ({
      %run_scoped3A = tpu.sem_alloc : memref<!tpu.dma_semaphore, #tpu.memory_space<semaphore_mem>>
      %dma_start3A = arith.constant 0 : i32
      %dma_start3A_64 = tpu.memref_slice %arg3[%arg0, %add3A_47, %dma_start3A] : memref<2x10240x128xf32, #tpu.memory_space<hbm>> -> memref<1x128x128xf32, #tpu.memory_space<hbm>>
      %dma_start3A_65 = tpu.memref_squeeze %dma_start3A_64 : memref<1x128x128xf32, #tpu.memory_space<hbm>> -> memref<128x128xf32, #tpu.memory_space<hbm>>
      %dma_start3A_66 = arith.constant 0 : i32
      %dma_start3A_67 = tpu.memref_slice %arg6[%add3A_47, %dma_start3A_66] : memref<10240x128xf32, #tpu.memory_space<vmem_shared>> -> memref<128x128xf32, #tpu.memory_space<vmem_shared>>
      tpu.enqueue_dma source(%dma_start3A_67 : memref<128x128xf32, #tpu.memory_space<vmem_shared>>) target(%dma_start3A_65 : memref<128x128xf32, #tpu.memory_space<hbm>>) target_semaphore(%run_scoped3A : memref<!tpu.dma_semaphore, #tpu.memory_space<semaphore_mem>>)
      %dma_wait3A = arith.constant 0 : i32
      %dma_wait3A_68 = tpu.memref_slice %arg3[%arg0, %add3A_47, %dma_wait3A] : memref<2x10240x128xf32, #tpu.memory_space<hbm>> -> memref<1x128x128xf32, #tpu.memory_space<hbm>>
      %dma_wait3A_69 = tpu.memref_squeeze %dma_wait3A_68 : memref<1x128x128xf32, #tpu.memory_space<hbm>> -> memref<128x128xf32, #tpu.memory_space<hbm>>
      %dma_wait3A_70 = arith.constant 0 : i32
      %dma_wait3A_71 = tpu.memref_slice %arg6[%add3A_47, %dma_wait3A_70] : memref<10240x128xf32, #tpu.memory_space<vmem_shared>> -> memref<128x128xf32, #tpu.memory_space<vmem_shared>>
      tpu.wait_dma2 semaphore(%run_scoped3A : memref<!tpu.dma_semaphore, #tpu.memory_space<semaphore_mem>>) src(%dma_wait3A_71 : memref<128x128xf32, #tpu.memory_space<vmem_shared>>) dst(%dma_wait3A_69 : memref<128x128xf32, #tpu.memory_space<hbm>>)
      tpu.yield
    }) : () -> ()
    %mul3A_48 = arith.constant 640 : i32
    %mul3A_49 = arith.muli %arg1, %mul3A_48 : i32
    %add3A_50 = arith.constant 128 : i32
    %add3A_51 = arith.addi %mul3A_49, %add3A_50 : i32
    "tpu.region"() ({
      %run_scoped3A = tpu.sem_alloc : memref<!tpu.dma_semaphore, #tpu.memory_space<semaphore_mem>>
      %dma_start3A = arith.constant 0 : i32
      %dma_start3A_64 = tpu.memref_slice %arg3[%arg0, %add3A_51, %dma_start3A] : memref<2x10240x128xf32, #tpu.memory_space<hbm>> -> memref<1x128x128xf32, #tpu.memory_space<hbm>>
      %dma_start3A_65 = tpu.memref_squeeze %dma_start3A_64 : memref<1x128x128xf32, #tpu.memory_space<hbm>> -> memref<128x128xf32, #tpu.memory_space<hbm>>
      %dma_start3A_66 = arith.constant 0 : i32
      %dma_start3A_67 = tpu.memref_slice %arg6[%add3A_51, %dma_start3A_66] : memref<10240x128xf32, #tpu.memory_space<vmem_shared>> -> memref<128x128xf32, #tpu.memory_space<vmem_shared>>
      tpu.enqueue_dma source(%dma_start3A_67 : memref<128x128xf32, #tpu.memory_space<vmem_shared>>) target(%dma_start3A_65 : memref<128x128xf32, #tpu.memory_space<hbm>>) target_semaphore(%run_scoped3A : memref<!tpu.dma_semaphore, #tpu.memory_space<semaphore_mem>>)
      %dma_wait3A = arith.constant 0 : i32
      %dma_wait3A_68 = tpu.memref_slice %arg3[%arg0, %add3A_51, %dma_wait3A] : memref<2x10240x128xf32, #tpu.memory_space<hbm>> -> memref<1x128x128xf32, #tpu.memory_space<hbm>>
      %dma_wait3A_69 = tpu.memref_squeeze %dma_wait3A_68 : memref<1x128x128xf32, #tpu.memory_space<hbm>> -> memref<128x128xf32, #tpu.memory_space<hbm>>
      %dma_wait3A_70 = arith.constant 0 : i32
      %dma_wait3A_71 = tpu.memref_slice %arg6[%add3A_51, %dma_wait3A_70] : memref<10240x128xf32, #tpu.memory_space<vmem_shared>> -> memref<128x128xf32, #tpu.memory_space<vmem_shared>>
      tpu.wait_dma2 semaphore(%run_scoped3A : memref<!tpu.dma_semaphore, #tpu.memory_space<semaphore_mem>>) src(%dma_wait3A_71 : memref<128x128xf32, #tpu.memory_space<vmem_shared>>) dst(%dma_wait3A_69 : memref<128x128xf32, #tpu.memory_space<hbm>>)
      tpu.yield
    }) : () -> ()
    %mul3A_52 = arith.constant 640 : i32
    %mul3A_53 = arith.muli %arg1, %mul3A_52 : i32
    %add3A_54 = arith.constant 256 : i32
    %add3A_55 = arith.addi %mul3A_53, %add3A_54 : i32
    "tpu.region"() ({
      %run_scoped3A = tpu.sem_alloc : memref<!tpu.dma_semaphore, #tpu.memory_space<semaphore_mem>>
      %dma_start3A = arith.constant 0 : i32
      %dma_start3A_64 = tpu.memref_slice %arg3[%arg0, %add3A_55, %dma_start3A] : memref<2x10240x128xf32, #tpu.memory_space<hbm>> -> memref<1x128x128xf32, #tpu.memory_space<hbm>>
      %dma_start3A_65 = tpu.memref_squeeze %dma_start3A_64 : memref<1x128x128xf32, #tpu.memory_space<hbm>> -> memref<128x128xf32, #tpu.memory_space<hbm>>
      %dma_start3A_66 = arith.constant 0 : i32
      %dma_start3A_67 = tpu.memref_slice %arg6[%add3A_55, %dma_start3A_66] : memref<10240x128xf32, #tpu.memory_space<vmem_shared>> -> memref<128x128xf32, #tpu.memory_space<vmem_shared>>
      tpu.enqueue_dma source(%dma_start3A_67 : memref<128x128xf32, #tpu.memory_space<vmem_shared>>) target(%dma_start3A_65 : memref<128x128xf32, #tpu.memory_space<hbm>>) target_semaphore(%run_scoped3A : memref<!tpu.dma_semaphore, #tpu.memory_space<semaphore_mem>>)
      %dma_wait3A = arith.constant 0 : i32
      %dma_wait3A_68 = tpu.memref_slice %arg3[%arg0, %add3A_55, %dma_wait3A] : memref<2x10240x128xf32, #tpu.memory_space<hbm>> -> memref<1x128x128xf32, #tpu.memory_space<hbm>>
      %dma_wait3A_69 = tpu.memref_squeeze %dma_wait3A_68 : memref<1x128x128xf32, #tpu.memory_space<hbm>> -> memref<128x128xf32, #tpu.memory_space<hbm>>
      %dma_wait3A_70 = arith.constant 0 : i32
      %dma_wait3A_71 = tpu.memref_slice %arg6[%add3A_55, %dma_wait3A_70] : memref<10240x128xf32, #tpu.memory_space<vmem_shared>> -> memref<128x128xf32, #tpu.memory_space<vmem_shared>>
      tpu.wait_dma2 semaphore(%run_scoped3A : memref<!tpu.dma_semaphore, #tpu.memory_space<semaphore_mem>>) src(%dma_wait3A_71 : memref<128x128xf32, #tpu.memory_space<vmem_shared>>) dst(%dma_wait3A_69 : memref<128x128xf32, #tpu.memory_space<hbm>>)
      tpu.yield
    }) : () -> ()
    %mul3A_56 = arith.constant 640 : i32
    %mul3A_57 = arith.muli %arg1, %mul3A_56 : i32
    %add3A_58 = arith.constant 384 : i32
    %add3A_59 = arith.addi %mul3A_57, %add3A_58 : i32
    "tpu.region"() ({
      %run_scoped3A = tpu.sem_alloc : memref<!tpu.dma_semaphore, #tpu.memory_space<semaphore_mem>>
      %dma_start3A = arith.constant 0 : i32
      %dma_start3A_64 = tpu.memref_slice %arg3[%arg0, %add3A_59, %dma_start3A] : memref<2x10240x128xf32, #tpu.memory_space<hbm>> -> memref<1x128x128xf32, #tpu.memory_space<hbm>>
      %dma_start3A_65 = tpu.memref_squeeze %dma_start3A_64 : memref<1x128x128xf32, #tpu.memory_space<hbm>> -> memref<128x128xf32, #tpu.memory_space<hbm>>
      %dma_start3A_66 = arith.constant 0 : i32
      %dma_start3A_67 = tpu.memref_slice %arg6[%add3A_59, %dma_start3A_66] : memref<10240x128xf32, #tpu.memory_space<vmem_shared>> -> memref<128x128xf32, #tpu.memory_space<vmem_shared>>
      tpu.enqueue_dma source(%dma_start3A_67 : memref<128x128xf32, #tpu.memory_space<vmem_shared>>) target(%dma_start3A_65 : memref<128x128xf32, #tpu.memory_space<hbm>>) target_semaphore(%run_scoped3A : memref<!tpu.dma_semaphore, #tpu.memory_space<semaphore_mem>>)
      %dma_wait3A = arith.constant 0 : i32
      %dma_wait3A_68 = tpu.memref_slice %arg3[%arg0, %add3A_59, %dma_wait3A] : memref<2x10240x128xf32, #tpu.memory_space<hbm>> -> memref<1x128x128xf32, #tpu.memory_space<hbm>>
      %dma_wait3A_69 = tpu.memref_squeeze %dma_wait3A_68 : memref<1x128x128xf32, #tpu.memory_space<hbm>> -> memref<128x128xf32, #tpu.memory_space<hbm>>
      %dma_wait3A_70 = arith.constant 0 : i32
      %dma_wait3A_71 = tpu.memref_slice %arg6[%add3A_59, %dma_wait3A_70] : memref<10240x128xf32, #tpu.memory_space<vmem_shared>> -> memref<128x128xf32, #tpu.memory_space<vmem_shared>>
      tpu.wait_dma2 semaphore(%run_scoped3A : memref<!tpu.dma_semaphore, #tpu.memory_space<semaphore_mem>>) src(%dma_wait3A_71 : memref<128x128xf32, #tpu.memory_space<vmem_shared>>) dst(%dma_wait3A_69 : memref<128x128xf32, #tpu.memory_space<hbm>>)
      tpu.yield
    }) : () -> ()
    %mul3A_60 = arith.constant 640 : i32
    %mul3A_61 = arith.muli %arg1, %mul3A_60 : i32
    %add3A_62 = arith.constant 512 : i32
    %add3A_63 = arith.addi %mul3A_61, %add3A_62 : i32
    "tpu.region"() ({
      %run_scoped3A = tpu.sem_alloc : memref<!tpu.dma_semaphore, #tpu.memory_space<semaphore_mem>>
      %dma_start3A = arith.constant 0 : i32
      %dma_start3A_64 = tpu.memref_slice %arg3[%arg0, %add3A_63, %dma_start3A] : memref<2x10240x128xf32, #tpu.memory_space<hbm>> -> memref<1x128x128xf32, #tpu.memory_space<hbm>>
      %dma_start3A_65 = tpu.memref_squeeze %dma_start3A_64 : memref<1x128x128xf32, #tpu.memory_space<hbm>> -> memref<128x128xf32, #tpu.memory_space<hbm>>
      %dma_start3A_66 = arith.constant 0 : i32
      %dma_start3A_67 = tpu.memref_slice %arg6[%add3A_63, %dma_start3A_66] : memref<10240x128xf32, #tpu.memory_space<vmem_shared>> -> memref<128x128xf32, #tpu.memory_space<vmem_shared>>
      tpu.enqueue_dma source(%dma_start3A_67 : memref<128x128xf32, #tpu.memory_space<vmem_shared>>) target(%dma_start3A_65 : memref<128x128xf32, #tpu.memory_space<hbm>>) target_semaphore(%run_scoped3A : memref<!tpu.dma_semaphore, #tpu.memory_space<semaphore_mem>>)
      %dma_wait3A = arith.constant 0 : i32
      %dma_wait3A_68 = tpu.memref_slice %arg3[%arg0, %add3A_63, %dma_wait3A] : memref<2x10240x128xf32, #tpu.memory_space<hbm>> -> memref<1x128x128xf32, #tpu.memory_space<hbm>>
      %dma_wait3A_69 = tpu.memref_squeeze %dma_wait3A_68 : memref<1x128x128xf32, #tpu.memory_space<hbm>> -> memref<128x128xf32, #tpu.memory_space<hbm>>
      %dma_wait3A_70 = arith.constant 0 : i32
      %dma_wait3A_71 = tpu.memref_slice %arg6[%add3A_63, %dma_wait3A_70] : memref<10240x128xf32, #tpu.memory_space<vmem_shared>> -> memref<128x128xf32, #tpu.memory_space<vmem_shared>>
      tpu.wait_dma2 semaphore(%run_scoped3A : memref<!tpu.dma_semaphore, #tpu.memory_space<semaphore_mem>>) src(%dma_wait3A_71 : memref<128x128xf32, #tpu.memory_space<vmem_shared>>) dst(%dma_wait3A_69 : memref<128x128xf32, #tpu.memory_space<hbm>>)
      tpu.yield
    }) : () -> ()
    return
  }
}

#map = affine_map<(d0, d1) -> (0, 0)>
#map1 = affine_map<(d0, d1) -> (0, 0, 0)>
module attributes {stable_mosaic.version = 14 : i64} {
  func.func @body(%arg0: i32, %arg1: i32, %arg2: memref<10240x128xbf16, #tpu.memory_space<hbm>>, %arg3: memref<5120x64xi32, #tpu.memory_space<hbm>>, %arg4: memref<5120x64xi32, #tpu.memory_space<hbm>>, %arg5: memref<2x10240x128xbf16, #tpu.memory_space<hbm>>, %arg6: memref<80x64xi32, #tpu.memory_space<vmem>>, %arg7: memref<80x64xi32, #tpu.memory_space<vmem>>, %arg8: memref<64x128xbf16, #tpu.memory_space<vmem>>, %arg9: memref<64x128xbf16, #tpu.memory_space<vmem>>, %arg10: memref<64x128xbf16, #tpu.memory_space<vmem>>, %arg11: memref<64x128xbf16, #tpu.memory_space<vmem>>, %arg12: memref<10240x128xbf16, #tpu.memory_space<vmem_shared>>, %arg13: memref<10240x128xbf16, #tpu.memory_space<vmem_shared>>, %arg14: memref<!tpu.dma_semaphore, #tpu.memory_space<semaphore_mem>>, %arg15: memref<!tpu.dma_semaphore, #tpu.memory_space<semaphore_mem>>, %arg16: memref<!tpu.dma_semaphore, #tpu.memory_space<semaphore_mem>>, %arg17: memref<!tpu.dma_semaphore, #tpu.memory_space<semaphore_mem>>) attributes {dimension_semantics = [#tpu.dimension_semantics<core_parallel>, #tpu.dimension_semantics<subcore_parallel>], iteration_bounds = array<i64: 2, 16>, scalar_prefetch = 0 : i64, scratch_operands = 12 : i64, tpu.core_type = #tpu.core_type<sc_vector_subcore>, window_params = [{transform_indices = #map}, {transform_indices = #map}, {transform_indices = #map}, {transform_indices = #map1}]} {
    %mul3A = arith.constant 16 : i32
    %mul3A_0 = arith.muli %arg0, %mul3A : i32
    %add3A = arith.addi %mul3A_0, %arg1 : i32
    %mul3A_1 = arith.constant 640 : i32
    %mul3A_2 = arith.muli %arg1, %mul3A_1 : i32
    %add3A_3 = arith.constant 0 : i32
    %add3A_4 = arith.addi %mul3A_2, %add3A_3 : i32
    "tpu.region"() ({
      %run_scoped3A = tpu.sem_alloc : memref<!tpu.dma_semaphore, #tpu.memory_space<semaphore_mem>>
      %dma_start3A_163 = arith.constant 0 : i32
      %dma_start3A_164 = tpu.memref_slice %arg13[%add3A_4, %dma_start3A_163] : memref<10240x128xbf16, #tpu.memory_space<vmem_shared>> -> memref<128x128xbf16, #tpu.memory_space<vmem_shared>>
      %dma_start3A_165 = arith.constant 0 : i32
      %dma_start3A_166 = tpu.memref_slice %arg2[%add3A_4, %dma_start3A_165] : memref<10240x128xbf16, #tpu.memory_space<hbm>> -> memref<128x128xbf16, #tpu.memory_space<hbm>>
      tpu.enqueue_dma source(%dma_start3A_166 : memref<128x128xbf16, #tpu.memory_space<hbm>>) target(%dma_start3A_164 : memref<128x128xbf16, #tpu.memory_space<vmem_shared>>) target_semaphore(%run_scoped3A : memref<!tpu.dma_semaphore, #tpu.memory_space<semaphore_mem>>)
      %dma_wait3A = arith.constant 0 : i32
      %dma_wait3A_167 = tpu.memref_slice %arg13[%add3A_4, %dma_wait3A] : memref<10240x128xbf16, #tpu.memory_space<vmem_shared>> -> memref<128x128xbf16, #tpu.memory_space<vmem_shared>>
      %dma_wait3A_168 = arith.constant 0 : i32
      %dma_wait3A_169 = tpu.memref_slice %arg2[%add3A_4, %dma_wait3A_168] : memref<10240x128xbf16, #tpu.memory_space<hbm>> -> memref<128x128xbf16, #tpu.memory_space<hbm>>
      tpu.wait_dma2 semaphore(%run_scoped3A : memref<!tpu.dma_semaphore, #tpu.memory_space<semaphore_mem>>) src(%dma_wait3A_169 : memref<128x128xbf16, #tpu.memory_space<hbm>>) dst(%dma_wait3A_167 : memref<128x128xbf16, #tpu.memory_space<vmem_shared>>)
      tpu.yield
    }) : () -> ()
    %mul3A_5 = arith.constant 640 : i32
    %mul3A_6 = arith.muli %arg1, %mul3A_5 : i32
    %add3A_7 = arith.constant 128 : i32
    %add3A_8 = arith.addi %mul3A_6, %add3A_7 : i32
    "tpu.region"() ({
      %run_scoped3A = tpu.sem_alloc : memref<!tpu.dma_semaphore, #tpu.memory_space<semaphore_mem>>
      %dma_start3A_163 = arith.constant 0 : i32
      %dma_start3A_164 = tpu.memref_slice %arg13[%add3A_8, %dma_start3A_163] : memref<10240x128xbf16, #tpu.memory_space<vmem_shared>> -> memref<128x128xbf16, #tpu.memory_space<vmem_shared>>
      %dma_start3A_165 = arith.constant 0 : i32
      %dma_start3A_166 = tpu.memref_slice %arg2[%add3A_8, %dma_start3A_165] : memref<10240x128xbf16, #tpu.memory_space<hbm>> -> memref<128x128xbf16, #tpu.memory_space<hbm>>
      tpu.enqueue_dma source(%dma_start3A_166 : memref<128x128xbf16, #tpu.memory_space<hbm>>) target(%dma_start3A_164 : memref<128x128xbf16, #tpu.memory_space<vmem_shared>>) target_semaphore(%run_scoped3A : memref<!tpu.dma_semaphore, #tpu.memory_space<semaphore_mem>>)
      %dma_wait3A = arith.constant 0 : i32
      %dma_wait3A_167 = tpu.memref_slice %arg13[%add3A_8, %dma_wait3A] : memref<10240x128xbf16, #tpu.memory_space<vmem_shared>> -> memref<128x128xbf16, #tpu.memory_space<vmem_shared>>
      %dma_wait3A_168 = arith.constant 0 : i32
      %dma_wait3A_169 = tpu.memref_slice %arg2[%add3A_8, %dma_wait3A_168] : memref<10240x128xbf16, #tpu.memory_space<hbm>> -> memref<128x128xbf16, #tpu.memory_space<hbm>>
      tpu.wait_dma2 semaphore(%run_scoped3A : memref<!tpu.dma_semaphore, #tpu.memory_space<semaphore_mem>>) src(%dma_wait3A_169 : memref<128x128xbf16, #tpu.memory_space<hbm>>) dst(%dma_wait3A_167 : memref<128x128xbf16, #tpu.memory_space<vmem_shared>>)
      tpu.yield
    }) : () -> ()
    %mul3A_9 = arith.constant 640 : i32
    %mul3A_10 = arith.muli %arg1, %mul3A_9 : i32
    %add3A_11 = arith.constant 256 : i32
    %add3A_12 = arith.addi %mul3A_10, %add3A_11 : i32
    "tpu.region"() ({
      %run_scoped3A = tpu.sem_alloc : memref<!tpu.dma_semaphore, #tpu.memory_space<semaphore_mem>>
      %dma_start3A_163 = arith.constant 0 : i32
      %dma_start3A_164 = tpu.memref_slice %arg13[%add3A_12, %dma_start3A_163] : memref<10240x128xbf16, #tpu.memory_space<vmem_shared>> -> memref<128x128xbf16, #tpu.memory_space<vmem_shared>>
      %dma_start3A_165 = arith.constant 0 : i32
      %dma_start3A_166 = tpu.memref_slice %arg2[%add3A_12, %dma_start3A_165] : memref<10240x128xbf16, #tpu.memory_space<hbm>> -> memref<128x128xbf16, #tpu.memory_space<hbm>>
      tpu.enqueue_dma source(%dma_start3A_166 : memref<128x128xbf16, #tpu.memory_space<hbm>>) target(%dma_start3A_164 : memref<128x128xbf16, #tpu.memory_space<vmem_shared>>) target_semaphore(%run_scoped3A : memref<!tpu.dma_semaphore, #tpu.memory_space<semaphore_mem>>)
      %dma_wait3A = arith.constant 0 : i32
      %dma_wait3A_167 = tpu.memref_slice %arg13[%add3A_12, %dma_wait3A] : memref<10240x128xbf16, #tpu.memory_space<vmem_shared>> -> memref<128x128xbf16, #tpu.memory_space<vmem_shared>>
      %dma_wait3A_168 = arith.constant 0 : i32
      %dma_wait3A_169 = tpu.memref_slice %arg2[%add3A_12, %dma_wait3A_168] : memref<10240x128xbf16, #tpu.memory_space<hbm>> -> memref<128x128xbf16, #tpu.memory_space<hbm>>
      tpu.wait_dma2 semaphore(%run_scoped3A : memref<!tpu.dma_semaphore, #tpu.memory_space<semaphore_mem>>) src(%dma_wait3A_169 : memref<128x128xbf16, #tpu.memory_space<hbm>>) dst(%dma_wait3A_167 : memref<128x128xbf16, #tpu.memory_space<vmem_shared>>)
      tpu.yield
    }) : () -> ()
    %mul3A_13 = arith.constant 640 : i32
    %mul3A_14 = arith.muli %arg1, %mul3A_13 : i32
    %add3A_15 = arith.constant 384 : i32
    %add3A_16 = arith.addi %mul3A_14, %add3A_15 : i32
    "tpu.region"() ({
      %run_scoped3A = tpu.sem_alloc : memref<!tpu.dma_semaphore, #tpu.memory_space<semaphore_mem>>
      %dma_start3A_163 = arith.constant 0 : i32
      %dma_start3A_164 = tpu.memref_slice %arg13[%add3A_16, %dma_start3A_163] : memref<10240x128xbf16, #tpu.memory_space<vmem_shared>> -> memref<128x128xbf16, #tpu.memory_space<vmem_shared>>
      %dma_start3A_165 = arith.constant 0 : i32
      %dma_start3A_166 = tpu.memref_slice %arg2[%add3A_16, %dma_start3A_165] : memref<10240x128xbf16, #tpu.memory_space<hbm>> -> memref<128x128xbf16, #tpu.memory_space<hbm>>
      tpu.enqueue_dma source(%dma_start3A_166 : memref<128x128xbf16, #tpu.memory_space<hbm>>) target(%dma_start3A_164 : memref<128x128xbf16, #tpu.memory_space<vmem_shared>>) target_semaphore(%run_scoped3A : memref<!tpu.dma_semaphore, #tpu.memory_space<semaphore_mem>>)
      %dma_wait3A = arith.constant 0 : i32
      %dma_wait3A_167 = tpu.memref_slice %arg13[%add3A_16, %dma_wait3A] : memref<10240x128xbf16, #tpu.memory_space<vmem_shared>> -> memref<128x128xbf16, #tpu.memory_space<vmem_shared>>
      %dma_wait3A_168 = arith.constant 0 : i32
      %dma_wait3A_169 = tpu.memref_slice %arg2[%add3A_16, %dma_wait3A_168] : memref<10240x128xbf16, #tpu.memory_space<hbm>> -> memref<128x128xbf16, #tpu.memory_space<hbm>>
      tpu.wait_dma2 semaphore(%run_scoped3A : memref<!tpu.dma_semaphore, #tpu.memory_space<semaphore_mem>>) src(%dma_wait3A_169 : memref<128x128xbf16, #tpu.memory_space<hbm>>) dst(%dma_wait3A_167 : memref<128x128xbf16, #tpu.memory_space<vmem_shared>>)
      tpu.yield
    }) : () -> ()
    %mul3A_17 = arith.constant 640 : i32
    %mul3A_18 = arith.muli %arg1, %mul3A_17 : i32
    %add3A_19 = arith.constant 512 : i32
    %add3A_20 = arith.addi %mul3A_18, %add3A_19 : i32
    "tpu.region"() ({
      %run_scoped3A = tpu.sem_alloc : memref<!tpu.dma_semaphore, #tpu.memory_space<semaphore_mem>>
      %dma_start3A_163 = arith.constant 0 : i32
      %dma_start3A_164 = tpu.memref_slice %arg13[%add3A_20, %dma_start3A_163] : memref<10240x128xbf16, #tpu.memory_space<vmem_shared>> -> memref<128x128xbf16, #tpu.memory_space<vmem_shared>>
      %dma_start3A_165 = arith.constant 0 : i32
      %dma_start3A_166 = tpu.memref_slice %arg2[%add3A_20, %dma_start3A_165] : memref<10240x128xbf16, #tpu.memory_space<hbm>> -> memref<128x128xbf16, #tpu.memory_space<hbm>>
      tpu.enqueue_dma source(%dma_start3A_166 : memref<128x128xbf16, #tpu.memory_space<hbm>>) target(%dma_start3A_164 : memref<128x128xbf16, #tpu.memory_space<vmem_shared>>) target_semaphore(%run_scoped3A : memref<!tpu.dma_semaphore, #tpu.memory_space<semaphore_mem>>)
      %dma_wait3A = arith.constant 0 : i32
      %dma_wait3A_167 = tpu.memref_slice %arg13[%add3A_20, %dma_wait3A] : memref<10240x128xbf16, #tpu.memory_space<vmem_shared>> -> memref<128x128xbf16, #tpu.memory_space<vmem_shared>>
      %dma_wait3A_168 = arith.constant 0 : i32
      %dma_wait3A_169 = tpu.memref_slice %arg2[%add3A_20, %dma_wait3A_168] : memref<10240x128xbf16, #tpu.memory_space<hbm>> -> memref<128x128xbf16, #tpu.memory_space<hbm>>
      tpu.wait_dma2 semaphore(%run_scoped3A : memref<!tpu.dma_semaphore, #tpu.memory_space<semaphore_mem>>) src(%dma_wait3A_169 : memref<128x128xbf16, #tpu.memory_space<hbm>>) dst(%dma_wait3A_167 : memref<128x128xbf16, #tpu.memory_space<vmem_shared>>)
      tpu.yield
    }) : () -> ()
    %broadcast_in_dim3A = arith.constant 0.000000e+00 : bf16
    %broadcast_in_dim3A_21 = vector.broadcast %broadcast_in_dim3A : bf16 to vector<32xbf16>
    %scan3A = arith.constant 0 : i32
    %scan3A_22 = arith.constant 0 : i32
    %scan3A_23 = arith.constant 64 : i32
    %scan3A_24 = arith.addi %scan3A_22, %scan3A_23 : i32
    %scan3A_25 = arith.constant 1 : i32
    scf.for %scan3A_163 = %scan3A_22 to %scan3A_24 step %scan3A_25  : i32 {
      %swap3A = arith.index_cast %scan3A_163 : i32 to index
      %swap3A_164 = arith.constant 0 : index
      %swap3A_165 = tpu.vector_load %arg8[%swap3A, %swap3A_164] {strides = array<i32>} : memref<64x128xbf16, #tpu.memory_space<vmem>>, vector<1x32xbf16>,
      %swap3A_166 = vector.shape_cast %swap3A_165 : vector<1x32xbf16> to vector<32xbf16>
      %swap3A_167 = vector.shape_cast %broadcast_in_dim3A_21 : vector<32xbf16> to vector<1x32xbf16>
      tpu.vector_store %arg8[%swap3A, %swap3A_164], %swap3A_167 {strides = array<i32>} : memref<64x128xbf16, #tpu.memory_space<vmem>>, vector<1x32xbf16>,
      %swap3A_168 = arith.index_cast %scan3A_163 : i32 to index
      %swap3A_169 = arith.constant 32 : index
      %swap3A_170 = tpu.vector_load %arg8[%swap3A_168, %swap3A_169] {strides = array<i32>} : memref<64x128xbf16, #tpu.memory_space<vmem>>, vector<1x32xbf16>,
      %swap3A_171 = vector.shape_cast %swap3A_170 : vector<1x32xbf16> to vector<32xbf16>
      %swap3A_172 = vector.shape_cast %broadcast_in_dim3A_21 : vector<32xbf16> to vector<1x32xbf16>
      tpu.vector_store %arg8[%swap3A_168, %swap3A_169], %swap3A_172 {strides = array<i32>} : memref<64x128xbf16, #tpu.memory_space<vmem>>, vector<1x32xbf16>,
      %swap3A_173 = arith.index_cast %scan3A_163 : i32 to index
      %swap3A_174 = arith.constant 64 : index
      %swap3A_175 = tpu.vector_load %arg8[%swap3A_173, %swap3A_174] {strides = array<i32>} : memref<64x128xbf16, #tpu.memory_space<vmem>>, vector<1x32xbf16>,
      %swap3A_176 = vector.shape_cast %swap3A_175 : vector<1x32xbf16> to vector<32xbf16>
      %swap3A_177 = vector.shape_cast %broadcast_in_dim3A_21 : vector<32xbf16> to vector<1x32xbf16>
      tpu.vector_store %arg8[%swap3A_173, %swap3A_174], %swap3A_177 {strides = array<i32>} : memref<64x128xbf16, #tpu.memory_space<vmem>>, vector<1x32xbf16>,
      %swap3A_178 = arith.index_cast %scan3A_163 : i32 to index
      %swap3A_179 = arith.constant 96 : index
      %swap3A_180 = tpu.vector_load %arg8[%swap3A_178, %swap3A_179] {strides = array<i32>} : memref<64x128xbf16, #tpu.memory_space<vmem>>, vector<1x32xbf16>,
      %swap3A_181 = vector.shape_cast %swap3A_180 : vector<1x32xbf16> to vector<32xbf16>
      %swap3A_182 = vector.shape_cast %broadcast_in_dim3A_21 : vector<32xbf16> to vector<1x32xbf16>
      tpu.vector_store %arg8[%swap3A_178, %swap3A_179], %swap3A_182 {strides = array<i32>} : memref<64x128xbf16, #tpu.memory_space<vmem>>, vector<1x32xbf16>,
    }
    %scan3A_26 = arith.constant 64 : i32
    %mul3A_27 = arith.constant 640 : i32
    %mul3A_28 = arith.muli %arg1, %mul3A_27 : i32
    %add3A_29 = arith.constant 0 : i32
    %add3A_30 = arith.addi %mul3A_28, %add3A_29 : i32
    "tpu.region"() ({
      %run_scoped3A = tpu.sem_alloc : memref<!tpu.dma_semaphore, #tpu.memory_space<semaphore_mem>>
      %dma_start3A_163 = arith.constant 0 : i32
      %dma_start3A_164 = tpu.memref_slice %arg12[%add3A_30, %dma_start3A_163] : memref<10240x128xbf16, #tpu.memory_space<vmem_shared>> -> memref<64x128xbf16, #tpu.memory_space<vmem_shared>>
      %dma_start3A_165 = arith.constant 0 : i32
      %dma_start3A_166 = tpu.memref_slice %arg12[%add3A_30, %dma_start3A_165] : memref<10240x128xbf16, #tpu.memory_space<vmem_shared>> -> memref<64x128xbf16, #tpu.memory_space<vmem_shared>>
      tpu.enqueue_dma source(%arg8 : memref<64x128xbf16, #tpu.memory_space<vmem>>) target(%dma_start3A_166 : memref<64x128xbf16, #tpu.memory_space<vmem_shared>>) target_semaphore(%run_scoped3A : memref<!tpu.dma_semaphore, #tpu.memory_space<semaphore_mem>>)
      %dma_wait3A = arith.constant 0 : i32
      %dma_wait3A_167 = tpu.memref_slice %arg12[%add3A_30, %dma_wait3A] : memref<10240x128xbf16, #tpu.memory_space<vmem_shared>> -> memref<64x128xbf16, #tpu.memory_space<vmem_shared>>
      %dma_wait3A_168 = arith.constant 0 : i32
      %dma_wait3A_169 = tpu.memref_slice %arg12[%add3A_30, %dma_wait3A_168] : memref<10240x128xbf16, #tpu.memory_space<vmem_shared>> -> memref<64x128xbf16, #tpu.memory_space<vmem_shared>>
      tpu.wait_dma2 semaphore(%run_scoped3A : memref<!tpu.dma_semaphore, #tpu.memory_space<semaphore_mem>>) src(%arg8 : memref<64x128xbf16, #tpu.memory_space<vmem>>) dst(%dma_wait3A_169 : memref<64x128xbf16, #tpu.memory_space<vmem_shared>>)
      tpu.yield
    }) : () -> ()
    %mul3A_31 = arith.constant 640 : i32
    %mul3A_32 = arith.muli %arg1, %mul3A_31 : i32
    %add3A_33 = arith.constant 64 : i32
    %add3A_34 = arith.addi %mul3A_32, %add3A_33 : i32
    "tpu.region"() ({
      %run_scoped3A = tpu.sem_alloc : memref<!tpu.dma_semaphore, #tpu.memory_space<semaphore_mem>>
      %dma_start3A_163 = arith.constant 0 : i32
      %dma_start3A_164 = tpu.memref_slice %arg12[%add3A_34, %dma_start3A_163] : memref<10240x128xbf16, #tpu.memory_space<vmem_shared>> -> memref<64x128xbf16, #tpu.memory_space<vmem_shared>>
      %dma_start3A_165 = arith.constant 0 : i32
      %dma_start3A_166 = tpu.memref_slice %arg12[%add3A_34, %dma_start3A_165] : memref<10240x128xbf16, #tpu.memory_space<vmem_shared>> -> memref<64x128xbf16, #tpu.memory_space<vmem_shared>>
      tpu.enqueue_dma source(%arg8 : memref<64x128xbf16, #tpu.memory_space<vmem>>) target(%dma_start3A_166 : memref<64x128xbf16, #tpu.memory_space<vmem_shared>>) target_semaphore(%run_scoped3A : memref<!tpu.dma_semaphore, #tpu.memory_space<semaphore_mem>>)
      %dma_wait3A = arith.constant 0 : i32
      %dma_wait3A_167 = tpu.memref_slice %arg12[%add3A_34, %dma_wait3A] : memref<10240x128xbf16, #tpu.memory_space<vmem_shared>> -> memref<64x128xbf16, #tpu.memory_space<vmem_shared>>
      %dma_wait3A_168 = arith.constant 0 : i32
      %dma_wait3A_169 = tpu.memref_slice %arg12[%add3A_34, %dma_wait3A_168] : memref<10240x128xbf16, #tpu.memory_space<vmem_shared>> -> memref<64x128xbf16, #tpu.memory_space<vmem_shared>>
      tpu.wait_dma2 semaphore(%run_scoped3A : memref<!tpu.dma_semaphore, #tpu.memory_space<semaphore_mem>>) src(%arg8 : memref<64x128xbf16, #tpu.memory_space<vmem>>) dst(%dma_wait3A_169 : memref<64x128xbf16, #tpu.memory_space<vmem_shared>>)
      tpu.yield
    }) : () -> ()
    %mul3A_35 = arith.constant 640 : i32
    %mul3A_36 = arith.muli %arg1, %mul3A_35 : i32
    %add3A_37 = arith.constant 128 : i32
    %add3A_38 = arith.addi %mul3A_36, %add3A_37 : i32
    "tpu.region"() ({
      %run_scoped3A = tpu.sem_alloc : memref<!tpu.dma_semaphore, #tpu.memory_space<semaphore_mem>>
      %dma_start3A_163 = arith.constant 0 : i32
      %dma_start3A_164 = tpu.memref_slice %arg12[%add3A_38, %dma_start3A_163] : memref<10240x128xbf16, #tpu.memory_space<vmem_shared>> -> memref<64x128xbf16, #tpu.memory_space<vmem_shared>>
      %dma_start3A_165 = arith.constant 0 : i32
      %dma_start3A_166 = tpu.memref_slice %arg12[%add3A_38, %dma_start3A_165] : memref<10240x128xbf16, #tpu.memory_space<vmem_shared>> -> memref<64x128xbf16, #tpu.memory_space<vmem_shared>>
      tpu.enqueue_dma source(%arg8 : memref<64x128xbf16, #tpu.memory_space<vmem>>) target(%dma_start3A_166 : memref<64x128xbf16, #tpu.memory_space<vmem_shared>>) target_semaphore(%run_scoped3A : memref<!tpu.dma_semaphore, #tpu.memory_space<semaphore_mem>>)
      %dma_wait3A = arith.constant 0 : i32
      %dma_wait3A_167 = tpu.memref_slice %arg12[%add3A_38, %dma_wait3A] : memref<10240x128xbf16, #tpu.memory_space<vmem_shared>> -> memref<64x128xbf16, #tpu.memory_space<vmem_shared>>
      %dma_wait3A_168 = arith.constant 0 : i32
      %dma_wait3A_169 = tpu.memref_slice %arg12[%add3A_38, %dma_wait3A_168] : memref<10240x128xbf16, #tpu.memory_space<vmem_shared>> -> memref<64x128xbf16, #tpu.memory_space<vmem_shared>>
      tpu.wait_dma2 semaphore(%run_scoped3A : memref<!tpu.dma_semaphore, #tpu.memory_space<semaphore_mem>>) src(%arg8 : memref<64x128xbf16, #tpu.memory_space<vmem>>) dst(%dma_wait3A_169 : memref<64x128xbf16, #tpu.memory_space<vmem_shared>>)
      tpu.yield
    }) : () -> ()
    %mul3A_39 = arith.constant 640 : i32
    %mul3A_40 = arith.muli %arg1, %mul3A_39 : i32
    %add3A_41 = arith.constant 192 : i32
    %add3A_42 = arith.addi %mul3A_40, %add3A_41 : i32
    "tpu.region"() ({
      %run_scoped3A = tpu.sem_alloc : memref<!tpu.dma_semaphore, #tpu.memory_space<semaphore_mem>>
      %dma_start3A_163 = arith.constant 0 : i32
      %dma_start3A_164 = tpu.memref_slice %arg12[%add3A_42, %dma_start3A_163] : memref<10240x128xbf16, #tpu.memory_space<vmem_shared>> -> memref<64x128xbf16, #tpu.memory_space<vmem_shared>>
      %dma_start3A_165 = arith.constant 0 : i32
      %dma_start3A_166 = tpu.memref_slice %arg12[%add3A_42, %dma_start3A_165] : memref<10240x128xbf16, #tpu.memory_space<vmem_shared>> -> memref<64x128xbf16, #tpu.memory_space<vmem_shared>>
      tpu.enqueue_dma source(%arg8 : memref<64x128xbf16, #tpu.memory_space<vmem>>) target(%dma_start3A_166 : memref<64x128xbf16, #tpu.memory_space<vmem_shared>>) target_semaphore(%run_scoped3A : memref<!tpu.dma_semaphore, #tpu.memory_space<semaphore_mem>>)
      %dma_wait3A = arith.constant 0 : i32
      %dma_wait3A_167 = tpu.memref_slice %arg12[%add3A_42, %dma_wait3A] : memref<10240x128xbf16, #tpu.memory_space<vmem_shared>> -> memref<64x128xbf16, #tpu.memory_space<vmem_shared>>
      %dma_wait3A_168 = arith.constant 0 : i32
      %dma_wait3A_169 = tpu.memref_slice %arg12[%add3A_42, %dma_wait3A_168] : memref<10240x128xbf16, #tpu.memory_space<vmem_shared>> -> memref<64x128xbf16, #tpu.memory_space<vmem_shared>>
      tpu.wait_dma2 semaphore(%run_scoped3A : memref<!tpu.dma_semaphore, #tpu.memory_space<semaphore_mem>>) src(%arg8 : memref<64x128xbf16, #tpu.memory_space<vmem>>) dst(%dma_wait3A_169 : memref<64x128xbf16, #tpu.memory_space<vmem_shared>>)
      tpu.yield
    }) : () -> ()
    %mul3A_43 = arith.constant 640 : i32
    %mul3A_44 = arith.muli %arg1, %mul3A_43 : i32
    %add3A_45 = arith.constant 256 : i32
    %add3A_46 = arith.addi %mul3A_44, %add3A_45 : i32
    "tpu.region"() ({
      %run_scoped3A = tpu.sem_alloc : memref<!tpu.dma_semaphore, #tpu.memory_space<semaphore_mem>>
      %dma_start3A_163 = arith.constant 0 : i32
      %dma_start3A_164 = tpu.memref_slice %arg12[%add3A_46, %dma_start3A_163] : memref<10240x128xbf16, #tpu.memory_space<vmem_shared>> -> memref<64x128xbf16, #tpu.memory_space<vmem_shared>>
      %dma_start3A_165 = arith.constant 0 : i32
      %dma_start3A_166 = tpu.memref_slice %arg12[%add3A_46, %dma_start3A_165] : memref<10240x128xbf16, #tpu.memory_space<vmem_shared>> -> memref<64x128xbf16, #tpu.memory_space<vmem_shared>>
      tpu.enqueue_dma source(%arg8 : memref<64x128xbf16, #tpu.memory_space<vmem>>) target(%dma_start3A_166 : memref<64x128xbf16, #tpu.memory_space<vmem_shared>>) target_semaphore(%run_scoped3A : memref<!tpu.dma_semaphore, #tpu.memory_space<semaphore_mem>>)
      %dma_wait3A = arith.constant 0 : i32
      %dma_wait3A_167 = tpu.memref_slice %arg12[%add3A_46, %dma_wait3A] : memref<10240x128xbf16, #tpu.memory_space<vmem_shared>> -> memref<64x128xbf16, #tpu.memory_space<vmem_shared>>
      %dma_wait3A_168 = arith.constant 0 : i32
      %dma_wait3A_169 = tpu.memref_slice %arg12[%add3A_46, %dma_wait3A_168] : memref<10240x128xbf16, #tpu.memory_space<vmem_shared>> -> memref<64x128xbf16, #tpu.memory_space<vmem_shared>>
      tpu.wait_dma2 semaphore(%run_scoped3A : memref<!tpu.dma_semaphore, #tpu.memory_space<semaphore_mem>>) src(%arg8 : memref<64x128xbf16, #tpu.memory_space<vmem>>) dst(%dma_wait3A_169 : memref<64x128xbf16, #tpu.memory_space<vmem_shared>>)
      tpu.yield
    }) : () -> ()
    %mul3A_47 = arith.constant 640 : i32
    %mul3A_48 = arith.muli %arg1, %mul3A_47 : i32
    %add3A_49 = arith.constant 320 : i32
    %add3A_50 = arith.addi %mul3A_48, %add3A_49 : i32
    "tpu.region"() ({
      %run_scoped3A = tpu.sem_alloc : memref<!tpu.dma_semaphore, #tpu.memory_space<semaphore_mem>>
      %dma_start3A_163 = arith.constant 0 : i32
      %dma_start3A_164 = tpu.memref_slice %arg12[%add3A_50, %dma_start3A_163] : memref<10240x128xbf16, #tpu.memory_space<vmem_shared>> -> memref<64x128xbf16, #tpu.memory_space<vmem_shared>>
      %dma_start3A_165 = arith.constant 0 : i32
      %dma_start3A_166 = tpu.memref_slice %arg12[%add3A_50, %dma_start3A_165] : memref<10240x128xbf16, #tpu.memory_space<vmem_shared>> -> memref<64x128xbf16, #tpu.memory_space<vmem_shared>>
      tpu.enqueue_dma source(%arg8 : memref<64x128xbf16, #tpu.memory_space<vmem>>) target(%dma_start3A_166 : memref<64x128xbf16, #tpu.memory_space<vmem_shared>>) target_semaphore(%run_scoped3A : memref<!tpu.dma_semaphore, #tpu.memory_space<semaphore_mem>>)
      %dma_wait3A = arith.constant 0 : i32
      %dma_wait3A_167 = tpu.memref_slice %arg12[%add3A_50, %dma_wait3A] : memref<10240x128xbf16, #tpu.memory_space<vmem_shared>> -> memref<64x128xbf16, #tpu.memory_space<vmem_shared>>
      %dma_wait3A_168 = arith.constant 0 : i32
      %dma_wait3A_169 = tpu.memref_slice %arg12[%add3A_50, %dma_wait3A_168] : memref<10240x128xbf16, #tpu.memory_space<vmem_shared>> -> memref<64x128xbf16, #tpu.memory_space<vmem_shared>>
      tpu.wait_dma2 semaphore(%run_scoped3A : memref<!tpu.dma_semaphore, #tpu.memory_space<semaphore_mem>>) src(%arg8 : memref<64x128xbf16, #tpu.memory_space<vmem>>) dst(%dma_wait3A_169 : memref<64x128xbf16, #tpu.memory_space<vmem_shared>>)
      tpu.yield
    }) : () -> ()
    %mul3A_51 = arith.constant 640 : i32
    %mul3A_52 = arith.muli %arg1, %mul3A_51 : i32
    %add3A_53 = arith.constant 384 : i32
    %add3A_54 = arith.addi %mul3A_52, %add3A_53 : i32
    "tpu.region"() ({
      %run_scoped3A = tpu.sem_alloc : memref<!tpu.dma_semaphore, #tpu.memory_space<semaphore_mem>>
      %dma_start3A_163 = arith.constant 0 : i32
      %dma_start3A_164 = tpu.memref_slice %arg12[%add3A_54, %dma_start3A_163] : memref<10240x128xbf16, #tpu.memory_space<vmem_shared>> -> memref<64x128xbf16, #tpu.memory_space<vmem_shared>>
      %dma_start3A_165 = arith.constant 0 : i32
      %dma_start3A_166 = tpu.memref_slice %arg12[%add3A_54, %dma_start3A_165] : memref<10240x128xbf16, #tpu.memory_space<vmem_shared>> -> memref<64x128xbf16, #tpu.memory_space<vmem_shared>>
      tpu.enqueue_dma source(%arg8 : memref<64x128xbf16, #tpu.memory_space<vmem>>) target(%dma_start3A_166 : memref<64x128xbf16, #tpu.memory_space<vmem_shared>>) target_semaphore(%run_scoped3A : memref<!tpu.dma_semaphore, #tpu.memory_space<semaphore_mem>>)
      %dma_wait3A = arith.constant 0 : i32
      %dma_wait3A_167 = tpu.memref_slice %arg12[%add3A_54, %dma_wait3A] : memref<10240x128xbf16, #tpu.memory_space<vmem_shared>> -> memref<64x128xbf16, #tpu.memory_space<vmem_shared>>
      %dma_wait3A_168 = arith.constant 0 : i32
      %dma_wait3A_169 = tpu.memref_slice %arg12[%add3A_54, %dma_wait3A_168] : memref<10240x128xbf16, #tpu.memory_space<vmem_shared>> -> memref<64x128xbf16, #tpu.memory_space<vmem_shared>>
      tpu.wait_dma2 semaphore(%run_scoped3A : memref<!tpu.dma_semaphore, #tpu.memory_space<semaphore_mem>>) src(%arg8 : memref<64x128xbf16, #tpu.memory_space<vmem>>) dst(%dma_wait3A_169 : memref<64x128xbf16, #tpu.memory_space<vmem_shared>>)
      tpu.yield
    }) : () -> ()
    %mul3A_55 = arith.constant 640 : i32
    %mul3A_56 = arith.muli %arg1, %mul3A_55 : i32
    %add3A_57 = arith.constant 448 : i32
    %add3A_58 = arith.addi %mul3A_56, %add3A_57 : i32
    "tpu.region"() ({
      %run_scoped3A = tpu.sem_alloc : memref<!tpu.dma_semaphore, #tpu.memory_space<semaphore_mem>>
      %dma_start3A_163 = arith.constant 0 : i32
      %dma_start3A_164 = tpu.memref_slice %arg12[%add3A_58, %dma_start3A_163] : memref<10240x128xbf16, #tpu.memory_space<vmem_shared>> -> memref<64x128xbf16, #tpu.memory_space<vmem_shared>>
      %dma_start3A_165 = arith.constant 0 : i32
      %dma_start3A_166 = tpu.memref_slice %arg12[%add3A_58, %dma_start3A_165] : memref<10240x128xbf16, #tpu.memory_space<vmem_shared>> -> memref<64x128xbf16, #tpu.memory_space<vmem_shared>>
      tpu.enqueue_dma source(%arg8 : memref<64x128xbf16, #tpu.memory_space<vmem>>) target(%dma_start3A_166 : memref<64x128xbf16, #tpu.memory_space<vmem_shared>>) target_semaphore(%run_scoped3A : memref<!tpu.dma_semaphore, #tpu.memory_space<semaphore_mem>>)
      %dma_wait3A = arith.constant 0 : i32
      %dma_wait3A_167 = tpu.memref_slice %arg12[%add3A_58, %dma_wait3A] : memref<10240x128xbf16, #tpu.memory_space<vmem_shared>> -> memref<64x128xbf16, #tpu.memory_space<vmem_shared>>
      %dma_wait3A_168 = arith.constant 0 : i32
      %dma_wait3A_169 = tpu.memref_slice %arg12[%add3A_58, %dma_wait3A_168] : memref<10240x128xbf16, #tpu.memory_space<vmem_shared>> -> memref<64x128xbf16, #tpu.memory_space<vmem_shared>>
      tpu.wait_dma2 semaphore(%run_scoped3A : memref<!tpu.dma_semaphore, #tpu.memory_space<semaphore_mem>>) src(%arg8 : memref<64x128xbf16, #tpu.memory_space<vmem>>) dst(%dma_wait3A_169 : memref<64x128xbf16, #tpu.memory_space<vmem_shared>>)
      tpu.yield
    }) : () -> ()
    %mul3A_59 = arith.constant 640 : i32
    %mul3A_60 = arith.muli %arg1, %mul3A_59 : i32
    %add3A_61 = arith.constant 512 : i32
    %add3A_62 = arith.addi %mul3A_60, %add3A_61 : i32
    "tpu.region"() ({
      %run_scoped3A = tpu.sem_alloc : memref<!tpu.dma_semaphore, #tpu.memory_space<semaphore_mem>>
      %dma_start3A_163 = arith.constant 0 : i32
      %dma_start3A_164 = tpu.memref_slice %arg12[%add3A_62, %dma_start3A_163] : memref<10240x128xbf16, #tpu.memory_space<vmem_shared>> -> memref<64x128xbf16, #tpu.memory_space<vmem_shared>>
      %dma_start3A_165 = arith.constant 0 : i32
      %dma_start3A_166 = tpu.memref_slice %arg12[%add3A_62, %dma_start3A_165] : memref<10240x128xbf16, #tpu.memory_space<vmem_shared>> -> memref<64x128xbf16, #tpu.memory_space<vmem_shared>>
      tpu.enqueue_dma source(%arg8 : memref<64x128xbf16, #tpu.memory_space<vmem>>) target(%dma_start3A_166 : memref<64x128xbf16, #tpu.memory_space<vmem_shared>>) target_semaphore(%run_scoped3A : memref<!tpu.dma_semaphore, #tpu.memory_space<semaphore_mem>>)
      %dma_wait3A = arith.constant 0 : i32
      %dma_wait3A_167 = tpu.memref_slice %arg12[%add3A_62, %dma_wait3A] : memref<10240x128xbf16, #tpu.memory_space<vmem_shared>> -> memref<64x128xbf16, #tpu.memory_space<vmem_shared>>
      %dma_wait3A_168 = arith.constant 0 : i32
      %dma_wait3A_169 = tpu.memref_slice %arg12[%add3A_62, %dma_wait3A_168] : memref<10240x128xbf16, #tpu.memory_space<vmem_shared>> -> memref<64x128xbf16, #tpu.memory_space<vmem_shared>>
      tpu.wait_dma2 semaphore(%run_scoped3A : memref<!tpu.dma_semaphore, #tpu.memory_space<semaphore_mem>>) src(%arg8 : memref<64x128xbf16, #tpu.memory_space<vmem>>) dst(%dma_wait3A_169 : memref<64x128xbf16, #tpu.memory_space<vmem_shared>>)
      tpu.yield
    }) : () -> ()
    %mul3A_63 = arith.constant 640 : i32
    %mul3A_64 = arith.muli %arg1, %mul3A_63 : i32
    %add3A_65 = arith.constant 576 : i32
    %add3A_66 = arith.addi %mul3A_64, %add3A_65 : i32
    "tpu.region"() ({
      %run_scoped3A = tpu.sem_alloc : memref<!tpu.dma_semaphore, #tpu.memory_space<semaphore_mem>>
      %dma_start3A_163 = arith.constant 0 : i32
      %dma_start3A_164 = tpu.memref_slice %arg12[%add3A_66, %dma_start3A_163] : memref<10240x128xbf16, #tpu.memory_space<vmem_shared>> -> memref<64x128xbf16, #tpu.memory_space<vmem_shared>>
      %dma_start3A_165 = arith.constant 0 : i32
      %dma_start3A_166 = tpu.memref_slice %arg12[%add3A_66, %dma_start3A_165] : memref<10240x128xbf16, #tpu.memory_space<vmem_shared>> -> memref<64x128xbf16, #tpu.memory_space<vmem_shared>>
      tpu.enqueue_dma source(%arg8 : memref<64x128xbf16, #tpu.memory_space<vmem>>) target(%dma_start3A_166 : memref<64x128xbf16, #tpu.memory_space<vmem_shared>>) target_semaphore(%run_scoped3A : memref<!tpu.dma_semaphore, #tpu.memory_space<semaphore_mem>>)
      %dma_wait3A = arith.constant 0 : i32
      %dma_wait3A_167 = tpu.memref_slice %arg12[%add3A_66, %dma_wait3A] : memref<10240x128xbf16, #tpu.memory_space<vmem_shared>> -> memref<64x128xbf16, #tpu.memory_space<vmem_shared>>
      %dma_wait3A_168 = arith.constant 0 : i32
      %dma_wait3A_169 = tpu.memref_slice %arg12[%add3A_66, %dma_wait3A_168] : memref<10240x128xbf16, #tpu.memory_space<vmem_shared>> -> memref<64x128xbf16, #tpu.memory_space<vmem_shared>>
      tpu.wait_dma2 semaphore(%run_scoped3A : memref<!tpu.dma_semaphore, #tpu.memory_space<semaphore_mem>>) src(%arg8 : memref<64x128xbf16, #tpu.memory_space<vmem>>) dst(%dma_wait3A_169 : memref<64x128xbf16, #tpu.memory_space<vmem_shared>>)
      tpu.yield
    }) : () -> ()
    %barrier3A = arith.constant 0 : index
    tpu.barrier barrier_id(%barrier3A)
    %mul3A_67 = arith.constant 160 : i32
    %mul3A_68 = arith.muli %add3A, %mul3A_67 : i32
    %add3A_69 = arith.constant 0 : i32
    %add3A_70 = arith.addi %mul3A_68, %add3A_69 : i32
    "tpu.region"() ({
      %run_scoped3A = tpu.sem_alloc : memref<!tpu.dma_semaphore, #tpu.memory_space<semaphore_mem>>
      %dma_start3A_163 = arith.constant 0 : i32
      %dma_start3A_164 = tpu.memref_slice %arg3[%add3A_70, %dma_start3A_163] : memref<5120x64xi32, #tpu.memory_space<hbm>> -> memref<80x64xi32, #tpu.memory_space<hbm>>
      %dma_start3A_165 = arith.constant 0 : i32
      %dma_start3A_166 = tpu.memref_slice %arg3[%add3A_70, %dma_start3A_165] : memref<5120x64xi32, #tpu.memory_space<hbm>> -> memref<80x64xi32, #tpu.memory_space<hbm>>
      tpu.enqueue_dma source(%dma_start3A_166 : memref<80x64xi32, #tpu.memory_space<hbm>>) target(%arg6 : memref<80x64xi32, #tpu.memory_space<vmem>>) target_semaphore(%run_scoped3A : memref<!tpu.dma_semaphore, #tpu.memory_space<semaphore_mem>>)
      %dma_wait3A = arith.constant 0 : i32
      %dma_wait3A_167 = tpu.memref_slice %arg3[%add3A_70, %dma_wait3A] : memref<5120x64xi32, #tpu.memory_space<hbm>> -> memref<80x64xi32, #tpu.memory_space<hbm>>
      %dma_wait3A_168 = arith.constant 0 : i32
      %dma_wait3A_169 = tpu.memref_slice %arg3[%add3A_70, %dma_wait3A_168] : memref<5120x64xi32, #tpu.memory_space<hbm>> -> memref<80x64xi32, #tpu.memory_space<hbm>>
      tpu.wait_dma2 semaphore(%run_scoped3A : memref<!tpu.dma_semaphore, #tpu.memory_space<semaphore_mem>>) src(%dma_wait3A_169 : memref<80x64xi32, #tpu.memory_space<hbm>>) dst(%arg6 : memref<80x64xi32, #tpu.memory_space<vmem>>)
      tpu.yield
    }) : () -> ()
    "tpu.region"() ({
      %run_scoped3A = tpu.sem_alloc : memref<!tpu.dma_semaphore, #tpu.memory_space<semaphore_mem>>
      %dma_start3A_163 = arith.constant 0 : i32
      %dma_start3A_164 = tpu.memref_slice %arg4[%add3A_70, %dma_start3A_163] : memref<5120x64xi32, #tpu.memory_space<hbm>> -> memref<80x64xi32, #tpu.memory_space<hbm>>
      %dma_start3A_165 = arith.constant 0 : i32
      %dma_start3A_166 = tpu.memref_slice %arg4[%add3A_70, %dma_start3A_165] : memref<5120x64xi32, #tpu.memory_space<hbm>> -> memref<80x64xi32, #tpu.memory_space<hbm>>
      tpu.enqueue_dma source(%dma_start3A_166 : memref<80x64xi32, #tpu.memory_space<hbm>>) target(%arg7 : memref<80x64xi32, #tpu.memory_space<vmem>>) target_semaphore(%run_scoped3A : memref<!tpu.dma_semaphore, #tpu.memory_space<semaphore_mem>>)
      %dma_wait3A = arith.constant 0 : i32
      %dma_wait3A_167 = tpu.memref_slice %arg4[%add3A_70, %dma_wait3A] : memref<5120x64xi32, #tpu.memory_space<hbm>> -> memref<80x64xi32, #tpu.memory_space<hbm>>
      %dma_wait3A_168 = arith.constant 0 : i32
      %dma_wait3A_169 = tpu.memref_slice %arg4[%add3A_70, %dma_wait3A_168] : memref<5120x64xi32, #tpu.memory_space<hbm>> -> memref<80x64xi32, #tpu.memory_space<hbm>>
      tpu.wait_dma2 semaphore(%run_scoped3A : memref<!tpu.dma_semaphore, #tpu.memory_space<semaphore_mem>>) src(%dma_wait3A_169 : memref<80x64xi32, #tpu.memory_space<hbm>>) dst(%arg7 : memref<80x64xi32, #tpu.memory_space<vmem>>)
      tpu.yield
    }) : () -> ()
    %dma_start3A = arith.constant 0 : i32
    %dma_start3A_71 = arith.constant 0 : i32
    %dma_start3A_72 = tpu.memref_slice %arg6[%dma_start3A, %dma_start3A_71] : memref<80x64xi32, #tpu.memory_space<vmem>> -> memref<1x64xi32, #tpu.memory_space<vmem>>
    %dma_start3A_73 = tpu.memref_squeeze %dma_start3A_72 : memref<1x64xi32, #tpu.memory_space<vmem>> -> memref<64xi32, #tpu.memory_space<vmem>>
    %dma_start3A_74 = arith.constant 0 : i32
    %dma_start3A_75 = arith.constant 0 : i32
    %dma_start3A_76 = tpu.memref_slice %arg13[%dma_start3A_74, %dma_start3A_75] : memref<10240x128xbf16, #tpu.memory_space<vmem_shared>> -> memref<10240x128xbf16, #tpu.memory_space<vmem_shared>>
    tpu.enqueue_indirect_dma source(%dma_start3A_76 : memref<10240x128xbf16, #tpu.memory_space<vmem_shared>>) target(%arg8 : memref<64x128xbf16, #tpu.memory_space<vmem>>) offsets(%dma_start3A_73 : memref<64xi32, #tpu.memory_space<vmem>>) semaphore(%arg14 : memref<!tpu.dma_semaphore, #tpu.memory_space<semaphore_mem>>)
    %dma_start3A_77 = arith.constant 1 : i32
    %dma_start3A_78 = arith.constant 0 : i32
    %dma_start3A_79 = tpu.memref_slice %arg6[%dma_start3A_77, %dma_start3A_78] : memref<80x64xi32, #tpu.memory_space<vmem>> -> memref<1x64xi32, #tpu.memory_space<vmem>>
    %dma_start3A_80 = tpu.memref_squeeze %dma_start3A_79 : memref<1x64xi32, #tpu.memory_space<vmem>> -> memref<64xi32, #tpu.memory_space<vmem>>
    %dma_start3A_81 = arith.constant 0 : i32
    %dma_start3A_82 = arith.constant 0 : i32
    %dma_start3A_83 = tpu.memref_slice %arg13[%dma_start3A_81, %dma_start3A_82] : memref<10240x128xbf16, #tpu.memory_space<vmem_shared>> -> memref<10240x128xbf16, #tpu.memory_space<vmem_shared>>
    tpu.enqueue_indirect_dma source(%dma_start3A_83 : memref<10240x128xbf16, #tpu.memory_space<vmem_shared>>) target(%arg9 : memref<64x128xbf16, #tpu.memory_space<vmem>>) offsets(%dma_start3A_80 : memref<64xi32, #tpu.memory_space<vmem>>) semaphore(%arg15 : memref<!tpu.dma_semaphore, #tpu.memory_space<semaphore_mem>>)
    %dma_start3A_84 = arith.constant 2 : i32
    %dma_start3A_85 = arith.constant 0 : i32
    %dma_start3A_86 = tpu.memref_slice %arg6[%dma_start3A_84, %dma_start3A_85] : memref<80x64xi32, #tpu.memory_space<vmem>> -> memref<1x64xi32, #tpu.memory_space<vmem>>
    %dma_start3A_87 = tpu.memref_squeeze %dma_start3A_86 : memref<1x64xi32, #tpu.memory_space<vmem>> -> memref<64xi32, #tpu.memory_space<vmem>>
    %dma_start3A_88 = arith.constant 0 : i32
    %dma_start3A_89 = arith.constant 0 : i32
    %dma_start3A_90 = tpu.memref_slice %arg13[%dma_start3A_88, %dma_start3A_89] : memref<10240x128xbf16, #tpu.memory_space<vmem_shared>> -> memref<10240x128xbf16, #tpu.memory_space<vmem_shared>>
    tpu.enqueue_indirect_dma source(%dma_start3A_90 : memref<10240x128xbf16, #tpu.memory_space<vmem_shared>>) target(%arg10 : memref<64x128xbf16, #tpu.memory_space<vmem>>) offsets(%dma_start3A_87 : memref<64xi32, #tpu.memory_space<vmem>>) semaphore(%arg16 : memref<!tpu.dma_semaphore, #tpu.memory_space<semaphore_mem>>)
    %dma_start3A_91 = arith.constant 3 : i32
    %dma_start3A_92 = arith.constant 0 : i32
    %dma_start3A_93 = tpu.memref_slice %arg6[%dma_start3A_91, %dma_start3A_92] : memref<80x64xi32, #tpu.memory_space<vmem>> -> memref<1x64xi32, #tpu.memory_space<vmem>>
    %dma_start3A_94 = tpu.memref_squeeze %dma_start3A_93 : memref<1x64xi32, #tpu.memory_space<vmem>> -> memref<64xi32, #tpu.memory_space<vmem>>
    %dma_start3A_95 = arith.constant 0 : i32
    %dma_start3A_96 = arith.constant 0 : i32
    %dma_start3A_97 = tpu.memref_slice %arg13[%dma_start3A_95, %dma_start3A_96] : memref<10240x128xbf16, #tpu.memory_space<vmem_shared>> -> memref<10240x128xbf16, #tpu.memory_space<vmem_shared>>
    tpu.enqueue_indirect_dma source(%dma_start3A_97 : memref<10240x128xbf16, #tpu.memory_space<vmem_shared>>) target(%arg11 : memref<64x128xbf16, #tpu.memory_space<vmem>>) offsets(%dma_start3A_94 : memref<64xi32, #tpu.memory_space<vmem>>) semaphore(%arg17 : memref<!tpu.dma_semaphore, #tpu.memory_space<semaphore_mem>>)
    %scan3A_98 = arith.constant 0 : i32
    %scan3A_99 = arith.constant 0 : i32
    %scan3A_100 = arith.constant 20 : i32
    %scan3A_101 = arith.addi %scan3A_99, %scan3A_100 : i32
    %scan3A_102 = arith.constant 1 : i32
    scf.for %scan3A_163 = %scan3A_99 to %scan3A_101 step %scan3A_102  : i32 {
      %mul3A_164 = arith.constant 4 : i32
      %mul3A_165 = arith.muli %mul3A_164, %scan3A_163 : i32
      %add3A_166 = arith.constant 0 : i32
      %add3A_167 = arith.addi %mul3A_165, %add3A_166 : i32
      %dma_wait3A = arith.constant 0 : i32
      %dma_wait3A_168 = tpu.memref_slice %arg6[%add3A_167, %dma_wait3A] : memref<80x64xi32, #tpu.memory_space<vmem>> -> memref<1x64xi32, #tpu.memory_space<vmem>>
      %dma_wait3A_169 = tpu.memref_squeeze %dma_wait3A_168 : memref<1x64xi32, #tpu.memory_space<vmem>> -> memref<64xi32, #tpu.memory_space<vmem>>
      %dma_wait3A_170 = arith.constant 0 : i32
      %dma_wait3A_171 = arith.constant 0 : i32
      %dma_wait3A_172 = tpu.memref_slice %arg13[%dma_wait3A_170, %dma_wait3A_171] : memref<10240x128xbf16, #tpu.memory_space<vmem_shared>> -> memref<10240x128xbf16, #tpu.memory_space<vmem_shared>>
      tpu.wait_indirect_dma semaphore(%arg14 : memref<!tpu.dma_semaphore, #tpu.memory_space<semaphore_mem>>) src(%dma_wait3A_172 : memref<10240x128xbf16, #tpu.memory_space<vmem_shared>>) dst(%arg8 : memref<64x128xbf16, #tpu.memory_space<vmem>>)
      "tpu.region"() ({
        %run_scoped3A = tpu.sem_alloc : memref<!tpu.dma_semaphore, #tpu.memory_space<semaphore_mem>>
        %dma_start3A_222 = arith.constant 0 : i32
        %dma_start3A_223 = tpu.memref_slice %arg7[%add3A_167, %dma_start3A_222] : memref<80x64xi32, #tpu.memory_space<vmem>> -> memref<1x64xi32, #tpu.memory_space<vmem>>
        %dma_start3A_224 = tpu.memref_squeeze %dma_start3A_223 : memref<1x64xi32, #tpu.memory_space<vmem>> -> memref<64xi32, #tpu.memory_space<vmem>>
        %dma_start3A_225 = arith.constant 0 : i32
        %dma_start3A_226 = arith.constant 0 : i32
        %dma_start3A_227 = tpu.memref_slice %arg12[%dma_start3A_225, %dma_start3A_226] : memref<10240x128xbf16, #tpu.memory_space<vmem_shared>> -> memref<10240x128xbf16, #tpu.memory_space<vmem_shared>>
        tpu.enqueue_indirect_dma source(%arg8 : memref<64x128xbf16, #tpu.memory_space<vmem>>) target(%dma_start3A_227 : memref<10240x128xbf16, #tpu.memory_space<vmem_shared>>) offsets(%dma_start3A_224 : memref<64xi32, #tpu.memory_space<vmem>>) semaphore(%run_scoped3A : memref<!tpu.dma_semaphore, #tpu.memory_space<semaphore_mem>>) {add = true}
        %dma_wait3A_228 = arith.constant 0 : i32
        %dma_wait3A_229 = tpu.memref_slice %arg7[%add3A_167, %dma_wait3A_228] : memref<80x64xi32, #tpu.memory_space<vmem>> -> memref<1x64xi32, #tpu.memory_space<vmem>>
        %dma_wait3A_230 = tpu.memref_squeeze %dma_wait3A_229 : memref<1x64xi32, #tpu.memory_space<vmem>> -> memref<64xi32, #tpu.memory_space<vmem>>
        %dma_wait3A_231 = arith.constant 0 : i32
        %dma_wait3A_232 = arith.constant 0 : i32
        %dma_wait3A_233 = tpu.memref_slice %arg12[%dma_wait3A_231, %dma_wait3A_232] : memref<10240x128xbf16, #tpu.memory_space<vmem_shared>> -> memref<10240x128xbf16, #tpu.memory_space<vmem_shared>>
        tpu.wait_indirect_dma semaphore(%run_scoped3A : memref<!tpu.dma_semaphore, #tpu.memory_space<semaphore_mem>>) src(%arg8 : memref<64x128xbf16, #tpu.memory_space<vmem>>) dst(%dma_wait3A_233 : memref<10240x128xbf16, #tpu.memory_space<vmem_shared>>)
        tpu.yield
      }) : () -> ()
      %add3A_173 = arith.constant 4 : i32
      %add3A_174 = arith.addi %add3A_167, %add3A_173 : i32
      %lt3A = arith.constant 80 : i32
      %lt3A_175 = arith.cmpi slt, %add3A_174, %lt3A : i32
      %convert_element_type3A = arith.extui %lt3A_175 : i1 to i32
      %cond3A = arith.constant 0 : i32
      %cond3A_176 = arith.cmpi ne, %convert_element_type3A, %cond3A : i32
      scf.if %cond3A_176 {
        %add3A_222 = arith.constant 4 : i32
        %add3A_223 = arith.addi %add3A_167, %add3A_222 : i32
        %dma_start3A_224 = arith.constant 0 : i32
        %dma_start3A_225 = tpu.memref_slice %arg6[%add3A_223, %dma_start3A_224] : memref<80x64xi32, #tpu.memory_space<vmem>> -> memref<1x64xi32, #tpu.memory_space<vmem>>
        %dma_start3A_226 = tpu.memref_squeeze %dma_start3A_225 : memref<1x64xi32, #tpu.memory_space<vmem>> -> memref<64xi32, #tpu.memory_space<vmem>>
        %dma_start3A_227 = arith.constant 0 : i32
        %dma_start3A_228 = arith.constant 0 : i32
        %dma_start3A_229 = tpu.memref_slice %arg13[%dma_start3A_227, %dma_start3A_228] : memref<10240x128xbf16, #tpu.memory_space<vmem_shared>> -> memref<10240x128xbf16, #tpu.memory_space<vmem_shared>>
        tpu.enqueue_indirect_dma source(%dma_start3A_229 : memref<10240x128xbf16, #tpu.memory_space<vmem_shared>>) target(%arg8 : memref<64x128xbf16, #tpu.memory_space<vmem>>) offsets(%dma_start3A_226 : memref<64xi32, #tpu.memory_space<vmem>>) semaphore(%arg14 : memref<!tpu.dma_semaphore, #tpu.memory_space<semaphore_mem>>)
      } else {
      }
      %add3A_177 = arith.constant 1 : i32
      %add3A_178 = arith.addi %mul3A_165, %add3A_177 : i32
      %dma_wait3A_179 = arith.constant 0 : i32
      %dma_wait3A_180 = tpu.memref_slice %arg6[%add3A_178, %dma_wait3A_179] : memref<80x64xi32, #tpu.memory_space<vmem>> -> memref<1x64xi32, #tpu.memory_space<vmem>>
      %dma_wait3A_181 = tpu.memref_squeeze %dma_wait3A_180 : memref<1x64xi32, #tpu.memory_space<vmem>> -> memref<64xi32, #tpu.memory_space<vmem>>
      %dma_wait3A_182 = arith.constant 0 : i32
      %dma_wait3A_183 = arith.constant 0 : i32
      %dma_wait3A_184 = tpu.memref_slice %arg13[%dma_wait3A_182, %dma_wait3A_183] : memref<10240x128xbf16, #tpu.memory_space<vmem_shared>> -> memref<10240x128xbf16, #tpu.memory_space<vmem_shared>>
      tpu.wait_indirect_dma semaphore(%arg15 : memref<!tpu.dma_semaphore, #tpu.memory_space<semaphore_mem>>) src(%dma_wait3A_184 : memref<10240x128xbf16, #tpu.memory_space<vmem_shared>>) dst(%arg9 : memref<64x128xbf16, #tpu.memory_space<vmem>>)
      "tpu.region"() ({
        %run_scoped3A = tpu.sem_alloc : memref<!tpu.dma_semaphore, #tpu.memory_space<semaphore_mem>>
        %dma_start3A_222 = arith.constant 0 : i32
        %dma_start3A_223 = tpu.memref_slice %arg7[%add3A_178, %dma_start3A_222] : memref<80x64xi32, #tpu.memory_space<vmem>> -> memref<1x64xi32, #tpu.memory_space<vmem>>
        %dma_start3A_224 = tpu.memref_squeeze %dma_start3A_223 : memref<1x64xi32, #tpu.memory_space<vmem>> -> memref<64xi32, #tpu.memory_space<vmem>>
        %dma_start3A_225 = arith.constant 0 : i32
        %dma_start3A_226 = arith.constant 0 : i32
        %dma_start3A_227 = tpu.memref_slice %arg12[%dma_start3A_225, %dma_start3A_226] : memref<10240x128xbf16, #tpu.memory_space<vmem_shared>> -> memref<10240x128xbf16, #tpu.memory_space<vmem_shared>>
        tpu.enqueue_indirect_dma source(%arg9 : memref<64x128xbf16, #tpu.memory_space<vmem>>) target(%dma_start3A_227 : memref<10240x128xbf16, #tpu.memory_space<vmem_shared>>) offsets(%dma_start3A_224 : memref<64xi32, #tpu.memory_space<vmem>>) semaphore(%run_scoped3A : memref<!tpu.dma_semaphore, #tpu.memory_space<semaphore_mem>>) {add = true}
        %dma_wait3A_228 = arith.constant 0 : i32
        %dma_wait3A_229 = tpu.memref_slice %arg7[%add3A_178, %dma_wait3A_228] : memref<80x64xi32, #tpu.memory_space<vmem>> -> memref<1x64xi32, #tpu.memory_space<vmem>>
        %dma_wait3A_230 = tpu.memref_squeeze %dma_wait3A_229 : memref<1x64xi32, #tpu.memory_space<vmem>> -> memref<64xi32, #tpu.memory_space<vmem>>
        %dma_wait3A_231 = arith.constant 0 : i32
        %dma_wait3A_232 = arith.constant 0 : i32
        %dma_wait3A_233 = tpu.memref_slice %arg12[%dma_wait3A_231, %dma_wait3A_232] : memref<10240x128xbf16, #tpu.memory_space<vmem_shared>> -> memref<10240x128xbf16, #tpu.memory_space<vmem_shared>>
        tpu.wait_indirect_dma semaphore(%run_scoped3A : memref<!tpu.dma_semaphore, #tpu.memory_space<semaphore_mem>>) src(%arg9 : memref<64x128xbf16, #tpu.memory_space<vmem>>) dst(%dma_wait3A_233 : memref<10240x128xbf16, #tpu.memory_space<vmem_shared>>)
        tpu.yield
      }) : () -> ()
      %add3A_185 = arith.constant 4 : i32
      %add3A_186 = arith.addi %add3A_178, %add3A_185 : i32
      %lt3A_187 = arith.constant 80 : i32
      %lt3A_188 = arith.cmpi slt, %add3A_186, %lt3A_187 : i32
      %convert_element_type3A_189 = arith.extui %lt3A_188 : i1 to i32
      %cond3A_190 = arith.constant 0 : i32
      %cond3A_191 = arith.cmpi ne, %convert_element_type3A_189, %cond3A_190 : i32
      scf.if %cond3A_191 {
        %add3A_222 = arith.constant 4 : i32
        %add3A_223 = arith.addi %add3A_178, %add3A_222 : i32
        %dma_start3A_224 = arith.constant 0 : i32
        %dma_start3A_225 = tpu.memref_slice %arg6[%add3A_223, %dma_start3A_224] : memref<80x64xi32, #tpu.memory_space<vmem>> -> memref<1x64xi32, #tpu.memory_space<vmem>>
        %dma_start3A_226 = tpu.memref_squeeze %dma_start3A_225 : memref<1x64xi32, #tpu.memory_space<vmem>> -> memref<64xi32, #tpu.memory_space<vmem>>
        %dma_start3A_227 = arith.constant 0 : i32
        %dma_start3A_228 = arith.constant 0 : i32
        %dma_start3A_229 = tpu.memref_slice %arg13[%dma_start3A_227, %dma_start3A_228] : memref<10240x128xbf16, #tpu.memory_space<vmem_shared>> -> memref<10240x128xbf16, #tpu.memory_space<vmem_shared>>
        tpu.enqueue_indirect_dma source(%dma_start3A_229 : memref<10240x128xbf16, #tpu.memory_space<vmem_shared>>) target(%arg9 : memref<64x128xbf16, #tpu.memory_space<vmem>>) offsets(%dma_start3A_226 : memref<64xi32, #tpu.memory_space<vmem>>) semaphore(%arg15 : memref<!tpu.dma_semaphore, #tpu.memory_space<semaphore_mem>>)
      } else {
      }
      %add3A_192 = arith.constant 2 : i32
      %add3A_193 = arith.addi %mul3A_165, %add3A_192 : i32
      %dma_wait3A_194 = arith.constant 0 : i32
      %dma_wait3A_195 = tpu.memref_slice %arg6[%add3A_193, %dma_wait3A_194] : memref<80x64xi32, #tpu.memory_space<vmem>> -> memref<1x64xi32, #tpu.memory_space<vmem>>
      %dma_wait3A_196 = tpu.memref_squeeze %dma_wait3A_195 : memref<1x64xi32, #tpu.memory_space<vmem>> -> memref<64xi32, #tpu.memory_space<vmem>>
      %dma_wait3A_197 = arith.constant 0 : i32
      %dma_wait3A_198 = arith.constant 0 : i32
      %dma_wait3A_199 = tpu.memref_slice %arg13[%dma_wait3A_197, %dma_wait3A_198] : memref<10240x128xbf16, #tpu.memory_space<vmem_shared>> -> memref<10240x128xbf16, #tpu.memory_space<vmem_shared>>
      tpu.wait_indirect_dma semaphore(%arg16 : memref<!tpu.dma_semaphore, #tpu.memory_space<semaphore_mem>>) src(%dma_wait3A_199 : memref<10240x128xbf16, #tpu.memory_space<vmem_shared>>) dst(%arg10 : memref<64x128xbf16, #tpu.memory_space<vmem>>)
      "tpu.region"() ({
        %run_scoped3A = tpu.sem_alloc : memref<!tpu.dma_semaphore, #tpu.memory_space<semaphore_mem>>
        %dma_start3A_222 = arith.constant 0 : i32
        %dma_start3A_223 = tpu.memref_slice %arg7[%add3A_193, %dma_start3A_222] : memref<80x64xi32, #tpu.memory_space<vmem>> -> memref<1x64xi32, #tpu.memory_space<vmem>>
        %dma_start3A_224 = tpu.memref_squeeze %dma_start3A_223 : memref<1x64xi32, #tpu.memory_space<vmem>> -> memref<64xi32, #tpu.memory_space<vmem>>
        %dma_start3A_225 = arith.constant 0 : i32
        %dma_start3A_226 = arith.constant 0 : i32
        %dma_start3A_227 = tpu.memref_slice %arg12[%dma_start3A_225, %dma_start3A_226] : memref<10240x128xbf16, #tpu.memory_space<vmem_shared>> -> memref<10240x128xbf16, #tpu.memory_space<vmem_shared>>
        tpu.enqueue_indirect_dma source(%arg10 : memref<64x128xbf16, #tpu.memory_space<vmem>>) target(%dma_start3A_227 : memref<10240x128xbf16, #tpu.memory_space<vmem_shared>>) offsets(%dma_start3A_224 : memref<64xi32, #tpu.memory_space<vmem>>) semaphore(%run_scoped3A : memref<!tpu.dma_semaphore, #tpu.memory_space<semaphore_mem>>) {add = true}
        %dma_wait3A_228 = arith.constant 0 : i32
        %dma_wait3A_229 = tpu.memref_slice %arg7[%add3A_193, %dma_wait3A_228] : memref<80x64xi32, #tpu.memory_space<vmem>> -> memref<1x64xi32, #tpu.memory_space<vmem>>
        %dma_wait3A_230 = tpu.memref_squeeze %dma_wait3A_229 : memref<1x64xi32, #tpu.memory_space<vmem>> -> memref<64xi32, #tpu.memory_space<vmem>>
        %dma_wait3A_231 = arith.constant 0 : i32
        %dma_wait3A_232 = arith.constant 0 : i32
        %dma_wait3A_233 = tpu.memref_slice %arg12[%dma_wait3A_231, %dma_wait3A_232] : memref<10240x128xbf16, #tpu.memory_space<vmem_shared>> -> memref<10240x128xbf16, #tpu.memory_space<vmem_shared>>
        tpu.wait_indirect_dma semaphore(%run_scoped3A : memref<!tpu.dma_semaphore, #tpu.memory_space<semaphore_mem>>) src(%arg10 : memref<64x128xbf16, #tpu.memory_space<vmem>>) dst(%dma_wait3A_233 : memref<10240x128xbf16, #tpu.memory_space<vmem_shared>>)
        tpu.yield
      }) : () -> ()
      %add3A_200 = arith.constant 4 : i32
      %add3A_201 = arith.addi %add3A_193, %add3A_200 : i32
      %lt3A_202 = arith.constant 80 : i32
      %lt3A_203 = arith.cmpi slt, %add3A_201, %lt3A_202 : i32
      %convert_element_type3A_204 = arith.extui %lt3A_203 : i1 to i32
      %cond3A_205 = arith.constant 0 : i32
      %cond3A_206 = arith.cmpi ne, %convert_element_type3A_204, %cond3A_205 : i32
      scf.if %cond3A_206 {
        %add3A_222 = arith.constant 4 : i32
        %add3A_223 = arith.addi %add3A_193, %add3A_222 : i32
        %dma_start3A_224 = arith.constant 0 : i32
        %dma_start3A_225 = tpu.memref_slice %arg6[%add3A_223, %dma_start3A_224] : memref<80x64xi32, #tpu.memory_space<vmem>> -> memref<1x64xi32, #tpu.memory_space<vmem>>
        %dma_start3A_226 = tpu.memref_squeeze %dma_start3A_225 : memref<1x64xi32, #tpu.memory_space<vmem>> -> memref<64xi32, #tpu.memory_space<vmem>>
        %dma_start3A_227 = arith.constant 0 : i32
        %dma_start3A_228 = arith.constant 0 : i32
        %dma_start3A_229 = tpu.memref_slice %arg13[%dma_start3A_227, %dma_start3A_228] : memref<10240x128xbf16, #tpu.memory_space<vmem_shared>> -> memref<10240x128xbf16, #tpu.memory_space<vmem_shared>>
        tpu.enqueue_indirect_dma source(%dma_start3A_229 : memref<10240x128xbf16, #tpu.memory_space<vmem_shared>>) target(%arg10 : memref<64x128xbf16, #tpu.memory_space<vmem>>) offsets(%dma_start3A_226 : memref<64xi32, #tpu.memory_space<vmem>>) semaphore(%arg16 : memref<!tpu.dma_semaphore, #tpu.memory_space<semaphore_mem>>)
      } else {
      }
      %add3A_207 = arith.constant 3 : i32
      %add3A_208 = arith.addi %mul3A_165, %add3A_207 : i32
      %dma_wait3A_209 = arith.constant 0 : i32
      %dma_wait3A_210 = tpu.memref_slice %arg6[%add3A_208, %dma_wait3A_209] : memref<80x64xi32, #tpu.memory_space<vmem>> -> memref<1x64xi32, #tpu.memory_space<vmem>>
      %dma_wait3A_211 = tpu.memref_squeeze %dma_wait3A_210 : memref<1x64xi32, #tpu.memory_space<vmem>> -> memref<64xi32, #tpu.memory_space<vmem>>
      %dma_wait3A_212 = arith.constant 0 : i32
      %dma_wait3A_213 = arith.constant 0 : i32
      %dma_wait3A_214 = tpu.memref_slice %arg13[%dma_wait3A_212, %dma_wait3A_213] : memref<10240x128xbf16, #tpu.memory_space<vmem_shared>> -> memref<10240x128xbf16, #tpu.memory_space<vmem_shared>>
      tpu.wait_indirect_dma semaphore(%arg17 : memref<!tpu.dma_semaphore, #tpu.memory_space<semaphore_mem>>) src(%dma_wait3A_214 : memref<10240x128xbf16, #tpu.memory_space<vmem_shared>>) dst(%arg11 : memref<64x128xbf16, #tpu.memory_space<vmem>>)
      "tpu.region"() ({
        %run_scoped3A = tpu.sem_alloc : memref<!tpu.dma_semaphore, #tpu.memory_space<semaphore_mem>>
        %dma_start3A_222 = arith.constant 0 : i32
        %dma_start3A_223 = tpu.memref_slice %arg7[%add3A_208, %dma_start3A_222] : memref<80x64xi32, #tpu.memory_space<vmem>> -> memref<1x64xi32, #tpu.memory_space<vmem>>
        %dma_start3A_224 = tpu.memref_squeeze %dma_start3A_223 : memref<1x64xi32, #tpu.memory_space<vmem>> -> memref<64xi32, #tpu.memory_space<vmem>>
        %dma_start3A_225 = arith.constant 0 : i32
        %dma_start3A_226 = arith.constant 0 : i32
        %dma_start3A_227 = tpu.memref_slice %arg12[%dma_start3A_225, %dma_start3A_226] : memref<10240x128xbf16, #tpu.memory_space<vmem_shared>> -> memref<10240x128xbf16, #tpu.memory_space<vmem_shared>>
        tpu.enqueue_indirect_dma source(%arg11 : memref<64x128xbf16, #tpu.memory_space<vmem>>) target(%dma_start3A_227 : memref<10240x128xbf16, #tpu.memory_space<vmem_shared>>) offsets(%dma_start3A_224 : memref<64xi32, #tpu.memory_space<vmem>>) semaphore(%run_scoped3A : memref<!tpu.dma_semaphore, #tpu.memory_space<semaphore_mem>>) {add = true}
        %dma_wait3A_228 = arith.constant 0 : i32
        %dma_wait3A_229 = tpu.memref_slice %arg7[%add3A_208, %dma_wait3A_228] : memref<80x64xi32, #tpu.memory_space<vmem>> -> memref<1x64xi32, #tpu.memory_space<vmem>>
        %dma_wait3A_230 = tpu.memref_squeeze %dma_wait3A_229 : memref<1x64xi32, #tpu.memory_space<vmem>> -> memref<64xi32, #tpu.memory_space<vmem>>
        %dma_wait3A_231 = arith.constant 0 : i32
        %dma_wait3A_232 = arith.constant 0 : i32
        %dma_wait3A_233 = tpu.memref_slice %arg12[%dma_wait3A_231, %dma_wait3A_232] : memref<10240x128xbf16, #tpu.memory_space<vmem_shared>> -> memref<10240x128xbf16, #tpu.memory_space<vmem_shared>>
        tpu.wait_indirect_dma semaphore(%run_scoped3A : memref<!tpu.dma_semaphore, #tpu.memory_space<semaphore_mem>>) src(%arg11 : memref<64x128xbf16, #tpu.memory_space<vmem>>) dst(%dma_wait3A_233 : memref<10240x128xbf16, #tpu.memory_space<vmem_shared>>)
        tpu.yield
      }) : () -> ()
      %add3A_215 = arith.constant 4 : i32
      %add3A_216 = arith.addi %add3A_208, %add3A_215 : i32
      %lt3A_217 = arith.constant 80 : i32
      %lt3A_218 = arith.cmpi slt, %add3A_216, %lt3A_217 : i32
      %convert_element_type3A_219 = arith.extui %lt3A_218 : i1 to i32
      %cond3A_220 = arith.constant 0 : i32
      %cond3A_221 = arith.cmpi ne, %convert_element_type3A_219, %cond3A_220 : i32
      scf.if %cond3A_221 {
        %add3A_222 = arith.constant 4 : i32
        %add3A_223 = arith.addi %add3A_208, %add3A_222 : i32
        %dma_start3A_224 = arith.constant 0 : i32
        %dma_start3A_225 = tpu.memref_slice %arg6[%add3A_223, %dma_start3A_224] : memref<80x64xi32, #tpu.memory_space<vmem>> -> memref<1x64xi32, #tpu.memory_space<vmem>>
        %dma_start3A_226 = tpu.memref_squeeze %dma_start3A_225 : memref<1x64xi32, #tpu.memory_space<vmem>> -> memref<64xi32, #tpu.memory_space<vmem>>
        %dma_start3A_227 = arith.constant 0 : i32
        %dma_start3A_228 = arith.constant 0 : i32
        %dma_start3A_229 = tpu.memref_slice %arg13[%dma_start3A_227, %dma_start3A_228] : memref<10240x128xbf16, #tpu.memory_space<vmem_shared>> -> memref<10240x128xbf16, #tpu.memory_space<vmem_shared>>
        tpu.enqueue_indirect_dma source(%dma_start3A_229 : memref<10240x128xbf16, #tpu.memory_space<vmem_shared>>) target(%arg11 : memref<64x128xbf16, #tpu.memory_space<vmem>>) offsets(%dma_start3A_226 : memref<64xi32, #tpu.memory_space<vmem>>) semaphore(%arg17 : memref<!tpu.dma_semaphore, #tpu.memory_space<semaphore_mem>>)
      } else {
      }
    }
    %scan3A_103 = arith.constant 20 : i32
    %mul3A_104 = arith.constant 160 : i32
    %mul3A_105 = arith.muli %add3A, %mul3A_104 : i32
    %add3A_106 = arith.constant 80 : i32
    %add3A_107 = arith.addi %mul3A_105, %add3A_106 : i32
    "tpu.region"() ({
      %run_scoped3A = tpu.sem_alloc : memref<!tpu.dma_semaphore, #tpu.memory_space<semaphore_mem>>
      %dma_start3A_163 = arith.constant 0 : i32
      %dma_start3A_164 = tpu.memref_slice %arg3[%add3A_107, %dma_start3A_163] : memref<5120x64xi32, #tpu.memory_space<hbm>> -> memref<80x64xi32, #tpu.memory_space<hbm>>
      %dma_start3A_165 = arith.constant 0 : i32
      %dma_start3A_166 = tpu.memref_slice %arg3[%add3A_107, %dma_start3A_165] : memref<5120x64xi32, #tpu.memory_space<hbm>> -> memref<80x64xi32, #tpu.memory_space<hbm>>
      tpu.enqueue_dma source(%dma_start3A_166 : memref<80x64xi32, #tpu.memory_space<hbm>>) target(%arg6 : memref<80x64xi32, #tpu.memory_space<vmem>>) target_semaphore(%run_scoped3A : memref<!tpu.dma_semaphore, #tpu.memory_space<semaphore_mem>>)
      %dma_wait3A = arith.constant 0 : i32
      %dma_wait3A_167 = tpu.memref_slice %arg3[%add3A_107, %dma_wait3A] : memref<5120x64xi32, #tpu.memory_space<hbm>> -> memref<80x64xi32, #tpu.memory_space<hbm>>
      %dma_wait3A_168 = arith.constant 0 : i32
      %dma_wait3A_169 = tpu.memref_slice %arg3[%add3A_107, %dma_wait3A_168] : memref<5120x64xi32, #tpu.memory_space<hbm>> -> memref<80x64xi32, #tpu.memory_space<hbm>>
      tpu.wait_dma2 semaphore(%run_scoped3A : memref<!tpu.dma_semaphore, #tpu.memory_space<semaphore_mem>>) src(%dma_wait3A_169 : memref<80x64xi32, #tpu.memory_space<hbm>>) dst(%arg6 : memref<80x64xi32, #tpu.memory_space<vmem>>)
      tpu.yield
    }) : () -> ()
    "tpu.region"() ({
      %run_scoped3A = tpu.sem_alloc : memref<!tpu.dma_semaphore, #tpu.memory_space<semaphore_mem>>
      %dma_start3A_163 = arith.constant 0 : i32
      %dma_start3A_164 = tpu.memref_slice %arg4[%add3A_107, %dma_start3A_163] : memref<5120x64xi32, #tpu.memory_space<hbm>> -> memref<80x64xi32, #tpu.memory_space<hbm>>
      %dma_start3A_165 = arith.constant 0 : i32
      %dma_start3A_166 = tpu.memref_slice %arg4[%add3A_107, %dma_start3A_165] : memref<5120x64xi32, #tpu.memory_space<hbm>> -> memref<80x64xi32, #tpu.memory_space<hbm>>
      tpu.enqueue_dma source(%dma_start3A_166 : memref<80x64xi32, #tpu.memory_space<hbm>>) target(%arg7 : memref<80x64xi32, #tpu.memory_space<vmem>>) target_semaphore(%run_scoped3A : memref<!tpu.dma_semaphore, #tpu.memory_space<semaphore_mem>>)
      %dma_wait3A = arith.constant 0 : i32
      %dma_wait3A_167 = tpu.memref_slice %arg4[%add3A_107, %dma_wait3A] : memref<5120x64xi32, #tpu.memory_space<hbm>> -> memref<80x64xi32, #tpu.memory_space<hbm>>
      %dma_wait3A_168 = arith.constant 0 : i32
      %dma_wait3A_169 = tpu.memref_slice %arg4[%add3A_107, %dma_wait3A_168] : memref<5120x64xi32, #tpu.memory_space<hbm>> -> memref<80x64xi32, #tpu.memory_space<hbm>>
      tpu.wait_dma2 semaphore(%run_scoped3A : memref<!tpu.dma_semaphore, #tpu.memory_space<semaphore_mem>>) src(%dma_wait3A_169 : memref<80x64xi32, #tpu.memory_space<hbm>>) dst(%arg7 : memref<80x64xi32, #tpu.memory_space<vmem>>)
      tpu.yield
    }) : () -> ()
    %dma_start3A_108 = arith.constant 0 : i32
    %dma_start3A_109 = arith.constant 0 : i32
    %dma_start3A_110 = tpu.memref_slice %arg6[%dma_start3A_108, %dma_start3A_109] : memref<80x64xi32, #tpu.memory_space<vmem>> -> memref<1x64xi32, #tpu.memory_space<vmem>>
    %dma_start3A_111 = tpu.memref_squeeze %dma_start3A_110 : memref<1x64xi32, #tpu.memory_space<vmem>> -> memref<64xi32, #tpu.memory_space<vmem>>
    %dma_start3A_112 = arith.constant 0 : i32
    %dma_start3A_113 = arith.constant 0 : i32
    %dma_start3A_114 = tpu.memref_slice %arg13[%dma_start3A_112, %dma_start3A_113] : memref<10240x128xbf16, #tpu.memory_space<vmem_shared>> -> memref<10240x128xbf16, #tpu.memory_space<vmem_shared>>
    tpu.enqueue_indirect_dma source(%dma_start3A_114 : memref<10240x128xbf16, #tpu.memory_space<vmem_shared>>) target(%arg8 : memref<64x128xbf16, #tpu.memory_space<vmem>>) offsets(%dma_start3A_111 : memref<64xi32, #tpu.memory_space<vmem>>) semaphore(%arg14 : memref<!tpu.dma_semaphore, #tpu.memory_space<semaphore_mem>>)
    %dma_start3A_115 = arith.constant 1 : i32
    %dma_start3A_116 = arith.constant 0 : i32
    %dma_start3A_117 = tpu.memref_slice %arg6[%dma_start3A_115, %dma_start3A_116] : memref<80x64xi32, #tpu.memory_space<vmem>> -> memref<1x64xi32, #tpu.memory_space<vmem>>
    %dma_start3A_118 = tpu.memref_squeeze %dma_start3A_117 : memref<1x64xi32, #tpu.memory_space<vmem>> -> memref<64xi32, #tpu.memory_space<vmem>>
    %dma_start3A_119 = arith.constant 0 : i32
    %dma_start3A_120 = arith.constant 0 : i32
    %dma_start3A_121 = tpu.memref_slice %arg13[%dma_start3A_119, %dma_start3A_120] : memref<10240x128xbf16, #tpu.memory_space<vmem_shared>> -> memref<10240x128xbf16, #tpu.memory_space<vmem_shared>>
    tpu.enqueue_indirect_dma source(%dma_start3A_121 : memref<10240x128xbf16, #tpu.memory_space<vmem_shared>>) target(%arg9 : memref<64x128xbf16, #tpu.memory_space<vmem>>) offsets(%dma_start3A_118 : memref<64xi32, #tpu.memory_space<vmem>>) semaphore(%arg15 : memref<!tpu.dma_semaphore, #tpu.memory_space<semaphore_mem>>)
    %dma_start3A_122 = arith.constant 2 : i32
    %dma_start3A_123 = arith.constant 0 : i32
    %dma_start3A_124 = tpu.memref_slice %arg6[%dma_start3A_122, %dma_start3A_123] : memref<80x64xi32, #tpu.memory_space<vmem>> -> memref<1x64xi32, #tpu.memory_space<vmem>>
    %dma_start3A_125 = tpu.memref_squeeze %dma_start3A_124 : memref<1x64xi32, #tpu.memory_space<vmem>> -> memref<64xi32, #tpu.memory_space<vmem>>
    %dma_start3A_126 = arith.constant 0 : i32
    %dma_start3A_127 = arith.constant 0 : i32
    %dma_start3A_128 = tpu.memref_slice %arg13[%dma_start3A_126, %dma_start3A_127] : memref<10240x128xbf16, #tpu.memory_space<vmem_shared>> -> memref<10240x128xbf16, #tpu.memory_space<vmem_shared>>
    tpu.enqueue_indirect_dma source(%dma_start3A_128 : memref<10240x128xbf16, #tpu.memory_space<vmem_shared>>) target(%arg10 : memref<64x128xbf16, #tpu.memory_space<vmem>>) offsets(%dma_start3A_125 : memref<64xi32, #tpu.memory_space<vmem>>) semaphore(%arg16 : memref<!tpu.dma_semaphore, #tpu.memory_space<semaphore_mem>>)
    %dma_start3A_129 = arith.constant 3 : i32
    %dma_start3A_130 = arith.constant 0 : i32
    %dma_start3A_131 = tpu.memref_slice %arg6[%dma_start3A_129, %dma_start3A_130] : memref<80x64xi32, #tpu.memory_space<vmem>> -> memref<1x64xi32, #tpu.memory_space<vmem>>
    %dma_start3A_132 = tpu.memref_squeeze %dma_start3A_131 : memref<1x64xi32, #tpu.memory_space<vmem>> -> memref<64xi32, #tpu.memory_space<vmem>>
    %dma_start3A_133 = arith.constant 0 : i32
    %dma_start3A_134 = arith.constant 0 : i32
    %dma_start3A_135 = tpu.memref_slice %arg13[%dma_start3A_133, %dma_start3A_134] : memref<10240x128xbf16, #tpu.memory_space<vmem_shared>> -> memref<10240x128xbf16, #tpu.memory_space<vmem_shared>>
    tpu.enqueue_indirect_dma source(%dma_start3A_135 : memref<10240x128xbf16, #tpu.memory_space<vmem_shared>>) target(%arg11 : memref<64x128xbf16, #tpu.memory_space<vmem>>) offsets(%dma_start3A_132 : memref<64xi32, #tpu.memory_space<vmem>>) semaphore(%arg17 : memref<!tpu.dma_semaphore, #tpu.memory_space<semaphore_mem>>)
    %scan3A_136 = arith.constant 0 : i32
    %scan3A_137 = arith.constant 0 : i32
    %scan3A_138 = arith.constant 20 : i32
    %scan3A_139 = arith.addi %scan3A_137, %scan3A_138 : i32
    %scan3A_140 = arith.constant 1 : i32
    scf.for %scan3A_163 = %scan3A_137 to %scan3A_139 step %scan3A_140  : i32 {
      %mul3A_164 = arith.constant 4 : i32
      %mul3A_165 = arith.muli %mul3A_164, %scan3A_163 : i32
      %add3A_166 = arith.constant 0 : i32
      %add3A_167 = arith.addi %mul3A_165, %add3A_166 : i32
      %dma_wait3A = arith.constant 0 : i32
      %dma_wait3A_168 = tpu.memref_slice %arg6[%add3A_167, %dma_wait3A] : memref<80x64xi32, #tpu.memory_space<vmem>> -> memref<1x64xi32, #tpu.memory_space<vmem>>
      %dma_wait3A_169 = tpu.memref_squeeze %dma_wait3A_168 : memref<1x64xi32, #tpu.memory_space<vmem>> -> memref<64xi32, #tpu.memory_space<vmem>>
      %dma_wait3A_170 = arith.constant 0 : i32
      %dma_wait3A_171 = arith.constant 0 : i32
      %dma_wait3A_172 = tpu.memref_slice %arg13[%dma_wait3A_170, %dma_wait3A_171] : memref<10240x128xbf16, #tpu.memory_space<vmem_shared>> -> memref<10240x128xbf16, #tpu.memory_space<vmem_shared>>
      tpu.wait_indirect_dma semaphore(%arg14 : memref<!tpu.dma_semaphore, #tpu.memory_space<semaphore_mem>>) src(%dma_wait3A_172 : memref<10240x128xbf16, #tpu.memory_space<vmem_shared>>) dst(%arg8 : memref<64x128xbf16, #tpu.memory_space<vmem>>)
      "tpu.region"() ({
        %run_scoped3A = tpu.sem_alloc : memref<!tpu.dma_semaphore, #tpu.memory_space<semaphore_mem>>
        %dma_start3A_222 = arith.constant 0 : i32
        %dma_start3A_223 = tpu.memref_slice %arg7[%add3A_167, %dma_start3A_222] : memref<80x64xi32, #tpu.memory_space<vmem>> -> memref<1x64xi32, #tpu.memory_space<vmem>>
        %dma_start3A_224 = tpu.memref_squeeze %dma_start3A_223 : memref<1x64xi32, #tpu.memory_space<vmem>> -> memref<64xi32, #tpu.memory_space<vmem>>
        %dma_start3A_225 = arith.constant 0 : i32
        %dma_start3A_226 = arith.constant 0 : i32
        %dma_start3A_227 = tpu.memref_slice %arg12[%dma_start3A_225, %dma_start3A_226] : memref<10240x128xbf16, #tpu.memory_space<vmem_shared>> -> memref<10240x128xbf16, #tpu.memory_space<vmem_shared>>
        tpu.enqueue_indirect_dma source(%arg8 : memref<64x128xbf16, #tpu.memory_space<vmem>>) target(%dma_start3A_227 : memref<10240x128xbf16, #tpu.memory_space<vmem_shared>>) offsets(%dma_start3A_224 : memref<64xi32, #tpu.memory_space<vmem>>) semaphore(%run_scoped3A : memref<!tpu.dma_semaphore, #tpu.memory_space<semaphore_mem>>) {add = true}
        %dma_wait3A_228 = arith.constant 0 : i32
        %dma_wait3A_229 = tpu.memref_slice %arg7[%add3A_167, %dma_wait3A_228] : memref<80x64xi32, #tpu.memory_space<vmem>> -> memref<1x64xi32, #tpu.memory_space<vmem>>
        %dma_wait3A_230 = tpu.memref_squeeze %dma_wait3A_229 : memref<1x64xi32, #tpu.memory_space<vmem>> -> memref<64xi32, #tpu.memory_space<vmem>>
        %dma_wait3A_231 = arith.constant 0 : i32
        %dma_wait3A_232 = arith.constant 0 : i32
        %dma_wait3A_233 = tpu.memref_slice %arg12[%dma_wait3A_231, %dma_wait3A_232] : memref<10240x128xbf16, #tpu.memory_space<vmem_shared>> -> memref<10240x128xbf16, #tpu.memory_space<vmem_shared>>
        tpu.wait_indirect_dma semaphore(%run_scoped3A : memref<!tpu.dma_semaphore, #tpu.memory_space<semaphore_mem>>) src(%arg8 : memref<64x128xbf16, #tpu.memory_space<vmem>>) dst(%dma_wait3A_233 : memref<10240x128xbf16, #tpu.memory_space<vmem_shared>>)
        tpu.yield
      }) : () -> ()
      %add3A_173 = arith.constant 4 : i32
      %add3A_174 = arith.addi %add3A_167, %add3A_173 : i32
      %lt3A = arith.constant 80 : i32
      %lt3A_175 = arith.cmpi slt, %add3A_174, %lt3A : i32
      %convert_element_type3A = arith.extui %lt3A_175 : i1 to i32
      %cond3A = arith.constant 0 : i32
      %cond3A_176 = arith.cmpi ne, %convert_element_type3A, %cond3A : i32
      scf.if %cond3A_176 {
        %add3A_222 = arith.constant 4 : i32
        %add3A_223 = arith.addi %add3A_167, %add3A_222 : i32
        %dma_start3A_224 = arith.constant 0 : i32
        %dma_start3A_225 = tpu.memref_slice %arg6[%add3A_223, %dma_start3A_224] : memref<80x64xi32, #tpu.memory_space<vmem>> -> memref<1x64xi32, #tpu.memory_space<vmem>>
        %dma_start3A_226 = tpu.memref_squeeze %dma_start3A_225 : memref<1x64xi32, #tpu.memory_space<vmem>> -> memref<64xi32, #tpu.memory_space<vmem>>
        %dma_start3A_227 = arith.constant 0 : i32
        %dma_start3A_228 = arith.constant 0 : i32
        %dma_start3A_229 = tpu.memref_slice %arg13[%dma_start3A_227, %dma_start3A_228] : memref<10240x128xbf16, #tpu.memory_space<vmem_shared>> -> memref<10240x128xbf16, #tpu.memory_space<vmem_shared>>
        tpu.enqueue_indirect_dma source(%dma_start3A_229 : memref<10240x128xbf16, #tpu.memory_space<vmem_shared>>) target(%arg8 : memref<64x128xbf16, #tpu.memory_space<vmem>>) offsets(%dma_start3A_226 : memref<64xi32, #tpu.memory_space<vmem>>) semaphore(%arg14 : memref<!tpu.dma_semaphore, #tpu.memory_space<semaphore_mem>>)
      } else {
      }
      %add3A_177 = arith.constant 1 : i32
      %add3A_178 = arith.addi %mul3A_165, %add3A_177 : i32
      %dma_wait3A_179 = arith.constant 0 : i32
      %dma_wait3A_180 = tpu.memref_slice %arg6[%add3A_178, %dma_wait3A_179] : memref<80x64xi32, #tpu.memory_space<vmem>> -> memref<1x64xi32, #tpu.memory_space<vmem>>
      %dma_wait3A_181 = tpu.memref_squeeze %dma_wait3A_180 : memref<1x64xi32, #tpu.memory_space<vmem>> -> memref<64xi32, #tpu.memory_space<vmem>>
      %dma_wait3A_182 = arith.constant 0 : i32
      %dma_wait3A_183 = arith.constant 0 : i32
      %dma_wait3A_184 = tpu.memref_slice %arg13[%dma_wait3A_182, %dma_wait3A_183] : memref<10240x128xbf16, #tpu.memory_space<vmem_shared>> -> memref<10240x128xbf16, #tpu.memory_space<vmem_shared>>
      tpu.wait_indirect_dma semaphore(%arg15 : memref<!tpu.dma_semaphore, #tpu.memory_space<semaphore_mem>>) src(%dma_wait3A_184 : memref<10240x128xbf16, #tpu.memory_space<vmem_shared>>) dst(%arg9 : memref<64x128xbf16, #tpu.memory_space<vmem>>)
      "tpu.region"() ({
        %run_scoped3A = tpu.sem_alloc : memref<!tpu.dma_semaphore, #tpu.memory_space<semaphore_mem>>
        %dma_start3A_222 = arith.constant 0 : i32
        %dma_start3A_223 = tpu.memref_slice %arg7[%add3A_178, %dma_start3A_222] : memref<80x64xi32, #tpu.memory_space<vmem>> -> memref<1x64xi32, #tpu.memory_space<vmem>>
        %dma_start3A_224 = tpu.memref_squeeze %dma_start3A_223 : memref<1x64xi32, #tpu.memory_space<vmem>> -> memref<64xi32, #tpu.memory_space<vmem>>
        %dma_start3A_225 = arith.constant 0 : i32
        %dma_start3A_226 = arith.constant 0 : i32
        %dma_start3A_227 = tpu.memref_slice %arg12[%dma_start3A_225, %dma_start3A_226] : memref<10240x128xbf16, #tpu.memory_space<vmem_shared>> -> memref<10240x128xbf16, #tpu.memory_space<vmem_shared>>
        tpu.enqueue_indirect_dma source(%arg9 : memref<64x128xbf16, #tpu.memory_space<vmem>>) target(%dma_start3A_227 : memref<10240x128xbf16, #tpu.memory_space<vmem_shared>>) offsets(%dma_start3A_224 : memref<64xi32, #tpu.memory_space<vmem>>) semaphore(%run_scoped3A : memref<!tpu.dma_semaphore, #tpu.memory_space<semaphore_mem>>) {add = true}
        %dma_wait3A_228 = arith.constant 0 : i32
        %dma_wait3A_229 = tpu.memref_slice %arg7[%add3A_178, %dma_wait3A_228] : memref<80x64xi32, #tpu.memory_space<vmem>> -> memref<1x64xi32, #tpu.memory_space<vmem>>
        %dma_wait3A_230 = tpu.memref_squeeze %dma_wait3A_229 : memref<1x64xi32, #tpu.memory_space<vmem>> -> memref<64xi32, #tpu.memory_space<vmem>>
        %dma_wait3A_231 = arith.constant 0 : i32
        %dma_wait3A_232 = arith.constant 0 : i32
        %dma_wait3A_233 = tpu.memref_slice %arg12[%dma_wait3A_231, %dma_wait3A_232] : memref<10240x128xbf16, #tpu.memory_space<vmem_shared>> -> memref<10240x128xbf16, #tpu.memory_space<vmem_shared>>
        tpu.wait_indirect_dma semaphore(%run_scoped3A : memref<!tpu.dma_semaphore, #tpu.memory_space<semaphore_mem>>) src(%arg9 : memref<64x128xbf16, #tpu.memory_space<vmem>>) dst(%dma_wait3A_233 : memref<10240x128xbf16, #tpu.memory_space<vmem_shared>>)
        tpu.yield
      }) : () -> ()
      %add3A_185 = arith.constant 4 : i32
      %add3A_186 = arith.addi %add3A_178, %add3A_185 : i32
      %lt3A_187 = arith.constant 80 : i32
      %lt3A_188 = arith.cmpi slt, %add3A_186, %lt3A_187 : i32
      %convert_element_type3A_189 = arith.extui %lt3A_188 : i1 to i32
      %cond3A_190 = arith.constant 0 : i32
      %cond3A_191 = arith.cmpi ne, %convert_element_type3A_189, %cond3A_190 : i32
      scf.if %cond3A_191 {
        %add3A_222 = arith.constant 4 : i32
        %add3A_223 = arith.addi %add3A_178, %add3A_222 : i32
        %dma_start3A_224 = arith.constant 0 : i32
        %dma_start3A_225 = tpu.memref_slice %arg6[%add3A_223, %dma_start3A_224] : memref<80x64xi32, #tpu.memory_space<vmem>> -> memref<1x64xi32, #tpu.memory_space<vmem>>
        %dma_start3A_226 = tpu.memref_squeeze %dma_start3A_225 : memref<1x64xi32, #tpu.memory_space<vmem>> -> memref<64xi32, #tpu.memory_space<vmem>>
        %dma_start3A_227 = arith.constant 0 : i32
        %dma_start3A_228 = arith.constant 0 : i32
        %dma_start3A_229 = tpu.memref_slice %arg13[%dma_start3A_227, %dma_start3A_228] : memref<10240x128xbf16, #tpu.memory_space<vmem_shared>> -> memref<10240x128xbf16, #tpu.memory_space<vmem_shared>>
        tpu.enqueue_indirect_dma source(%dma_start3A_229 : memref<10240x128xbf16, #tpu.memory_space<vmem_shared>>) target(%arg9 : memref<64x128xbf16, #tpu.memory_space<vmem>>) offsets(%dma_start3A_226 : memref<64xi32, #tpu.memory_space<vmem>>) semaphore(%arg15 : memref<!tpu.dma_semaphore, #tpu.memory_space<semaphore_mem>>)
      } else {
      }
      %add3A_192 = arith.constant 2 : i32
      %add3A_193 = arith.addi %mul3A_165, %add3A_192 : i32
      %dma_wait3A_194 = arith.constant 0 : i32
      %dma_wait3A_195 = tpu.memref_slice %arg6[%add3A_193, %dma_wait3A_194] : memref<80x64xi32, #tpu.memory_space<vmem>> -> memref<1x64xi32, #tpu.memory_space<vmem>>
      %dma_wait3A_196 = tpu.memref_squeeze %dma_wait3A_195 : memref<1x64xi32, #tpu.memory_space<vmem>> -> memref<64xi32, #tpu.memory_space<vmem>>
      %dma_wait3A_197 = arith.constant 0 : i32
      %dma_wait3A_198 = arith.constant 0 : i32
      %dma_wait3A_199 = tpu.memref_slice %arg13[%dma_wait3A_197, %dma_wait3A_198] : memref<10240x128xbf16, #tpu.memory_space<vmem_shared>> -> memref<10240x128xbf16, #tpu.memory_space<vmem_shared>>
      tpu.wait_indirect_dma semaphore(%arg16 : memref<!tpu.dma_semaphore, #tpu.memory_space<semaphore_mem>>) src(%dma_wait3A_199 : memref<10240x128xbf16, #tpu.memory_space<vmem_shared>>) dst(%arg10 : memref<64x128xbf16, #tpu.memory_space<vmem>>)
      "tpu.region"() ({
        %run_scoped3A = tpu.sem_alloc : memref<!tpu.dma_semaphore, #tpu.memory_space<semaphore_mem>>
        %dma_start3A_222 = arith.constant 0 : i32
        %dma_start3A_223 = tpu.memref_slice %arg7[%add3A_193, %dma_start3A_222] : memref<80x64xi32, #tpu.memory_space<vmem>> -> memref<1x64xi32, #tpu.memory_space<vmem>>
        %dma_start3A_224 = tpu.memref_squeeze %dma_start3A_223 : memref<1x64xi32, #tpu.memory_space<vmem>> -> memref<64xi32, #tpu.memory_space<vmem>>
        %dma_start3A_225 = arith.constant 0 : i32
        %dma_start3A_226 = arith.constant 0 : i32
        %dma_start3A_227 = tpu.memref_slice %arg12[%dma_start3A_225, %dma_start3A_226] : memref<10240x128xbf16, #tpu.memory_space<vmem_shared>> -> memref<10240x128xbf16, #tpu.memory_space<vmem_shared>>
        tpu.enqueue_indirect_dma source(%arg10 : memref<64x128xbf16, #tpu.memory_space<vmem>>) target(%dma_start3A_227 : memref<10240x128xbf16, #tpu.memory_space<vmem_shared>>) offsets(%dma_start3A_224 : memref<64xi32, #tpu.memory_space<vmem>>) semaphore(%run_scoped3A : memref<!tpu.dma_semaphore, #tpu.memory_space<semaphore_mem>>) {add = true}
        %dma_wait3A_228 = arith.constant 0 : i32
        %dma_wait3A_229 = tpu.memref_slice %arg7[%add3A_193, %dma_wait3A_228] : memref<80x64xi32, #tpu.memory_space<vmem>> -> memref<1x64xi32, #tpu.memory_space<vmem>>
        %dma_wait3A_230 = tpu.memref_squeeze %dma_wait3A_229 : memref<1x64xi32, #tpu.memory_space<vmem>> -> memref<64xi32, #tpu.memory_space<vmem>>
        %dma_wait3A_231 = arith.constant 0 : i32
        %dma_wait3A_232 = arith.constant 0 : i32
        %dma_wait3A_233 = tpu.memref_slice %arg12[%dma_wait3A_231, %dma_wait3A_232] : memref<10240x128xbf16, #tpu.memory_space<vmem_shared>> -> memref<10240x128xbf16, #tpu.memory_space<vmem_shared>>
        tpu.wait_indirect_dma semaphore(%run_scoped3A : memref<!tpu.dma_semaphore, #tpu.memory_space<semaphore_mem>>) src(%arg10 : memref<64x128xbf16, #tpu.memory_space<vmem>>) dst(%dma_wait3A_233 : memref<10240x128xbf16, #tpu.memory_space<vmem_shared>>)
        tpu.yield
      }) : () -> ()
      %add3A_200 = arith.constant 4 : i32
      %add3A_201 = arith.addi %add3A_193, %add3A_200 : i32
      %lt3A_202 = arith.constant 80 : i32
      %lt3A_203 = arith.cmpi slt, %add3A_201, %lt3A_202 : i32
      %convert_element_type3A_204 = arith.extui %lt3A_203 : i1 to i32
      %cond3A_205 = arith.constant 0 : i32
      %cond3A_206 = arith.cmpi ne, %convert_element_type3A_204, %cond3A_205 : i32
      scf.if %cond3A_206 {
        %add3A_222 = arith.constant 4 : i32
        %add3A_223 = arith.addi %add3A_193, %add3A_222 : i32
        %dma_start3A_224 = arith.constant 0 : i32
        %dma_start3A_225 = tpu.memref_slice %arg6[%add3A_223, %dma_start3A_224] : memref<80x64xi32, #tpu.memory_space<vmem>> -> memref<1x64xi32, #tpu.memory_space<vmem>>
        %dma_start3A_226 = tpu.memref_squeeze %dma_start3A_225 : memref<1x64xi32, #tpu.memory_space<vmem>> -> memref<64xi32, #tpu.memory_space<vmem>>
        %dma_start3A_227 = arith.constant 0 : i32
        %dma_start3A_228 = arith.constant 0 : i32
        %dma_start3A_229 = tpu.memref_slice %arg13[%dma_start3A_227, %dma_start3A_228] : memref<10240x128xbf16, #tpu.memory_space<vmem_shared>> -> memref<10240x128xbf16, #tpu.memory_space<vmem_shared>>
        tpu.enqueue_indirect_dma source(%dma_start3A_229 : memref<10240x128xbf16, #tpu.memory_space<vmem_shared>>) target(%arg10 : memref<64x128xbf16, #tpu.memory_space<vmem>>) offsets(%dma_start3A_226 : memref<64xi32, #tpu.memory_space<vmem>>) semaphore(%arg16 : memref<!tpu.dma_semaphore, #tpu.memory_space<semaphore_mem>>)
      } else {
      }
      %add3A_207 = arith.constant 3 : i32
      %add3A_208 = arith.addi %mul3A_165, %add3A_207 : i32
      %dma_wait3A_209 = arith.constant 0 : i32
      %dma_wait3A_210 = tpu.memref_slice %arg6[%add3A_208, %dma_wait3A_209] : memref<80x64xi32, #tpu.memory_space<vmem>> -> memref<1x64xi32, #tpu.memory_space<vmem>>
      %dma_wait3A_211 = tpu.memref_squeeze %dma_wait3A_210 : memref<1x64xi32, #tpu.memory_space<vmem>> -> memref<64xi32, #tpu.memory_space<vmem>>
      %dma_wait3A_212 = arith.constant 0 : i32
      %dma_wait3A_213 = arith.constant 0 : i32
      %dma_wait3A_214 = tpu.memref_slice %arg13[%dma_wait3A_212, %dma_wait3A_213] : memref<10240x128xbf16, #tpu.memory_space<vmem_shared>> -> memref<10240x128xbf16, #tpu.memory_space<vmem_shared>>
      tpu.wait_indirect_dma semaphore(%arg17 : memref<!tpu.dma_semaphore, #tpu.memory_space<semaphore_mem>>) src(%dma_wait3A_214 : memref<10240x128xbf16, #tpu.memory_space<vmem_shared>>) dst(%arg11 : memref<64x128xbf16, #tpu.memory_space<vmem>>)
      "tpu.region"() ({
        %run_scoped3A = tpu.sem_alloc : memref<!tpu.dma_semaphore, #tpu.memory_space<semaphore_mem>>
        %dma_start3A_222 = arith.constant 0 : i32
        %dma_start3A_223 = tpu.memref_slice %arg7[%add3A_208, %dma_start3A_222] : memref<80x64xi32, #tpu.memory_space<vmem>> -> memref<1x64xi32, #tpu.memory_space<vmem>>
        %dma_start3A_224 = tpu.memref_squeeze %dma_start3A_223 : memref<1x64xi32, #tpu.memory_space<vmem>> -> memref<64xi32, #tpu.memory_space<vmem>>
        %dma_start3A_225 = arith.constant 0 : i32
        %dma_start3A_226 = arith.constant 0 : i32
        %dma_start3A_227 = tpu.memref_slice %arg12[%dma_start3A_225, %dma_start3A_226] : memref<10240x128xbf16, #tpu.memory_space<vmem_shared>> -> memref<10240x128xbf16, #tpu.memory_space<vmem_shared>>
        tpu.enqueue_indirect_dma source(%arg11 : memref<64x128xbf16, #tpu.memory_space<vmem>>) target(%dma_start3A_227 : memref<10240x128xbf16, #tpu.memory_space<vmem_shared>>) offsets(%dma_start3A_224 : memref<64xi32, #tpu.memory_space<vmem>>) semaphore(%run_scoped3A : memref<!tpu.dma_semaphore, #tpu.memory_space<semaphore_mem>>) {add = true}
        %dma_wait3A_228 = arith.constant 0 : i32
        %dma_wait3A_229 = tpu.memref_slice %arg7[%add3A_208, %dma_wait3A_228] : memref<80x64xi32, #tpu.memory_space<vmem>> -> memref<1x64xi32, #tpu.memory_space<vmem>>
        %dma_wait3A_230 = tpu.memref_squeeze %dma_wait3A_229 : memref<1x64xi32, #tpu.memory_space<vmem>> -> memref<64xi32, #tpu.memory_space<vmem>>
        %dma_wait3A_231 = arith.constant 0 : i32
        %dma_wait3A_232 = arith.constant 0 : i32
        %dma_wait3A_233 = tpu.memref_slice %arg12[%dma_wait3A_231, %dma_wait3A_232] : memref<10240x128xbf16, #tpu.memory_space<vmem_shared>> -> memref<10240x128xbf16, #tpu.memory_space<vmem_shared>>
        tpu.wait_indirect_dma semaphore(%run_scoped3A : memref<!tpu.dma_semaphore, #tpu.memory_space<semaphore_mem>>) src(%arg11 : memref<64x128xbf16, #tpu.memory_space<vmem>>) dst(%dma_wait3A_233 : memref<10240x128xbf16, #tpu.memory_space<vmem_shared>>)
        tpu.yield
      }) : () -> ()
      %add3A_215 = arith.constant 4 : i32
      %add3A_216 = arith.addi %add3A_208, %add3A_215 : i32
      %lt3A_217 = arith.constant 80 : i32
      %lt3A_218 = arith.cmpi slt, %add3A_216, %lt3A_217 : i32
      %convert_element_type3A_219 = arith.extui %lt3A_218 : i1 to i32
      %cond3A_220 = arith.constant 0 : i32
      %cond3A_221 = arith.cmpi ne, %convert_element_type3A_219, %cond3A_220 : i32
      scf.if %cond3A_221 {
        %add3A_222 = arith.constant 4 : i32
        %add3A_223 = arith.addi %add3A_208, %add3A_222 : i32
        %dma_start3A_224 = arith.constant 0 : i32
        %dma_start3A_225 = tpu.memref_slice %arg6[%add3A_223, %dma_start3A_224] : memref<80x64xi32, #tpu.memory_space<vmem>> -> memref<1x64xi32, #tpu.memory_space<vmem>>
        %dma_start3A_226 = tpu.memref_squeeze %dma_start3A_225 : memref<1x64xi32, #tpu.memory_space<vmem>> -> memref<64xi32, #tpu.memory_space<vmem>>
        %dma_start3A_227 = arith.constant 0 : i32
        %dma_start3A_228 = arith.constant 0 : i32
        %dma_start3A_229 = tpu.memref_slice %arg13[%dma_start3A_227, %dma_start3A_228] : memref<10240x128xbf16, #tpu.memory_space<vmem_shared>> -> memref<10240x128xbf16, #tpu.memory_space<vmem_shared>>
        tpu.enqueue_indirect_dma source(%dma_start3A_229 : memref<10240x128xbf16, #tpu.memory_space<vmem_shared>>) target(%arg11 : memref<64x128xbf16, #tpu.memory_space<vmem>>) offsets(%dma_start3A_226 : memref<64xi32, #tpu.memory_space<vmem>>) semaphore(%arg17 : memref<!tpu.dma_semaphore, #tpu.memory_space<semaphore_mem>>)
      } else {
      }
    }
    %scan3A_141 = arith.constant 20 : i32
    %barrier3A_142 = arith.constant 0 : index
    tpu.barrier barrier_id(%barrier3A_142)
    %mul3A_143 = arith.constant 640 : i32
    %mul3A_144 = arith.muli %arg1, %mul3A_143 : i32
    %add3A_145 = arith.constant 0 : i32
    %add3A_146 = arith.addi %mul3A_144, %add3A_145 : i32
    "tpu.region"() ({
      %run_scoped3A = tpu.sem_alloc : memref<!tpu.dma_semaphore, #tpu.memory_space<semaphore_mem>>
      %dma_start3A_163 = arith.constant 0 : i32
      %dma_start3A_164 = tpu.memref_slice %arg5[%arg0, %add3A_146, %dma_start3A_163] : memref<2x10240x128xbf16, #tpu.memory_space<hbm>> -> memref<1x128x128xbf16, #tpu.memory_space<hbm>>
      %dma_start3A_165 = tpu.memref_squeeze %dma_start3A_164 : memref<1x128x128xbf16, #tpu.memory_space<hbm>> -> memref<128x128xbf16, #tpu.memory_space<hbm>>
      %dma_start3A_166 = arith.constant 0 : i32
      %dma_start3A_167 = tpu.memref_slice %arg12[%add3A_146, %dma_start3A_166] : memref<10240x128xbf16, #tpu.memory_space<vmem_shared>> -> memref<128x128xbf16, #tpu.memory_space<vmem_shared>>
      tpu.enqueue_dma source(%dma_start3A_167 : memref<128x128xbf16, #tpu.memory_space<vmem_shared>>) target(%dma_start3A_165 : memref<128x128xbf16, #tpu.memory_space<hbm>>) target_semaphore(%run_scoped3A : memref<!tpu.dma_semaphore, #tpu.memory_space<semaphore_mem>>)
      %dma_wait3A = arith.constant 0 : i32
      %dma_wait3A_168 = tpu.memref_slice %arg5[%arg0, %add3A_146, %dma_wait3A] : memref<2x10240x128xbf16, #tpu.memory_space<hbm>> -> memref<1x128x128xbf16, #tpu.memory_space<hbm>>
      %dma_wait3A_169 = tpu.memref_squeeze %dma_wait3A_168 : memref<1x128x128xbf16, #tpu.memory_space<hbm>> -> memref<128x128xbf16, #tpu.memory_space<hbm>>
      %dma_wait3A_170 = arith.constant 0 : i32
      %dma_wait3A_171 = tpu.memref_slice %arg12[%add3A_146, %dma_wait3A_170] : memref<10240x128xbf16, #tpu.memory_space<vmem_shared>> -> memref<128x128xbf16, #tpu.memory_space<vmem_shared>>
      tpu.wait_dma2 semaphore(%run_scoped3A : memref<!tpu.dma_semaphore, #tpu.memory_space<semaphore_mem>>) src(%dma_wait3A_171 : memref<128x128xbf16, #tpu.memory_space<vmem_shared>>) dst(%dma_wait3A_169 : memref<128x128xbf16, #tpu.memory_space<hbm>>)
      tpu.yield
    }) : () -> ()
    %mul3A_147 = arith.constant 640 : i32
    %mul3A_148 = arith.muli %arg1, %mul3A_147 : i32
    %add3A_149 = arith.constant 128 : i32
    %add3A_150 = arith.addi %mul3A_148, %add3A_149 : i32
    "tpu.region"() ({
      %run_scoped3A = tpu.sem_alloc : memref<!tpu.dma_semaphore, #tpu.memory_space<semaphore_mem>>
      %dma_start3A_163 = arith.constant 0 : i32
      %dma_start3A_164 = tpu.memref_slice %arg5[%arg0, %add3A_150, %dma_start3A_163] : memref<2x10240x128xbf16, #tpu.memory_space<hbm>> -> memref<1x128x128xbf16, #tpu.memory_space<hbm>>
      %dma_start3A_165 = tpu.memref_squeeze %dma_start3A_164 : memref<1x128x128xbf16, #tpu.memory_space<hbm>> -> memref<128x128xbf16, #tpu.memory_space<hbm>>
      %dma_start3A_166 = arith.constant 0 : i32
      %dma_start3A_167 = tpu.memref_slice %arg12[%add3A_150, %dma_start3A_166] : memref<10240x128xbf16, #tpu.memory_space<vmem_shared>> -> memref<128x128xbf16, #tpu.memory_space<vmem_shared>>
      tpu.enqueue_dma source(%dma_start3A_167 : memref<128x128xbf16, #tpu.memory_space<vmem_shared>>) target(%dma_start3A_165 : memref<128x128xbf16, #tpu.memory_space<hbm>>) target_semaphore(%run_scoped3A : memref<!tpu.dma_semaphore, #tpu.memory_space<semaphore_mem>>)
      %dma_wait3A = arith.constant 0 : i32
      %dma_wait3A_168 = tpu.memref_slice %arg5[%arg0, %add3A_150, %dma_wait3A] : memref<2x10240x128xbf16, #tpu.memory_space<hbm>> -> memref<1x128x128xbf16, #tpu.memory_space<hbm>>
      %dma_wait3A_169 = tpu.memref_squeeze %dma_wait3A_168 : memref<1x128x128xbf16, #tpu.memory_space<hbm>> -> memref<128x128xbf16, #tpu.memory_space<hbm>>
      %dma_wait3A_170 = arith.constant 0 : i32
      %dma_wait3A_171 = tpu.memref_slice %arg12[%add3A_150, %dma_wait3A_170] : memref<10240x128xbf16, #tpu.memory_space<vmem_shared>> -> memref<128x128xbf16, #tpu.memory_space<vmem_shared>>
      tpu.wait_dma2 semaphore(%run_scoped3A : memref<!tpu.dma_semaphore, #tpu.memory_space<semaphore_mem>>) src(%dma_wait3A_171 : memref<128x128xbf16, #tpu.memory_space<vmem_shared>>) dst(%dma_wait3A_169 : memref<128x128xbf16, #tpu.memory_space<hbm>>)
      tpu.yield
    }) : () -> ()
    %mul3A_151 = arith.constant 640 : i32
    %mul3A_152 = arith.muli %arg1, %mul3A_151 : i32
    %add3A_153 = arith.constant 256 : i32
    %add3A_154 = arith.addi %mul3A_152, %add3A_153 : i32
    "tpu.region"() ({
      %run_scoped3A = tpu.sem_alloc : memref<!tpu.dma_semaphore, #tpu.memory_space<semaphore_mem>>
      %dma_start3A_163 = arith.constant 0 : i32
      %dma_start3A_164 = tpu.memref_slice %arg5[%arg0, %add3A_154, %dma_start3A_163] : memref<2x10240x128xbf16, #tpu.memory_space<hbm>> -> memref<1x128x128xbf16, #tpu.memory_space<hbm>>
      %dma_start3A_165 = tpu.memref_squeeze %dma_start3A_164 : memref<1x128x128xbf16, #tpu.memory_space<hbm>> -> memref<128x128xbf16, #tpu.memory_space<hbm>>
      %dma_start3A_166 = arith.constant 0 : i32
      %dma_start3A_167 = tpu.memref_slice %arg12[%add3A_154, %dma_start3A_166] : memref<10240x128xbf16, #tpu.memory_space<vmem_shared>> -> memref<128x128xbf16, #tpu.memory_space<vmem_shared>>
      tpu.enqueue_dma source(%dma_start3A_167 : memref<128x128xbf16, #tpu.memory_space<vmem_shared>>) target(%dma_start3A_165 : memref<128x128xbf16, #tpu.memory_space<hbm>>) target_semaphore(%run_scoped3A : memref<!tpu.dma_semaphore, #tpu.memory_space<semaphore_mem>>)
      %dma_wait3A = arith.constant 0 : i32
      %dma_wait3A_168 = tpu.memref_slice %arg5[%arg0, %add3A_154, %dma_wait3A] : memref<2x10240x128xbf16, #tpu.memory_space<hbm>> -> memref<1x128x128xbf16, #tpu.memory_space<hbm>>
      %dma_wait3A_169 = tpu.memref_squeeze %dma_wait3A_168 : memref<1x128x128xbf16, #tpu.memory_space<hbm>> -> memref<128x128xbf16, #tpu.memory_space<hbm>>
      %dma_wait3A_170 = arith.constant 0 : i32
      %dma_wait3A_171 = tpu.memref_slice %arg12[%add3A_154, %dma_wait3A_170] : memref<10240x128xbf16, #tpu.memory_space<vmem_shared>> -> memref<128x128xbf16, #tpu.memory_space<vmem_shared>>
      tpu.wait_dma2 semaphore(%run_scoped3A : memref<!tpu.dma_semaphore, #tpu.memory_space<semaphore_mem>>) src(%dma_wait3A_171 : memref<128x128xbf16, #tpu.memory_space<vmem_shared>>) dst(%dma_wait3A_169 : memref<128x128xbf16, #tpu.memory_space<hbm>>)
      tpu.yield
    }) : () -> ()
    %mul3A_155 = arith.constant 640 : i32
    %mul3A_156 = arith.muli %arg1, %mul3A_155 : i32
    %add3A_157 = arith.constant 384 : i32
    %add3A_158 = arith.addi %mul3A_156, %add3A_157 : i32
    "tpu.region"() ({
      %run_scoped3A = tpu.sem_alloc : memref<!tpu.dma_semaphore, #tpu.memory_space<semaphore_mem>>
      %dma_start3A_163 = arith.constant 0 : i32
      %dma_start3A_164 = tpu.memref_slice %arg5[%arg0, %add3A_158, %dma_start3A_163] : memref<2x10240x128xbf16, #tpu.memory_space<hbm>> -> memref<1x128x128xbf16, #tpu.memory_space<hbm>>
      %dma_start3A_165 = tpu.memref_squeeze %dma_start3A_164 : memref<1x128x128xbf16, #tpu.memory_space<hbm>> -> memref<128x128xbf16, #tpu.memory_space<hbm>>
      %dma_start3A_166 = arith.constant 0 : i32
      %dma_start3A_167 = tpu.memref_slice %arg12[%add3A_158, %dma_start3A_166] : memref<10240x128xbf16, #tpu.memory_space<vmem_shared>> -> memref<128x128xbf16, #tpu.memory_space<vmem_shared>>
      tpu.enqueue_dma source(%dma_start3A_167 : memref<128x128xbf16, #tpu.memory_space<vmem_shared>>) target(%dma_start3A_165 : memref<128x128xbf16, #tpu.memory_space<hbm>>) target_semaphore(%run_scoped3A : memref<!tpu.dma_semaphore, #tpu.memory_space<semaphore_mem>>)
      %dma_wait3A = arith.constant 0 : i32
      %dma_wait3A_168 = tpu.memref_slice %arg5[%arg0, %add3A_158, %dma_wait3A] : memref<2x10240x128xbf16, #tpu.memory_space<hbm>> -> memref<1x128x128xbf16, #tpu.memory_space<hbm>>
      %dma_wait3A_169 = tpu.memref_squeeze %dma_wait3A_168 : memref<1x128x128xbf16, #tpu.memory_space<hbm>> -> memref<128x128xbf16, #tpu.memory_space<hbm>>
      %dma_wait3A_170 = arith.constant 0 : i32
      %dma_wait3A_171 = tpu.memref_slice %arg12[%add3A_158, %dma_wait3A_170] : memref<10240x128xbf16, #tpu.memory_space<vmem_shared>> -> memref<128x128xbf16, #tpu.memory_space<vmem_shared>>
      tpu.wait_dma2 semaphore(%run_scoped3A : memref<!tpu.dma_semaphore, #tpu.memory_space<semaphore_mem>>) src(%dma_wait3A_171 : memref<128x128xbf16, #tpu.memory_space<vmem_shared>>) dst(%dma_wait3A_169 : memref<128x128xbf16, #tpu.memory_space<hbm>>)
      tpu.yield
    }) : () -> ()
    %mul3A_159 = arith.constant 640 : i32
    %mul3A_160 = arith.muli %arg1, %mul3A_159 : i32
    %add3A_161 = arith.constant 512 : i32
    %add3A_162 = arith.addi %mul3A_160, %add3A_161 : i32
    "tpu.region"() ({
      %run_scoped3A = tpu.sem_alloc : memref<!tpu.dma_semaphore, #tpu.memory_space<semaphore_mem>>
      %dma_start3A_163 = arith.constant 0 : i32
      %dma_start3A_164 = tpu.memref_slice %arg5[%arg0, %add3A_162, %dma_start3A_163] : memref<2x10240x128xbf16, #tpu.memory_space<hbm>> -> memref<1x128x128xbf16, #tpu.memory_space<hbm>>
      %dma_start3A_165 = tpu.memref_squeeze %dma_start3A_164 : memref<1x128x128xbf16, #tpu.memory_space<hbm>> -> memref<128x128xbf16, #tpu.memory_space<hbm>>
      %dma_start3A_166 = arith.constant 0 : i32
      %dma_start3A_167 = tpu.memref_slice %arg12[%add3A_162, %dma_start3A_166] : memref<10240x128xbf16, #tpu.memory_space<vmem_shared>> -> memref<128x128xbf16, #tpu.memory_space<vmem_shared>>
      tpu.enqueue_dma source(%dma_start3A_167 : memref<128x128xbf16, #tpu.memory_space<vmem_shared>>) target(%dma_start3A_165 : memref<128x128xbf16, #tpu.memory_space<hbm>>) target_semaphore(%run_scoped3A : memref<!tpu.dma_semaphore, #tpu.memory_space<semaphore_mem>>)
      %dma_wait3A = arith.constant 0 : i32
      %dma_wait3A_168 = tpu.memref_slice %arg5[%arg0, %add3A_162, %dma_wait3A] : memref<2x10240x128xbf16, #tpu.memory_space<hbm>> -> memref<1x128x128xbf16, #tpu.memory_space<hbm>>
      %dma_wait3A_169 = tpu.memref_squeeze %dma_wait3A_168 : memref<1x128x128xbf16, #tpu.memory_space<hbm>> -> memref<128x128xbf16, #tpu.memory_space<hbm>>
      %dma_wait3A_170 = arith.constant 0 : i32
      %dma_wait3A_171 = tpu.memref_slice %arg12[%add3A_162, %dma_wait3A_170] : memref<10240x128xbf16, #tpu.memory_space<vmem_shared>> -> memref<128x128xbf16, #tpu.memory_space<vmem_shared>>
      tpu.wait_dma2 semaphore(%run_scoped3A : memref<!tpu.dma_semaphore, #tpu.memory_space<semaphore_mem>>) src(%dma_wait3A_171 : memref<128x128xbf16, #tpu.memory_space<vmem_shared>>) dst(%dma_wait3A_169 : memref<128x128xbf16, #tpu.memory_space<hbm>>)
      tpu.yield
    }) : () -> ()
    return
  }
}

module attributes {stable_mosaic.version = 14 : i64} {
  func.func @body(%arg0: i32, %arg1: memref<1000x128xf32, #tpu.memory_space<vmem>>, %arg2: memref<1x1000x128xbf16, #tpu.memory_space<vmem>>, %arg3: memref<1x1000x128xbf16, #tpu.memory_space<vmem>>, %arg4: memref<1x1000x128xf32, #tpu.memory_space<vmem>>, %arg5: memref<1x1000x128xf32, #tpu.memory_space<vmem>>, %arg6: memref<128x128xf32, #tpu.memory_space<vmem>>, %arg7: memref<128x128xf32, #tpu.memory_space<vmem>>, %arg8: memref<1x128xf32, #tpu.memory_space<vmem>>, %arg9: memref<1000x128xf32, #tpu.memory_space<vmem>>) attributes {dimension_semantics = [#tpu.dimension_semantics<arbitrary>], iteration_bounds = array<i64: 10>, scalar_prefetch = 0 : i64, scratch_operands = 0 : i64, tpu.core_type = #tpu.core_type<tc>, window_params = [{transform_indices = @transform_0, window_bounds = array<i64: 1000, 128>}, {transform_indices = @transform_1, window_bounds = array<i64: 1, 1000, 128>}, {transform_indices = @transform_2, window_bounds = array<i64: 1, 1000, 128>}, {transform_indices = @transform_3, window_bounds = array<i64: 1, 1000, 128>}, {transform_indices = @transform_4, window_bounds = array<i64: 1, 1000, 128>}, {pipeline_mode = #tpu.pipeline_mode<synchronous>, transform_indices = @transform_5, window_bounds = array<i64: 128, 128>}, {pipeline_mode = #tpu.pipeline_mode<synchronous>, transform_indices = @transform_6, window_bounds = array<i64: 128, 128>}, {pipeline_mode = #tpu.pipeline_mode<synchronous>, transform_indices = @transform_7, window_bounds = array<i64: 1, 128>}, {transform_indices = @transform_8, window_bounds = array<i64: 1000, 128>}]} {
    %get3A = arith.constant 0 : index
    %get3A_0 = arith.constant 0 : index
    %get3A_1 = arith.constant 0 : index
    %get3A_2 = vector.load %arg4[%get3A, %get3A_0, %get3A_1] : memref<1x1000x128xf32, #tpu.memory_space<vmem>>, vector<1x1000x128xf32>
    %get3A_3 = vector.shape_cast %get3A_2 : vector<1x1000x128xf32> to vector<1000x128xf32>
    %get3A_4 = arith.constant 0 : index
    %get3A_5 = arith.constant 0 : index
    %get3A_6 = arith.constant 0 : index
    %get3A_7 = vector.load %arg5[%get3A_4, %get3A_5, %get3A_6] : memref<1x1000x128xf32, #tpu.memory_space<vmem>>, vector<1x1000x128xf32>
    %get3A_8 = vector.shape_cast %get3A_7 : vector<1x1000x128xf32> to vector<1000x128xf32>
    %add3A = arith.addf %get3A_3, %get3A_8 : vector<1000x128xf32>
    %slice3A = vector.extract_strided_slice %add3A {offsets = [0, 0], sizes = [1000, 1], strides = [1, 1]} : vector<1000x128xf32> to vector<1000x1xf32>
    %max3A = arith.constant 1.000000e+00 : f32
    %max3A_9 = vector.broadcast %max3A : f32 to vector<1000x1xf32>
    %max3A_10 = arith.maximumf %slice3A, %max3A_9 : vector<1000x1xf32>
    %div3A = arith.constant 1.000000e+00 : f32
    %div3A_11 = vector.broadcast %div3A : f32 to vector<1000x1xf32>
    %div3A_12 = arith.divf %div3A_11, %max3A_10 : vector<1000x1xf32>
    %get3A_13 = arith.constant 0 : index
    %get3A_14 = arith.constant 0 : index
    %get3A_15 = arith.constant 0 : index
    %get3A_16 = vector.load %arg2[%get3A_13, %get3A_14, %get3A_15] : memref<1x1000x128xbf16, #tpu.memory_space<vmem>>, vector<1x1000x128xbf16>
    %get3A_17 = vector.shape_cast %get3A_16 : vector<1x1000x128xbf16> to vector<1000x128xbf16>
    %convert_element_type3A = arith.extf %get3A_17 : vector<1000x128xbf16> to vector<1000x128xf32>
    %get3A_18 = arith.constant 0 : index
    %get3A_19 = arith.constant 0 : index
    %get3A_20 = arith.constant 0 : index
    %get3A_21 = vector.load %arg3[%get3A_18, %get3A_19, %get3A_20] : memref<1x1000x128xbf16, #tpu.memory_space<vmem>>, vector<1x1000x128xbf16>
    %get3A_22 = vector.shape_cast %get3A_21 : vector<1x1000x128xbf16> to vector<1000x128xbf16>
    %convert_element_type3A_23 = arith.extf %get3A_22 : vector<1000x128xbf16> to vector<1000x128xf32>
    %add3A_24 = arith.addf %convert_element_type3A, %convert_element_type3A_23 : vector<1000x128xf32>
    %mul3A = vector.broadcast %div3A_12 : vector<1000x1xf32> to vector<1000x128xf32>
    %mul3A_25 = arith.mulf %add3A_24, %mul3A : vector<1000x128xf32>
    %get3A_26 = arith.constant 0 : index
    %get3A_27 = arith.constant 0 : index
    %get3A_28 = vector.load %arg1[%get3A_26, %get3A_27] : memref<1000x128xf32, #tpu.memory_space<vmem>>, vector<1000x128xf32>
    %get3A_29 = arith.constant 0 : index
    %get3A_30 = arith.constant 0 : index
    %get3A_31 = vector.load %arg6[%get3A_29, %get3A_30] : memref<128x128xf32, #tpu.memory_space<vmem>>, vector<128x128xf32>
    %dot_general3A = arith.constant dense<0.000000e+00> : vector<1000x128xf32>
    %dot_general3A_32 = tpu.matmul %get3A_28, %get3A_31, %dot_general3A {dimension_numbers = #tpu.dot_dimension_numbers<[1], [0], [0], [1], [0, 0, 1, 1], [], []>, transpose_lhs_hint = false} : vector<1000x128xf32>, vector<128x128xf32>, vector<1000x128xf32> -> vector<1000x128xf32>
    %get3A_33 = arith.constant 0 : index
    %get3A_34 = arith.constant 0 : index
    %get3A_35 = vector.load %arg7[%get3A_33, %get3A_34] : memref<128x128xf32, #tpu.memory_space<vmem>>, vector<128x128xf32>
    %dot_general3A_36 = arith.constant dense<0.000000e+00> : vector<1000x128xf32>
    %dot_general3A_37 = tpu.matmul %mul3A_25, %get3A_35, %dot_general3A_36 {dimension_numbers = #tpu.dot_dimension_numbers<[1], [0], [0], [1], [0, 0, 1, 1], [], []>, transpose_lhs_hint = false} : vector<1000x128xf32>, vector<128x128xf32>, vector<1000x128xf32> -> vector<1000x128xf32>
    %add3A_38 = arith.addf %dot_general3A_32, %dot_general3A_37 : vector<1000x128xf32>
    %get3A_39 = arith.constant 0 : index
    %get3A_40 = arith.constant 0 : index
    %get3A_41 = vector.load %arg8[%get3A_39, %get3A_40] : memref<1x128xf32, #tpu.memory_space<vmem>>, vector<1x128xf32>
    %add3A_42 = vector.broadcast %get3A_41 : vector<1x128xf32> to vector<1000x128xf32>
    %add3A_43 = arith.addf %add3A_38, %add3A_42 : vector<1000x128xf32>
    %max3A_44 = arith.constant 0.000000e+00 : f32
    %max3A_45 = vector.broadcast %max3A_44 : f32 to vector<1000x128xf32>
    %max3A_46 = arith.maximumf %add3A_43, %max3A_45 : vector<1000x128xf32>
    %swap3A = arith.constant 0 : index
    %swap3A_47 = arith.constant 0 : index
    %swap3A_48 = vector.load %arg9[%swap3A, %swap3A_47] : memref<1000x128xf32, #tpu.memory_space<vmem>>, vector<1000x128xf32>
    tpu.vector_store %arg9[%swap3A, %swap3A_47], %max3A_46 {strides = array<i32>} : memref<1000x128xf32, #tpu.memory_space<vmem>>, vector<1000x128xf32>,
    return
  }
  func.func @transform_0(%arg0: i32) -> (i32, i32) {
    %c0_i32 = arith.constant 0 : i32
    %c0_i32_0 = arith.constant 0 : i32
    return %arg0, %c0_i32 : i32, i32
  }
  func.func @transform_1(%arg0: i32) -> (i32, i32, i32) {
    %c0_i32 = arith.constant 0 : i32
    %c0_i32_0 = arith.constant 0 : i32
    %c0_i32_1 = arith.constant 0 : i32
    return %c0_i32, %arg0, %c0_i32_0 : i32, i32, i32
  }
  func.func @transform_2(%arg0: i32) -> (i32, i32, i32) {
    %c1_i32 = arith.constant 1 : i32
    %c0_i32 = arith.constant 0 : i32
    %c0_i32_0 = arith.constant 0 : i32
    return %c1_i32, %arg0, %c0_i32 : i32, i32, i32
  }
  func.func @transform_3(%arg0: i32) -> (i32, i32, i32) {
    %c0_i32 = arith.constant 0 : i32
    %c0_i32_0 = arith.constant 0 : i32
    %c0_i32_1 = arith.constant 0 : i32
    return %c0_i32, %arg0, %c0_i32_0 : i32, i32, i32
  }
  func.func @transform_4(%arg0: i32) -> (i32, i32, i32) {
    %c1_i32 = arith.constant 1 : i32
    %c0_i32 = arith.constant 0 : i32
    %c0_i32_0 = arith.constant 0 : i32
    return %c1_i32, %arg0, %c0_i32 : i32, i32, i32
  }
  func.func @transform_5(%arg0: i32) -> (i32, i32) {
    %c0_i32 = arith.constant 0 : i32
    %c0_i32_0 = arith.constant 0 : i32
    %c0_i32_1 = arith.constant 0 : i32
    return %c0_i32, %c0_i32_0 : i32, i32
  }
  func.func @transform_6(%arg0: i32) -> (i32, i32) {
    %c0_i32 = arith.constant 0 : i32
    %c0_i32_0 = arith.constant 0 : i32
    %c0_i32_1 = arith.constant 0 : i32
    return %c0_i32, %c0_i32_0 : i32, i32
  }
  func.func @transform_7(%arg0: i32) -> (i32, i32) {
    %c0_i32 = arith.constant 0 : i32
    %c0_i32_0 = arith.constant 0 : i32
    %c0_i32_1 = arith.constant 0 : i32
    return %c0_i32, %c0_i32_0 : i32, i32
  }
  func.func @transform_8(%arg0: i32) -> (i32, i32) {
    %c0_i32 = arith.constant 0 : i32
    %c0_i32_0 = arith.constant 0 : i32
    return %arg0, %c0_i32 : i32, i32
  }
}

module attributes {stable_mosaic.version = 14 : i64} {
  func.func @body(%arg0: i32, %arg1: memref<1000x128xf32, #tpu.memory_space<vmem>>, %arg2: memref<1x1000x128xbf16, #tpu.memory_space<vmem>>, %arg3: memref<1x1000x128xbf16, #tpu.memory_space<vmem>>, %arg4: memref<1x1000x128xf32, #tpu.memory_space<vmem>>, %arg5: memref<1x1000x128xf32, #tpu.memory_space<vmem>>, %arg6: memref<128x128xf32, #tpu.memory_space<vmem>>, %arg7: memref<128x128xf32, #tpu.memory_space<vmem>>, %arg8: memref<1x128xf32, #tpu.memory_space<vmem>>, %arg9: memref<1000x128xf32, #tpu.memory_space<vmem>>) attributes {dimension_semantics = [#tpu.dimension_semantics<arbitrary>], iteration_bounds = array<i64: 10>, scalar_prefetch = 0 : i64, scratch_operands = 0 : i64, tpu.core_type = #tpu.core_type<tc>, window_params = [{transform_indices = @transform_0, window_bounds = array<i64: 1000, 128>}, {transform_indices = @transform_1, window_bounds = array<i64: 1, 1000, 128>}, {transform_indices = @transform_2, window_bounds = array<i64: 1, 1000, 128>}, {transform_indices = @transform_3, window_bounds = array<i64: 1, 1000, 128>}, {transform_indices = @transform_4, window_bounds = array<i64: 1, 1000, 128>}, {pipeline_mode = #tpu.pipeline_mode<synchronous>, transform_indices = @transform_5, window_bounds = array<i64: 128, 128>}, {pipeline_mode = #tpu.pipeline_mode<synchronous>, transform_indices = @transform_6, window_bounds = array<i64: 128, 128>}, {pipeline_mode = #tpu.pipeline_mode<synchronous>, transform_indices = @transform_7, window_bounds = array<i64: 1, 128>}, {transform_indices = @transform_8, window_bounds = array<i64: 1000, 128>}]} {
    %get3A = arith.constant 0 : index
    %get3A_0 = arith.constant 0 : index
    %get3A_1 = arith.constant 0 : index
    %get3A_2 = vector.load %arg4[%get3A, %get3A_0, %get3A_1] : memref<1x1000x128xf32, #tpu.memory_space<vmem>>, vector<1x1000x128xf32>
    %get3A_3 = vector.shape_cast %get3A_2 : vector<1x1000x128xf32> to vector<1000x128xf32>
    %get3A_4 = arith.constant 0 : index
    %get3A_5 = arith.constant 0 : index
    %get3A_6 = arith.constant 0 : index
    %get3A_7 = vector.load %arg5[%get3A_4, %get3A_5, %get3A_6] : memref<1x1000x128xf32, #tpu.memory_space<vmem>>, vector<1x1000x128xf32>
    %get3A_8 = vector.shape_cast %get3A_7 : vector<1x1000x128xf32> to vector<1000x128xf32>
    %add3A = arith.addf %get3A_3, %get3A_8 : vector<1000x128xf32>
    %slice3A = vector.extract_strided_slice %add3A {offsets = [0, 0], sizes = [1000, 1], strides = [1, 1]} : vector<1000x128xf32> to vector<1000x1xf32>
    %max3A = arith.constant 1.000000e+00 : f32
    %max3A_9 = vector.broadcast %max3A : f32 to vector<1000x1xf32>
    %max3A_10 = arith.maximumf %slice3A, %max3A_9 : vector<1000x1xf32>
    %div3A = arith.constant 1.000000e+00 : f32
    %div3A_11 = vector.broadcast %div3A : f32 to vector<1000x1xf32>
    %div3A_12 = arith.divf %div3A_11, %max3A_10 : vector<1000x1xf32>
    %get3A_13 = arith.constant 0 : index
    %get3A_14 = arith.constant 0 : index
    %get3A_15 = arith.constant 0 : index
    %get3A_16 = vector.load %arg2[%get3A_13, %get3A_14, %get3A_15] : memref<1x1000x128xbf16, #tpu.memory_space<vmem>>, vector<1x1000x128xbf16>
    %get3A_17 = vector.shape_cast %get3A_16 : vector<1x1000x128xbf16> to vector<1000x128xbf16>
    %convert_element_type3A = arith.extf %get3A_17 : vector<1000x128xbf16> to vector<1000x128xf32>
    %get3A_18 = arith.constant 0 : index
    %get3A_19 = arith.constant 0 : index
    %get3A_20 = arith.constant 0 : index
    %get3A_21 = vector.load %arg3[%get3A_18, %get3A_19, %get3A_20] : memref<1x1000x128xbf16, #tpu.memory_space<vmem>>, vector<1x1000x128xbf16>
    %get3A_22 = vector.shape_cast %get3A_21 : vector<1x1000x128xbf16> to vector<1000x128xbf16>
    %convert_element_type3A_23 = arith.extf %get3A_22 : vector<1000x128xbf16> to vector<1000x128xf32>
    %add3A_24 = arith.addf %convert_element_type3A, %convert_element_type3A_23 : vector<1000x128xf32>
    %mul3A = vector.broadcast %div3A_12 : vector<1000x1xf32> to vector<1000x128xf32>
    %mul3A_25 = arith.mulf %add3A_24, %mul3A : vector<1000x128xf32>
    %get3A_26 = arith.constant 0 : index
    %get3A_27 = arith.constant 0 : index
    %get3A_28 = vector.load %arg1[%get3A_26, %get3A_27] : memref<1000x128xf32, #tpu.memory_space<vmem>>, vector<1000x128xf32>
    %get3A_29 = arith.constant 0 : index
    %get3A_30 = arith.constant 0 : index
    %get3A_31 = vector.load %arg6[%get3A_29, %get3A_30] : memref<128x128xf32, #tpu.memory_space<vmem>>, vector<128x128xf32>
    %dot_general3A = arith.constant dense<0.000000e+00> : vector<1000x128xf32>
    %dot_general3A_32 = tpu.matmul %get3A_28, %get3A_31, %dot_general3A {dimension_numbers = #tpu.dot_dimension_numbers<[1], [0], [0], [1], [0, 0, 1, 1], [], []>, transpose_lhs_hint = false} : vector<1000x128xf32>, vector<128x128xf32>, vector<1000x128xf32> -> vector<1000x128xf32>
    %get3A_33 = arith.constant 0 : index
    %get3A_34 = arith.constant 0 : index
    %get3A_35 = vector.load %arg7[%get3A_33, %get3A_34] : memref<128x128xf32, #tpu.memory_space<vmem>>, vector<128x128xf32>
    %dot_general3A_36 = arith.constant dense<0.000000e+00> : vector<1000x128xf32>
    %dot_general3A_37 = tpu.matmul %mul3A_25, %get3A_35, %dot_general3A_36 {dimension_numbers = #tpu.dot_dimension_numbers<[1], [0], [0], [1], [0, 0, 1, 1], [], []>, transpose_lhs_hint = false} : vector<1000x128xf32>, vector<128x128xf32>, vector<1000x128xf32> -> vector<1000x128xf32>
    %add3A_38 = arith.addf %dot_general3A_32, %dot_general3A_37 : vector<1000x128xf32>
    %get3A_39 = arith.constant 0 : index
    %get3A_40 = arith.constant 0 : index
    %get3A_41 = vector.load %arg8[%get3A_39, %get3A_40] : memref<1x128xf32, #tpu.memory_space<vmem>>, vector<1x128xf32>
    %add3A_42 = vector.broadcast %get3A_41 : vector<1x128xf32> to vector<1000x128xf32>
    %add3A_43 = arith.addf %add3A_38, %add3A_42 : vector<1000x128xf32>
    %swap3A = arith.constant 0 : index
    %swap3A_44 = arith.constant 0 : index
    %swap3A_45 = vector.load %arg9[%swap3A, %swap3A_44] : memref<1000x128xf32, #tpu.memory_space<vmem>>, vector<1000x128xf32>
    tpu.vector_store %arg9[%swap3A, %swap3A_44], %add3A_43 {strides = array<i32>} : memref<1000x128xf32, #tpu.memory_space<vmem>>, vector<1000x128xf32>,
    return
  }
  func.func @transform_0(%arg0: i32) -> (i32, i32) {
    %c0_i32 = arith.constant 0 : i32
    %c0_i32_0 = arith.constant 0 : i32
    return %arg0, %c0_i32 : i32, i32
  }
  func.func @transform_1(%arg0: i32) -> (i32, i32, i32) {
    %c0_i32 = arith.constant 0 : i32
    %c0_i32_0 = arith.constant 0 : i32
    %c0_i32_1 = arith.constant 0 : i32
    return %c0_i32, %arg0, %c0_i32_0 : i32, i32, i32
  }
  func.func @transform_2(%arg0: i32) -> (i32, i32, i32) {
    %c1_i32 = arith.constant 1 : i32
    %c0_i32 = arith.constant 0 : i32
    %c0_i32_0 = arith.constant 0 : i32
    return %c1_i32, %arg0, %c0_i32 : i32, i32, i32
  }
  func.func @transform_3(%arg0: i32) -> (i32, i32, i32) {
    %c0_i32 = arith.constant 0 : i32
    %c0_i32_0 = arith.constant 0 : i32
    %c0_i32_1 = arith.constant 0 : i32
    return %c0_i32, %arg0, %c0_i32_0 : i32, i32, i32
  }
  func.func @transform_4(%arg0: i32) -> (i32, i32, i32) {
    %c1_i32 = arith.constant 1 : i32
    %c0_i32 = arith.constant 0 : i32
    %c0_i32_0 = arith.constant 0 : i32
    return %c1_i32, %arg0, %c0_i32 : i32, i32, i32
  }
  func.func @transform_5(%arg0: i32) -> (i32, i32) {
    %c0_i32 = arith.constant 0 : i32
    %c0_i32_0 = arith.constant 0 : i32
    %c0_i32_1 = arith.constant 0 : i32
    return %c0_i32, %c0_i32_0 : i32, i32
  }
  func.func @transform_6(%arg0: i32) -> (i32, i32) {
    %c0_i32 = arith.constant 0 : i32
    %c0_i32_0 = arith.constant 0 : i32
    %c0_i32_1 = arith.constant 0 : i32
    return %c0_i32, %c0_i32_0 : i32, i32
  }
  func.func @transform_7(%arg0: i32) -> (i32, i32) {
    %c0_i32 = arith.constant 0 : i32
    %c0_i32_0 = arith.constant 0 : i32
    %c0_i32_1 = arith.constant 0 : i32
    return %c0_i32, %c0_i32_0 : i32, i32
  }
  func.func @transform_8(%arg0: i32) -> (i32, i32) {
    %c0_i32 = arith.constant 0 : i32
    %c0_i32_0 = arith.constant 0 : i32
    return %arg0, %c0_i32 : i32, i32
  }
}

</mosaic_0001>

<sc_bundles>
// kernel: kernel.12.cloned.1.call-start
scs
__scs_entry_jumppad:
0x0: {  	(pc) =	sbr.rel $0x88, $3  }
0x1: {  	(tag) =	ssettag $0x0;
	lr =	simm.s32 $0x1  }
0x2: {  	[smem:$0x3F96] =	sst lr;
	_ =	strace $0xD0000000  }
0x3: {  	_ = 	snop  }
0x4: {  	_ = 	snop  }
0x5: {  	_ = 	snop  }
0x6: {  	_ = 	snop  }
0x7: {  	_ = 	snop  }
__scs_overlays_trampoline_lowered:
0x8: {  	[smem:$0x3FA5] =	sst s0  }
0x9: {  	[smem:$0x3FA6] =	sst s1  }
0xa: {  	[smem:$0x3FA7] =	sst s2  }
0xb: {  	[smem:$0x3FA8] =	sst s3  }
0xc: {  	[smem:$0x3FA9] =	sst s4  }
0xd: {  	[smem:$0x3FAA] =	sst s5  }
0xe: {  	[smem:$0x3FAB] =	sst s6  }
0xf: {  	[smem:$0x3FAC] =	sst s7  }
0x10: {  	[smem:$0x3FAD] =	sst s8  }
0x11: {  	[smem:$0x3FAE] =	sst s9;
	s0 =	simm.s32 @!p0 $0x0  }
0x12: {  	s1 =	sld [smem:$0x3F94];
	s0 =	simm.s32 @p0 $0x1  }
0x13: {  	[smem:$0x3FAF] =	sst s0;
	s0 =	simm.s32 @!p1 $0x0  }
0x14: {  	s2 =	sld [smem:$0x3F93];
	s0 =	simm.s32 @p1 $0x1  }
0x15: {  	[smem:$0x3FB0] =	sst s0;
	s0 =	simm.s32 @!p2 $0x0  }
0x16: {  	s3 =	sld [smem:$0x3FDB];
	s0 =	simm.s32 @p2 $0x1  }
0x17: {  	s4 =	simm.s32 $0x1BF5;
	[smem:$0x3FB2] =	sst s0  }
0x18: {  	s0 =	sld [smem:$0x3F95];
	_ =	swait.ge [sflag:s4], $0x0  }
0x19: {  	s7 =	sld [smem:$0x3F96]  }
0x1a: {  	s8 =	sadd.s32 $0xFFFFE003, lr  }
0x1b: {  	s9 =	sadd.s32 $0xFFFFFEF7, lr;
	s5 =	simm.s32 $0xFFFFFFFF;
	p2 =	slt.u32 s8, $0xFFFFF086  }
0x1c: {  	p1 =	slt.u32 s9, $0xF7A;
	s5 =	simm.s32 @!p2 $0x0  }
0x1d: {  	s5 =	simm.s32 @p1 $0x1;
	p0 =	seq.s32 s7, s2  }
0x1e: {  	s7 =	smul.u32 @!p0 $0xF7A, s2;
	p2 =	seq.s32 @!p0 s5, $0x0  }
0x1f: {  	s9 =	smul.u32 $0xF7A, s1;
	s8 =	simm.s32 @!p0 $0x1BF5;
	p2 =	por !p2, p0  }
0x20: {  	[sflag:s8] =	ssyncset.s32 @!p0 $0xFFFFF086;
	s6 =	sadd.s32 @!p0 s3, s7;
	s7 =	simm.s32 @!p0 $0x108  }
0x21: {  	s3 =	sadd.s32 s3, s9;
	s6 =	sadd.s32 @!p0 $0x88, s6;
	s7 =	simm.s32 @p2 $0x1082  }
0x22: {  	[simem:s7], [sflag:s8] =	dma.local @!p0 [hbm:s6], $0xF7A  }
0x23: {  	s9 =	sor.u32 $0xD0000000, s2;
	s6 =	simm.s32 $0x108;
	_ =	swait.ge @!p0 [sflag:s8], $0x0  }
0x24: {  	s3 =	sadd.s32 $0x88, s3;
	s6 =	simm.s32 @!p1 $0x1082;
	[sflag:s4] =	ssyncset.s32 $0xFFFFF086  }
0x25: {  	[simem:s6], [sflag:s4] =	dma.local [hbm:s3], $0xF7A  }
0x26: {  	[smem:$0x3F96] =	sst s1;
	(tag) =	ssettag s2;
	_ =	strace s9  }
0x27: {  	s1 =	sld [smem:$0x3FA6]  }
0x28: {  	s2 =	sld [smem:$0x3FA7]  }
0x29: {  	s4 =	sld [smem:$0x3FA9]  }
0x2a: {  	p0 =	seq.s32 s5, $0x0;
	s5 =	sld [smem:$0x3FAA]  }
0x2b: {  	s6 =	sld [smem:$0x3FAB]  }
0x2c: {  	s7 =	sld [smem:$0x3FAC]  }
0x2d: {  	s3 =	simm.s32 $0x108;
	s8 =	sld [smem:$0x3FAD]  }
0x2e: {  	s3 =	simm.s32 @!p0 $0x1082;
	s9 =	sld [smem:$0x3FAE]  }
0x2f: {  	lr =	sadd.s32 s0, s3;
	s0 =	sld [smem:$0x3FA5]  }
0x30: {  	s3 =	sld [smem:$0x3FA8]  }
0x31: {  	[smem:$0x3FB1] =	sst s10  }
0x32: {  	s10 =	sld [smem:$0x3FAF];
	_ =	sdelay $0x3  }
0x33: {  	p0 =	seq.s32 s10, $0x1;
	s10 =	sld [smem:$0x3FB1];
	_ =	sdelay $0x3  }
0x34: {  	[smem:$0x3FB1] =	sst s10  }
0x35: {  	s10 =	sld [smem:$0x3FB0];
	_ =	sdelay $0x3  }
0x36: {  	p1 =	seq.s32 s10, $0x1;
	s10 =	sld [smem:$0x3FB1];
	_ =	sdelay $0x3  }
0x37: {  	[smem:$0x3FB1] =	sst s10  }
0x38: {  	s10 =	sld [smem:$0x3FB2]  }
0x39: {  	_ = 	snop;
	(pc) =	sbr.ind lr, $3  }
0x3a: {  	_ = 	snop  }
0x3b: {  	_ = 	snop  }
0x3c: {  	p2 =	seq.s32 s10, $0x1;
	s10 =	sld [smem:$0x3FB1]  }
0x3d: {  	_ =	shalt  }
0x3e: {  	_ =	shalt  }
0x3f: {  	_ =	shalt  }
0x40: {  	_ =	shalt  }
0x41: {  	_ =	shalt  }
0x42: {  	_ =	shalt  }
0x43: {  	_ =	shalt  }
0x44: {  	_ =	shalt  }
0x45: {  	_ =	shalt  }
0x46: {  	_ =	shalt  }
0x47: {  	_ =	shalt  }
0x48: {  	_ =	shalt  }
0x49: {  	_ =	shalt  }
0x4a: {  	_ =	shalt  }
0x4b: {  	_ =	shalt  }
0x4c: {  	_ =	shalt  }
0x4d: {  	_ =	shalt  }
0x4e: {  	_ =	shalt  }
0x4f: {  	_ =	shalt  }
0x50: {  	_ =	shalt  }
0x51: {  	_ =	shalt  }
0x52: {  	_ =	shalt  }
0x53: {  	_ =	shalt  }
0x54: {  	_ =	shalt  }
0x55: {  	_ =	shalt  }
0x56: {  	_ =	shalt  }
0x57: {  	_ =	shalt  }
0x58: {  	_ =	shalt  }
0x59: {  	_ =	shalt  }
0x5a: {  	_ =	shalt  }
0x5b: {  	_ =	shalt  }
0x5c: {  	_ =	shalt  }
0x5d: {  	_ =	shalt  }
0x5e: {  	_ =	shalt  }
0x5f: {  	_ =	shalt  }
0x60: {  	_ =	shalt  }
0x61: {  	_ =	shalt  }
0x62: {  	_ =	shalt  }
0x63: {  	_ =	shalt  }
0x64: {  	_ =	shalt  }
0x65: {  	_ =	shalt  }
0x66: {  	_ =	shalt  }
0x67: {  	_ =	shalt  }
0x68: {  	_ =	shalt  }
0x69: {  	_ =	shalt  }
0x6a: {  	_ =	shalt  }
0x6b: {  	_ =	shalt  }
0x6c: {  	_ =	shalt  }
0x6d: {  	_ =	shalt  }
0x6e: {  	_ =	shalt  }
0x6f: {  	_ =	shalt  }
0x70: {  	_ =	shalt  }
0x71: {  	_ =	shalt  }
0x72: {  	_ =	shalt  }
0x73: {  	_ =	shalt  }
0x74: {  	_ =	shalt  }
0x75: {  	_ =	shalt  }
0x76: {  	_ =	shalt  }
0x77: {  	_ =	shalt  }
0x78: {  	_ =	shalt  }
0x79: {  	_ =	shalt  }
0x7a: {  	_ =	shalt  }
0x7b: {  	_ =	shalt  }
0x7c: {  	_ =	shalt  }
0x7d: {  	_ =	shalt  }
0x7e: {  	_ =	shalt  }
0x7f: {  	_ =	shalt  }
0x80: {  	_ =	shalt  }
0x81: {  	_ =	shalt  }
0x82: {  	_ =	shalt  }
0x83: {  	_ =	shalt  }
0x84: {  	_ =	shalt  }
0x85: {  	_ =	shalt  }
0x86: {  	_ =	shalt  }
0x87: {  	_ =	shalt  }
.Lfunc_end0:
.L_simem_size_0:
called_computation.1_lowered:
.L_overlay_start_0:
0x88: {  	s2 =	sld [smem:$0x3FD9]  }
0x89: {  	s3 =	sld [smem:$0x3FFE];
	_ =	sdelay $0x1  }
0x8a: {  	s1 =	srdreg.scid  }
0x8b: {  	s0 =	sand.u32 $0x1, s1  }
0x8c: {  	s17 =	sshll.u32 s0, $0xA;
	s2 =	sadd.s32 s3, s2  }
0x8d: {  	s2 =	sadd.s32 s2, s17  }
0x8e: {  	[smem:$0x3FBD] =	sst s2  }
0x8f: {  	_ = 	snop  }
0x90: {  	s2 =	sld [smem:$0x3FD0];
	(tm) =	ssettm $0x1  }
0x91: {  	s18 =	sld [smem:$0x3FFB];
	_ =	sdelay $0x3  }
0x92: {  	_ =	strace s18  }
0x93: {  	s3 =	sld [smem:$0x3FFC];
	_ =	sdelay $0x3  }
0x94: {  	_ =	strace s3  }
0x95: {  	s3 =	sld [smem:$0x3FFD];
	_ =	sdelay $0x3  }
0x96: {  	_ =	strace s3  }
0x97: {  	_ =	strace $0x8FFFFFFF  }
0x98: {  	s19 =	sld [smem:$0x3FDB];
	_ =	sdelay $0x1  }
0x99: {  	s4 =	simm.s32 $_scs_section_size  }
0x9a: {  	s5 =	simm.s32 $_size__tile_overlayer_lowered;
	s6 =	simm.s32 $_tile_overlayer_lowered  }
0x9b: {  	s22 =	simm.s32 $0x1BFF;
	s21 =	sshll.u32 s6, $0x1;
	s3 =	sadd.s32 s4, s19  }
0x9c: {  	s7 =	simm.s32 $0x0;
	s20 =	sshll.u32 s5, $0x1;
	s5 =	sadd.s32 s21, s3  }
0x9d: {  	[timem:s7], [sflag:s22] =	dma.local [hbm:s5], s20  }
0x9e: {  	_ =	swait.ge [sflag:s22], s20  }
0x9f: {  	s4 =	ssub.s32 $0x0, s20;
	[sflag:s22] =	ssyncset.done $0x0  }
0xa0: {  	[sflag:s22] =	ssyncadd.s32 s4;
	_ =	sdelay $0x1  }
0xa1: {  	s23 =	simm.s32 $0x1B8B  }
0xa2: {  	_ =	swait.ge [sflag:s23], $0x1  }
0xa3: {  	[sflag:s23] =	ssyncset.done $0x0  }
0xa4: {  	s25 =	simm.s32 $0x1B8E;
	s24 =	sld [smem:$0x3FFE];
	[sflag:s23] =	ssyncadd.s32 $0xFFFFFFFF  }
0xa5: {  	s26 =	simm.s32 $execute0_lowered;
	[smem:$0x3FD2] =	sst s25  }
0xa6: {  	s5 =	sshll.u32 s26, $0x1;
	_ =	strace $0x80000046;
	[dreg:$0x1] =	wrdreg $0xFFFFFFFF  }
0xa7: {  	s28 =	simm.s32 $_size_execute0_lowered;
	s3 =	sadd.s32 s3, s5;
	[dreg:$0x0] =	wrdreg $0x0  }
0xa8: {  	s5 =	sshll.u32 s28, $0x1;
	[dreg:$0x2] =	wrdreg s3  }
0xa9: {  	[dreg:$0x3] =	wrdreg s5  }
0xaa: {  	[dreg:$0x4] =	wrdreg $0xC0  }
0xab: {  	_ =	task [dreg:s7], $0x5FFFF  }
0xac: {  	[dreg:$0x1] =	wrdreg $0xFFFFFFFF  }
0xad: {  	[dreg:$0x0] =	wrdreg $0x60  }
0xae: {  	[dreg:$0x2] =	wrdreg s2  }
0xaf: {  	[dreg:$0x3] =	wrdreg s24  }
0xb0: {  	[dreg:$0x4] =	wrdreg $0x108000  }
0xb1: {  	[dreg:$0x5] =	wrdreg $0x68000  }
0xb2: {  	[dreg:$0x6] =	wrdreg $0xA  }
0xb3: {  	_ =	task.clear_ibuf [dreg:s7], $0x7FFFF;
	_ =	strace $0x90000046  }
0xb4: {  	s29 =	simm.s32 $0xA;
	_ =	strace $0x80000048  }
0xb5: {  	_ =	swait.ge [sflag:s29], $0x1  }
0xb6: {  	[sflag:s29] =	ssyncadd.s32 $0xFFFFFFFF  }
0xb7: {  	_ =	strace $0x90000048  }
0xb8: {  	_ =	sfence  }
0xb9: {  	s30 =	sld [smem:$0x0];
	_ =	sdelay $0x2  }
0xba: {  	s31 =	sshll.u32 s1, $0xD;
	s1 =	sshrl.u32 s1, $0x2  }
0xbb: {  	s3 =	sand.u32 $0x4000, s31;
	s1 =	sadd.s32 s1, s30  }
0xbc: {  	s0 =	sor.u32 s3, s0;
	s1 =	sshll.u32 s1, $0x11  }
0xbd: {  	s0 =	sor.u32 s1, s0  }
0xbe: {  	s0 =	sadd.s32 $0x8F2B, s0  }
0xbf: {  	[sflag:s0] =	ssyncadd.remote.s32 $0x1  }
0xc0: {  	_ =	sfence.sel $0xFFFF  }
0xc1: {  	[dreg:$0x0] =	wrdreg $0xFFFFFFFF;
	(pc) =	sbr.abs _section_cstart, $3  }
0xc2: {  	[dreg:$0x1] =	wrdreg $0xFFFFFFFF  }
0xc3: {  	_ =	task.clear_ibuf [dreg:s7], $0x2FFFF;
	_ =	strace $0x9FFFFFFF  }
0xc4: {  	(tm) =	ssettm $0x7FFFFFFF  }
0xc5: {  	_ =	shalt  }
tec
execute0_lowered:
.L_overlay_start_1:
0x0: {  	(tag) =	ssettag $0x1  }
0x1: {  	s4 =	rddreg [dreg:$0x0]  }
0x2: {  	s0 =	rddreg [dreg:$0x1]  }
0x3: {  	s1 =	rddreg [dreg:$0x2]  }
0x4: {  	s2 =	rddreg [dreg:$0x3];
	s3 =	simm.s32 $0x0;
	s5 =	srdreg.scid  }
0x5: {  	s18 =	stileid.u32;
	s28 =	simm.s32 $0x2700;
	s29 =	simm.s32 $0x2740  }
0x6: {  	s30 =	simm.s32 $0x2780;
	s31 =	simm.s32 $0x27C0;
	[smem:$0x7FF] =	sst s3  }
0x7: {  	s5 =	sand.u32 $0x1, s5;
	s6 =	sadd.s32 $0xC600, s0;
	s8 =	sadd.s32 $0x2600, s0  }
0x8: {  	s10 =	smul.u32 $0x14000, s18;
	s11 =	sadd.s32 $0x16600, s0;
	_ =	strace $0x80000047  }
0x9: {  	s7 =	ssub.s32 $0x2, s5;
	s15 =	sshll.u32 s5, $0x4;
	s5 =	smul.u32 $0x140000, s5  }
0xa: {  	s9 =	sshrl.u32 s7, $0x1;
	s12 =	sadd.s32 $0x4000, s10;
	s13 =	sshrl.u32 s10, $0x4  }
0xb: {  	s0 =	ssub.s32 s7, s9;
	s7 =	sor.u32 s18, s15;
	s9 =	sshrl.u32 s10, $0x1  }
0xc: {  	s14 =	sshrl.u32 s12, $0x4;
	s15 =	sadd.s32 $0x8000, s10;
	s13 =	sadd.s32 s4, s13  }
0xd: {  	s24 =	sadd.s32 s10, s5;
	s26 =	sadd.s32 s5, s12;
	[dreg:$0x5] =	wrdreg s13  }
0xe: {  	s16 =	sadd.s32 s4, s14;
	s17 =	sshrl.u32 s15, $0x4;
	s19 =	smul.u32 $0x500, s7  }
0xf: {  	s7 =	smul.u32 $0x2800, s7;
	s0 =	smax.u32 s0, $0x1;
	[dreg:$0x6] =	wrdreg s16  }
0x10: {  	s25 =	sshrl.u32 s24, $0x4;
	s13 =	sadd.s32 s4, s17;
	[dreg:$0x18] =	wrdreg s0  }
0x11: {  	s17 =	sadd.s32 $0x10000, s10;
	[dreg:$0x7] =	wrdreg s13;
	s13 =	sadd.s32 $0xC000, s10  }
0x12: {  	s20 =	sshrl.u32 s17, $0x4;
	s21 =	sadd.s32 s6, s19;
	s22 =	sshrl.u32 s7, $0x3  }
0x13: {  	s23 =	sadd.s32 s8, s19;
	s7 =	sshrl.u32 s26, $0x4;
	s19 =	sshll.u32 s18, $0x6  }
0x14: {  	s24 =	sshrl.u32 s17, $0x1;
	s16 =	sshrl.u32 s13, $0x4;
	[dreg:$0xa] =	wrdreg s21  }
0x15: {  	[dreg:$0xb] =	wrdreg s23;
	s10 =	sadd.s32 s5, s13;
	s19 =	sor.u32 $0x1C05, s19  }
0x16: {  	s21 =	sshrl.u32 s12, $0x1;
	s23 =	sshrl.u32 s13, $0x1;
	s13 =	sadd.s32 s24, s1  }
0x17: {  	s24 =	sadd.s32 s24, s2;
	s16 =	sadd.s32 s4, s16;
	s4 =	sadd.s32 s4, s20  }
0x18: {  	s20 =	smul.u32 $0x28000, s18;
	s26 =	sadd.s32 s21, s1;
	s21 =	sadd.s32 s21, s2  }
0x19: {  	s12 =	sadd.s32 s23, s1;
	s23 =	sadd.s32 s23, s2;
	[dreg:$0x8] =	wrdreg s16  }
0x1a: {  	[dreg:$0x9] =	wrdreg s4;
	s4 =	sadd.s32 $0x280, s22;
	s26 =	sshrl.u32 s26, $0x3  }
0x1b: {  	s22 =	sshrl.u32 s15, $0x1;
	s6 =	sadd.s32 s6, s4;
	[dreg:$0x1a] =	wrdreg s26  }
0x1c: {  	s4 =	sadd.s32 s8, s4;
	s8 =	sadd.s32 s5, s15;
	[dreg:$0xc] =	wrdreg s6  }
0x1d: {  	s5 =	sadd.s32 s5, s17;
	s26 =	simm.s32 $0x4;
	[dreg:$0xd] =	wrdreg s4  }
0x1e: {  	s6 =	sadd.s32 s11, s25;
	s4 =	sadd.s32 s11, s7;
	s16 =	sshrl.u32 s5, $0x4  }
0x1f: {  	s5 =	sshrl.u32 s20, $0x2;
	s25 =	sadd.s32 s9, s1;
	s20 =	sadd.s32 s9, s2  }
0x20: {  	s7 =	sshrl.u32 s13, $0x3;
	s9 =	simm.s32 $0x2800;
	[dreg:$0xe] =	wrdreg s6  }
0x21: {  	s13 =	simm.s32 $0x80;
	[dreg:$0xf] =	wrdreg s4;
	s4 =	sshrl.u32 s8, $0x4  }
0x22: {  	s6 =	sshrl.u32 s10, $0x4;
	s5 =	sadd.s32 s5, s2;
	s25 =	sshrl.u32 s25, $0x3  }
0x23: {  	s8 =	simm.s32 $0x5;
	s4 =	sadd.s32 s11, s4;
	[dreg:$0x19] =	wrdreg s25  }
0x24: {  	s14 =	sadd.s32 s11, s6;
	s15 =	sadd.s32 $0x3000, s5;
	[dreg:$0x10] =	wrdreg s4  }
0x25: {  	s17 =	sadd.s32 $0x7000, s5;
	s18 =	sadd.s32 $0x9000, s5;
	[dreg:$0x11] =	wrdreg s14  }
0x26: {  	s6 =	sshrl.u32 s12, $0x3;
	s12 =	simm.s32 $0x3800;
	[dreg:$0x14] =	wrdreg s15  }
0x27: {  	s25 =	simm.s32 $0x3;
	s4 =	sadd.s32 s11, s16;
	[dreg:$0x16] =	wrdreg s17  }
0x28: {  	s11 =	sadd.s32 s22, s1;
	s22 =	sadd.s32 s22, s2;
	[dreg:$0x17] =	wrdreg s18  }
0x29: {  	s14 =	sadd.s32 $0x1000, s5;
	s16 =	sadd.s32 $0x5000, s5;
	[dreg:$0x12] =	wrdreg s4  }
0x2a: {  	s15 =	simm.s32 $0xC0;
	s17 =	simm.s32 $0x1;
	[dreg:$0x13] =	wrdreg s14  }
0x2b: {  	s18 =	simm.s32 $0x2;
	[dreg:$0x15] =	wrdreg s16;
	s5 =	sshrl.u32 s11, $0x3  }
0x2c: {  	v0 =	vimm.bf16 $0.0e+00;
	s11 =	simm.s32 $0x40;
	s14 =	simm.s32 $0x4800;
	s16 =	simm.s32 $0x5800  }
.LBB2_1:
0x2d: {  	s0 =	rddreg [dreg:$0x5]  }
0x2e: {  	s4 =	rddreg [dreg:$0x19]  }
0x2f: {  	[spmem:s4], [sflag:s19] =	dma.local [hbm:s0], $0x400  }
0x30: {  	_ =	swait.ge [sflag:s8], $0x400  }
0x31: {  	[sflag:s8] =	ssyncset.done $0x0;
	s4 =	rddreg [dreg:$0x6]  }
0x32: {  	s10 =	rddreg [dreg:$0x1a];
	[sflag:s8] =	ssyncadd.s32 $0xFFFFFC00  }
0x33: {  	[spmem:s10], [sflag:s19] =	dma.local [hbm:s4], $0x400  }
0x34: {  	_ =	swait.ge [sflag:s8], $0x400  }
0x35: {  	[sflag:s8] =	ssyncset.done $0x0  }
0x36: {  	s10 =	rddreg [dreg:$0x7];
	[sflag:s8] =	ssyncadd.s32 $0xFFFFFC00  }
0x37: {  	[spmem:s5], [sflag:s19] =	dma.local [hbm:s10], $0x400  }
0x38: {  	_ =	swait.ge [sflag:s8], $0x400  }
0x39: {  	[sflag:s8] =	ssyncset.done $0x0  }
0x3a: {  	s4 =	rddreg [dreg:$0x8];
	[sflag:s8] =	ssyncadd.s32 $0xFFFFFC00  }
0x3b: {  	[spmem:s6], [sflag:s19] =	dma.local [hbm:s4], $0x400  }
0x3c: {  	_ =	swait.ge [sflag:s8], $0x400  }
0x3d: {  	[sflag:s8] =	ssyncset.done $0x0  }
0x3e: {  	s10 =	rddreg [dreg:$0x9];
	[sflag:s8] =	ssyncadd.s32 $0xFFFFFC00  }
0x3f: {  	[spmem:s7], [sflag:s19] =	dma.local [hbm:s10], $0x400  }
0x40: {  	_ =	swait.ge [sflag:s8], $0x400  }
0x41: {  	[sflag:s8] =	ssyncset.done $0x0  }
0x42: {  	s0 =	simm.s32 $0x0;
	s10 =	simm.s32 $0x100;
	[sflag:s8] =	ssyncadd.s32 $0xFFFFFC00  }
.LBB2_2:
0x43: {  	p0 =	sne.s32 s10, $0x3F00;
	[tilespmem:s0+$0x2830] =	vst v0;
	s4 =	smov.u32 s10;
	s10 =	sadd.s32 $0x100, s10  }
.Ltmp0:
0x44: {  	[tilespmem:s0+$0x2820] =	vst v0;
	(pc) =	sbr.rel @p0 .LBB2_2-.Ltmp0, $3  }
0x45: {  	[tilespmem:s0+$0x2800] =	vst v0  }
0x46: {  	[tilespmem:s0+$0x2810] =	vst v0;
	_ =	sdelay $0x1  }
0x47: {  	s0 =	sshra.s32 s4, $0x2  }
0x48: {  	[tilespmem:s0+$0x2830] =	vst v0  }
0x49: {  	[tilespmem:s0+$0x2820] =	vst v0  }
0x4a: {  	[tilespmem:s0+$0x2800] =	vst v0  }
0x4b: {  	[tilespmem:s0+$0x2810] =	vst v0  }
0x4c: {  	[spmem:s20] =	stream.linear.scatter [tilespmem:s9], [sflag:$0x5], $0x1000, $0x38;
	[tilespmem:$0x1A800] =	vst v63  }
0x4d: {  	_ =	swait.ge [sflag:s8], $0x1000  }
0x4e: {  	[sflag:s8] =	ssyncset.done $0x0  }
0x4f: {  	s4 =	rddreg [dreg:$0x13];
	[sflag:s8] =	ssyncadd.s32 $0xFFFFF000  }
0x50: {  	[spmem:s4] =	stream.linear.scatter [tilespmem:s9], [sflag:$0x5], $0x1000, $0x38;
	[tilespmem:$0x1A800] =	vst v63  }
0x51: {  	_ =	swait.ge [sflag:s8], $0x1000  }
0x52: {  	[sflag:s8] =	ssyncset.done $0x0  }
0x53: {  	[sflag:s8] =	ssyncadd.s32 $0xFFFFF000  }
0x54: {  	[spmem:s21] =	stream.linear.scatter [tilespmem:s9], [sflag:$0x5], $0x1000, $0x38;
	[tilespmem:$0x1A800] =	vst v63  }
0x55: {  	_ =	swait.ge [sflag:s8], $0x1000  }
0x56: {  	[sflag:s8] =	ssyncset.done $0x0  }
0x57: {  	s10 =	rddreg [dreg:$0x14];
	[sflag:s8] =	ssyncadd.s32 $0xFFFFF000  }
0x58: {  	[spmem:s10] =	stream.linear.scatter [tilespmem:s9], [sflag:$0x5], $0x1000, $0x38;
	[tilespmem:$0x1A800] =	vst v63  }
0x59: {  	_ =	swait.ge [sflag:s8], $0x1000  }
0x5a: {  	[sflag:s8] =	ssyncset.done $0x0  }
0x5b: {  	[sflag:s8] =	ssyncadd.s32 $0xFFFFF000  }
0x5c: {  	[spmem:s22] =	stream.linear.scatter [tilespmem:s9], [sflag:$0x5], $0x1000, $0x38;
	[tilespmem:$0x1A800] =	vst v63  }
0x5d: {  	_ =	swait.ge [sflag:s8], $0x1000  }
0x5e: {  	[sflag:s8] =	ssyncset.done $0x0  }
0x5f: {  	s4 =	rddreg [dreg:$0x15];
	[sflag:s8] =	ssyncadd.s32 $0xFFFFF000  }
0x60: {  	[spmem:s4] =	stream.linear.scatter [tilespmem:s9], [sflag:$0x5], $0x1000, $0x38;
	[tilespmem:$0x1A800] =	vst v63  }
0x61: {  	_ =	swait.ge [sflag:s8], $0x1000  }
0x62: {  	[sflag:s8] =	ssyncset.done $0x0  }
0x63: {  	[sflag:s8] =	ssyncadd.s32 $0xFFFFF000  }
0x64: {  	[spmem:s23] =	stream.linear.scatter [tilespmem:s9], [sflag:$0x5], $0x1000, $0x38;
	[tilespmem:$0x1A800] =	vst v63  }
0x65: {  	_ =	swait.ge [sflag:s8], $0x1000  }
0x66: {  	[sflag:s8] =	ssyncset.done $0x0  }
0x67: {  	s10 =	rddreg [dreg:$0x16];
	[sflag:s8] =	ssyncadd.s32 $0xFFFFF000  }
0x68: {  	[spmem:s10] =	stream.linear.scatter [tilespmem:s9], [sflag:$0x5], $0x1000, $0x38;
	[tilespmem:$0x1A800] =	vst v63  }
0x69: {  	_ =	swait.ge [sflag:s8], $0x1000  }
0x6a: {  	[sflag:s8] =	ssyncset.done $0x0  }
0x6b: {  	[sflag:s8] =	ssyncadd.s32 $0xFFFFF000  }
0x6c: {  	[spmem:s24] =	stream.linear.scatter [tilespmem:s9], [sflag:$0x5], $0x1000, $0x38;
	[tilespmem:$0x1A800] =	vst v63  }
0x6d: {  	_ =	swait.ge [sflag:s8], $0x1000  }
0x6e: {  	[sflag:s8] =	ssyncset.done $0x0  }
0x6f: {  	s4 =	rddreg [dreg:$0x17];
	[sflag:s8] =	ssyncadd.s32 $0xFFFFF000  }
0x70: {  	[spmem:s4] =	stream.linear.scatter [tilespmem:s9], [sflag:$0x5], $0x1000, $0x38;
	[tilespmem:$0x1A800] =	vst v63  }
0x71: {  	_ =	swait.ge [sflag:s8], $0x1000  }
0x72: {  	[sflag:s8] =	ssyncset.done $0x0  }
0x73: {  	[sflag:s8] =	ssyncadd.s32 $0xFFFFF000  }
0x74: {  	[bflag:$0x0] =	sbarrier.arrive $0xFFFF  }
0x75: {  	s0 =	simm.s32 $0x0;
	s4 =	rddreg [dreg:$0xa]  }
0x76: {  	[tilespmem:s0], [sflag:$0x5] =	stream.linear.gather [hbm4b:s4+s0], $0x1400, $0x38;
	[tilespmem:$0x1A800] =	vst v63  }
0x77: {  	_ =	swait.ge [sflag:s8], $0x1400  }
0x78: {  	[sflag:s8] =	ssyncset.done $0x0  }
0x79: {  	s10 =	simm.s32 $0x1400;
	s4 =	rddreg [dreg:$0xb];
	[sflag:s8] =	ssyncadd.s32 $0xFFFFEC00  }
0x7a: {  	[tilespmem:s10], [sflag:$0x5] =	stream.linear.gather [hbm4b:s4+s0], $0x1400, $0x38;
	[tilespmem:$0x1A800] =	vst v63  }
0x7b: {  	_ =	swait.ge [sflag:s8], $0x1400  }
0x7c: {  	[sflag:s8] =	ssyncset.done $0x0  }
0x7d: {  	[sflag:s8] =	ssyncadd.s32 $0xFFFFEC00  }
0x7e: {  	[tilespmem:s9], [sflag:$0x1] =	stream.indirect.gather [spmem:s1], $0x40, s0, s11, $0xb8;
	[tilespmem:$0x1A800] =	vst v63  }
0x7f: {  	_ = 	snop  }
0x80: {  	[tilespmem:s12], [sflag:$0x2] =	stream.indirect.gather [spmem:s1], $0x40, s11, s11, $0xb8;
	[tilespmem:$0x1A800] =	vst v63  }
0x81: {  	_ = 	snop  }
0x82: {  	[tilespmem:s14], [sflag:$0x3] =	stream.indirect.gather [spmem:s1], $0x40, s13, s11, $0xb8;
	[tilespmem:$0x1A800] =	vst v63  }
0x83: {  	_ = 	snop  }
0x84: {  	[tilespmem:s16], [sflag:$0x4] =	stream.indirect.gather [spmem:s1], $0x40, s15, s11, $0xb8;
	[tilespmem:$0x1A800] =	vst v63  }
0x85: {  	_ =	swait.ge [sflag:s17], $0x1000  }
0x86: {  	[sflag:s17] =	ssyncset.done $0x0  }
0x87: {  	s10 =	simm.s32 $0x1400;
	[sflag:s17] =	ssyncadd.s32 $0xFFFFF000  }
0x88: {  	[spmem:s2] =	stream.indirect.scatter.add.bf16 [tilespmem:s9], [sflag:$0x5], $0x40, s10, s11, $0xb8;
	[tilespmem:$0x1A800] =	vst v63  }
0x89: {  	_ =	swait.ge [sflag:s8], $0x1000  }
0x8a: {  	[sflag:s8] =	ssyncset.done $0x0  }
0x8b: {  	s4 =	simm.s32 $0x100;
	[sflag:s8] =	ssyncadd.s32 $0xFFFFF000  }
0x8c: {  	[tilespmem:s9], [sflag:$0x1] =	stream.indirect.gather [spmem:s1], $0x40, s4, s11, $0xb8;
	[tilespmem:$0x1A800] =	vst v63  }
0x8d: {  	_ =	swait.ge [sflag:s18], $0x1000  }
0x8e: {  	[sflag:s18] =	ssyncset.done $0x0  }
0x8f: {  	s10 =	simm.s32 $0x1440;
	[sflag:s18] =	ssyncadd.s32 $0xFFFFF000  }
0x90: {  	[spmem:s2] =	stream.indirect.scatter.add.bf16 [tilespmem:s12], [sflag:$0x5], $0x40, s10, s11, $0xb8;
	[tilespmem:$0x1A800] =	vst v63  }
0x91: {  	_ =	swait.ge [sflag:s8], $0x1000  }
0x92: {  	[sflag:s8] =	ssyncset.done $0x0  }
0x93: {  	s4 =	simm.s32 $0x140;
	[sflag:s8] =	ssyncadd.s32 $0xFFFFF000  }
0x94: {  	[tilespmem:s12], [sflag:$0x2] =	stream.indirect.gather [spmem:s1], $0x40, s4, s11, $0xb8;
	[tilespmem:$0x1A800] =	vst v63  }
0x95: {  	_ =	swait.ge [sflag:s25], $0x1000  }
0x96: {  	[sflag:s25] =	ssyncset.done $0x0  }
0x97: {  	s10 =	simm.s32 $0x1480;
	[sflag:s25] =	ssyncadd.s32 $0xFFFFF000  }
0x98: {  	[spmem:s2] =	stream.indirect.scatter.add.bf16 [tilespmem:s14], [sflag:$0x5], $0x40, s10, s11, $0xb8;
	[tilespmem:$0x1A800] =	vst v63  }
0x99: {  	_ =	swait.ge [sflag:s8], $0x1000  }
0x9a: {  	[sflag:s8] =	ssyncset.done $0x0  }
0x9b: {  	s4 =	simm.s32 $0x180;
	[sflag:s8] =	ssyncadd.s32 $0xFFFFF000  }
0x9c: {  	[tilespmem:s14], [sflag:$0x3] =	stream.indirect.gather [spmem:s1], $0x40, s4, s11, $0xb8;
	[tilespmem:$0x1A800] =	vst v63  }
0x9d: {  	_ =	swait.ge [sflag:s26], $0x1000  }
0x9e: {  	[sflag:s26] =	ssyncset.done $0x0  }
0x9f: {  	s10 =	simm.s32 $0x14C0;
	[sflag:s26] =	ssyncadd.s32 $0xFFFFF000  }
0xa0: {  	[spmem:s2] =	stream.indirect.scatter.add.bf16 [tilespmem:s16], [sflag:$0x5], $0x40, s10, s11, $0xb8;
	[tilespmem:$0x1A800] =	vst v63  }
0xa1: {  	_ =	swait.ge [sflag:s8], $0x1000  }
0xa2: {  	[sflag:s8] =	ssyncset.done $0x0  }
0xa3: {  	s0 =	simm.s32 $0x1C0;
	s10 =	simm.s32 $0x400;
	[sflag:s8] =	ssyncadd.s32 $0xFFFFF000  }
.LBB2_4:
0xa4: {  	[tilespmem:s16], [sflag:$0x4] =	stream.indirect.gather [spmem:s1], $0x40, s0, s11, $0xb8;
	[tilespmem:$0x1A800] =	vst v63  }
0xa5: {  	s0 =	smov.u32 s10  }
0xa6: {  	p0 =	sne.s32 s10, $0x4800;
	s10 =	sadd.s32 $0x400, s10;
	_ =	swait.ge [sflag:s17], $0x1000  }
0xa7: {  	s0 =	sshra.s32 s0, $0x2;
	[sflag:s17] =	ssyncset.done $0x0  }
0xa8: {  	s4 =	sadd.s32 $0x1400, s0;
	[sflag:s17] =	ssyncadd.s32 $0xFFFFF000  }
0xa9: {  	[spmem:s2] =	stream.indirect.scatter.add.bf16 [tilespmem:s9], [sflag:$0x5], $0x40, s4, s11, $0xb8;
	[tilespmem:$0x1A800] =	vst v63  }
0xaa: {  	_ =	swait.ge [sflag:s8], $0x1000  }
0xab: {  	[sflag:s8] =	ssyncset.done $0x0  }
0xac: {  	s4 =	sadd.s32 $0x100, s0;
	[sflag:s8] =	ssyncadd.s32 $0xFFFFF000  }
0xad: {  	[tilespmem:s9], [sflag:$0x1] =	stream.indirect.gather [spmem:s1], $0x40, s4, s11, $0xb8;
	[tilespmem:$0x1A800] =	vst v63  }
0xae: {  	_ =	swait.ge [sflag:s18], $0x1000  }
0xaf: {  	[sflag:s18] =	ssyncset.done $0x0  }
0xb0: {  	s4 =	sadd.s32 $0x1440, s0;
	[sflag:s18] =	ssyncadd.s32 $0xFFFFF000  }
0xb1: {  	[spmem:s2] =	stream.indirect.scatter.add.bf16 [tilespmem:s12], [sflag:$0x5], $0x40, s4, s11, $0xb8;
	[tilespmem:$0x1A800] =	vst v63  }
0xb2: {  	_ =	swait.ge [sflag:s8], $0x1000  }
0xb3: {  	[sflag:s8] =	ssyncset.done $0x0  }
0xb4: {  	s4 =	sadd.s32 $0x140, s0;
	[sflag:s8] =	ssyncadd.s32 $0xFFFFF000  }
0xb5: {  	[tilespmem:s12], [sflag:$0x2] =	stream.indirect.gather [spmem:s1], $0x40, s4, s11, $0xb8;
	[tilespmem:$0x1A800] =	vst v63  }
0xb6: {  	_ =	swait.ge [sflag:s25], $0x1000  }
0xb7: {  	[sflag:s25] =	ssyncset.done $0x0  }
0xb8: {  	s4 =	sadd.s32 $0x1480, s0;
	[sflag:s25] =	ssyncadd.s32 $0xFFFFF000  }
0xb9: {  	[spmem:s2] =	stream.indirect.scatter.add.bf16 [tilespmem:s14], [sflag:$0x5], $0x40, s4, s11, $0xb8;
	[tilespmem:$0x1A800] =	vst v63  }
0xba: {  	_ =	swait.ge [sflag:s8], $0x1000  }
0xbb: {  	[sflag:s8] =	ssyncset.done $0x0  }
0xbc: {  	s4 =	sadd.s32 $0x180, s0;
	[sflag:s8] =	ssyncadd.s32 $0xFFFFF000  }
0xbd: {  	[tilespmem:s14], [sflag:$0x3] =	stream.indirect.gather [spmem:s1], $0x40, s4, s11, $0xb8;
	[tilespmem:$0x1A800] =	vst v63  }
0xbe: {  	_ =	swait.ge [sflag:s26], $0x1000  }
0xbf: {  	[sflag:s26] =	ssyncset.done $0x0  }
.Ltmp1:
0xc0: {  	s4 =	sadd.s32 $0x14C0, s0;
	[sflag:s26] =	ssyncadd.s32 $0xFFFFF000;
	(pc) =	sbr.rel @p0 .LBB2_4-.Ltmp1, $4  }
0xc1: {  	[spmem:s2] =	stream.indirect.scatter.add.bf16 [tilespmem:s16], [sflag:$0x5], $0x40, s4, s11, $0xb8;
	[tilespmem:$0x1A800] =	vst v63  }
0xc2: {  	_ =	swait.ge [sflag:s8], $0x1000  }
0xc3: {  	[sflag:s8] =	ssyncset.done $0x0  }
0xc4: {  	s0 =	sadd.s32 $0x1C0, s0;
	[sflag:s8] =	ssyncadd.s32 $0xFFFFF000  }
0xc5: {  	[tilespmem:s16], [sflag:$0x4] =	stream.indirect.gather [spmem:s1], $0x40, s0, s11, $0xb8;
	[tilespmem:$0x1A800] =	vst v63  }
0xc6: {  	_ =	swait.ge [sflag:s17], $0x1000  }
0xc7: {  	[sflag:s17] =	ssyncset.done $0x0  }
0xc8: {  	[sflag:s17] =	ssyncadd.s32 $0xFFFFF000  }
0xc9: {  	[spmem:s2] =	stream.indirect.scatter.add.bf16 [tilespmem:s9], [sflag:$0x5], $0x40, s28, s11, $0xb8;
	[tilespmem:$0x1A800] =	vst v63  }
0xca: {  	_ =	swait.ge [sflag:s8], $0x1000  }
0xcb: {  	[sflag:s8] =	ssyncset.done $0x0  }
0xcc: {  	[sflag:s8] =	ssyncadd.s32 $0xFFFFF000  }
0xcd: {  	_ =	swait.ge [sflag:s18], $0x1000  }
0xce: {  	[sflag:s18] =	ssyncset.done $0x0  }
0xcf: {  	[sflag:s18] =	ssyncadd.s32 $0xFFFFF000  }
0xd0: {  	[spmem:s2] =	stream.indirect.scatter.add.bf16 [tilespmem:s12], [sflag:$0x5], $0x40, s29, s11, $0xb8;
	[tilespmem:$0x1A800] =	vst v63  }
0xd1: {  	_ =	swait.ge [sflag:s8], $0x1000  }
0xd2: {  	[sflag:s8] =	ssyncset.done $0x0  }
0xd3: {  	[sflag:s8] =	ssyncadd.s32 $0xFFFFF000  }
0xd4: {  	_ =	swait.ge [sflag:s25], $0x1000  }
0xd5: {  	[sflag:s25] =	ssyncset.done $0x0  }
0xd6: {  	[sflag:s25] =	ssyncadd.s32 $0xFFFFF000  }
0xd7: {  	[spmem:s2] =	stream.indirect.scatter.add.bf16 [tilespmem:s14], [sflag:$0x5], $0x40, s30, s11, $0xb8;
	[tilespmem:$0x1A800] =	vst v63  }
0xd8: {  	_ =	swait.ge [sflag:s8], $0x1000  }
0xd9: {  	[sflag:s8] =	ssyncset.done $0x0  }
0xda: {  	[sflag:s8] =	ssyncadd.s32 $0xFFFFF000  }
0xdb: {  	_ =	swait.ge [sflag:s26], $0x1000  }
0xdc: {  	[sflag:s26] =	ssyncset.done $0x0  }
0xdd: {  	[sflag:s26] =	ssyncadd.s32 $0xFFFFF000  }
0xde: {  	[spmem:s2] =	stream.indirect.scatter.add.bf16 [tilespmem:s16], [sflag:$0x5], $0x40, s31, s11, $0xb8;
	[tilespmem:$0x1A800] =	vst v63  }
0xdf: {  	_ =	swait.ge [sflag:s8], $0x1000  }
0xe0: {  	[sflag:s8] =	ssyncset.done $0x0  }
0xe1: {  	s0 =	simm.s32 $0x0;
	s4 =	rddreg [dreg:$0xc];
	[sflag:s8] =	ssyncadd.s32 $0xFFFFF000  }
0xe2: {  	[tilespmem:s0], [sflag:$0x5] =	stream.linear.gather [hbm4b:s4+s0], $0x1400, $0x38;
	[tilespmem:$0x1A800] =	vst v63  }
0xe3: {  	_ =	swait.ge [sflag:s8], $0x1400  }
0xe4: {  	[sflag:s8] =	ssyncset.done $0x0  }
0xe5: {  	s10 =	simm.s32 $0x1400;
	s4 =	rddreg [dreg:$0xd];
	[sflag:s8] =	ssyncadd.s32 $0xFFFFEC00  }
0xe6: {  	[tilespmem:s10], [sflag:$0x5] =	stream.linear.gather [hbm4b:s4+s0], $0x1400, $0x38;
	[tilespmem:$0x1A800] =	vst v63  }
0xe7: {  	_ =	swait.ge [sflag:s8], $0x1400  }
0xe8: {  	[sflag:s8] =	ssyncset.done $0x0  }
0xe9: {  	[sflag:s8] =	ssyncadd.s32 $0xFFFFEC00  }
0xea: {  	[tilespmem:s9], [sflag:$0x1] =	stream.indirect.gather [spmem:s1], $0x40, s0, s11, $0xb8;
	[tilespmem:$0x1A800] =	vst v63  }
0xeb: {  	_ = 	snop  }
0xec: {  	[tilespmem:s12], [sflag:$0x2] =	stream.indirect.gather [spmem:s1], $0x40, s11, s11, $0xb8;
	[tilespmem:$0x1A800] =	vst v63  }
0xed: {  	_ = 	snop  }
0xee: {  	[tilespmem:s14], [sflag:$0x3] =	stream.indirect.gather [spmem:s1], $0x40, s13, s11, $0xb8;
	[tilespmem:$0x1A800] =	vst v63  }
0xef: {  	_ = 	snop  }
0xf0: {  	[tilespmem:s16], [sflag:$0x4] =	stream.indirect.gather [spmem:s1], $0x40, s15, s11, $0xb8;
	[tilespmem:$0x1A800] =	vst v63  }
0xf1: {  	_ =	swait.ge [sflag:s17], $0x1000  }
0xf2: {  	[sflag:s17] =	ssyncset.done $0x0  }
0xf3: {  	s10 =	simm.s32 $0x1400;
	[sflag:s17] =	ssyncadd.s32 $0xFFFFF000  }
0xf4: {  	[spmem:s2] =	stream.indirect.scatter.add.bf16 [tilespmem:s9], [sflag:$0x5], $0x40, s10, s11, $0xb8;
	[tilespmem:$0x1A800] =	vst v63  }
0xf5: {  	_ =	swait.ge [sflag:s8], $0x1000  }
0xf6: {  	[sflag:s8] =	ssyncset.done $0x0  }
0xf7: {  	s4 =	simm.s32 $0x100;
	[sflag:s8] =	ssyncadd.s32 $0xFFFFF000  }
0xf8: {  	[tilespmem:s9], [sflag:$0x1] =	stream.indirect.gather [spmem:s1], $0x40, s4, s11, $0xb8;
	[tilespmem:$0x1A800] =	vst v63  }
0xf9: {  	_ =	swait.ge [sflag:s18], $0x1000  }
0xfa: {  	[sflag:s18] =	ssyncset.done $0x0  }
0xfb: {  	s10 =	simm.s32 $0x1440;
	[sflag:s18] =	ssyncadd.s32 $0xFFFFF000  }
0xfc: {  	[spmem:s2] =	stream.indirect.scatter.add.bf16 [tilespmem:s12], [sflag:$0x5], $0x40, s10, s11, $0xb8;
	[tilespmem:$0x1A800] =	vst v63  }
0xfd: {  	_ =	swait.ge [sflag:s8], $0x1000  }
0xfe: {  	[sflag:s8] =	ssyncset.done $0x0  }
0xff: {  	s4 =	simm.s32 $0x140;
	[sflag:s8] =	ssyncadd.s32 $0xFFFFF000  }
0x100: {  	[tilespmem:s12], [sflag:$0x2] =	stream.indirect.gather [spmem:s1], $0x40, s4, s11, $0xb8;
	[tilespmem:$0x1A800] =	vst v63  }
0x101: {  	_ =	swait.ge [sflag:s25], $0x1000  }
0x102: {  	[sflag:s25] =	ssyncset.done $0x0  }
0x103: {  	s10 =	simm.s32 $0x1480;
	[sflag:s25] =	ssyncadd.s32 $0xFFFFF000  }
0x104: {  	[spmem:s2] =	stream.indirect.scatter.add.bf16 [tilespmem:s14], [sflag:$0x5], $0x40, s10, s11, $0xb8;
	[tilespmem:$0x1A800] =	vst v63  }
0x105: {  	_ =	swait.ge [sflag:s8], $0x1000  }
0x106: {  	[sflag:s8] =	ssyncset.done $0x0  }
0x107: {  	s4 =	simm.s32 $0x180;
	[sflag:s8] =	ssyncadd.s32 $0xFFFFF000  }
0x108: {  	[tilespmem:s14], [sflag:$0x3] =	stream.indirect.gather [spmem:s1], $0x40, s4, s11, $0xb8;
	[tilespmem:$0x1A800] =	vst v63  }
0x109: {  	_ =	swait.ge [sflag:s26], $0x1000  }
0x10a: {  	[sflag:s26] =	ssyncset.done $0x0  }
0x10b: {  	s10 =	simm.s32 $0x14C0;
	[sflag:s26] =	ssyncadd.s32 $0xFFFFF000  }
0x10c: {  	[spmem:s2] =	stream.indirect.scatter.add.bf16 [tilespmem:s16], [sflag:$0x5], $0x40, s10, s11, $0xb8;
	[tilespmem:$0x1A800] =	vst v63  }
0x10d: {  	_ =	swait.ge [sflag:s8], $0x1000  }
0x10e: {  	[sflag:s8] =	ssyncset.done $0x0  }
0x10f: {  	s0 =	simm.s32 $0x1C0;
	s10 =	simm.s32 $0x400;
	[sflag:s8] =	ssyncadd.s32 $0xFFFFF000  }
.LBB2_6:
0x110: {  	[tilespmem:s16], [sflag:$0x4] =	stream.indirect.gather [spmem:s1], $0x40, s0, s11, $0xb8;
	[tilespmem:$0x1A800] =	vst v63  }
0x111: {  	s0 =	smov.u32 s10  }
0x112: {  	p0 =	sne.s32 s10, $0x4800;
	s10 =	sadd.s32 $0x400, s10;
	_ =	swait.ge [sflag:s17], $0x1000  }
0x113: {  	s0 =	sshra.s32 s0, $0x2;
	[sflag:s17] =	ssyncset.done $0x0  }
0x114: {  	s4 =	sadd.s32 $0x1400, s0;
	[sflag:s17] =	ssyncadd.s32 $0xFFFFF000  }
0x115: {  	[spmem:s2] =	stream.indirect.scatter.add.bf16 [tilespmem:s9], [sflag:$0x5], $0x40, s4, s11, $0xb8;
	[tilespmem:$0x1A800] =	vst v63  }
0x116: {  	_ =	swait.ge [sflag:s8], $0x1000  }
0x117: {  	[sflag:s8] =	ssyncset.done $0x0  }
0x118: {  	s4 =	sadd.s32 $0x100, s0;
	[sflag:s8] =	ssyncadd.s32 $0xFFFFF000  }
0x119: {  	[tilespmem:s9], [sflag:$0x1] =	stream.indirect.gather [spmem:s1], $0x40, s4, s11, $0xb8;
	[tilespmem:$0x1A800] =	vst v63  }
0x11a: {  	_ =	swait.ge [sflag:s18], $0x1000  }
0x11b: {  	[sflag:s18] =	ssyncset.done $0x0  }
0x11c: {  	s4 =	sadd.s32 $0x1440, s0;
	[sflag:s18] =	ssyncadd.s32 $0xFFFFF000  }
0x11d: {  	[spmem:s2] =	stream.indirect.scatter.add.bf16 [tilespmem:s12], [sflag:$0x5], $0x40, s4, s11, $0xb8;
	[tilespmem:$0x1A800] =	vst v63  }
0x11e: {  	_ =	swait.ge [sflag:s8], $0x1000  }
0x11f: {  	[sflag:s8] =	ssyncset.done $0x0  }
0x120: {  	s4 =	sadd.s32 $0x140, s0;
	[sflag:s8] =	ssyncadd.s32 $0xFFFFF000  }
0x121: {  	[tilespmem:s12], [sflag:$0x2] =	stream.indirect.gather [spmem:s1], $0x40, s4, s11, $0xb8;
	[tilespmem:$0x1A800] =	vst v63  }
0x122: {  	_ =	swait.ge [sflag:s25], $0x1000  }
0x123: {  	[sflag:s25] =	ssyncset.done $0x0  }
0x124: {  	s4 =	sadd.s32 $0x1480, s0;
	[sflag:s25] =	ssyncadd.s32 $0xFFFFF000  }
0x125: {  	[spmem:s2] =	stream.indirect.scatter.add.bf16 [tilespmem:s14], [sflag:$0x5], $0x40, s4, s11, $0xb8;
	[tilespmem:$0x1A800] =	vst v63  }
0x126: {  	_ =	swait.ge [sflag:s8], $0x1000  }
0x127: {  	[sflag:s8] =	ssyncset.done $0x0  }
0x128: {  	s4 =	sadd.s32 $0x180, s0;
	[sflag:s8] =	ssyncadd.s32 $0xFFFFF000  }
0x129: {  	[tilespmem:s14], [sflag:$0x3] =	stream.indirect.gather [spmem:s1], $0x40, s4, s11, $0xb8;
	[tilespmem:$0x1A800] =	vst v63  }
0x12a: {  	_ =	swait.ge [sflag:s26], $0x1000  }
0x12b: {  	[sflag:s26] =	ssyncset.done $0x0  }
.Ltmp2:
0x12c: {  	s4 =	sadd.s32 $0x14C0, s0;
	[sflag:s26] =	ssyncadd.s32 $0xFFFFF000;
	(pc) =	sbr.rel @p0 .LBB2_6-.Ltmp2, $4  }
0x12d: {  	[spmem:s2] =	stream.indirect.scatter.add.bf16 [tilespmem:s16], [sflag:$0x5], $0x40, s4, s11, $0xb8;
	[tilespmem:$0x1A800] =	vst v63  }
0x12e: {  	_ =	swait.ge [sflag:s8], $0x1000  }
0x12f: {  	[sflag:s8] =	ssyncset.done $0x0  }
0x130: {  	s0 =	sadd.s32 $0x1C0, s0;
	[sflag:s8] =	ssyncadd.s32 $0xFFFFF000  }
0x131: {  	[tilespmem:s16], [sflag:$0x4] =	stream.indirect.gather [spmem:s1], $0x40, s0, s11, $0xb8;
	[tilespmem:$0x1A800] =	vst v63  }
0x132: {  	_ =	swait.ge [sflag:s17], $0x1000  }
0x133: {  	[sflag:s17] =	ssyncset.done $0x0  }
0x134: {  	[sflag:s17] =	ssyncadd.s32 $0xFFFFF000  }
0x135: {  	[spmem:s2] =	stream.indirect.scatter.add.bf16 [tilespmem:s9], [sflag:$0x5], $0x40, s28, s11, $0xb8;
	[tilespmem:$0x1A800] =	vst v63  }
0x136: {  	_ =	swait.ge [sflag:s8], $0x1000  }
0x137: {  	[sflag:s8] =	ssyncset.done $0x0  }
0x138: {  	[sflag:s8] =	ssyncadd.s32 $0xFFFFF000  }
0x139: {  	_ =	swait.ge [sflag:s18], $0x1000  }
0x13a: {  	[sflag:s18] =	ssyncset.done $0x0  }
0x13b: {  	[sflag:s18] =	ssyncadd.s32 $0xFFFFF000  }
0x13c: {  	[spmem:s2] =	stream.indirect.scatter.add.bf16 [tilespmem:s12], [sflag:$0x5], $0x40, s29, s11, $0xb8;
	[tilespmem:$0x1A800] =	vst v63  }
0x13d: {  	_ =	swait.ge [sflag:s8], $0x1000  }
0x13e: {  	[sflag:s8] =	ssyncset.done $0x0  }
0x13f: {  	[sflag:s8] =	ssyncadd.s32 $0xFFFFF000  }
0x140: {  	_ =	swait.ge [sflag:s25], $0x1000  }
0x141: {  	[sflag:s25] =	ssyncset.done $0x0  }
0x142: {  	[sflag:s25] =	ssyncadd.s32 $0xFFFFF000  }
0x143: {  	[spmem:s2] =	stream.indirect.scatter.add.bf16 [tilespmem:s14], [sflag:$0x5], $0x40, s30, s11, $0xb8;
	[tilespmem:$0x1A800] =	vst v63  }
0x144: {  	_ =	swait.ge [sflag:s8], $0x1000  }
0x145: {  	[sflag:s8] =	ssyncset.done $0x0  }
0x146: {  	[sflag:s8] =	ssyncadd.s32 $0xFFFFF000  }
0x147: {  	_ =	swait.ge [sflag:s26], $0x1000  }
0x148: {  	[sflag:s26] =	ssyncset.done $0x0  }
0x149: {  	[sflag:s26] =	ssyncadd.s32 $0xFFFFF000  }
0x14a: {  	[spmem:s2] =	stream.indirect.scatter.add.bf16 [tilespmem:s16], [sflag:$0x5], $0x40, s31, s11, $0xb8;
	[tilespmem:$0x1A800] =	vst v63  }
0x14b: {  	_ =	swait.ge [sflag:s8], $0x1000  }
0x14c: {  	[sflag:s8] =	ssyncset.done $0x0  }
0x14d: {  	[sflag:s8] =	ssyncadd.s32 $0xFFFFF000  }
0x14e: {  	[bflag:$0x0] =	sbarrier.arrive $0xFFFF  }
0x14f: {  	s10 =	sshrl.u32 s20, $0x3;
	s4 =	rddreg [dreg:$0xe]  }
0x150: {  	[hbm:s4], [sflag:s19] =	dma.local [spmem:s10], $0x400  }
0x151: {  	_ =	swait.ge [sflag:s8], $0x400  }
0x152: {  	[sflag:s8] =	ssyncset.done $0x0  }
0x153: {  	s4 =	sshrl.u32 s21, $0x3;
	s10 =	rddreg [dreg:$0xf];
	[sflag:s8] =	ssyncadd.s32 $0xFFFFFC00  }
0x154: {  	[hbm:s10], [sflag:s19] =	dma.local [spmem:s4], $0x400  }
0x155: {  	_ =	swait.ge [sflag:s8], $0x400  }
0x156: {  	[sflag:s8] =	ssyncset.done $0x0  }
0x157: {  	s4 =	sshrl.u32 s22, $0x3;
	s10 =	rddreg [dreg:$0x10];
	[sflag:s8] =	ssyncadd.s32 $0xFFFFFC00  }
0x158: {  	[hbm:s10], [sflag:s19] =	dma.local [spmem:s4], $0x400  }
0x159: {  	_ =	swait.ge [sflag:s8], $0x400  }
0x15a: {  	[sflag:s8] =	ssyncset.done $0x0  }
0x15b: {  	s4 =	sshrl.u32 s23, $0x3;
	s10 =	rddreg [dreg:$0x11];
	[sflag:s8] =	ssyncadd.s32 $0xFFFFFC00  }
0x15c: {  	[hbm:s10], [sflag:s19] =	dma.local [spmem:s4], $0x400  }
0x15d: {  	_ =	swait.ge [sflag:s8], $0x400  }
0x15e: {  	[sflag:s8] =	ssyncset.done $0x0  }
0x15f: {  	s4 =	sshrl.u32 s24, $0x3;
	s10 =	rddreg [dreg:$0x12];
	[sflag:s8] =	ssyncadd.s32 $0xFFFFFC00  }
0x160: {  	[hbm:s10], [sflag:s19] =	dma.local [spmem:s4], $0x400  }
0x161: {  	_ =	swait.ge [sflag:s8], $0x400  }
0x162: {  	s3 =	sadd.s32 $0x1, s3;
	s10 =	rddreg [dreg:$0x18]  }
0x163: {  	p0 =	sne.s32 s3, s10  }
.Ltmp3:
0x164: {  	_ = 	snop;
	(pc) =	sbr.rel @p0 .LBB2_1-.Ltmp3, $3  }
0x165: {  	_ =	sdelay $0x1  }
0x166: {  	[sflag:s8] =	ssyncset.done $0x0  }
0x167: {  	[sflag:s8] =	ssyncadd.s32 $0xFFFFFC00  }
0x168: {  	_ =	sfence.sel $0x180000  }
0x169: {  	[bflag:$0x0] =	sbarrier.arrive $0xFFFF  }
0x16a: {  	_ =	strace $0x90000047  }
0x16b: {  	s0 =	stileid.u32;
	[bflag:$0x2] =	sbarrier.arrive $0xFFFF  }
0x16c: {  	p0 =	sne.s32 s0, $0x0;
	s0 =	rddreg [dreg:$0x4]  }
0x16d: {  	s0 =	sadd.s32 @!p0 $0x100000, s0  }
0x16e: {  	[sflag:s0] =	ssyncadd.tile.s32 @!p0 $0x1;
	_ =	shalt  }
.Lfunc_end2:
_tile_overlayer_lowered:
.L_overlay_start_2:
0x16f: {  	(tag) =	ssettag $0x2  }
0x170: {  	s0 =	rddreg [dreg:$0x0];
	s2 =	stileid.u32  }
0x171: {  	s1 =	rddreg [dreg:$0x1];
	p0 =	sne.s32 s2, $0x0  }
0x172: {  	s3 =	rddreg [dreg:$0x2];
	[bflag:$0x3] =	sbarrier.arrive $0xFFFF;
	s2 =	simm.s32 @!p0 $0x1C05  }
0x173: {  	[timem:s3], [sflag:s2] =	dma.local @!p0 [hbm:s0], s1  }
0x174: {  	s0 =	simm.s32 @!p0 $0x5  }
0x175: {  	_ =	swait.ge @!p0 [sflag:s0], s1  }
0x176: {  	s1 =	ssub.s32 @!p0 $0x0, s1;
	[sflag:s0] =	ssyncset.done @!p0 $0x0  }
0x177: {  	[sflag:s0] =	ssyncadd.s32 @!p0 s1  }
0x178: {  	[bflag:$0x3] =	sbarrier.arrive $0xFFFF  }
0x179: {  	_ =	shalt  }

// kernel: kernel.15.cloned.1.call-start
scs
__scs_entry_jumppad:
0x0: {  	(pc) =	sbr.rel $0x88, $3  }
0x1: {  	(tag) =	ssettag $0x0;
	lr =	simm.s32 $0x1  }
0x2: {  	[smem:$0x3F96] =	sst lr;
	_ =	strace $0xD0000000  }
0x3: {  	_ = 	snop  }
0x4: {  	_ = 	snop  }
0x5: {  	_ = 	snop  }
0x6: {  	_ = 	snop  }
0x7: {  	_ = 	snop  }
__scs_overlays_trampoline_lowered:
0x8: {  	[smem:$0x3FA5] =	sst s0  }
0x9: {  	[smem:$0x3FA6] =	sst s1  }
0xa: {  	[smem:$0x3FA7] =	sst s2  }
0xb: {  	[smem:$0x3FA8] =	sst s3  }
0xc: {  	[smem:$0x3FA9] =	sst s4  }
0xd: {  	[smem:$0x3FAA] =	sst s5  }
0xe: {  	[smem:$0x3FAB] =	sst s6  }
0xf: {  	[smem:$0x3FAC] =	sst s7  }
0x10: {  	[smem:$0x3FAD] =	sst s8  }
0x11: {  	[smem:$0x3FAE] =	sst s9;
	s0 =	simm.s32 @!p0 $0x0  }
0x12: {  	s1 =	sld [smem:$0x3F94];
	s0 =	simm.s32 @p0 $0x1  }
0x13: {  	[smem:$0x3FAF] =	sst s0;
	s0 =	simm.s32 @!p1 $0x0  }
0x14: {  	s2 =	sld [smem:$0x3F93];
	s0 =	simm.s32 @p1 $0x1  }
0x15: {  	[smem:$0x3FB0] =	sst s0;
	s0 =	simm.s32 @!p2 $0x0  }
0x16: {  	s3 =	sld [smem:$0x3FDB];
	s0 =	simm.s32 @p2 $0x1  }
0x17: {  	s4 =	simm.s32 $0x1BF5;
	[smem:$0x3FB2] =	sst s0  }
0x18: {  	s0 =	sld [smem:$0x3F95];
	_ =	swait.ge [sflag:s4], $0x0  }
0x19: {  	s7 =	sld [smem:$0x3F96]  }
0x1a: {  	s8 =	sadd.s32 $0xFFFFE003, lr  }
0x1b: {  	s9 =	sadd.s32 $0xFFFFFEF7, lr;
	s5 =	simm.s32 $0xFFFFFFFF;
	p2 =	slt.u32 s8, $0xFFFFF086  }
0x1c: {  	p1 =	slt.u32 s9, $0xF7A;
	s5 =	simm.s32 @!p2 $0x0  }
0x1d: {  	s5 =	simm.s32 @p1 $0x1;
	p0 =	seq.s32 s7, s2  }
0x1e: {  	s7 =	smul.u32 @!p0 $0xF7A, s2;
	p2 =	seq.s32 @!p0 s5, $0x0  }
0x1f: {  	s9 =	smul.u32 $0xF7A, s1;
	s8 =	simm.s32 @!p0 $0x1BF5;
	p2 =	por !p2, p0  }
0x20: {  	[sflag:s8] =	ssyncset.s32 @!p0 $0xFFFFF086;
	s6 =	sadd.s32 @!p0 s3, s7;
	s7 =	simm.s32 @!p0 $0x108  }
0x21: {  	s3 =	sadd.s32 s3, s9;
	s6 =	sadd.s32 @!p0 $0x88, s6;
	s7 =	simm.s32 @p2 $0x1082  }
0x22: {  	[simem:s7], [sflag:s8] =	dma.local @!p0 [hbm:s6], $0xF7A  }
0x23: {  	s9 =	sor.u32 $0xD0000000, s2;
	s6 =	simm.s32 $0x108;
	_ =	swait.ge @!p0 [sflag:s8], $0x0  }
0x24: {  	s3 =	sadd.s32 $0x88, s3;
	s6 =	simm.s32 @!p1 $0x1082;
	[sflag:s4] =	ssyncset.s32 $0xFFFFF086  }
0x25: {  	[simem:s6], [sflag:s4] =	dma.local [hbm:s3], $0xF7A  }
0x26: {  	[smem:$0x3F96] =	sst s1;
	(tag) =	ssettag s2;
	_ =	strace s9  }
0x27: {  	s1 =	sld [smem:$0x3FA6]  }
0x28: {  	s2 =	sld [smem:$0x3FA7]  }
0x29: {  	s4 =	sld [smem:$0x3FA9]  }
0x2a: {  	p0 =	seq.s32 s5, $0x0;
	s5 =	sld [smem:$0x3FAA]  }
0x2b: {  	s6 =	sld [smem:$0x3FAB]  }
0x2c: {  	s7 =	sld [smem:$0x3FAC]  }
0x2d: {  	s3 =	simm.s32 $0x108;
	s8 =	sld [smem:$0x3FAD]  }
0x2e: {  	s3 =	simm.s32 @!p0 $0x1082;
	s9 =	sld [smem:$0x3FAE]  }
0x2f: {  	lr =	sadd.s32 s0, s3;
	s0 =	sld [smem:$0x3FA5]  }
0x30: {  	s3 =	sld [smem:$0x3FA8]  }
0x31: {  	[smem:$0x3FB1] =	sst s10  }
0x32: {  	s10 =	sld [smem:$0x3FAF];
	_ =	sdelay $0x3  }
0x33: {  	p0 =	seq.s32 s10, $0x1;
	s10 =	sld [smem:$0x3FB1];
	_ =	sdelay $0x3  }
0x34: {  	[smem:$0x3FB1] =	sst s10  }
0x35: {  	s10 =	sld [smem:$0x3FB0];
	_ =	sdelay $0x3  }
0x36: {  	p1 =	seq.s32 s10, $0x1;
	s10 =	sld [smem:$0x3FB1];
	_ =	sdelay $0x3  }
0x37: {  	[smem:$0x3FB1] =	sst s10  }
0x38: {  	s10 =	sld [smem:$0x3FB2]  }
0x39: {  	_ = 	snop;
	(pc) =	sbr.ind lr, $3  }
0x3a: {  	_ = 	snop  }
0x3b: {  	_ = 	snop  }
0x3c: {  	p2 =	seq.s32 s10, $0x1;
	s10 =	sld [smem:$0x3FB1]  }
0x3d: {  	_ =	shalt  }
0x3e: {  	_ =	shalt  }
0x3f: {  	_ =	shalt  }
0x40: {  	_ =	shalt  }
0x41: {  	_ =	shalt  }
0x42: {  	_ =	shalt  }
0x43: {  	_ =	shalt  }
0x44: {  	_ =	shalt  }
0x45: {  	_ =	shalt  }
0x46: {  	_ =	shalt  }
0x47: {  	_ =	shalt  }
0x48: {  	_ =	shalt  }
0x49: {  	_ =	shalt  }
0x4a: {  	_ =	shalt  }
0x4b: {  	_ =	shalt  }
0x4c: {  	_ =	shalt  }
0x4d: {  	_ =	shalt  }
0x4e: {  	_ =	shalt  }
0x4f: {  	_ =	shalt  }
0x50: {  	_ =	shalt  }
0x51: {  	_ =	shalt  }
0x52: {  	_ =	shalt  }
0x53: {  	_ =	shalt  }
0x54: {  	_ =	shalt  }
0x55: {  	_ =	shalt  }
0x56: {  	_ =	shalt  }
0x57: {  	_ =	shalt  }
0x58: {  	_ =	shalt  }
0x59: {  	_ =	shalt  }
0x5a: {  	_ =	shalt  }
0x5b: {  	_ =	shalt  }
0x5c: {  	_ =	shalt  }
0x5d: {  	_ =	shalt  }
0x5e: {  	_ =	shalt  }
0x5f: {  	_ =	shalt  }
0x60: {  	_ =	shalt  }
0x61: {  	_ =	shalt  }
0x62: {  	_ =	shalt  }
0x63: {  	_ =	shalt  }
0x64: {  	_ =	shalt  }
0x65: {  	_ =	shalt  }
0x66: {  	_ =	shalt  }
0x67: {  	_ =	shalt  }
0x68: {  	_ =	shalt  }
0x69: {  	_ =	shalt  }
0x6a: {  	_ =	shalt  }
0x6b: {  	_ =	shalt  }
0x6c: {  	_ =	shalt  }
0x6d: {  	_ =	shalt  }
0x6e: {  	_ =	shalt  }
0x6f: {  	_ =	shalt  }
0x70: {  	_ =	shalt  }
0x71: {  	_ =	shalt  }
0x72: {  	_ =	shalt  }
0x73: {  	_ =	shalt  }
0x74: {  	_ =	shalt  }
0x75: {  	_ =	shalt  }
0x76: {  	_ =	shalt  }
0x77: {  	_ =	shalt  }
0x78: {  	_ =	shalt  }
0x79: {  	_ =	shalt  }
0x7a: {  	_ =	shalt  }
0x7b: {  	_ =	shalt  }
0x7c: {  	_ =	shalt  }
0x7d: {  	_ =	shalt  }
0x7e: {  	_ =	shalt  }
0x7f: {  	_ =	shalt  }
0x80: {  	_ =	shalt  }
0x81: {  	_ =	shalt  }
0x82: {  	_ =	shalt  }
0x83: {  	_ =	shalt  }
0x84: {  	_ =	shalt  }
0x85: {  	_ =	shalt  }
0x86: {  	_ =	shalt  }
0x87: {  	_ =	shalt  }
.Lfunc_end0:
.L_simem_size_0:
called_computation.2_lowered:
.L_overlay_start_0:
0x88: {  	s2 =	sld [smem:$0x3FD9]  }
0x89: {  	s3 =	sld [smem:$0x3FFE];
	_ =	sdelay $0x1  }
0x8a: {  	s1 =	srdreg.scid  }
0x8b: {  	s0 =	sand.u32 $0x1, s1  }
0x8c: {  	s17 =	sshll.u32 s0, $0xA;
	s2 =	sadd.s32 s3, s2  }
0x8d: {  	s2 =	sadd.s32 s2, s17  }
0x8e: {  	[smem:$0x3FBD] =	sst s2  }
0x8f: {  	_ = 	snop  }
0x90: {  	s2 =	sld [smem:$0x3FD0];
	(tm) =	ssettm $0x1  }
0x91: {  	s18 =	sld [smem:$0x3FFB];
	_ =	sdelay $0x3  }
0x92: {  	_ =	strace s18  }
0x93: {  	s3 =	sld [smem:$0x3FFC];
	_ =	sdelay $0x3  }
0x94: {  	_ =	strace s3  }
0x95: {  	s3 =	sld [smem:$0x3FFD];
	_ =	sdelay $0x3  }
0x96: {  	_ =	strace s3  }
0x97: {  	_ =	strace $0x8FFFFFFF  }
0x98: {  	s19 =	sld [smem:$0x3FDB];
	_ =	sdelay $0x1  }
0x99: {  	s4 =	simm.s32 $_scs_section_size  }
0x9a: {  	s5 =	simm.s32 $_size__tile_overlayer_lowered;
	s6 =	simm.s32 $_tile_overlayer_lowered  }
0x9b: {  	s22 =	simm.s32 $0x1BFF;
	s21 =	sshll.u32 s6, $0x1;
	s3 =	sadd.s32 s4, s19  }
0x9c: {  	s7 =	simm.s32 $0x0;
	s20 =	sshll.u32 s5, $0x1;
	s5 =	sadd.s32 s21, s3  }
0x9d: {  	[timem:s7], [sflag:s22] =	dma.local [hbm:s5], s20  }
0x9e: {  	_ =	swait.ge [sflag:s22], s20  }
0x9f: {  	s4 =	ssub.s32 $0x0, s20;
	[sflag:s22] =	ssyncset.done $0x0  }
0xa0: {  	[sflag:s22] =	ssyncadd.s32 s4;
	_ =	sdelay $0x1  }
0xa1: {  	s23 =	simm.s32 $0x1B8B  }
0xa2: {  	_ =	swait.ge [sflag:s23], $0x1  }
0xa3: {  	[sflag:s23] =	ssyncset.done $0x0  }
0xa4: {  	s25 =	simm.s32 $0x1B8E;
	s24 =	sld [smem:$0x3FFE];
	[sflag:s23] =	ssyncadd.s32 $0xFFFFFFFF  }
0xa5: {  	s26 =	simm.s32 $execute0_lowered;
	[smem:$0x3FD2] =	sst s25  }
0xa6: {  	s5 =	sshll.u32 s26, $0x1;
	_ =	strace $0x8000004C;
	[dreg:$0x1] =	wrdreg $0xFFFFFFFF  }
0xa7: {  	s28 =	simm.s32 $_size_execute0_lowered;
	s3 =	sadd.s32 s3, s5;
	[dreg:$0x0] =	wrdreg $0x0  }
0xa8: {  	s5 =	sshll.u32 s28, $0x1;
	[dreg:$0x2] =	wrdreg s3  }
0xa9: {  	[dreg:$0x3] =	wrdreg s5  }
0xaa: {  	[dreg:$0x4] =	wrdreg $0xC0  }
0xab: {  	_ =	task [dreg:s7], $0x5FFFF  }
0xac: {  	[dreg:$0x1] =	wrdreg $0xFFFFFFFF  }
0xad: {  	[dreg:$0x0] =	wrdreg $0x60  }
0xae: {  	[dreg:$0x2] =	wrdreg s2  }
0xaf: {  	[dreg:$0x3] =	wrdreg s24  }
0xb0: {  	[dreg:$0x4] =	wrdreg $0x108000  }
0xb1: {  	[dreg:$0x5] =	wrdreg $0x68000  }
0xb2: {  	[dreg:$0x6] =	wrdreg $0x9  }
0xb3: {  	_ =	task.clear_ibuf [dreg:s7], $0x7FFFF;
	_ =	strace $0x9000004C  }
0xb4: {  	s29 =	simm.s32 $0x9;
	_ =	strace $0x8000004E  }
0xb5: {  	_ =	swait.ge [sflag:s29], $0x1  }
0xb6: {  	[sflag:s29] =	ssyncadd.s32 $0xFFFFFFFF  }
0xb7: {  	_ =	strace $0x9000004E  }
0xb8: {  	_ =	sfence  }
0xb9: {  	s30 =	sld [smem:$0x0];
	_ =	sdelay $0x2  }
0xba: {  	s31 =	sshll.u32 s1, $0xD;
	s1 =	sshrl.u32 s1, $0x2  }
0xbb: {  	s3 =	sand.u32 $0x4000, s31;
	s1 =	sadd.s32 s1, s30  }
0xbc: {  	s0 =	sor.u32 s3, s0;
	s1 =	sshll.u32 s1, $0x11  }
0xbd: {  	s0 =	sor.u32 s1, s0  }
0xbe: {  	s0 =	sadd.s32 $0x8F2B, s0  }
0xbf: {  	[sflag:s0] =	ssyncadd.remote.s32 $0x1  }
0xc0: {  	_ =	sfence.sel $0xFFFF  }
0xc1: {  	[dreg:$0x0] =	wrdreg $0xFFFFFFFF;
	(pc) =	sbr.abs _section_cstart, $3  }
0xc2: {  	[dreg:$0x1] =	wrdreg $0xFFFFFFFF  }
0xc3: {  	_ =	task.clear_ibuf [dreg:s7], $0x2FFFF;
	_ =	strace $0x9FFFFFFF  }
0xc4: {  	(tm) =	ssettm $0x7FFFFFFF  }
0xc5: {  	_ =	shalt  }
tec
execute0_lowered:
.L_overlay_start_1:
0x0: {  	(tag) =	ssettag $0x1  }
0x1: {  	s4 =	rddreg [dreg:$0x0]  }
0x2: {  	s0 =	rddreg [dreg:$0x1]  }
0x3: {  	s1 =	rddreg [dreg:$0x2]  }
0x4: {  	s2 =	rddreg [dreg:$0x3];
	s3 =	simm.s32 $0x0;
	s5 =	srdreg.scid  }
0x5: {  	s18 =	stileid.u32;
	s28 =	simm.s32 $0x2700;
	s29 =	simm.s32 $0x2740  }
0x6: {  	s30 =	simm.s32 $0x2780;
	s31 =	simm.s32 $0x27C0;
	[smem:$0x7FF] =	sst s3  }
0x7: {  	s5 =	sand.u32 $0x1, s5;
	s6 =	sadd.s32 $0xC600, s0;
	s8 =	sadd.s32 $0x2600, s0  }
0x8: {  	s10 =	smul.u32 $0x14000, s18;
	s11 =	sadd.s32 $0x16600, s0;
	_ =	strace $0x8000004D  }
0x9: {  	s7 =	ssub.s32 $0x2, s5;
	s15 =	sshll.u32 s5, $0x4;
	s5 =	smul.u32 $0x140000, s5  }
0xa: {  	s9 =	sshrl.u32 s7, $0x1;
	s12 =	sadd.s32 $0x4000, s10;
	s13 =	sshrl.u32 s10, $0x4  }
0xb: {  	s0 =	ssub.s32 s7, s9;
	s7 =	sor.u32 s18, s15;
	s9 =	sshrl.u32 s10, $0x1  }
0xc: {  	s14 =	sshrl.u32 s12, $0x4;
	s15 =	sadd.s32 $0x8000, s10;
	s13 =	sadd.s32 s4, s13  }
0xd: {  	s24 =	sadd.s32 s10, s5;
	s26 =	sadd.s32 s5, s12;
	[dreg:$0x5] =	wrdreg s13  }
0xe: {  	s16 =	sadd.s32 s4, s14;
	s17 =	sshrl.u32 s15, $0x4;
	s19 =	smul.u32 $0x500, s7  }
0xf: {  	s7 =	smul.u32 $0x2800, s7;
	s0 =	smax.u32 s0, $0x1;
	[dreg:$0x6] =	wrdreg s16  }
0x10: {  	s25 =	sshrl.u32 s24, $0x4;
	s13 =	sadd.s32 s4, s17;
	[dreg:$0x18] =	wrdreg s0  }
0x11: {  	s17 =	sadd.s32 $0x10000, s10;
	[dreg:$0x7] =	wrdreg s13;
	s13 =	sadd.s32 $0xC000, s10  }
0x12: {  	s20 =	sshrl.u32 s17, $0x4;
	s21 =	sadd.s32 s6, s19;
	s22 =	sshrl.u32 s7, $0x3  }
0x13: {  	s23 =	sadd.s32 s8, s19;
	s7 =	sshrl.u32 s26, $0x4;
	s19 =	sshll.u32 s18, $0x6  }
0x14: {  	s24 =	sshrl.u32 s17, $0x1;
	s16 =	sshrl.u32 s13, $0x4;
	[dreg:$0xa] =	wrdreg s21  }
0x15: {  	[dreg:$0xb] =	wrdreg s23;
	s10 =	sadd.s32 s5, s13;
	s19 =	sor.u32 $0x1C05, s19  }
0x16: {  	s21 =	sshrl.u32 s12, $0x1;
	s23 =	sshrl.u32 s13, $0x1;
	s13 =	sadd.s32 s24, s1  }
0x17: {  	s24 =	sadd.s32 s24, s2;
	s16 =	sadd.s32 s4, s16;
	s4 =	sadd.s32 s4, s20  }
0x18: {  	s20 =	smul.u32 $0x28000, s18;
	s26 =	sadd.s32 s21, s1;
	s21 =	sadd.s32 s21, s2  }
0x19: {  	s12 =	sadd.s32 s23, s1;
	s23 =	sadd.s32 s23, s2;
	[dreg:$0x8] =	wrdreg s16  }
0x1a: {  	[dreg:$0x9] =	wrdreg s4;
	s4 =	sadd.s32 $0x280, s22;
	s26 =	sshrl.u32 s26, $0x3  }
0x1b: {  	s22 =	sshrl.u32 s15, $0x1;
	s6 =	sadd.s32 s6, s4;
	[dreg:$0x1a] =	wrdreg s26  }
0x1c: {  	s4 =	sadd.s32 s8, s4;
	s8 =	sadd.s32 s5, s15;
	[dreg:$0xc] =	wrdreg s6  }
0x1d: {  	s5 =	sadd.s32 s5, s17;
	s26 =	simm.s32 $0x4;
	[dreg:$0xd] =	wrdreg s4  }
0x1e: {  	s6 =	sadd.s32 s11, s25;
	s4 =	sadd.s32 s11, s7;
	s16 =	sshrl.u32 s5, $0x4  }
0x1f: {  	s5 =	sshrl.u32 s20, $0x2;
	s25 =	sadd.s32 s9, s1;
	s20 =	sadd.s32 s9, s2  }
0x20: {  	s7 =	sshrl.u32 s13, $0x3;
	s9 =	simm.s32 $0x2800;
	[dreg:$0xe] =	wrdreg s6  }
0x21: {  	s13 =	simm.s32 $0x80;
	[dreg:$0xf] =	wrdreg s4;
	s4 =	sshrl.u32 s8, $0x4  }
0x22: {  	s6 =	sshrl.u32 s10, $0x4;
	s5 =	sadd.s32 s5, s2;
	s25 =	sshrl.u32 s25, $0x3  }
0x23: {  	s8 =	simm.s32 $0x5;
	s4 =	sadd.s32 s11, s4;
	[dreg:$0x19] =	wrdreg s25  }
0x24: {  	s14 =	sadd.s32 s11, s6;
	s15 =	sadd.s32 $0x3000, s5;
	[dreg:$0x10] =	wrdreg s4  }
0x25: {  	s17 =	sadd.s32 $0x7000, s5;
	s18 =	sadd.s32 $0x9000, s5;
	[dreg:$0x11] =	wrdreg s14  }
0x26: {  	s6 =	sshrl.u32 s12, $0x3;
	s12 =	simm.s32 $0x3800;
	[dreg:$0x14] =	wrdreg s15  }
0x27: {  	s25 =	simm.s32 $0x3;
	s4 =	sadd.s32 s11, s16;
	[dreg:$0x16] =	wrdreg s17  }
0x28: {  	s11 =	sadd.s32 s22, s1;
	s22 =	sadd.s32 s22, s2;
	[dreg:$0x17] =	wrdreg s18  }
0x29: {  	s14 =	sadd.s32 $0x1000, s5;
	s16 =	sadd.s32 $0x5000, s5;
	[dreg:$0x12] =	wrdreg s4  }
0x2a: {  	s15 =	simm.s32 $0xC0;
	s17 =	simm.s32 $0x1;
	[dreg:$0x13] =	wrdreg s14  }
0x2b: {  	s18 =	simm.s32 $0x2;
	[dreg:$0x15] =	wrdreg s16;
	s5 =	sshrl.u32 s11, $0x3  }
0x2c: {  	v0 =	vimm.bf16 $0.0e+00;
	s11 =	simm.s32 $0x40;
	s14 =	simm.s32 $0x4800;
	s16 =	simm.s32 $0x5800  }
.LBB2_1:
0x2d: {  	s0 =	rddreg [dreg:$0x5]  }
0x2e: {  	s4 =	rddreg [dreg:$0x19]  }
0x2f: {  	[spmem:s4], [sflag:s19] =	dma.local [hbm:s0], $0x400  }
0x30: {  	_ =	swait.ge [sflag:s8], $0x400  }
0x31: {  	[sflag:s8] =	ssyncset.done $0x0;
	s4 =	rddreg [dreg:$0x6]  }
0x32: {  	s10 =	rddreg [dreg:$0x1a];
	[sflag:s8] =	ssyncadd.s32 $0xFFFFFC00  }
0x33: {  	[spmem:s10], [sflag:s19] =	dma.local [hbm:s4], $0x400  }
0x34: {  	_ =	swait.ge [sflag:s8], $0x400  }
0x35: {  	[sflag:s8] =	ssyncset.done $0x0  }
0x36: {  	s10 =	rddreg [dreg:$0x7];
	[sflag:s8] =	ssyncadd.s32 $0xFFFFFC00  }
0x37: {  	[spmem:s5], [sflag:s19] =	dma.local [hbm:s10], $0x400  }
0x38: {  	_ =	swait.ge [sflag:s8], $0x400  }
0x39: {  	[sflag:s8] =	ssyncset.done $0x0  }
0x3a: {  	s4 =	rddreg [dreg:$0x8];
	[sflag:s8] =	ssyncadd.s32 $0xFFFFFC00  }
0x3b: {  	[spmem:s6], [sflag:s19] =	dma.local [hbm:s4], $0x400  }
0x3c: {  	_ =	swait.ge [sflag:s8], $0x400  }
0x3d: {  	[sflag:s8] =	ssyncset.done $0x0  }
0x3e: {  	s10 =	rddreg [dreg:$0x9];
	[sflag:s8] =	ssyncadd.s32 $0xFFFFFC00  }
0x3f: {  	[spmem:s7], [sflag:s19] =	dma.local [hbm:s10], $0x400  }
0x40: {  	_ =	swait.ge [sflag:s8], $0x400  }
0x41: {  	[sflag:s8] =	ssyncset.done $0x0  }
0x42: {  	s0 =	simm.s32 $0x0;
	s10 =	simm.s32 $0x100;
	[sflag:s8] =	ssyncadd.s32 $0xFFFFFC00  }
.LBB2_2:
0x43: {  	p0 =	sne.s32 s10, $0x3F00;
	[tilespmem:s0+$0x2830] =	vst v0;
	s4 =	smov.u32 s10;
	s10 =	sadd.s32 $0x100, s10  }
.Ltmp0:
0x44: {  	[tilespmem:s0+$0x2820] =	vst v0;
	(pc) =	sbr.rel @p0 .LBB2_2-.Ltmp0, $3  }
0x45: {  	[tilespmem:s0+$0x2800] =	vst v0  }
0x46: {  	[tilespmem:s0+$0x2810] =	vst v0;
	_ =	sdelay $0x1  }
0x47: {  	s0 =	sshra.s32 s4, $0x2  }
0x48: {  	[tilespmem:s0+$0x2830] =	vst v0  }
0x49: {  	[tilespmem:s0+$0x2820] =	vst v0  }
0x4a: {  	[tilespmem:s0+$0x2800] =	vst v0  }
0x4b: {  	[tilespmem:s0+$0x2810] =	vst v0  }
0x4c: {  	[spmem:s20] =	stream.linear.scatter [tilespmem:s9], [sflag:$0x5], $0x1000, $0x38;
	[tilespmem:$0x1A800] =	vst v63  }
0x4d: {  	_ =	swait.ge [sflag:s8], $0x1000  }
0x4e: {  	[sflag:s8] =	ssyncset.done $0x0  }
0x4f: {  	s4 =	rddreg [dreg:$0x13];
	[sflag:s8] =	ssyncadd.s32 $0xFFFFF000  }
0x50: {  	[spmem:s4] =	stream.linear.scatter [tilespmem:s9], [sflag:$0x5], $0x1000, $0x38;
	[tilespmem:$0x1A800] =	vst v63  }
0x51: {  	_ =	swait.ge [sflag:s8], $0x1000  }
0x52: {  	[sflag:s8] =	ssyncset.done $0x0  }
0x53: {  	[sflag:s8] =	ssyncadd.s32 $0xFFFFF000  }
0x54: {  	[spmem:s21] =	stream.linear.scatter [tilespmem:s9], [sflag:$0x5], $0x1000, $0x38;
	[tilespmem:$0x1A800] =	vst v63  }
0x55: {  	_ =	swait.ge [sflag:s8], $0x1000  }
0x56: {  	[sflag:s8] =	ssyncset.done $0x0  }
0x57: {  	s10 =	rddreg [dreg:$0x14];
	[sflag:s8] =	ssyncadd.s32 $0xFFFFF000  }
0x58: {  	[spmem:s10] =	stream.linear.scatter [tilespmem:s9], [sflag:$0x5], $0x1000, $0x38;
	[tilespmem:$0x1A800] =	vst v63  }
0x59: {  	_ =	swait.ge [sflag:s8], $0x1000  }
0x5a: {  	[sflag:s8] =	ssyncset.done $0x0  }
0x5b: {  	[sflag:s8] =	ssyncadd.s32 $0xFFFFF000  }
0x5c: {  	[spmem:s22] =	stream.linear.scatter [tilespmem:s9], [sflag:$0x5], $0x1000, $0x38;
	[tilespmem:$0x1A800] =	vst v63  }
0x5d: {  	_ =	swait.ge [sflag:s8], $0x1000  }
0x5e: {  	[sflag:s8] =	ssyncset.done $0x0  }
0x5f: {  	s4 =	rddreg [dreg:$0x15];
	[sflag:s8] =	ssyncadd.s32 $0xFFFFF000  }
0x60: {  	[spmem:s4] =	stream.linear.scatter [tilespmem:s9], [sflag:$0x5], $0x1000, $0x38;
	[tilespmem:$0x1A800] =	vst v63  }
0x61: {  	_ =	swait.ge [sflag:s8], $0x1000  }
0x62: {  	[sflag:s8] =	ssyncset.done $0x0  }
0x63: {  	[sflag:s8] =	ssyncadd.s32 $0xFFFFF000  }
0x64: {  	[spmem:s23] =	stream.linear.scatter [tilespmem:s9], [sflag:$0x5], $0x1000, $0x38;
	[tilespmem:$0x1A800] =	vst v63  }
0x65: {  	_ =	swait.ge [sflag:s8], $0x1000  }
0x66: {  	[sflag:s8] =	ssyncset.done $0x0  }
0x67: {  	s10 =	rddreg [dreg:$0x16];
	[sflag:s8] =	ssyncadd.s32 $0xFFFFF000  }
0x68: {  	[spmem:s10] =	stream.linear.scatter [tilespmem:s9], [sflag:$0x5], $0x1000, $0x38;
	[tilespmem:$0x1A800] =	vst v63  }
0x69: {  	_ =	swait.ge [sflag:s8], $0x1000  }
0x6a: {  	[sflag:s8] =	ssyncset.done $0x0  }
0x6b: {  	[sflag:s8] =	ssyncadd.s32 $0xFFFFF000  }
0x6c: {  	[spmem:s24] =	stream.linear.scatter [tilespmem:s9], [sflag:$0x5], $0x1000, $0x38;
	[tilespmem:$0x1A800] =	vst v63  }
0x6d: {  	_ =	swait.ge [sflag:s8], $0x1000  }
0x6e: {  	[sflag:s8] =	ssyncset.done $0x0  }
0x6f: {  	s4 =	rddreg [dreg:$0x17];
	[sflag:s8] =	ssyncadd.s32 $0xFFFFF000  }
0x70: {  	[spmem:s4] =	stream.linear.scatter [tilespmem:s9], [sflag:$0x5], $0x1000, $0x38;
	[tilespmem:$0x1A800] =	vst v63  }
0x71: {  	_ =	swait.ge [sflag:s8], $0x1000  }
0x72: {  	[sflag:s8] =	ssyncset.done $0x0  }
0x73: {  	[sflag:s8] =	ssyncadd.s32 $0xFFFFF000  }
0x74: {  	[bflag:$0x0] =	sbarrier.arrive $0xFFFF  }
0x75: {  	s0 =	simm.s32 $0x0;
	s4 =	rddreg [dreg:$0xa]  }
0x76: {  	[tilespmem:s0], [sflag:$0x5] =	stream.linear.gather [hbm4b:s4+s0], $0x1400, $0x38;
	[tilespmem:$0x1A800] =	vst v63  }
0x77: {  	_ =	swait.ge [sflag:s8], $0x1400  }
0x78: {  	[sflag:s8] =	ssyncset.done $0x0  }
0x79: {  	s10 =	simm.s32 $0x1400;
	s4 =	rddreg [dreg:$0xb];
	[sflag:s8] =	ssyncadd.s32 $0xFFFFEC00  }
0x7a: {  	[tilespmem:s10], [sflag:$0x5] =	stream.linear.gather [hbm4b:s4+s0], $0x1400, $0x38;
	[tilespmem:$0x1A800] =	vst v63  }
0x7b: {  	_ =	swait.ge [sflag:s8], $0x1400  }
0x7c: {  	[sflag:s8] =	ssyncset.done $0x0  }
0x7d: {  	[sflag:s8] =	ssyncadd.s32 $0xFFFFEC00  }
0x7e: {  	[tilespmem:s9], [sflag:$0x1] =	stream.indirect.gather [spmem:s1], $0x40, s0, s11, $0xb8;
	[tilespmem:$0x1A800] =	vst v63  }
0x7f: {  	_ = 	snop  }
0x80: {  	[tilespmem:s12], [sflag:$0x2] =	stream.indirect.gather [spmem:s1], $0x40, s11, s11, $0xb8;
	[tilespmem:$0x1A800] =	vst v63  }
0x81: {  	_ = 	snop  }
0x82: {  	[tilespmem:s14], [sflag:$0x3] =	stream.indirect.gather [spmem:s1], $0x40, s13, s11, $0xb8;
	[tilespmem:$0x1A800] =	vst v63  }
0x83: {  	_ = 	snop  }
0x84: {  	[tilespmem:s16], [sflag:$0x4] =	stream.indirect.gather [spmem:s1], $0x40, s15, s11, $0xb8;
	[tilespmem:$0x1A800] =	vst v63  }
0x85: {  	_ =	swait.ge [sflag:s17], $0x1000  }
0x86: {  	[sflag:s17] =	ssyncset.done $0x0  }
0x87: {  	s10 =	simm.s32 $0x1400;
	[sflag:s17] =	ssyncadd.s32 $0xFFFFF000  }
0x88: {  	[spmem:s2] =	stream.indirect.scatter.add.bf16 [tilespmem:s9], [sflag:$0x5], $0x40, s10, s11, $0xb8;
	[tilespmem:$0x1A800] =	vst v63  }
0x89: {  	_ =	swait.ge [sflag:s8], $0x1000  }
0x8a: {  	[sflag:s8] =	ssyncset.done $0x0  }
0x8b: {  	s4 =	simm.s32 $0x100;
	[sflag:s8] =	ssyncadd.s32 $0xFFFFF000  }
0x8c: {  	[tilespmem:s9], [sflag:$0x1] =	stream.indirect.gather [spmem:s1], $0x40, s4, s11, $0xb8;
	[tilespmem:$0x1A800] =	vst v63  }
0x8d: {  	_ =	swait.ge [sflag:s18], $0x1000  }
0x8e: {  	[sflag:s18] =	ssyncset.done $0x0  }
0x8f: {  	s10 =	simm.s32 $0x1440;
	[sflag:s18] =	ssyncadd.s32 $0xFFFFF000  }
0x90: {  	[spmem:s2] =	stream.indirect.scatter.add.bf16 [tilespmem:s12], [sflag:$0x5], $0x40, s10, s11, $0xb8;
	[tilespmem:$0x1A800] =	vst v63  }
0x91: {  	_ =	swait.ge [sflag:s8], $0x1000  }
0x92: {  	[sflag:s8] =	ssyncset.done $0x0  }
0x93: {  	s4 =	simm.s32 $0x140;
	[sflag:s8] =	ssyncadd.s32 $0xFFFFF000  }
0x94: {  	[tilespmem:s12], [sflag:$0x2] =	stream.indirect.gather [spmem:s1], $0x40, s4, s11, $0xb8;
	[tilespmem:$0x1A800] =	vst v63  }
0x95: {  	_ =	swait.ge [sflag:s25], $0x1000  }
0x96: {  	[sflag:s25] =	ssyncset.done $0x0  }
0x97: {  	s10 =	simm.s32 $0x1480;
	[sflag:s25] =	ssyncadd.s32 $0xFFFFF000  }
0x98: {  	[spmem:s2] =	stream.indirect.scatter.add.bf16 [tilespmem:s14], [sflag:$0x5], $0x40, s10, s11, $0xb8;
	[tilespmem:$0x1A800] =	vst v63  }
0x99: {  	_ =	swait.ge [sflag:s8], $0x1000  }
0x9a: {  	[sflag:s8] =	ssyncset.done $0x0  }
0x9b: {  	s4 =	simm.s32 $0x180;
	[sflag:s8] =	ssyncadd.s32 $0xFFFFF000  }
0x9c: {  	[tilespmem:s14], [sflag:$0x3] =	stream.indirect.gather [spmem:s1], $0x40, s4, s11, $0xb8;
	[tilespmem:$0x1A800] =	vst v63  }
0x9d: {  	_ =	swait.ge [sflag:s26], $0x1000  }
0x9e: {  	[sflag:s26] =	ssyncset.done $0x0  }
0x9f: {  	s10 =	simm.s32 $0x14C0;
	[sflag:s26] =	ssyncadd.s32 $0xFFFFF000  }
0xa0: {  	[spmem:s2] =	stream.indirect.scatter.add.bf16 [tilespmem:s16], [sflag:$0x5], $0x40, s10, s11, $0xb8;
	[tilespmem:$0x1A800] =	vst v63  }
0xa1: {  	_ =	swait.ge [sflag:s8], $0x1000  }
0xa2: {  	[sflag:s8] =	ssyncset.done $0x0  }
0xa3: {  	s0 =	simm.s32 $0x1C0;
	s10 =	simm.s32 $0x400;
	[sflag:s8] =	ssyncadd.s32 $0xFFFFF000  }
.LBB2_4:
0xa4: {  	[tilespmem:s16], [sflag:$0x4] =	stream.indirect.gather [spmem:s1], $0x40, s0, s11, $0xb8;
	[tilespmem:$0x1A800] =	vst v63  }
0xa5: {  	s0 =	smov.u32 s10  }
0xa6: {  	p0 =	sne.s32 s10, $0x4800;
	s10 =	sadd.s32 $0x400, s10;
	_ =	swait.ge [sflag:s17], $0x1000  }
0xa7: {  	s0 =	sshra.s32 s0, $0x2;
	[sflag:s17] =	ssyncset.done $0x0  }
0xa8: {  	s4 =	sadd.s32 $0x1400, s0;
	[sflag:s17] =	ssyncadd.s32 $0xFFFFF000  }
0xa9: {  	[spmem:s2] =	stream.indirect.scatter.add.bf16 [tilespmem:s9], [sflag:$0x5], $0x40, s4, s11, $0xb8;
	[tilespmem:$0x1A800] =	vst v63  }
0xaa: {  	_ =	swait.ge [sflag:s8], $0x1000  }
0xab: {  	[sflag:s8] =	ssyncset.done $0x0  }
0xac: {  	s4 =	sadd.s32 $0x100, s0;
	[sflag:s8] =	ssyncadd.s32 $0xFFFFF000  }
0xad: {  	[tilespmem:s9], [sflag:$0x1] =	stream.indirect.gather [spmem:s1], $0x40, s4, s11, $0xb8;
	[tilespmem:$0x1A800] =	vst v63  }
0xae: {  	_ =	swait.ge [sflag:s18], $0x1000  }
0xaf: {  	[sflag:s18] =	ssyncset.done $0x0  }
0xb0: {  	s4 =	sadd.s32 $0x1440, s0;
	[sflag:s18] =	ssyncadd.s32 $0xFFFFF000  }
0xb1: {  	[spmem:s2] =	stream.indirect.scatter.add.bf16 [tilespmem:s12], [sflag:$0x5], $0x40, s4, s11, $0xb8;
	[tilespmem:$0x1A800] =	vst v63  }
0xb2: {  	_ =	swait.ge [sflag:s8], $0x1000  }
0xb3: {  	[sflag:s8] =	ssyncset.done $0x0  }
0xb4: {  	s4 =	sadd.s32 $0x140, s0;
	[sflag:s8] =	ssyncadd.s32 $0xFFFFF000  }
0xb5: {  	[tilespmem:s12], [sflag:$0x2] =	stream.indirect.gather [spmem:s1], $0x40, s4, s11, $0xb8;
	[tilespmem:$0x1A800] =	vst v63  }
0xb6: {  	_ =	swait.ge [sflag:s25], $0x1000  }
0xb7: {  	[sflag:s25] =	ssyncset.done $0x0  }
0xb8: {  	s4 =	sadd.s32 $0x1480, s0;
	[sflag:s25] =	ssyncadd.s32 $0xFFFFF000  }
0xb9: {  	[spmem:s2] =	stream.indirect.scatter.add.bf16 [tilespmem:s14], [sflag:$0x5], $0x40, s4, s11, $0xb8;
	[tilespmem:$0x1A800] =	vst v63  }
0xba: {  	_ =	swait.ge [sflag:s8], $0x1000  }
0xbb: {  	[sflag:s8] =	ssyncset.done $0x0  }
0xbc: {  	s4 =	sadd.s32 $0x180, s0;
	[sflag:s8] =	ssyncadd.s32 $0xFFFFF000  }
0xbd: {  	[tilespmem:s14], [sflag:$0x3] =	stream.indirect.gather [spmem:s1], $0x40, s4, s11, $0xb8;
	[tilespmem:$0x1A800] =	vst v63  }
0xbe: {  	_ =	swait.ge [sflag:s26], $0x1000  }
0xbf: {  	[sflag:s26] =	ssyncset.done $0x0  }
.Ltmp1:
0xc0: {  	s4 =	sadd.s32 $0x14C0, s0;
	[sflag:s26] =	ssyncadd.s32 $0xFFFFF000;
	(pc) =	sbr.rel @p0 .LBB2_4-.Ltmp1, $4  }
0xc1: {  	[spmem:s2] =	stream.indirect.scatter.add.bf16 [tilespmem:s16], [sflag:$0x5], $0x40, s4, s11, $0xb8;
	[tilespmem:$0x1A800] =	vst v63  }
0xc2: {  	_ =	swait.ge [sflag:s8], $0x1000  }
0xc3: {  	[sflag:s8] =	ssyncset.done $0x0  }
0xc4: {  	s0 =	sadd.s32 $0x1C0, s0;
	[sflag:s8] =	ssyncadd.s32 $0xFFFFF000  }
0xc5: {  	[tilespmem:s16], [sflag:$0x4] =	stream.indirect.gather [spmem:s1], $0x40, s0, s11, $0xb8;
	[tilespmem:$0x1A800] =	vst v63  }
0xc6: {  	_ =	swait.ge [sflag:s17], $0x1000  }
0xc7: {  	[sflag:s17] =	ssyncset.done $0x0  }
0xc8: {  	[sflag:s17] =	ssyncadd.s32 $0xFFFFF000  }
0xc9: {  	[spmem:s2] =	stream.indirect.scatter.add.bf16 [tilespmem:s9], [sflag:$0x5], $0x40, s28, s11, $0xb8;
	[tilespmem:$0x1A800] =	vst v63  }
0xca: {  	_ =	swait.ge [sflag:s8], $0x1000  }
0xcb: {  	[sflag:s8] =	ssyncset.done $0x0  }
0xcc: {  	[sflag:s8] =	ssyncadd.s32 $0xFFFFF000  }
0xcd: {  	_ =	swait.ge [sflag:s18], $0x1000  }
0xce: {  	[sflag:s18] =	ssyncset.done $0x0  }
0xcf: {  	[sflag:s18] =	ssyncadd.s32 $0xFFFFF000  }
0xd0: {  	[spmem:s2] =	stream.indirect.scatter.add.bf16 [tilespmem:s12], [sflag:$0x5], $0x40, s29, s11, $0xb8;
	[tilespmem:$0x1A800] =	vst v63  }
0xd1: {  	_ =	swait.ge [sflag:s8], $0x1000  }
0xd2: {  	[sflag:s8] =	ssyncset.done $0x0  }
0xd3: {  	[sflag:s8] =	ssyncadd.s32 $0xFFFFF000  }
0xd4: {  	_ =	swait.ge [sflag:s25], $0x1000  }
0xd5: {  	[sflag:s25] =	ssyncset.done $0x0  }
0xd6: {  	[sflag:s25] =	ssyncadd.s32 $0xFFFFF000  }
0xd7: {  	[spmem:s2] =	stream.indirect.scatter.add.bf16 [tilespmem:s14], [sflag:$0x5], $0x40, s30, s11, $0xb8;
	[tilespmem:$0x1A800] =	vst v63  }
0xd8: {  	_ =	swait.ge [sflag:s8], $0x1000  }
0xd9: {  	[sflag:s8] =	ssyncset.done $0x0  }
0xda: {  	[sflag:s8] =	ssyncadd.s32 $0xFFFFF000  }
0xdb: {  	_ =	swait.ge [sflag:s26], $0x1000  }
0xdc: {  	[sflag:s26] =	ssyncset.done $0x0  }
0xdd: {  	[sflag:s26] =	ssyncadd.s32 $0xFFFFF000  }
0xde: {  	[spmem:s2] =	stream.indirect.scatter.add.bf16 [tilespmem:s16], [sflag:$0x5], $0x40, s31, s11, $0xb8;
	[tilespmem:$0x1A800] =	vst v63  }
0xdf: {  	_ =	swait.ge [sflag:s8], $0x1000  }
0xe0: {  	[sflag:s8] =	ssyncset.done $0x0  }
0xe1: {  	s0 =	simm.s32 $0x0;
	s4 =	rddreg [dreg:$0xc];
	[sflag:s8] =	ssyncadd.s32 $0xFFFFF000  }
0xe2: {  	[tilespmem:s0], [sflag:$0x5] =	stream.linear.gather [hbm4b:s4+s0], $0x1400, $0x38;
	[tilespmem:$0x1A800] =	vst v63  }
0xe3: {  	_ =	swait.ge [sflag:s8], $0x1400  }
0xe4: {  	[sflag:s8] =	ssyncset.done $0x0  }
0xe5: {  	s10 =	simm.s32 $0x1400;
	s4 =	rddreg [dreg:$0xd];
	[sflag:s8] =	ssyncadd.s32 $0xFFFFEC00  }
0xe6: {  	[tilespmem:s10], [sflag:$0x5] =	stream.linear.gather [hbm4b:s4+s0], $0x1400, $0x38;
	[tilespmem:$0x1A800] =	vst v63  }
0xe7: {  	_ =	swait.ge [sflag:s8], $0x1400  }
0xe8: {  	[sflag:s8] =	ssyncset.done $0x0  }
0xe9: {  	[sflag:s8] =	ssyncadd.s32 $0xFFFFEC00  }
0xea: {  	[tilespmem:s9], [sflag:$0x1] =	stream.indirect.gather [spmem:s1], $0x40, s0, s11, $0xb8;
	[tilespmem:$0x1A800] =	vst v63  }
0xeb: {  	_ = 	snop  }
0xec: {  	[tilespmem:s12], [sflag:$0x2] =	stream.indirect.gather [spmem:s1], $0x40, s11, s11, $0xb8;
	[tilespmem:$0x1A800] =	vst v63  }
0xed: {  	_ = 	snop  }
0xee: {  	[tilespmem:s14], [sflag:$0x3] =	stream.indirect.gather [spmem:s1], $0x40, s13, s11, $0xb8;
	[tilespmem:$0x1A800] =	vst v63  }
0xef: {  	_ = 	snop  }
0xf0: {  	[tilespmem:s16], [sflag:$0x4] =	stream.indirect.gather [spmem:s1], $0x40, s15, s11, $0xb8;
	[tilespmem:$0x1A800] =	vst v63  }
0xf1: {  	_ =	swait.ge [sflag:s17], $0x1000  }
0xf2: {  	[sflag:s17] =	ssyncset.done $0x0  }
0xf3: {  	s10 =	simm.s32 $0x1400;
	[sflag:s17] =	ssyncadd.s32 $0xFFFFF000  }
0xf4: {  	[spmem:s2] =	stream.indirect.scatter.add.bf16 [tilespmem:s9], [sflag:$0x5], $0x40, s10, s11, $0xb8;
	[tilespmem:$0x1A800] =	vst v63  }
0xf5: {  	_ =	swait.ge [sflag:s8], $0x1000  }
0xf6: {  	[sflag:s8] =	ssyncset.done $0x0  }
0xf7: {  	s4 =	simm.s32 $0x100;
	[sflag:s8] =	ssyncadd.s32 $0xFFFFF000  }
0xf8: {  	[tilespmem:s9], [sflag:$0x1] =	stream.indirect.gather [spmem:s1], $0x40, s4, s11, $0xb8;
	[tilespmem:$0x1A800] =	vst v63  }
0xf9: {  	_ =	swait.ge [sflag:s18], $0x1000  }
0xfa: {  	[sflag:s18] =	ssyncset.done $0x0  }
0xfb: {  	s10 =	simm.s32 $0x1440;
	[sflag:s18] =	ssyncadd.s32 $0xFFFFF000  }
0xfc: {  	[spmem:s2] =	stream.indirect.scatter.add.bf16 [tilespmem:s12], [sflag:$0x5], $0x40, s10, s11, $0xb8;
	[tilespmem:$0x1A800] =	vst v63  }
0xfd: {  	_ =	swait.ge [sflag:s8], $0x1000  }
0xfe: {  	[sflag:s8] =	ssyncset.done $0x0  }
0xff: {  	s4 =	simm.s32 $0x140;
	[sflag:s8] =	ssyncadd.s32 $0xFFFFF000  }
0x100: {  	[tilespmem:s12], [sflag:$0x2] =	stream.indirect.gather [spmem:s1], $0x40, s4, s11, $0xb8;
	[tilespmem:$0x1A800] =	vst v63  }
0x101: {  	_ =	swait.ge [sflag:s25], $0x1000  }
0x102: {  	[sflag:s25] =	ssyncset.done $0x0  }
0x103: {  	s10 =	simm.s32 $0x1480;
	[sflag:s25] =	ssyncadd.s32 $0xFFFFF000  }
0x104: {  	[spmem:s2] =	stream.indirect.scatter.add.bf16 [tilespmem:s14], [sflag:$0x5], $0x40, s10, s11, $0xb8;
	[tilespmem:$0x1A800] =	vst v63  }
0x105: {  	_ =	swait.ge [sflag:s8], $0x1000  }
0x106: {  	[sflag:s8] =	ssyncset.done $0x0  }
0x107: {  	s4 =	simm.s32 $0x180;
	[sflag:s8] =	ssyncadd.s32 $0xFFFFF000  }
0x108: {  	[tilespmem:s14], [sflag:$0x3] =	stream.indirect.gather [spmem:s1], $0x40, s4, s11, $0xb8;
	[tilespmem:$0x1A800] =	vst v63  }
0x109: {  	_ =	swait.ge [sflag:s26], $0x1000  }
0x10a: {  	[sflag:s26] =	ssyncset.done $0x0  }
0x10b: {  	s10 =	simm.s32 $0x14C0;
	[sflag:s26] =	ssyncadd.s32 $0xFFFFF000  }
0x10c: {  	[spmem:s2] =	stream.indirect.scatter.add.bf16 [tilespmem:s16], [sflag:$0x5], $0x40, s10, s11, $0xb8;
	[tilespmem:$0x1A800] =	vst v63  }
0x10d: {  	_ =	swait.ge [sflag:s8], $0x1000  }
0x10e: {  	[sflag:s8] =	ssyncset.done $0x0  }
0x10f: {  	s0 =	simm.s32 $0x1C0;
	s10 =	simm.s32 $0x400;
	[sflag:s8] =	ssyncadd.s32 $0xFFFFF000  }
.LBB2_6:
0x110: {  	[tilespmem:s16], [sflag:$0x4] =	stream.indirect.gather [spmem:s1], $0x40, s0, s11, $0xb8;
	[tilespmem:$0x1A800] =	vst v63  }
0x111: {  	s0 =	smov.u32 s10  }
0x112: {  	p0 =	sne.s32 s10, $0x4800;
	s10 =	sadd.s32 $0x400, s10;
	_ =	swait.ge [sflag:s17], $0x1000  }
0x113: {  	s0 =	sshra.s32 s0, $0x2;
	[sflag:s17] =	ssyncset.done $0x0  }
0x114: {  	s4 =	sadd.s32 $0x1400, s0;
	[sflag:s17] =	ssyncadd.s32 $0xFFFFF000  }
0x115: {  	[spmem:s2] =	stream.indirect.scatter.add.bf16 [tilespmem:s9], [sflag:$0x5], $0x40, s4, s11, $0xb8;
	[tilespmem:$0x1A800] =	vst v63  }
0x116: {  	_ =	swait.ge [sflag:s8], $0x1000  }
0x117: {  	[sflag:s8] =	ssyncset.done $0x0  }
0x118: {  	s4 =	sadd.s32 $0x100, s0;
	[sflag:s8] =	ssyncadd.s32 $0xFFFFF000  }
0x119: {  	[tilespmem:s9], [sflag:$0x1] =	stream.indirect.gather [spmem:s1], $0x40, s4, s11, $0xb8;
	[tilespmem:$0x1A800] =	vst v63  }
0x11a: {  	_ =	swait.ge [sflag:s18], $0x1000  }
0x11b: {  	[sflag:s18] =	ssyncset.done $0x0  }
0x11c: {  	s4 =	sadd.s32 $0x1440, s0;
	[sflag:s18] =	ssyncadd.s32 $0xFFFFF000  }
0x11d: {  	[spmem:s2] =	stream.indirect.scatter.add.bf16 [tilespmem:s12], [sflag:$0x5], $0x40, s4, s11, $0xb8;
	[tilespmem:$0x1A800] =	vst v63  }
0x11e: {  	_ =	swait.ge [sflag:s8], $0x1000  }
0x11f: {  	[sflag:s8] =	ssyncset.done $0x0  }
0x120: {  	s4 =	sadd.s32 $0x140, s0;
	[sflag:s8] =	ssyncadd.s32 $0xFFFFF000  }
0x121: {  	[tilespmem:s12], [sflag:$0x2] =	stream.indirect.gather [spmem:s1], $0x40, s4, s11, $0xb8;
	[tilespmem:$0x1A800] =	vst v63  }
0x122: {  	_ =	swait.ge [sflag:s25], $0x1000  }
0x123: {  	[sflag:s25] =	ssyncset.done $0x0  }
0x124: {  	s4 =	sadd.s32 $0x1480, s0;
	[sflag:s25] =	ssyncadd.s32 $0xFFFFF000  }
0x125: {  	[spmem:s2] =	stream.indirect.scatter.add.bf16 [tilespmem:s14], [sflag:$0x5], $0x40, s4, s11, $0xb8;
	[tilespmem:$0x1A800] =	vst v63  }
0x126: {  	_ =	swait.ge [sflag:s8], $0x1000  }
0x127: {  	[sflag:s8] =	ssyncset.done $0x0  }
0x128: {  	s4 =	sadd.s32 $0x180, s0;
	[sflag:s8] =	ssyncadd.s32 $0xFFFFF000  }
0x129: {  	[tilespmem:s14], [sflag:$0x3] =	stream.indirect.gather [spmem:s1], $0x40, s4, s11, $0xb8;
	[tilespmem:$0x1A800] =	vst v63  }
0x12a: {  	_ =	swait.ge [sflag:s26], $0x1000  }
0x12b: {  	[sflag:s26] =	ssyncset.done $0x0  }
.Ltmp2:
0x12c: {  	s4 =	sadd.s32 $0x14C0, s0;
	[sflag:s26] =	ssyncadd.s32 $0xFFFFF000;
	(pc) =	sbr.rel @p0 .LBB2_6-.Ltmp2, $4  }
0x12d: {  	[spmem:s2] =	stream.indirect.scatter.add.bf16 [tilespmem:s16], [sflag:$0x5], $0x40, s4, s11, $0xb8;
	[tilespmem:$0x1A800] =	vst v63  }
0x12e: {  	_ =	swait.ge [sflag:s8], $0x1000  }
0x12f: {  	[sflag:s8] =	ssyncset.done $0x0  }
0x130: {  	s0 =	sadd.s32 $0x1C0, s0;
	[sflag:s8] =	ssyncadd.s32 $0xFFFFF000  }
0x131: {  	[tilespmem:s16], [sflag:$0x4] =	stream.indirect.gather [spmem:s1], $0x40, s0, s11, $0xb8;
	[tilespmem:$0x1A800] =	vst v63  }
0x132: {  	_ =	swait.ge [sflag:s17], $0x1000  }
0x133: {  	[sflag:s17] =	ssyncset.done $0x0  }
0x134: {  	[sflag:s17] =	ssyncadd.s32 $0xFFFFF000  }
0x135: {  	[spmem:s2] =	stream.indirect.scatter.add.bf16 [tilespmem:s9], [sflag:$0x5], $0x40, s28, s11, $0xb8;
	[tilespmem:$0x1A800] =	vst v63  }
0x136: {  	_ =	swait.ge [sflag:s8], $0x1000  }
0x137: {  	[sflag:s8] =	ssyncset.done $0x0  }
0x138: {  	[sflag:s8] =	ssyncadd.s32 $0xFFFFF000  }
0x139: {  	_ =	swait.ge [sflag:s18], $0x1000  }
0x13a: {  	[sflag:s18] =	ssyncset.done $0x0  }
0x13b: {  	[sflag:s18] =	ssyncadd.s32 $0xFFFFF000  }
0x13c: {  	[spmem:s2] =	stream.indirect.scatter.add.bf16 [tilespmem:s12], [sflag:$0x5], $0x40, s29, s11, $0xb8;
	[tilespmem:$0x1A800] =	vst v63  }
0x13d: {  	_ =	swait.ge [sflag:s8], $0x1000  }
0x13e: {  	[sflag:s8] =	ssyncset.done $0x0  }
0x13f: {  	[sflag:s8] =	ssyncadd.s32 $0xFFFFF000  }
0x140: {  	_ =	swait.ge [sflag:s25], $0x1000  }
0x141: {  	[sflag:s25] =	ssyncset.done $0x0  }
0x142: {  	[sflag:s25] =	ssyncadd.s32 $0xFFFFF000  }
0x143: {  	[spmem:s2] =	stream.indirect.scatter.add.bf16 [tilespmem:s14], [sflag:$0x5], $0x40, s30, s11, $0xb8;
	[tilespmem:$0x1A800] =	vst v63  }
0x144: {  	_ =	swait.ge [sflag:s8], $0x1000  }
0x145: {  	[sflag:s8] =	ssyncset.done $0x0  }
0x146: {  	[sflag:s8] =	ssyncadd.s32 $0xFFFFF000  }
0x147: {  	_ =	swait.ge [sflag:s26], $0x1000  }
0x148: {  	[sflag:s26] =	ssyncset.done $0x0  }
0x149: {  	[sflag:s26] =	ssyncadd.s32 $0xFFFFF000  }
0x14a: {  	[spmem:s2] =	stream.indirect.scatter.add.bf16 [tilespmem:s16], [sflag:$0x5], $0x40, s31, s11, $0xb8;
	[tilespmem:$0x1A800] =	vst v63  }
0x14b: {  	_ =	swait.ge [sflag:s8], $0x1000  }
0x14c: {  	[sflag:s8] =	ssyncset.done $0x0  }
0x14d: {  	[sflag:s8] =	ssyncadd.s32 $0xFFFFF000  }
0x14e: {  	[bflag:$0x0] =	sbarrier.arrive $0xFFFF  }
0x14f: {  	s10 =	sshrl.u32 s20, $0x3;
	s4 =	rddreg [dreg:$0xe]  }
0x150: {  	[hbm:s4], [sflag:s19] =	dma.local [spmem:s10], $0x400  }
0x151: {  	_ =	swait.ge [sflag:s8], $0x400  }
0x152: {  	[sflag:s8] =	ssyncset.done $0x0  }
0x153: {  	s4 =	sshrl.u32 s21, $0x3;
	s10 =	rddreg [dreg:$0xf];
	[sflag:s8] =	ssyncadd.s32 $0xFFFFFC00  }
0x154: {  	[hbm:s10], [sflag:s19] =	dma.local [spmem:s4], $0x400  }
0x155: {  	_ =	swait.ge [sflag:s8], $0x400  }
0x156: {  	[sflag:s8] =	ssyncset.done $0x0  }
0x157: {  	s4 =	sshrl.u32 s22, $0x3;
	s10 =	rddreg [dreg:$0x10];
	[sflag:s8] =	ssyncadd.s32 $0xFFFFFC00  }
0x158: {  	[hbm:s10], [sflag:s19] =	dma.local [spmem:s4], $0x400  }
0x159: {  	_ =	swait.ge [sflag:s8], $0x400  }
0x15a: {  	[sflag:s8] =	ssyncset.done $0x0  }
0x15b: {  	s4 =	sshrl.u32 s23, $0x3;
	s10 =	rddreg [dreg:$0x11];
	[sflag:s8] =	ssyncadd.s32 $0xFFFFFC00  }
0x15c: {  	[hbm:s10], [sflag:s19] =	dma.local [spmem:s4], $0x400  }
0x15d: {  	_ =	swait.ge [sflag:s8], $0x400  }
0x15e: {  	[sflag:s8] =	ssyncset.done $0x0  }
0x15f: {  	s4 =	sshrl.u32 s24, $0x3;
	s10 =	rddreg [dreg:$0x12];
	[sflag:s8] =	ssyncadd.s32 $0xFFFFFC00  }
0x160: {  	[hbm:s10], [sflag:s19] =	dma.local [spmem:s4], $0x400  }
0x161: {  	_ =	swait.ge [sflag:s8], $0x400  }
0x162: {  	s3 =	sadd.s32 $0x1, s3;
	s10 =	rddreg [dreg:$0x18]  }
0x163: {  	p0 =	sne.s32 s3, s10  }
.Ltmp3:
0x164: {  	_ = 	snop;
	(pc) =	sbr.rel @p0 .LBB2_1-.Ltmp3, $3  }
0x165: {  	_ =	sdelay $0x1  }
0x166: {  	[sflag:s8] =	ssyncset.done $0x0  }
0x167: {  	[sflag:s8] =	ssyncadd.s32 $0xFFFFFC00  }
0x168: {  	_ =	sfence.sel $0x180000  }
0x169: {  	[bflag:$0x0] =	sbarrier.arrive $0xFFFF  }
0x16a: {  	_ =	strace $0x9000004D  }
0x16b: {  	s0 =	stileid.u32;
	[bflag:$0x2] =	sbarrier.arrive $0xFFFF  }
0x16c: {  	p0 =	sne.s32 s0, $0x0;
	s0 =	rddreg [dreg:$0x4]  }
0x16d: {  	s0 =	sadd.s32 @!p0 $0x100000, s0  }
0x16e: {  	[sflag:s0] =	ssyncadd.tile.s32 @!p0 $0x1;
	_ =	shalt  }
.Lfunc_end2:
_tile_overlayer_lowered:
.L_overlay_start_2:
0x16f: {  	(tag) =	ssettag $0x2  }
0x170: {  	s0 =	rddreg [dreg:$0x0];
	s2 =	stileid.u32  }
0x171: {  	s1 =	rddreg [dreg:$0x1];
	p0 =	sne.s32 s2, $0x0  }
0x172: {  	s3 =	rddreg [dreg:$0x2];
	[bflag:$0x3] =	sbarrier.arrive $0xFFFF;
	s2 =	simm.s32 @!p0 $0x1C05  }
0x173: {  	[timem:s3], [sflag:s2] =	dma.local @!p0 [hbm:s0], s1  }
0x174: {  	s0 =	simm.s32 @!p0 $0x5  }
0x175: {  	_ =	swait.ge @!p0 [sflag:s0], s1  }
0x176: {  	s1 =	ssub.s32 @!p0 $0x0, s1;
	[sflag:s0] =	ssyncset.done @!p0 $0x0  }
0x177: {  	[sflag:s0] =	ssyncadd.s32 @!p0 s1  }
0x178: {  	[bflag:$0x3] =	sbarrier.arrive $0xFFFF  }
0x179: {  	_ =	shalt  }

// kernel: kernel.18.cloned.1.call-start
scs
__scs_entry_jumppad:
0x0: {  	(pc) =	sbr.rel $0x88, $3  }
0x1: {  	(tag) =	ssettag $0x0;
	lr =	simm.s32 $0x1  }
0x2: {  	[smem:$0x3F96] =	sst lr;
	_ =	strace $0xD0000000  }
0x3: {  	_ = 	snop  }
0x4: {  	_ = 	snop  }
0x5: {  	_ = 	snop  }
0x6: {  	_ = 	snop  }
0x7: {  	_ = 	snop  }
__scs_overlays_trampoline_lowered:
0x8: {  	[smem:$0x3FA5] =	sst s0  }
0x9: {  	[smem:$0x3FA6] =	sst s1  }
0xa: {  	[smem:$0x3FA7] =	sst s2  }
0xb: {  	[smem:$0x3FA8] =	sst s3  }
0xc: {  	[smem:$0x3FA9] =	sst s4  }
0xd: {  	[smem:$0x3FAA] =	sst s5  }
0xe: {  	[smem:$0x3FAB] =	sst s6  }
0xf: {  	[smem:$0x3FAC] =	sst s7  }
0x10: {  	[smem:$0x3FAD] =	sst s8  }
0x11: {  	[smem:$0x3FAE] =	sst s9;
	s0 =	simm.s32 @!p0 $0x0  }
0x12: {  	s1 =	sld [smem:$0x3F94];
	s0 =	simm.s32 @p0 $0x1  }
0x13: {  	[smem:$0x3FAF] =	sst s0;
	s0 =	simm.s32 @!p1 $0x0  }
0x14: {  	s2 =	sld [smem:$0x3F93];
	s0 =	simm.s32 @p1 $0x1  }
0x15: {  	[smem:$0x3FB0] =	sst s0;
	s0 =	simm.s32 @!p2 $0x0  }
0x16: {  	s3 =	sld [smem:$0x3FDB];
	s0 =	simm.s32 @p2 $0x1  }
0x17: {  	s4 =	simm.s32 $0x1BF5;
	[smem:$0x3FB2] =	sst s0  }
0x18: {  	s0 =	sld [smem:$0x3F95];
	_ =	swait.ge [sflag:s4], $0x0  }
0x19: {  	s7 =	sld [smem:$0x3F96]  }
0x1a: {  	s8 =	sadd.s32 $0xFFFFE003, lr  }
0x1b: {  	s9 =	sadd.s32 $0xFFFFFEF7, lr;
	s5 =	simm.s32 $0xFFFFFFFF;
	p2 =	slt.u32 s8, $0xFFFFF086  }
0x1c: {  	p1 =	slt.u32 s9, $0xF7A;
	s5 =	simm.s32 @!p2 $0x0  }
0x1d: {  	s5 =	simm.s32 @p1 $0x1;
	p0 =	seq.s32 s7, s2  }
0x1e: {  	s7 =	smul.u32 @!p0 $0xF7A, s2;
	p2 =	seq.s32 @!p0 s5, $0x0  }
0x1f: {  	s9 =	smul.u32 $0xF7A, s1;
	s8 =	simm.s32 @!p0 $0x1BF5;
	p2 =	por !p2, p0  }
0x20: {  	[sflag:s8] =	ssyncset.s32 @!p0 $0xFFFFF086;
	s6 =	sadd.s32 @!p0 s3, s7;
	s7 =	simm.s32 @!p0 $0x108  }
0x21: {  	s3 =	sadd.s32 s3, s9;
	s6 =	sadd.s32 @!p0 $0x88, s6;
	s7 =	simm.s32 @p2 $0x1082  }
0x22: {  	[simem:s7], [sflag:s8] =	dma.local @!p0 [hbm:s6], $0xF7A  }
0x23: {  	s9 =	sor.u32 $0xD0000000, s2;
	s6 =	simm.s32 $0x108;
	_ =	swait.ge @!p0 [sflag:s8], $0x0  }
0x24: {  	s3 =	sadd.s32 $0x88, s3;
	s6 =	simm.s32 @!p1 $0x1082;
	[sflag:s4] =	ssyncset.s32 $0xFFFFF086  }
0x25: {  	[simem:s6], [sflag:s4] =	dma.local [hbm:s3], $0xF7A  }
0x26: {  	[smem:$0x3F96] =	sst s1;
	(tag) =	ssettag s2;
	_ =	strace s9  }
0x27: {  	s1 =	sld [smem:$0x3FA6]  }
0x28: {  	s2 =	sld [smem:$0x3FA7]  }
0x29: {  	s4 =	sld [smem:$0x3FA9]  }
0x2a: {  	p0 =	seq.s32 s5, $0x0;
	s5 =	sld [smem:$0x3FAA]  }
0x2b: {  	s6 =	sld [smem:$0x3FAB]  }
0x2c: {  	s7 =	sld [smem:$0x3FAC]  }
0x2d: {  	s3 =	simm.s32 $0x108;
	s8 =	sld [smem:$0x3FAD]  }
0x2e: {  	s3 =	simm.s32 @!p0 $0x1082;
	s9 =	sld [smem:$0x3FAE]  }
0x2f: {  	lr =	sadd.s32 s0, s3;
	s0 =	sld [smem:$0x3FA5]  }
0x30: {  	s3 =	sld [smem:$0x3FA8]  }
0x31: {  	[smem:$0x3FB1] =	sst s10  }
0x32: {  	s10 =	sld [smem:$0x3FAF];
	_ =	sdelay $0x3  }
0x33: {  	p0 =	seq.s32 s10, $0x1;
	s10 =	sld [smem:$0x3FB1];
	_ =	sdelay $0x3  }
0x34: {  	[smem:$0x3FB1] =	sst s10  }
0x35: {  	s10 =	sld [smem:$0x3FB0];
	_ =	sdelay $0x3  }
0x36: {  	p1 =	seq.s32 s10, $0x1;
	s10 =	sld [smem:$0x3FB1];
	_ =	sdelay $0x3  }
0x37: {  	[smem:$0x3FB1] =	sst s10  }
0x38: {  	s10 =	sld [smem:$0x3FB2]  }
0x39: {  	_ = 	snop;
	(pc) =	sbr.ind lr, $3  }
0x3a: {  	_ = 	snop  }
0x3b: {  	_ = 	snop  }
0x3c: {  	p2 =	seq.s32 s10, $0x1;
	s10 =	sld [smem:$0x3FB1]  }
0x3d: {  	_ =	shalt  }
0x3e: {  	_ =	shalt  }
0x3f: {  	_ =	shalt  }
0x40: {  	_ =	shalt  }
0x41: {  	_ =	shalt  }
0x42: {  	_ =	shalt  }
0x43: {  	_ =	shalt  }
0x44: {  	_ =	shalt  }
0x45: {  	_ =	shalt  }
0x46: {  	_ =	shalt  }
0x47: {  	_ =	shalt  }
0x48: {  	_ =	shalt  }
0x49: {  	_ =	shalt  }
0x4a: {  	_ =	shalt  }
0x4b: {  	_ =	shalt  }
0x4c: {  	_ =	shalt  }
0x4d: {  	_ =	shalt  }
0x4e: {  	_ =	shalt  }
0x4f: {  	_ =	shalt  }
0x50: {  	_ =	shalt  }
0x51: {  	_ =	shalt  }
0x52: {  	_ =	shalt  }
0x53: {  	_ =	shalt  }
0x54: {  	_ =	shalt  }
0x55: {  	_ =	shalt  }
0x56: {  	_ =	shalt  }
0x57: {  	_ =	shalt  }
0x58: {  	_ =	shalt  }
0x59: {  	_ =	shalt  }
0x5a: {  	_ =	shalt  }
0x5b: {  	_ =	shalt  }
0x5c: {  	_ =	shalt  }
0x5d: {  	_ =	shalt  }
0x5e: {  	_ =	shalt  }
0x5f: {  	_ =	shalt  }
0x60: {  	_ =	shalt  }
0x61: {  	_ =	shalt  }
0x62: {  	_ =	shalt  }
0x63: {  	_ =	shalt  }
0x64: {  	_ =	shalt  }
0x65: {  	_ =	shalt  }
0x66: {  	_ =	shalt  }
0x67: {  	_ =	shalt  }
0x68: {  	_ =	shalt  }
0x69: {  	_ =	shalt  }
0x6a: {  	_ =	shalt  }
0x6b: {  	_ =	shalt  }
0x6c: {  	_ =	shalt  }
0x6d: {  	_ =	shalt  }
0x6e: {  	_ =	shalt  }
0x6f: {  	_ =	shalt  }
0x70: {  	_ =	shalt  }
0x71: {  	_ =	shalt  }
0x72: {  	_ =	shalt  }
0x73: {  	_ =	shalt  }
0x74: {  	_ =	shalt  }
0x75: {  	_ =	shalt  }
0x76: {  	_ =	shalt  }
0x77: {  	_ =	shalt  }
0x78: {  	_ =	shalt  }
0x79: {  	_ =	shalt  }
0x7a: {  	_ =	shalt  }
0x7b: {  	_ =	shalt  }
0x7c: {  	_ =	shalt  }
0x7d: {  	_ =	shalt  }
0x7e: {  	_ =	shalt  }
0x7f: {  	_ =	shalt  }
0x80: {  	_ =	shalt  }
0x81: {  	_ =	shalt  }
0x82: {  	_ =	shalt  }
0x83: {  	_ =	shalt  }
0x84: {  	_ =	shalt  }
0x85: {  	_ =	shalt  }
0x86: {  	_ =	shalt  }
0x87: {  	_ =	shalt  }
.Lfunc_end0:
.L_simem_size_0:
called_computation.3_lowered:
.L_overlay_start_0:
0x88: {  	s2 =	sld [smem:$0x3FD9]  }
0x89: {  	s3 =	sld [smem:$0x3FFE];
	_ =	sdelay $0x1  }
0x8a: {  	s1 =	srdreg.scid  }
0x8b: {  	s0 =	sand.u32 $0x1, s1  }
0x8c: {  	s17 =	sshll.u32 s0, $0xA;
	s2 =	sadd.s32 s3, s2  }
0x8d: {  	s2 =	sadd.s32 s2, s17  }
0x8e: {  	[smem:$0x3FBD] =	sst s2  }
0x8f: {  	_ = 	snop  }
0x90: {  	s2 =	sld [smem:$0x3FD0];
	(tm) =	ssettm $0x1  }
0x91: {  	s18 =	sld [smem:$0x3FFB];
	_ =	sdelay $0x3  }
0x92: {  	_ =	strace s18  }
0x93: {  	s3 =	sld [smem:$0x3FFC];
	_ =	sdelay $0x3  }
0x94: {  	_ =	strace s3  }
0x95: {  	s3 =	sld [smem:$0x3FFD];
	_ =	sdelay $0x3  }
0x96: {  	_ =	strace s3  }
0x97: {  	_ =	strace $0x8FFFFFFF  }
0x98: {  	s19 =	sld [smem:$0x3FDB];
	_ =	sdelay $0x1  }
0x99: {  	s4 =	simm.s32 $_scs_section_size  }
0x9a: {  	s5 =	simm.s32 $_size__tile_overlayer_lowered;
	s6 =	simm.s32 $_tile_overlayer_lowered  }
0x9b: {  	s22 =	simm.s32 $0x1BFF;
	s21 =	sshll.u32 s6, $0x1;
	s3 =	sadd.s32 s4, s19  }
0x9c: {  	s7 =	simm.s32 $0x0;
	s20 =	sshll.u32 s5, $0x1;
	s5 =	sadd.s32 s21, s3  }
0x9d: {  	[timem:s7], [sflag:s22] =	dma.local [hbm:s5], s20  }
0x9e: {  	_ =	swait.ge [sflag:s22], s20  }
0x9f: {  	s4 =	ssub.s32 $0x0, s20;
	[sflag:s22] =	ssyncset.done $0x0  }
0xa0: {  	[sflag:s22] =	ssyncadd.s32 s4;
	_ =	sdelay $0x1  }
0xa1: {  	s23 =	simm.s32 $0x1B8B  }
0xa2: {  	_ =	swait.ge [sflag:s23], $0x1  }
0xa3: {  	[sflag:s23] =	ssyncset.done $0x0  }
0xa4: {  	s25 =	simm.s32 $0x1B8E;
	s24 =	sld [smem:$0x3FFE];
	[sflag:s23] =	ssyncadd.s32 $0xFFFFFFFF  }
0xa5: {  	s26 =	simm.s32 $execute0_lowered;
	[smem:$0x3FD2] =	sst s25  }
0xa6: {  	s5 =	sshll.u32 s26, $0x1;
	_ =	strace $0x8000004F;
	[dreg:$0x1] =	wrdreg $0xFFFFFFFF  }
0xa7: {  	s28 =	simm.s32 $_size_execute0_lowered;
	s3 =	sadd.s32 s3, s5;
	[dreg:$0x0] =	wrdreg $0x0  }
0xa8: {  	s5 =	sshll.u32 s28, $0x1;
	[dreg:$0x2] =	wrdreg s3  }
0xa9: {  	[dreg:$0x3] =	wrdreg s5  }
0xaa: {  	[dreg:$0x4] =	wrdreg $0xC0  }
0xab: {  	_ =	task [dreg:s7], $0x5FFFF  }
0xac: {  	[dreg:$0x1] =	wrdreg $0xFFFFFFFF  }
0xad: {  	[dreg:$0x0] =	wrdreg $0x60  }
0xae: {  	[dreg:$0x2] =	wrdreg s2  }
0xaf: {  	[dreg:$0x3] =	wrdreg s24  }
0xb0: {  	[dreg:$0x4] =	wrdreg $0x108000  }
0xb1: {  	[dreg:$0x5] =	wrdreg $0x68000  }
0xb2: {  	[dreg:$0x6] =	wrdreg $0x9  }
0xb3: {  	_ =	task.clear_ibuf [dreg:s7], $0x7FFFF;
	_ =	strace $0x9000004F  }
0xb4: {  	s29 =	simm.s32 $0x9;
	_ =	strace $0x80000051  }
0xb5: {  	_ =	swait.ge [sflag:s29], $0x1  }
0xb6: {  	[sflag:s29] =	ssyncadd.s32 $0xFFFFFFFF  }
0xb7: {  	_ =	strace $0x90000051  }
0xb8: {  	_ =	sfence  }
0xb9: {  	s30 =	sld [smem:$0x0];
	_ =	sdelay $0x2  }
0xba: {  	s31 =	sshll.u32 s1, $0xD;
	s1 =	sshrl.u32 s1, $0x2  }
0xbb: {  	s3 =	sand.u32 $0x4000, s31;
	s1 =	sadd.s32 s1, s30  }
0xbc: {  	s0 =	sor.u32 s3, s0;
	s1 =	sshll.u32 s1, $0x11  }
0xbd: {  	s0 =	sor.u32 s1, s0  }
0xbe: {  	s0 =	sadd.s32 $0x8F2B, s0  }
0xbf: {  	[sflag:s0] =	ssyncadd.remote.s32 $0x1  }
0xc0: {  	_ =	sfence.sel $0xFFFF  }
0xc1: {  	[dreg:$0x0] =	wrdreg $0xFFFFFFFF;
	(pc) =	sbr.abs _section_cstart, $3  }
0xc2: {  	[dreg:$0x1] =	wrdreg $0xFFFFFFFF  }
0xc3: {  	_ =	task.clear_ibuf [dreg:s7], $0x2FFFF;
	_ =	strace $0x9FFFFFFF  }
0xc4: {  	(tm) =	ssettm $0x7FFFFFFF  }
0xc5: {  	_ =	shalt  }
tec
execute0_lowered:
.L_overlay_start_1:
0x0: {  	(tag) =	ssettag $0x1  }
0x1: {  	s4 =	rddreg [dreg:$0x0]  }
0x2: {  	s0 =	rddreg [dreg:$0x1]  }
0x3: {  	s1 =	rddreg [dreg:$0x2]  }
0x4: {  	s2 =	rddreg [dreg:$0x3];
	s3 =	simm.s32 $0x0;
	s5 =	srdreg.scid  }
0x5: {  	s18 =	stileid.u32;
	s28 =	simm.s32 $0x2700;
	s29 =	simm.s32 $0x2740  }
0x6: {  	s30 =	simm.s32 $0x2780;
	s31 =	simm.s32 $0x27C0;
	[smem:$0x7FF] =	sst s3  }
0x7: {  	s5 =	sand.u32 $0x1, s5;
	s6 =	sadd.s32 $0xC600, s0;
	s8 =	sadd.s32 $0x2600, s0  }
0x8: {  	s10 =	smul.u32 $0x14000, s18;
	s11 =	sadd.s32 $0x16600, s0;
	_ =	strace $0x80000050  }
0x9: {  	s7 =	ssub.s32 $0x2, s5;
	s15 =	sshll.u32 s5, $0x4;
	s5 =	smul.u32 $0x140000, s5  }
0xa: {  	s9 =	sshrl.u32 s7, $0x1;
	s12 =	sadd.s32 $0x4000, s10;
	s13 =	sshrl.u32 s10, $0x4  }
0xb: {  	s0 =	ssub.s32 s7, s9;
	s7 =	sor.u32 s18, s15;
	s9 =	sshrl.u32 s10, $0x1  }
0xc: {  	s14 =	sshrl.u32 s12, $0x4;
	s15 =	sadd.s32 $0x8000, s10;
	s13 =	sadd.s32 s4, s13  }
0xd: {  	s24 =	sadd.s32 s10, s5;
	s26 =	sadd.s32 s5, s12;
	[dreg:$0x5] =	wrdreg s13  }
0xe: {  	s16 =	sadd.s32 s4, s14;
	s17 =	sshrl.u32 s15, $0x4;
	s19 =	smul.u32 $0x500, s7  }
0xf: {  	s7 =	smul.u32 $0x2800, s7;
	s0 =	smax.u32 s0, $0x1;
	[dreg:$0x6] =	wrdreg s16  }
0x10: {  	s25 =	sshrl.u32 s24, $0x4;
	s13 =	sadd.s32 s4, s17;
	[dreg:$0x18] =	wrdreg s0  }
0x11: {  	s17 =	sadd.s32 $0x10000, s10;
	[dreg:$0x7] =	wrdreg s13;
	s13 =	sadd.s32 $0xC000, s10  }
0x12: {  	s20 =	sshrl.u32 s17, $0x4;
	s21 =	sadd.s32 s6, s19;
	s22 =	sshrl.u32 s7, $0x3  }
0x13: {  	s23 =	sadd.s32 s8, s19;
	s7 =	sshrl.u32 s26, $0x4;
	s19 =	sshll.u32 s18, $0x6  }
0x14: {  	s24 =	sshrl.u32 s17, $0x1;
	s16 =	sshrl.u32 s13, $0x4;
	[dreg:$0xa] =	wrdreg s21  }
0x15: {  	[dreg:$0xb] =	wrdreg s23;
	s10 =	sadd.s32 s5, s13;
	s19 =	sor.u32 $0x1C05, s19  }
0x16: {  	s21 =	sshrl.u32 s12, $0x1;
	s23 =	sshrl.u32 s13, $0x1;
	s13 =	sadd.s32 s24, s1  }
0x17: {  	s24 =	sadd.s32 s24, s2;
	s16 =	sadd.s32 s4, s16;
	s4 =	sadd.s32 s4, s20  }
0x18: {  	s20 =	smul.u32 $0x28000, s18;
	s26 =	sadd.s32 s21, s1;
	s21 =	sadd.s32 s21, s2  }
0x19: {  	s12 =	sadd.s32 s23, s1;
	s23 =	sadd.s32 s23, s2;
	[dreg:$0x8] =	wrdreg s16  }
0x1a: {  	[dreg:$0x9] =	wrdreg s4;
	s4 =	sadd.s32 $0x280, s22;
	s26 =	sshrl.u32 s26, $0x3  }
0x1b: {  	s22 =	sshrl.u32 s15, $0x1;
	s6 =	sadd.s32 s6, s4;
	[dreg:$0x1a] =	wrdreg s26  }
0x1c: {  	s4 =	sadd.s32 s8, s4;
	s8 =	sadd.s32 s5, s15;
	[dreg:$0xc] =	wrdreg s6  }
0x1d: {  	s5 =	sadd.s32 s5, s17;
	s26 =	simm.s32 $0x4;
	[dreg:$0xd] =	wrdreg s4  }
0x1e: {  	s6 =	sadd.s32 s11, s25;
	s4 =	sadd.s32 s11, s7;
	s16 =	sshrl.u32 s5, $0x4  }
0x1f: {  	s5 =	sshrl.u32 s20, $0x2;
	s25 =	sadd.s32 s9, s1;
	s20 =	sadd.s32 s9, s2  }
0x20: {  	s7 =	sshrl.u32 s13, $0x3;
	s9 =	simm.s32 $0x2800;
	[dreg:$0xe] =	wrdreg s6  }
0x21: {  	s13 =	simm.s32 $0x80;
	[dreg:$0xf] =	wrdreg s4;
	s4 =	sshrl.u32 s8, $0x4  }
0x22: {  	s6 =	sshrl.u32 s10, $0x4;
	s5 =	sadd.s32 s5, s2;
	s25 =	sshrl.u32 s25, $0x3  }
0x23: {  	s8 =	simm.s32 $0x5;
	s4 =	sadd.s32 s11, s4;
	[dreg:$0x19] =	wrdreg s25  }
0x24: {  	s14 =	sadd.s32 s11, s6;
	s15 =	sadd.s32 $0x3000, s5;
	[dreg:$0x10] =	wrdreg s4  }
0x25: {  	s17 =	sadd.s32 $0x7000, s5;
	s18 =	sadd.s32 $0x9000, s5;
	[dreg:$0x11] =	wrdreg s14  }
0x26: {  	s6 =	sshrl.u32 s12, $0x3;
	s12 =	simm.s32 $0x3800;
	[dreg:$0x14] =	wrdreg s15  }
0x27: {  	s25 =	simm.s32 $0x3;
	s4 =	sadd.s32 s11, s16;
	[dreg:$0x16] =	wrdreg s17  }
0x28: {  	s11 =	sadd.s32 s22, s1;
	s22 =	sadd.s32 s22, s2;
	[dreg:$0x17] =	wrdreg s18  }
0x29: {  	s14 =	sadd.s32 $0x1000, s5;
	s16 =	sadd.s32 $0x5000, s5;
	[dreg:$0x12] =	wrdreg s4  }
0x2a: {  	s15 =	simm.s32 $0xC0;
	s17 =	simm.s32 $0x1;
	[dreg:$0x13] =	wrdreg s14  }
0x2b: {  	s18 =	simm.s32 $0x2;
	[dreg:$0x15] =	wrdreg s16;
	s5 =	sshrl.u32 s11, $0x3  }
0x2c: {  	v0 =	vimm.bf16 $0.0e+00;
	s11 =	simm.s32 $0x40;
	s14 =	simm.s32 $0x4800;
	s16 =	simm.s32 $0x5800  }
.LBB2_1:
0x2d: {  	s0 =	rddreg [dreg:$0x5]  }
0x2e: {  	s4 =	rddreg [dreg:$0x19]  }
0x2f: {  	[spmem:s4], [sflag:s19] =	dma.local [hbm:s0], $0x400  }
0x30: {  	_ =	swait.ge [sflag:s8], $0x400  }
0x31: {  	[sflag:s8] =	ssyncset.done $0x0;
	s4 =	rddreg [dreg:$0x6]  }
0x32: {  	s10 =	rddreg [dreg:$0x1a];
	[sflag:s8] =	ssyncadd.s32 $0xFFFFFC00  }
0x33: {  	[spmem:s10], [sflag:s19] =	dma.local [hbm:s4], $0x400  }
0x34: {  	_ =	swait.ge [sflag:s8], $0x400  }
0x35: {  	[sflag:s8] =	ssyncset.done $0x0  }
0x36: {  	s10 =	rddreg [dreg:$0x7];
	[sflag:s8] =	ssyncadd.s32 $0xFFFFFC00  }
0x37: {  	[spmem:s5], [sflag:s19] =	dma.local [hbm:s10], $0x400  }
0x38: {  	_ =	swait.ge [sflag:s8], $0x400  }
0x39: {  	[sflag:s8] =	ssyncset.done $0x0  }
0x3a: {  	s4 =	rddreg [dreg:$0x8];
	[sflag:s8] =	ssyncadd.s32 $0xFFFFFC00  }
0x3b: {  	[spmem:s6], [sflag:s19] =	dma.local [hbm:s4], $0x400  }
0x3c: {  	_ =	swait.ge [sflag:s8], $0x400  }
0x3d: {  	[sflag:s8] =	ssyncset.done $0x0  }
0x3e: {  	s10 =	rddreg [dreg:$0x9];
	[sflag:s8] =	ssyncadd.s32 $0xFFFFFC00  }
0x3f: {  	[spmem:s7], [sflag:s19] =	dma.local [hbm:s10], $0x400  }
0x40: {  	_ =	swait.ge [sflag:s8], $0x400  }
0x41: {  	[sflag:s8] =	ssyncset.done $0x0  }
0x42: {  	s0 =	simm.s32 $0x0;
	s10 =	simm.s32 $0x100;
	[sflag:s8] =	ssyncadd.s32 $0xFFFFFC00  }
.LBB2_2:
0x43: {  	p0 =	sne.s32 s10, $0x3F00;
	[tilespmem:s0+$0x2830] =	vst v0;
	s4 =	smov.u32 s10;
	s10 =	sadd.s32 $0x100, s10  }
.Ltmp0:
0x44: {  	[tilespmem:s0+$0x2820] =	vst v0;
	(pc) =	sbr.rel @p0 .LBB2_2-.Ltmp0, $3  }
0x45: {  	[tilespmem:s0+$0x2800] =	vst v0  }
0x46: {  	[tilespmem:s0+$0x2810] =	vst v0;
	_ =	sdelay $0x1  }
0x47: {  	s0 =	sshra.s32 s4, $0x2  }
0x48: {  	[tilespmem:s0+$0x2830] =	vst v0  }
0x49: {  	[tilespmem:s0+$0x2820] =	vst v0  }
0x4a: {  	[tilespmem:s0+$0x2800] =	vst v0  }
0x4b: {  	[tilespmem:s0+$0x2810] =	vst v0  }
0x4c: {  	[spmem:s20] =	stream.linear.scatter [tilespmem:s9], [sflag:$0x5], $0x1000, $0x38;
	[tilespmem:$0x1A800] =	vst v63  }
0x4d: {  	_ =	swait.ge [sflag:s8], $0x1000  }
0x4e: {  	[sflag:s8] =	ssyncset.done $0x0  }
0x4f: {  	s4 =	rddreg [dreg:$0x13];
	[sflag:s8] =	ssyncadd.s32 $0xFFFFF000  }
0x50: {  	[spmem:s4] =	stream.linear.scatter [tilespmem:s9], [sflag:$0x5], $0x1000, $0x38;
	[tilespmem:$0x1A800] =	vst v63  }
0x51: {  	_ =	swait.ge [sflag:s8], $0x1000  }
0x52: {  	[sflag:s8] =	ssyncset.done $0x0  }
0x53: {  	[sflag:s8] =	ssyncadd.s32 $0xFFFFF000  }
0x54: {  	[spmem:s21] =	stream.linear.scatter [tilespmem:s9], [sflag:$0x5], $0x1000, $0x38;
	[tilespmem:$0x1A800] =	vst v63  }
0x55: {  	_ =	swait.ge [sflag:s8], $0x1000  }
0x56: {  	[sflag:s8] =	ssyncset.done $0x0  }
0x57: {  	s10 =	rddreg [dreg:$0x14];
	[sflag:s8] =	ssyncadd.s32 $0xFFFFF000  }
0x58: {  	[spmem:s10] =	stream.linear.scatter [tilespmem:s9], [sflag:$0x5], $0x1000, $0x38;
	[tilespmem:$0x1A800] =	vst v63  }
0x59: {  	_ =	swait.ge [sflag:s8], $0x1000  }
0x5a: {  	[sflag:s8] =	ssyncset.done $0x0  }
0x5b: {  	[sflag:s8] =	ssyncadd.s32 $0xFFFFF000  }
0x5c: {  	[spmem:s22] =	stream.linear.scatter [tilespmem:s9], [sflag:$0x5], $0x1000, $0x38;
	[tilespmem:$0x1A800] =	vst v63  }
0x5d: {  	_ =	swait.ge [sflag:s8], $0x1000  }
0x5e: {  	[sflag:s8] =	ssyncset.done $0x0  }
0x5f: {  	s4 =	rddreg [dreg:$0x15];
	[sflag:s8] =	ssyncadd.s32 $0xFFFFF000  }
0x60: {  	[spmem:s4] =	stream.linear.scatter [tilespmem:s9], [sflag:$0x5], $0x1000, $0x38;
	[tilespmem:$0x1A800] =	vst v63  }
0x61: {  	_ =	swait.ge [sflag:s8], $0x1000  }
0x62: {  	[sflag:s8] =	ssyncset.done $0x0  }
0x63: {  	[sflag:s8] =	ssyncadd.s32 $0xFFFFF000  }
0x64: {  	[spmem:s23] =	stream.linear.scatter [tilespmem:s9], [sflag:$0x5], $0x1000, $0x38;
	[tilespmem:$0x1A800] =	vst v63  }
0x65: {  	_ =	swait.ge [sflag:s8], $0x1000  }
0x66: {  	[sflag:s8] =	ssyncset.done $0x0  }
0x67: {  	s10 =	rddreg [dreg:$0x16];
	[sflag:s8] =	ssyncadd.s32 $0xFFFFF000  }
0x68: {  	[spmem:s10] =	stream.linear.scatter [tilespmem:s9], [sflag:$0x5], $0x1000, $0x38;
	[tilespmem:$0x1A800] =	vst v63  }
0x69: {  	_ =	swait.ge [sflag:s8], $0x1000  }
0x6a: {  	[sflag:s8] =	ssyncset.done $0x0  }
0x6b: {  	[sflag:s8] =	ssyncadd.s32 $0xFFFFF000  }
0x6c: {  	[spmem:s24] =	stream.linear.scatter [tilespmem:s9], [sflag:$0x5], $0x1000, $0x38;
	[tilespmem:$0x1A800] =	vst v63  }
0x6d: {  	_ =	swait.ge [sflag:s8], $0x1000  }
0x6e: {  	[sflag:s8] =	ssyncset.done $0x0  }
0x6f: {  	s4 =	rddreg [dreg:$0x17];
	[sflag:s8] =	ssyncadd.s32 $0xFFFFF000  }
0x70: {  	[spmem:s4] =	stream.linear.scatter [tilespmem:s9], [sflag:$0x5], $0x1000, $0x38;
	[tilespmem:$0x1A800] =	vst v63  }
0x71: {  	_ =	swait.ge [sflag:s8], $0x1000  }
0x72: {  	[sflag:s8] =	ssyncset.done $0x0  }
0x73: {  	[sflag:s8] =	ssyncadd.s32 $0xFFFFF000  }
0x74: {  	[bflag:$0x0] =	sbarrier.arrive $0xFFFF  }
0x75: {  	s0 =	simm.s32 $0x0;
	s4 =	rddreg [dreg:$0xa]  }
0x76: {  	[tilespmem:s0], [sflag:$0x5] =	stream.linear.gather [hbm4b:s4+s0], $0x1400, $0x38;
	[tilespmem:$0x1A800] =	vst v63  }
0x77: {  	_ =	swait.ge [sflag:s8], $0x1400  }
0x78: {  	[sflag:s8] =	ssyncset.done $0x0  }
0x79: {  	s10 =	simm.s32 $0x1400;
	s4 =	rddreg [dreg:$0xb];
	[sflag:s8] =	ssyncadd.s32 $0xFFFFEC00  }
0x7a: {  	[tilespmem:s10], [sflag:$0x5] =	stream.linear.gather [hbm4b:s4+s0], $0x1400, $0x38;
	[tilespmem:$0x1A800] =	vst v63  }
0x7b: {  	_ =	swait.ge [sflag:s8], $0x1400  }
0x7c: {  	[sflag:s8] =	ssyncset.done $0x0  }
0x7d: {  	[sflag:s8] =	ssyncadd.s32 $0xFFFFEC00  }
0x7e: {  	[tilespmem:s9], [sflag:$0x1] =	stream.indirect.gather [spmem:s1], $0x40, s0, s11, $0xb8;
	[tilespmem:$0x1A800] =	vst v63  }
0x7f: {  	_ = 	snop  }
0x80: {  	[tilespmem:s12], [sflag:$0x2] =	stream.indirect.gather [spmem:s1], $0x40, s11, s11, $0xb8;
	[tilespmem:$0x1A800] =	vst v63  }
0x81: {  	_ = 	snop  }
0x82: {  	[tilespmem:s14], [sflag:$0x3] =	stream.indirect.gather [spmem:s1], $0x40, s13, s11, $0xb8;
	[tilespmem:$0x1A800] =	vst v63  }
0x83: {  	_ = 	snop  }
0x84: {  	[tilespmem:s16], [sflag:$0x4] =	stream.indirect.gather [spmem:s1], $0x40, s15, s11, $0xb8;
	[tilespmem:$0x1A800] =	vst v63  }
0x85: {  	_ =	swait.ge [sflag:s17], $0x1000  }
0x86: {  	[sflag:s17] =	ssyncset.done $0x0  }
0x87: {  	s10 =	simm.s32 $0x1400;
	[sflag:s17] =	ssyncadd.s32 $0xFFFFF000  }
0x88: {  	[spmem:s2] =	stream.indirect.scatter.add.bf16 [tilespmem:s9], [sflag:$0x5], $0x40, s10, s11, $0xb8;
	[tilespmem:$0x1A800] =	vst v63  }
0x89: {  	_ =	swait.ge [sflag:s8], $0x1000  }
0x8a: {  	[sflag:s8] =	ssyncset.done $0x0  }
0x8b: {  	s4 =	simm.s32 $0x100;
	[sflag:s8] =	ssyncadd.s32 $0xFFFFF000  }
0x8c: {  	[tilespmem:s9], [sflag:$0x1] =	stream.indirect.gather [spmem:s1], $0x40, s4, s11, $0xb8;
	[tilespmem:$0x1A800] =	vst v63  }
0x8d: {  	_ =	swait.ge [sflag:s18], $0x1000  }
0x8e: {  	[sflag:s18] =	ssyncset.done $0x0  }
0x8f: {  	s10 =	simm.s32 $0x1440;
	[sflag:s18] =	ssyncadd.s32 $0xFFFFF000  }
0x90: {  	[spmem:s2] =	stream.indirect.scatter.add.bf16 [tilespmem:s12], [sflag:$0x5], $0x40, s10, s11, $0xb8;
	[tilespmem:$0x1A800] =	vst v63  }
0x91: {  	_ =	swait.ge [sflag:s8], $0x1000  }
0x92: {  	[sflag:s8] =	ssyncset.done $0x0  }
0x93: {  	s4 =	simm.s32 $0x140;
	[sflag:s8] =	ssyncadd.s32 $0xFFFFF000  }
0x94: {  	[tilespmem:s12], [sflag:$0x2] =	stream.indirect.gather [spmem:s1], $0x40, s4, s11, $0xb8;
	[tilespmem:$0x1A800] =	vst v63  }
0x95: {  	_ =	swait.ge [sflag:s25], $0x1000  }
0x96: {  	[sflag:s25] =	ssyncset.done $0x0  }
0x97: {  	s10 =	simm.s32 $0x1480;
	[sflag:s25] =	ssyncadd.s32 $0xFFFFF000  }
0x98: {  	[spmem:s2] =	stream.indirect.scatter.add.bf16 [tilespmem:s14], [sflag:$0x5], $0x40, s10, s11, $0xb8;
	[tilespmem:$0x1A800] =	vst v63  }
0x99: {  	_ =	swait.ge [sflag:s8], $0x1000  }
0x9a: {  	[sflag:s8] =	ssyncset.done $0x0  }
0x9b: {  	s4 =	simm.s32 $0x180;
	[sflag:s8] =	ssyncadd.s32 $0xFFFFF000  }
0x9c: {  	[tilespmem:s14], [sflag:$0x3] =	stream.indirect.gather [spmem:s1], $0x40, s4, s11, $0xb8;
	[tilespmem:$0x1A800] =	vst v63  }
0x9d: {  	_ =	swait.ge [sflag:s26], $0x1000  }
0x9e: {  	[sflag:s26] =	ssyncset.done $0x0  }
0x9f: {  	s10 =	simm.s32 $0x14C0;
	[sflag:s26] =	ssyncadd.s32 $0xFFFFF000  }
0xa0: {  	[spmem:s2] =	stream.indirect.scatter.add.bf16 [tilespmem:s16], [sflag:$0x5], $0x40, s10, s11, $0xb8;
	[tilespmem:$0x1A800] =	vst v63  }
0xa1: {  	_ =	swait.ge [sflag:s8], $0x1000  }
0xa2: {  	[sflag:s8] =	ssyncset.done $0x0  }
0xa3: {  	s0 =	simm.s32 $0x1C0;
	s10 =	simm.s32 $0x400;
	[sflag:s8] =	ssyncadd.s32 $0xFFFFF000  }
.LBB2_4:
0xa4: {  	[tilespmem:s16], [sflag:$0x4] =	stream.indirect.gather [spmem:s1], $0x40, s0, s11, $0xb8;
	[tilespmem:$0x1A800] =	vst v63  }
0xa5: {  	s0 =	smov.u32 s10  }
0xa6: {  	p0 =	sne.s32 s10, $0x4800;
	s10 =	sadd.s32 $0x400, s10;
	_ =	swait.ge [sflag:s17], $0x1000  }
0xa7: {  	s0 =	sshra.s32 s0, $0x2;
	[sflag:s17] =	ssyncset.done $0x0  }
0xa8: {  	s4 =	sadd.s32 $0x1400, s0;
	[sflag:s17] =	ssyncadd.s32 $0xFFFFF000  }
0xa9: {  	[spmem:s2] =	stream.indirect.scatter.add.bf16 [tilespmem:s9], [sflag:$0x5], $0x40, s4, s11, $0xb8;
	[tilespmem:$0x1A800] =	vst v63  }
0xaa: {  	_ =	swait.ge [sflag:s8], $0x1000  }
0xab: {  	[sflag:s8] =	ssyncset.done $0x0  }
0xac: {  	s4 =	sadd.s32 $0x100, s0;
	[sflag:s8] =	ssyncadd.s32 $0xFFFFF000  }
0xad: {  	[tilespmem:s9], [sflag:$0x1] =	stream.indirect.gather [spmem:s1], $0x40, s4, s11, $0xb8;
	[tilespmem:$0x1A800] =	vst v63  }
0xae: {  	_ =	swait.ge [sflag:s18], $0x1000  }
0xaf: {  	[sflag:s18] =	ssyncset.done $0x0  }
0xb0: {  	s4 =	sadd.s32 $0x1440, s0;
	[sflag:s18] =	ssyncadd.s32 $0xFFFFF000  }
0xb1: {  	[spmem:s2] =	stream.indirect.scatter.add.bf16 [tilespmem:s12], [sflag:$0x5], $0x40, s4, s11, $0xb8;
	[tilespmem:$0x1A800] =	vst v63  }
0xb2: {  	_ =	swait.ge [sflag:s8], $0x1000  }
0xb3: {  	[sflag:s8] =	ssyncset.done $0x0  }
0xb4: {  	s4 =	sadd.s32 $0x140, s0;
	[sflag:s8] =	ssyncadd.s32 $0xFFFFF000  }
0xb5: {  	[tilespmem:s12], [sflag:$0x2] =	stream.indirect.gather [spmem:s1], $0x40, s4, s11, $0xb8;
	[tilespmem:$0x1A800] =	vst v63  }
0xb6: {  	_ =	swait.ge [sflag:s25], $0x1000  }
0xb7: {  	[sflag:s25] =	ssyncset.done $0x0  }
0xb8: {  	s4 =	sadd.s32 $0x1480, s0;
	[sflag:s25] =	ssyncadd.s32 $0xFFFFF000  }
0xb9: {  	[spmem:s2] =	stream.indirect.scatter.add.bf16 [tilespmem:s14], [sflag:$0x5], $0x40, s4, s11, $0xb8;
	[tilespmem:$0x1A800] =	vst v63  }
0xba: {  	_ =	swait.ge [sflag:s8], $0x1000  }
0xbb: {  	[sflag:s8] =	ssyncset.done $0x0  }
0xbc: {  	s4 =	sadd.s32 $0x180, s0;
	[sflag:s8] =	ssyncadd.s32 $0xFFFFF000  }
0xbd: {  	[tilespmem:s14], [sflag:$0x3] =	stream.indirect.gather [spmem:s1], $0x40, s4, s11, $0xb8;
	[tilespmem:$0x1A800] =	vst v63  }
0xbe: {  	_ =	swait.ge [sflag:s26], $0x1000  }
0xbf: {  	[sflag:s26] =	ssyncset.done $0x0  }
.Ltmp1:
0xc0: {  	s4 =	sadd.s32 $0x14C0, s0;
	[sflag:s26] =	ssyncadd.s32 $0xFFFFF000;
	(pc) =	sbr.rel @p0 .LBB2_4-.Ltmp1, $4  }
0xc1: {  	[spmem:s2] =	stream.indirect.scatter.add.bf16 [tilespmem:s16], [sflag:$0x5], $0x40, s4, s11, $0xb8;
	[tilespmem:$0x1A800] =	vst v63  }
0xc2: {  	_ =	swait.ge [sflag:s8], $0x1000  }
0xc3: {  	[sflag:s8] =	ssyncset.done $0x0  }
0xc4: {  	s0 =	sadd.s32 $0x1C0, s0;
	[sflag:s8] =	ssyncadd.s32 $0xFFFFF000  }
0xc5: {  	[tilespmem:s16], [sflag:$0x4] =	stream.indirect.gather [spmem:s1], $0x40, s0, s11, $0xb8;
	[tilespmem:$0x1A800] =	vst v63  }
0xc6: {  	_ =	swait.ge [sflag:s17], $0x1000  }
0xc7: {  	[sflag:s17] =	ssyncset.done $0x0  }
0xc8: {  	[sflag:s17] =	ssyncadd.s32 $0xFFFFF000  }
0xc9: {  	[spmem:s2] =	stream.indirect.scatter.add.bf16 [tilespmem:s9], [sflag:$0x5], $0x40, s28, s11, $0xb8;
	[tilespmem:$0x1A800] =	vst v63  }
0xca: {  	_ =	swait.ge [sflag:s8], $0x1000  }
0xcb: {  	[sflag:s8] =	ssyncset.done $0x0  }
0xcc: {  	[sflag:s8] =	ssyncadd.s32 $0xFFFFF000  }
0xcd: {  	_ =	swait.ge [sflag:s18], $0x1000  }
0xce: {  	[sflag:s18] =	ssyncset.done $0x0  }
0xcf: {  	[sflag:s18] =	ssyncadd.s32 $0xFFFFF000  }
0xd0: {  	[spmem:s2] =	stream.indirect.scatter.add.bf16 [tilespmem:s12], [sflag:$0x5], $0x40, s29, s11, $0xb8;
	[tilespmem:$0x1A800] =	vst v63  }
0xd1: {  	_ =	swait.ge [sflag:s8], $0x1000  }
0xd2: {  	[sflag:s8] =	ssyncset.done $0x0  }
0xd3: {  	[sflag:s8] =	ssyncadd.s32 $0xFFFFF000  }
0xd4: {  	_ =	swait.ge [sflag:s25], $0x1000  }
0xd5: {  	[sflag:s25] =	ssyncset.done $0x0  }
0xd6: {  	[sflag:s25] =	ssyncadd.s32 $0xFFFFF000  }
0xd7: {  	[spmem:s2] =	stream.indirect.scatter.add.bf16 [tilespmem:s14], [sflag:$0x5], $0x40, s30, s11, $0xb8;
	[tilespmem:$0x1A800] =	vst v63  }
0xd8: {  	_ =	swait.ge [sflag:s8], $0x1000  }
0xd9: {  	[sflag:s8] =	ssyncset.done $0x0  }
0xda: {  	[sflag:s8] =	ssyncadd.s32 $0xFFFFF000  }
0xdb: {  	_ =	swait.ge [sflag:s26], $0x1000  }
0xdc: {  	[sflag:s26] =	ssyncset.done $0x0  }
0xdd: {  	[sflag:s26] =	ssyncadd.s32 $0xFFFFF000  }
0xde: {  	[spmem:s2] =	stream.indirect.scatter.add.bf16 [tilespmem:s16], [sflag:$0x5], $0x40, s31, s11, $0xb8;
	[tilespmem:$0x1A800] =	vst v63  }
0xdf: {  	_ =	swait.ge [sflag:s8], $0x1000  }
0xe0: {  	[sflag:s8] =	ssyncset.done $0x0  }
0xe1: {  	s0 =	simm.s32 $0x0;
	s4 =	rddreg [dreg:$0xc];
	[sflag:s8] =	ssyncadd.s32 $0xFFFFF000  }
0xe2: {  	[tilespmem:s0], [sflag:$0x5] =	stream.linear.gather [hbm4b:s4+s0], $0x1400, $0x38;
	[tilespmem:$0x1A800] =	vst v63  }
0xe3: {  	_ =	swait.ge [sflag:s8], $0x1400  }
0xe4: {  	[sflag:s8] =	ssyncset.done $0x0  }
0xe5: {  	s10 =	simm.s32 $0x1400;
	s4 =	rddreg [dreg:$0xd];
	[sflag:s8] =	ssyncadd.s32 $0xFFFFEC00  }
0xe6: {  	[tilespmem:s10], [sflag:$0x5] =	stream.linear.gather [hbm4b:s4+s0], $0x1400, $0x38;
	[tilespmem:$0x1A800] =	vst v63  }
0xe7: {  	_ =	swait.ge [sflag:s8], $0x1400  }
0xe8: {  	[sflag:s8] =	ssyncset.done $0x0  }
0xe9: {  	[sflag:s8] =	ssyncadd.s32 $0xFFFFEC00  }
0xea: {  	[tilespmem:s9], [sflag:$0x1] =	stream.indirect.gather [spmem:s1], $0x40, s0, s11, $0xb8;
	[tilespmem:$0x1A800] =	vst v63  }
0xeb: {  	_ = 	snop  }
0xec: {  	[tilespmem:s12], [sflag:$0x2] =	stream.indirect.gather [spmem:s1], $0x40, s11, s11, $0xb8;
	[tilespmem:$0x1A800] =	vst v63  }
0xed: {  	_ = 	snop  }
0xee: {  	[tilespmem:s14], [sflag:$0x3] =	stream.indirect.gather [spmem:s1], $0x40, s13, s11, $0xb8;
	[tilespmem:$0x1A800] =	vst v63  }
0xef: {  	_ = 	snop  }
0xf0: {  	[tilespmem:s16], [sflag:$0x4] =	stream.indirect.gather [spmem:s1], $0x40, s15, s11, $0xb8;
	[tilespmem:$0x1A800] =	vst v63  }
0xf1: {  	_ =	swait.ge [sflag:s17], $0x1000  }
0xf2: {  	[sflag:s17] =	ssyncset.done $0x0  }
0xf3: {  	s10 =	simm.s32 $0x1400;
	[sflag:s17] =	ssyncadd.s32 $0xFFFFF000  }
0xf4: {  	[spmem:s2] =	stream.indirect.scatter.add.bf16 [tilespmem:s9], [sflag:$0x5], $0x40, s10, s11, $0xb8;
	[tilespmem:$0x1A800] =	vst v63  }
0xf5: {  	_ =	swait.ge [sflag:s8], $0x1000  }
0xf6: {  	[sflag:s8] =	ssyncset.done $0x0  }
0xf7: {  	s4 =	simm.s32 $0x100;
	[sflag:s8] =	ssyncadd.s32 $0xFFFFF000  }
0xf8: {  	[tilespmem:s9], [sflag:$0x1] =	stream.indirect.gather [spmem:s1], $0x40, s4, s11, $0xb8;
	[tilespmem:$0x1A800] =	vst v63  }
0xf9: {  	_ =	swait.ge [sflag:s18], $0x1000  }
0xfa: {  	[sflag:s18] =	ssyncset.done $0x0  }
0xfb: {  	s10 =	simm.s32 $0x1440;
	[sflag:s18] =	ssyncadd.s32 $0xFFFFF000  }
0xfc: {  	[spmem:s2] =	stream.indirect.scatter.add.bf16 [tilespmem:s12], [sflag:$0x5], $0x40, s10, s11, $0xb8;
	[tilespmem:$0x1A800] =	vst v63  }
0xfd: {  	_ =	swait.ge [sflag:s8], $0x1000  }
0xfe: {  	[sflag:s8] =	ssyncset.done $0x0  }
0xff: {  	s4 =	simm.s32 $0x140;
	[sflag:s8] =	ssyncadd.s32 $0xFFFFF000  }
0x100: {  	[tilespmem:s12], [sflag:$0x2] =	stream.indirect.gather [spmem:s1], $0x40, s4, s11, $0xb8;
	[tilespmem:$0x1A800] =	vst v63  }
0x101: {  	_ =	swait.ge [sflag:s25], $0x1000  }
0x102: {  	[sflag:s25] =	ssyncset.done $0x0  }
0x103: {  	s10 =	simm.s32 $0x1480;
	[sflag:s25] =	ssyncadd.s32 $0xFFFFF000  }
0x104: {  	[spmem:s2] =	stream.indirect.scatter.add.bf16 [tilespmem:s14], [sflag:$0x5], $0x40, s10, s11, $0xb8;
	[tilespmem:$0x1A800] =	vst v63  }
0x105: {  	_ =	swait.ge [sflag:s8], $0x1000  }
0x106: {  	[sflag:s8] =	ssyncset.done $0x0  }
0x107: {  	s4 =	simm.s32 $0x180;
	[sflag:s8] =	ssyncadd.s32 $0xFFFFF000  }
0x108: {  	[tilespmem:s14], [sflag:$0x3] =	stream.indirect.gather [spmem:s1], $0x40, s4, s11, $0xb8;
	[tilespmem:$0x1A800] =	vst v63  }
0x109: {  	_ =	swait.ge [sflag:s26], $0x1000  }
0x10a: {  	[sflag:s26] =	ssyncset.done $0x0  }
0x10b: {  	s10 =	simm.s32 $0x14C0;
	[sflag:s26] =	ssyncadd.s32 $0xFFFFF000  }
0x10c: {  	[spmem:s2] =	stream.indirect.scatter.add.bf16 [tilespmem:s16], [sflag:$0x5], $0x40, s10, s11, $0xb8;
	[tilespmem:$0x1A800] =	vst v63  }
0x10d: {  	_ =	swait.ge [sflag:s8], $0x1000  }
0x10e: {  	[sflag:s8] =	ssyncset.done $0x0  }
0x10f: {  	s0 =	simm.s32 $0x1C0;
	s10 =	simm.s32 $0x400;
	[sflag:s8] =	ssyncadd.s32 $0xFFFFF000  }
.LBB2_6:
0x110: {  	[tilespmem:s16], [sflag:$0x4] =	stream.indirect.gather [spmem:s1], $0x40, s0, s11, $0xb8;
	[tilespmem:$0x1A800] =	vst v63  }
0x111: {  	s0 =	smov.u32 s10  }
0x112: {  	p0 =	sne.s32 s10, $0x4800;
	s10 =	sadd.s32 $0x400, s10;
	_ =	swait.ge [sflag:s17], $0x1000  }
0x113: {  	s0 =	sshra.s32 s0, $0x2;
	[sflag:s17] =	ssyncset.done $0x0  }
0x114: {  	s4 =	sadd.s32 $0x1400, s0;
	[sflag:s17] =	ssyncadd.s32 $0xFFFFF000  }
0x115: {  	[spmem:s2] =	stream.indirect.scatter.add.bf16 [tilespmem:s9], [sflag:$0x5], $0x40, s4, s11, $0xb8;
	[tilespmem:$0x1A800] =	vst v63  }
0x116: {  	_ =	swait.ge [sflag:s8], $0x1000  }
0x117: {  	[sflag:s8] =	ssyncset.done $0x0  }
0x118: {  	s4 =	sadd.s32 $0x100, s0;
	[sflag:s8] =	ssyncadd.s32 $0xFFFFF000  }
0x119: {  	[tilespmem:s9], [sflag:$0x1] =	stream.indirect.gather [spmem:s1], $0x40, s4, s11, $0xb8;
	[tilespmem:$0x1A800] =	vst v63  }
0x11a: {  	_ =	swait.ge [sflag:s18], $0x1000  }
0x11b: {  	[sflag:s18] =	ssyncset.done $0x0  }
0x11c: {  	s4 =	sadd.s32 $0x1440, s0;
	[sflag:s18] =	ssyncadd.s32 $0xFFFFF000  }
0x11d: {  	[spmem:s2] =	stream.indirect.scatter.add.bf16 [tilespmem:s12], [sflag:$0x5], $0x40, s4, s11, $0xb8;
	[tilespmem:$0x1A800] =	vst v63  }
0x11e: {  	_ =	swait.ge [sflag:s8], $0x1000  }
0x11f: {  	[sflag:s8] =	ssyncset.done $0x0  }
0x120: {  	s4 =	sadd.s32 $0x140, s0;
	[sflag:s8] =	ssyncadd.s32 $0xFFFFF000  }
0x121: {  	[tilespmem:s12], [sflag:$0x2] =	stream.indirect.gather [spmem:s1], $0x40, s4, s11, $0xb8;
	[tilespmem:$0x1A800] =	vst v63  }
0x122: {  	_ =	swait.ge [sflag:s25], $0x1000  }
0x123: {  	[sflag:s25] =	ssyncset.done $0x0  }
0x124: {  	s4 =	sadd.s32 $0x1480, s0;
	[sflag:s25] =	ssyncadd.s32 $0xFFFFF000  }
0x125: {  	[spmem:s2] =	stream.indirect.scatter.add.bf16 [tilespmem:s14], [sflag:$0x5], $0x40, s4, s11, $0xb8;
	[tilespmem:$0x1A800] =	vst v63  }
0x126: {  	_ =	swait.ge [sflag:s8], $0x1000  }
0x127: {  	[sflag:s8] =	ssyncset.done $0x0  }
0x128: {  	s4 =	sadd.s32 $0x180, s0;
	[sflag:s8] =	ssyncadd.s32 $0xFFFFF000  }
0x129: {  	[tilespmem:s14], [sflag:$0x3] =	stream.indirect.gather [spmem:s1], $0x40, s4, s11, $0xb8;
	[tilespmem:$0x1A800] =	vst v63  }
0x12a: {  	_ =	swait.ge [sflag:s26], $0x1000  }
0x12b: {  	[sflag:s26] =	ssyncset.done $0x0  }
.Ltmp2:
0x12c: {  	s4 =	sadd.s32 $0x14C0, s0;
	[sflag:s26] =	ssyncadd.s32 $0xFFFFF000;
	(pc) =	sbr.rel @p0 .LBB2_6-.Ltmp2, $4  }
0x12d: {  	[spmem:s2] =	stream.indirect.scatter.add.bf16 [tilespmem:s16], [sflag:$0x5], $0x40, s4, s11, $0xb8;
	[tilespmem:$0x1A800] =	vst v63  }
0x12e: {  	_ =	swait.ge [sflag:s8], $0x1000  }
0x12f: {  	[sflag:s8] =	ssyncset.done $0x0  }
0x130: {  	s0 =	sadd.s32 $0x1C0, s0;
	[sflag:s8] =	ssyncadd.s32 $0xFFFFF000  }
0x131: {  	[tilespmem:s16], [sflag:$0x4] =	stream.indirect.gather [spmem:s1], $0x40, s0, s11, $0xb8;
	[tilespmem:$0x1A800] =	vst v63  }
0x132: {  	_ =	swait.ge [sflag:s17], $0x1000  }
0x133: {  	[sflag:s17] =	ssyncset.done $0x0  }
0x134: {  	[sflag:s17] =	ssyncadd.s32 $0xFFFFF000  }
0x135: {  	[spmem:s2] =	stream.indirect.scatter.add.bf16 [tilespmem:s9], [sflag:$0x5], $0x40, s28, s11, $0xb8;
	[tilespmem:$0x1A800] =	vst v63  }
0x136: {  	_ =	swait.ge [sflag:s8], $0x1000  }
0x137: {  	[sflag:s8] =	ssyncset.done $0x0  }
0x138: {  	[sflag:s8] =	ssyncadd.s32 $0xFFFFF000  }
0x139: {  	_ =	swait.ge [sflag:s18], $0x1000  }
0x13a: {  	[sflag:s18] =	ssyncset.done $0x0  }
0x13b: {  	[sflag:s18] =	ssyncadd.s32 $0xFFFFF000  }
0x13c: {  	[spmem:s2] =	stream.indirect.scatter.add.bf16 [tilespmem:s12], [sflag:$0x5], $0x40, s29, s11, $0xb8;
	[tilespmem:$0x1A800] =	vst v63  }
0x13d: {  	_ =	swait.ge [sflag:s8], $0x1000  }
0x13e: {  	[sflag:s8] =	ssyncset.done $0x0  }
0x13f: {  	[sflag:s8] =	ssyncadd.s32 $0xFFFFF000  }
0x140: {  	_ =	swait.ge [sflag:s25], $0x1000  }
0x141: {  	[sflag:s25] =	ssyncset.done $0x0  }
0x142: {  	[sflag:s25] =	ssyncadd.s32 $0xFFFFF000  }
0x143: {  	[spmem:s2] =	stream.indirect.scatter.add.bf16 [tilespmem:s14], [sflag:$0x5], $0x40, s30, s11, $0xb8;
	[tilespmem:$0x1A800] =	vst v63  }
0x144: {  	_ =	swait.ge [sflag:s8], $0x1000  }
0x145: {  	[sflag:s8] =	ssyncset.done $0x0  }
0x146: {  	[sflag:s8] =	ssyncadd.s32 $0xFFFFF000  }
0x147: {  	_ =	swait.ge [sflag:s26], $0x1000  }
0x148: {  	[sflag:s26] =	ssyncset.done $0x0  }
0x149: {  	[sflag:s26] =	ssyncadd.s32 $0xFFFFF000  }
0x14a: {  	[spmem:s2] =	stream.indirect.scatter.add.bf16 [tilespmem:s16], [sflag:$0x5], $0x40, s31, s11, $0xb8;
	[tilespmem:$0x1A800] =	vst v63  }
0x14b: {  	_ =	swait.ge [sflag:s8], $0x1000  }
0x14c: {  	[sflag:s8] =	ssyncset.done $0x0  }
0x14d: {  	[sflag:s8] =	ssyncadd.s32 $0xFFFFF000  }
0x14e: {  	[bflag:$0x0] =	sbarrier.arrive $0xFFFF  }
0x14f: {  	s10 =	sshrl.u32 s20, $0x3;
	s4 =	rddreg [dreg:$0xe]  }
0x150: {  	[hbm:s4], [sflag:s19] =	dma.local [spmem:s10], $0x400  }
0x151: {  	_ =	swait.ge [sflag:s8], $0x400  }
0x152: {  	[sflag:s8] =	ssyncset.done $0x0  }
0x153: {  	s4 =	sshrl.u32 s21, $0x3;
	s10 =	rddreg [dreg:$0xf];
	[sflag:s8] =	ssyncadd.s32 $0xFFFFFC00  }
0x154: {  	[hbm:s10], [sflag:s19] =	dma.local [spmem:s4], $0x400  }
0x155: {  	_ =	swait.ge [sflag:s8], $0x400  }
0x156: {  	[sflag:s8] =	ssyncset.done $0x0  }
0x157: {  	s4 =	sshrl.u32 s22, $0x3;
	s10 =	rddreg [dreg:$0x10];
	[sflag:s8] =	ssyncadd.s32 $0xFFFFFC00  }
0x158: {  	[hbm:s10], [sflag:s19] =	dma.local [spmem:s4], $0x400  }
0x159: {  	_ =	swait.ge [sflag:s8], $0x400  }
0x15a: {  	[sflag:s8] =	ssyncset.done $0x0  }
0x15b: {  	s4 =	sshrl.u32 s23, $0x3;
	s10 =	rddreg [dreg:$0x11];
	[sflag:s8] =	ssyncadd.s32 $0xFFFFFC00  }
0x15c: {  	[hbm:s10], [sflag:s19] =	dma.local [spmem:s4], $0x400  }
0x15d: {  	_ =	swait.ge [sflag:s8], $0x400  }
0x15e: {  	[sflag:s8] =	ssyncset.done $0x0  }
0x15f: {  	s4 =	sshrl.u32 s24, $0x3;
	s10 =	rddreg [dreg:$0x12];
	[sflag:s8] =	ssyncadd.s32 $0xFFFFFC00  }
0x160: {  	[hbm:s10], [sflag:s19] =	dma.local [spmem:s4], $0x400  }
0x161: {  	_ =	swait.ge [sflag:s8], $0x400  }
0x162: {  	s3 =	sadd.s32 $0x1, s3;
	s10 =	rddreg [dreg:$0x18]  }
0x163: {  	p0 =	sne.s32 s3, s10  }
.Ltmp3:
0x164: {  	_ = 	snop;
	(pc) =	sbr.rel @p0 .LBB2_1-.Ltmp3, $3  }
0x165: {  	_ =	sdelay $0x1  }
0x166: {  	[sflag:s8] =	ssyncset.done $0x0  }
0x167: {  	[sflag:s8] =	ssyncadd.s32 $0xFFFFFC00  }
0x168: {  	_ =	sfence.sel $0x180000  }
0x169: {  	[bflag:$0x0] =	sbarrier.arrive $0xFFFF  }
0x16a: {  	_ =	strace $0x90000050  }
0x16b: {  	s0 =	stileid.u32;
	[bflag:$0x2] =	sbarrier.arrive $0xFFFF  }
0x16c: {  	p0 =	sne.s32 s0, $0x0;
	s0 =	rddreg [dreg:$0x4]  }
0x16d: {  	s0 =	sadd.s32 @!p0 $0x100000, s0  }
0x16e: {  	[sflag:s0] =	ssyncadd.tile.s32 @!p0 $0x1;
	_ =	shalt  }
.Lfunc_end2:
_tile_overlayer_lowered:
.L_overlay_start_2:
0x16f: {  	(tag) =	ssettag $0x2  }
0x170: {  	s0 =	rddreg [dreg:$0x0];
	s2 =	stileid.u32  }
0x171: {  	s1 =	rddreg [dreg:$0x1];
	p0 =	sne.s32 s2, $0x0  }
0x172: {  	s3 =	rddreg [dreg:$0x2];
	[bflag:$0x3] =	sbarrier.arrive $0xFFFF;
	s2 =	simm.s32 @!p0 $0x1C05  }
0x173: {  	[timem:s3], [sflag:s2] =	dma.local @!p0 [hbm:s0], s1  }
0x174: {  	s0 =	simm.s32 @!p0 $0x5  }
0x175: {  	_ =	swait.ge @!p0 [sflag:s0], s1  }
0x176: {  	s1 =	ssub.s32 @!p0 $0x0, s1;
	[sflag:s0] =	ssyncset.done @!p0 $0x0  }
0x177: {  	[sflag:s0] =	ssyncadd.s32 @!p0 s1  }
0x178: {  	[bflag:$0x3] =	sbarrier.arrive $0xFFFF  }
0x179: {  	_ =	shalt  }

// kernel: kernel.9.cloned.1.call-start
scs
__scs_entry_jumppad:
0x0: {  	(pc) =	sbr.rel $0x88, $3  }
0x1: {  	(tag) =	ssettag $0x0;
	lr =	simm.s32 $0x1  }
0x2: {  	[smem:$0x3F96] =	sst lr;
	_ =	strace $0xD0000000  }
0x3: {  	_ = 	snop  }
0x4: {  	_ = 	snop  }
0x5: {  	_ = 	snop  }
0x6: {  	_ = 	snop  }
0x7: {  	_ = 	snop  }
__scs_overlays_trampoline_lowered:
0x8: {  	[smem:$0x3FA5] =	sst s0  }
0x9: {  	[smem:$0x3FA6] =	sst s1  }
0xa: {  	[smem:$0x3FA7] =	sst s2  }
0xb: {  	[smem:$0x3FA8] =	sst s3  }
0xc: {  	[smem:$0x3FA9] =	sst s4  }
0xd: {  	[smem:$0x3FAA] =	sst s5  }
0xe: {  	[smem:$0x3FAB] =	sst s6  }
0xf: {  	[smem:$0x3FAC] =	sst s7  }
0x10: {  	[smem:$0x3FAD] =	sst s8  }
0x11: {  	[smem:$0x3FAE] =	sst s9;
	s0 =	simm.s32 @!p0 $0x0  }
0x12: {  	s1 =	sld [smem:$0x3F94];
	s0 =	simm.s32 @p0 $0x1  }
0x13: {  	[smem:$0x3FAF] =	sst s0;
	s0 =	simm.s32 @!p1 $0x0  }
0x14: {  	s2 =	sld [smem:$0x3F93];
	s0 =	simm.s32 @p1 $0x1  }
0x15: {  	[smem:$0x3FB0] =	sst s0;
	s0 =	simm.s32 @!p2 $0x0  }
0x16: {  	s3 =	sld [smem:$0x3FDB];
	s0 =	simm.s32 @p2 $0x1  }
0x17: {  	s4 =	simm.s32 $0x1BF5;
	[smem:$0x3FB2] =	sst s0  }
0x18: {  	s0 =	sld [smem:$0x3F95];
	_ =	swait.ge [sflag:s4], $0x0  }
0x19: {  	s7 =	sld [smem:$0x3F96]  }
0x1a: {  	s8 =	sadd.s32 $0xFFFFE003, lr  }
0x1b: {  	s9 =	sadd.s32 $0xFFFFFEF7, lr;
	s5 =	simm.s32 $0xFFFFFFFF;
	p2 =	slt.u32 s8, $0xFFFFF086  }
0x1c: {  	p1 =	slt.u32 s9, $0xF7A;
	s5 =	simm.s32 @!p2 $0x0  }
0x1d: {  	s5 =	simm.s32 @p1 $0x1;
	p0 =	seq.s32 s7, s2  }
0x1e: {  	s7 =	smul.u32 @!p0 $0xF7A, s2;
	p2 =	seq.s32 @!p0 s5, $0x0  }
0x1f: {  	s9 =	smul.u32 $0xF7A, s1;
	s8 =	simm.s32 @!p0 $0x1BF5;
	p2 =	por !p2, p0  }
0x20: {  	[sflag:s8] =	ssyncset.s32 @!p0 $0xFFFFF086;
	s6 =	sadd.s32 @!p0 s3, s7;
	s7 =	simm.s32 @!p0 $0x108  }
0x21: {  	s3 =	sadd.s32 s3, s9;
	s6 =	sadd.s32 @!p0 $0x88, s6;
	s7 =	simm.s32 @p2 $0x1082  }
0x22: {  	[simem:s7], [sflag:s8] =	dma.local @!p0 [hbm:s6], $0xF7A  }
0x23: {  	s9 =	sor.u32 $0xD0000000, s2;
	s6 =	simm.s32 $0x108;
	_ =	swait.ge @!p0 [sflag:s8], $0x0  }
0x24: {  	s3 =	sadd.s32 $0x88, s3;
	s6 =	simm.s32 @!p1 $0x1082;
	[sflag:s4] =	ssyncset.s32 $0xFFFFF086  }
0x25: {  	[simem:s6], [sflag:s4] =	dma.local [hbm:s3], $0xF7A  }
0x26: {  	[smem:$0x3F96] =	sst s1;
	(tag) =	ssettag s2;
	_ =	strace s9  }
0x27: {  	s1 =	sld [smem:$0x3FA6]  }
0x28: {  	s2 =	sld [smem:$0x3FA7]  }
0x29: {  	s4 =	sld [smem:$0x3FA9]  }
0x2a: {  	p0 =	seq.s32 s5, $0x0;
	s5 =	sld [smem:$0x3FAA]  }
0x2b: {  	s6 =	sld [smem:$0x3FAB]  }
0x2c: {  	s7 =	sld [smem:$0x3FAC]  }
0x2d: {  	s3 =	simm.s32 $0x108;
	s8 =	sld [smem:$0x3FAD]  }
0x2e: {  	s3 =	simm.s32 @!p0 $0x1082;
	s9 =	sld [smem:$0x3FAE]  }
0x2f: {  	lr =	sadd.s32 s0, s3;
	s0 =	sld [smem:$0x3FA5]  }
0x30: {  	s3 =	sld [smem:$0x3FA8]  }
0x31: {  	[smem:$0x3FB1] =	sst s10  }
0x32: {  	s10 =	sld [smem:$0x3FAF];
	_ =	sdelay $0x3  }
0x33: {  	p0 =	seq.s32 s10, $0x1;
	s10 =	sld [smem:$0x3FB1];
	_ =	sdelay $0x3  }
0x34: {  	[smem:$0x3FB1] =	sst s10  }
0x35: {  	s10 =	sld [smem:$0x3FB0];
	_ =	sdelay $0x3  }
0x36: {  	p1 =	seq.s32 s10, $0x1;
	s10 =	sld [smem:$0x3FB1];
	_ =	sdelay $0x3  }
0x37: {  	[smem:$0x3FB1] =	sst s10  }
0x38: {  	s10 =	sld [smem:$0x3FB2]  }
0x39: {  	_ = 	snop;
	(pc) =	sbr.ind lr, $3  }
0x3a: {  	_ = 	snop  }
0x3b: {  	_ = 	snop  }
0x3c: {  	p2 =	seq.s32 s10, $0x1;
	s10 =	sld [smem:$0x3FB1]  }
0x3d: {  	_ =	shalt  }
0x3e: {  	_ =	shalt  }
0x3f: {  	_ =	shalt  }
0x40: {  	_ =	shalt  }
0x41: {  	_ =	shalt  }
0x42: {  	_ =	shalt  }
0x43: {  	_ =	shalt  }
0x44: {  	_ =	shalt  }
0x45: {  	_ =	shalt  }
0x46: {  	_ =	shalt  }
0x47: {  	_ =	shalt  }
0x48: {  	_ =	shalt  }
0x49: {  	_ =	shalt  }
0x4a: {  	_ =	shalt  }
0x4b: {  	_ =	shalt  }
0x4c: {  	_ =	shalt  }
0x4d: {  	_ =	shalt  }
0x4e: {  	_ =	shalt  }
0x4f: {  	_ =	shalt  }
0x50: {  	_ =	shalt  }
0x51: {  	_ =	shalt  }
0x52: {  	_ =	shalt  }
0x53: {  	_ =	shalt  }
0x54: {  	_ =	shalt  }
0x55: {  	_ =	shalt  }
0x56: {  	_ =	shalt  }
0x57: {  	_ =	shalt  }
0x58: {  	_ =	shalt  }
0x59: {  	_ =	shalt  }
0x5a: {  	_ =	shalt  }
0x5b: {  	_ =	shalt  }
0x5c: {  	_ =	shalt  }
0x5d: {  	_ =	shalt  }
0x5e: {  	_ =	shalt  }
0x5f: {  	_ =	shalt  }
0x60: {  	_ =	shalt  }
0x61: {  	_ =	shalt  }
0x62: {  	_ =	shalt  }
0x63: {  	_ =	shalt  }
0x64: {  	_ =	shalt  }
0x65: {  	_ =	shalt  }
0x66: {  	_ =	shalt  }
0x67: {  	_ =	shalt  }
0x68: {  	_ =	shalt  }
0x69: {  	_ =	shalt  }
0x6a: {  	_ =	shalt  }
0x6b: {  	_ =	shalt  }
0x6c: {  	_ =	shalt  }
0x6d: {  	_ =	shalt  }
0x6e: {  	_ =	shalt  }
0x6f: {  	_ =	shalt  }
0x70: {  	_ =	shalt  }
0x71: {  	_ =	shalt  }
0x72: {  	_ =	shalt  }
0x73: {  	_ =	shalt  }
0x74: {  	_ =	shalt  }
0x75: {  	_ =	shalt  }
0x76: {  	_ =	shalt  }
0x77: {  	_ =	shalt  }
0x78: {  	_ =	shalt  }
0x79: {  	_ =	shalt  }
0x7a: {  	_ =	shalt  }
0x7b: {  	_ =	shalt  }
0x7c: {  	_ =	shalt  }
0x7d: {  	_ =	shalt  }
0x7e: {  	_ =	shalt  }
0x7f: {  	_ =	shalt  }
0x80: {  	_ =	shalt  }
0x81: {  	_ =	shalt  }
0x82: {  	_ =	shalt  }
0x83: {  	_ =	shalt  }
0x84: {  	_ =	shalt  }
0x85: {  	_ =	shalt  }
0x86: {  	_ =	shalt  }
0x87: {  	_ =	shalt  }
.Lfunc_end0:
.L_simem_size_0:
called_computation_lowered:
.L_overlay_start_0:
0x88: {  	s2 =	sld [smem:$0x3FD9]  }
0x89: {  	s3 =	sld [smem:$0x3FFE];
	_ =	sdelay $0x1  }
0x8a: {  	s1 =	srdreg.scid  }
0x8b: {  	s0 =	sand.u32 $0x1, s1  }
0x8c: {  	s17 =	sshll.u32 s0, $0xA;
	s2 =	sadd.s32 s3, s2  }
0x8d: {  	s2 =	sadd.s32 s2, s17  }
0x8e: {  	[smem:$0x3FBD] =	sst s2  }
0x8f: {  	_ = 	snop  }
0x90: {  	(tm) =	ssettm $0x1  }
0x91: {  	s18 =	sld [smem:$0x3FFB];
	_ =	sdelay $0x3  }
0x92: {  	_ =	strace s18  }
0x93: {  	s2 =	sld [smem:$0x3FFC];
	_ =	sdelay $0x3  }
0x94: {  	_ =	strace s2  }
0x95: {  	s2 =	sld [smem:$0x3FFD];
	_ =	sdelay $0x3  }
0x96: {  	_ =	strace s2  }
0x97: {  	_ =	strace $0x8FFFFFFF  }
0x98: {  	s19 =	sld [smem:$0x3FDB];
	_ =	sdelay $0x1  }
0x99: {  	s20 =	simm.s32 $_scs_section_size  }
0x9a: {  	s4 =	simm.s32 $_size__tile_overlayer_lowered;
	s5 =	simm.s32 $_tile_overlayer_lowered  }
0x9b: {  	s6 =	simm.s32 $0x1BFF;
	s21 =	sshll.u32 s5, $0x1;
	s3 =	sadd.s32 s20, s19  }
0x9c: {  	s22 =	simm.s32 $0x0;
	s4 =	sshll.u32 s4, $0x1;
	s5 =	sadd.s32 s21, s3  }
0x9d: {  	[timem:s22], [sflag:s6] =	dma.local [hbm:s5], s4  }
0x9e: {  	_ =	swait.ge [sflag:s6], s4  }
0x9f: {  	s4 =	ssub.s32 $0x0, s4;
	[sflag:s6] =	ssyncset.done $0x0  }
0xa0: {  	[sflag:s6] =	ssyncadd.s32 s4;
	_ =	sdelay $0x1  }
0xa1: {  	s23 =	simm.s32 $0x1B8B  }
0xa2: {  	_ =	swait.ge [sflag:s23], $0x1  }
0xa3: {  	[sflag:s23] =	ssyncset.done $0x0  }
0xa4: {  	[sflag:s23] =	ssyncadd.s32 $0xFFFFFFFF  }
0xa5: {  	s4 =	sld [smem:$0x0]  }
0xa6: {  	s5 =	sand.u32 $0xFFFFFFFE, s1  }
0xa7: {  	p0 =	sne.s32 s1, s5  }
0xa8: {  	s5 =	sshll.u32 @p0 s5, $0xE  }
0xa9: {  	s5 =	sadd.s32 @p0 $0x11B8D, s5;
	s6 =	sshll.u32 @p0 s4, $0x11  }
0xaa: {  	s5 =	sor.u32 @p0 s6, s5  }
0xab: {  	[sflag:s5] =	ssyncadd.remote.s32 @p0 $0x1;
	_ =	sdelay $0x1  }
0xac: {  	s5 =	simm.s32 @p0 $0x1B8D  }
0xad: {  	_ =	swait.eq @p0 [sflag:s5], $0x1  }
0xae: {  	[sflag:s5] =	ssyncadd.s32 @p0 $0xFFFFFFFF  }
0xaf: {  	s6 =	sshll.u32 @!p0 s1, $0xE  }
0xb0: {  	s6 =	sor.u32 @!p0 $0x4000, s6;
	s5 =	simm.s32 @!p0 $0x1B8D  }
0xb1: {  	s4 =	sshll.u32 @!p0 s4, $0x11;
	s6 =	sadd.s32 @!p0 $0x11B8D, s6;
	_ =	swait.eq @!p0 [sflag:s5], $0x1  }
0xb2: {  	s4 =	sor.u32 @!p0 s4, s6;
	[sflag:s5] =	ssyncadd.s32 @!p0 $0xFFFFFFFF  }
0xb3: {  	s25 =	simm.s32 $0x1B8E;
	s24 =	sld [smem:$0x3FFE];
	[sflag:s4] =	ssyncadd.remote.s32 @!p0 $0x1  }
0xb4: {  	s26 =	simm.s32 $execute0_lowered;
	[smem:$0x3FD2] =	sst s25  }
0xb5: {  	s5 =	sshll.u32 s26, $0x1;
	_ =	strace $0x80000049;
	[dreg:$0x1] =	wrdreg $0xFFFFFFFF  }
0xb6: {  	s28 =	simm.s32 $_size_execute0_lowered;
	s3 =	sadd.s32 s3, s5;
	[dreg:$0x0] =	wrdreg $0x0  }
0xb7: {  	s5 =	sshll.u32 s28, $0x1;
	[dreg:$0x2] =	wrdreg s3  }
0xb8: {  	[dreg:$0x3] =	wrdreg s5  }
0xb9: {  	[dreg:$0x4] =	wrdreg $0xC0  }
0xba: {  	_ =	task [dreg:s22], $0x5FFFF  }
0xbb: {  	[dreg:$0x1] =	wrdreg $0xFFFFFFFF  }
0xbc: {  	[dreg:$0x0] =	wrdreg $0x60  }
0xbd: {  	[dreg:$0x2] =	wrdreg s24  }
0xbe: {  	[dreg:$0x3] =	wrdreg $0x68000  }
0xbf: {  	[dreg:$0x4] =	wrdreg $0x9  }
0xc0: {  	_ =	task.clear_ibuf [dreg:s22], $0x5FFFF;
	_ =	strace $0x90000049  }
0xc1: {  	s29 =	simm.s32 $0x9;
	_ =	strace $0x8000004B  }
0xc2: {  	_ =	swait.ge [sflag:s29], $0x1  }
0xc3: {  	[sflag:s29] =	ssyncadd.s32 $0xFFFFFFFF  }
0xc4: {  	_ =	strace $0x9000004B  }
0xc5: {  	_ =	sfence  }
0xc6: {  	s30 =	sld [smem:$0x0];
	_ =	sdelay $0x2  }
0xc7: {  	s31 =	sshll.u32 s1, $0xD;
	s1 =	sshrl.u32 s1, $0x2  }
0xc8: {  	s4 =	sand.u32 $0x4000, s31;
	s1 =	sadd.s32 s1, s30  }
0xc9: {  	s0 =	sor.u32 s4, s0;
	s1 =	sshll.u32 s1, $0x11  }
0xca: {  	s0 =	sor.u32 s1, s0  }
0xcb: {  	s0 =	sadd.s32 $0x8F2B, s0  }
0xcc: {  	[sflag:s0] =	ssyncadd.remote.s32 $0x1  }
0xcd: {  	_ =	sfence.sel $0xFFFF  }
0xce: {  	[dreg:$0x0] =	wrdreg $0xFFFFFFFF;
	(pc) =	sbr.abs _section_cstart, $3  }
0xcf: {  	[dreg:$0x1] =	wrdreg $0xFFFFFFFF  }
0xd0: {  	_ =	task.clear_ibuf [dreg:s22], $0x2FFFF;
	_ =	strace $0x9FFFFFFF  }
0xd1: {  	(tm) =	ssettm $0x7FFFFFFF  }
tec
execute0_lowered:
.L_overlay_start_1:
0x0: {  	(tag) =	ssettag $0x1  }
0x1: {  	s0 =	srdreg.scid;
	s4 =	rddreg [dreg:$0x0]  }
0x2: {  	s2 =	rddreg [dreg:$0x1];
	s1 =	stileid.u32  }
0x3: {  	s3 =	simm.s32 $0x0;
	s6 =	sand.u32 $0x1, s0;
	s0 =	rddreg [dreg:$0x2]  }
0x4: {  	s19 =	simm.s32 $0x0;
	[smem:$0x7FF] =	sst s3;
	s9 =	smul.u32 $0x14000, s1  }
0x5: {  	s14 =	sadd.s32 $0x3E600, s4;
	s5 =	sshll.u32 s6, $0x4;
	_ =	strace $0x8000004A  }
0x6: {  	s7 =	ssub.s32 $0x2, s6;
	s12 =	smul.u32 $0x140000, s6;
	s5 =	sor.u32 s1, s5  }
0x7: {  	s8 =	sshrl.u32 s7, $0x1;
	s10 =	sadd.s32 $0x4000, s9;
	s13 =	sadd.s32 $0x8000, s9  }
0x8: {  	s16 =	sadd.s32 $0xC000, s9;
	s17 =	sadd.s32 $0x10000, s9;
	s5 =	smul.u32 $0x500, s5  }
0x9: {  	s15 =	ssub.s32 s7, s8;
	s6 =	sadd.s32 s10, s2;
	s7 =	sadd.s32 s13, s2  }
0xa: {  	s8 =	sadd.s32 s16, s2;
	s11 =	sadd.s32 s9, s12;
	s18 =	sadd.s32 s12, s10  }
0xb: {  	s13 =	sadd.s32 s12, s13;
	s16 =	sadd.s32 s12, s16;
	s11 =	sshrl.u32 s11, $0x3  }
0xc: {  	s30 =	sshrl.u32 s18, $0x3;
	s13 =	sshrl.u32 s13, $0x3;
	s16 =	sshrl.u32 s16, $0x3  }
0xd: {  	s15 =	smax.u32 s15, $0x1;
	s18 =	simm.s32 $0x80;
	s5 =	sadd.s32 s5, s4  }
0xe: {  	s10 =	sadd.s32 s14, s11;
	s11 =	sadd.s32 s14, s30;
	s4 =	sadd.s32 $0x2600, s5  }
0xf: {  	s5 =	sadd.s32 s9, s2;
	s9 =	sadd.s32 s17, s2;
	s17 =	sadd.s32 s12, s17  }
0x10: {  	s12 =	sadd.s32 s14, s13;
	s13 =	sadd.s32 s14, s16;
	s31 =	sshrl.u32 s17, $0x3  }
0x11: {  	v0 =	vimm.f32 $0.0e+00;
	v1 =	vimm.f32 $1.000000000e+00;
	s16 =	simm.s32 $0x1;
	s17 =	simm.s32 $0x2800;
	s14 =	sadd.s32 s14, s31  }
.LBB2_1:
0x12: {  	[tilespmem:s3], [sflag:$0x1] =	stream.linear.gather [hbm4b:s4+s3], $0x2800, $0x38;
	[tilespmem:$0x1A800] =	vst v63  }
0x13: {  	_ =	swait.ge [sflag:s16], $0x2800  }
0x14: {  	[sflag:s16] =	ssyncset.done $0x0  }
0x15: {  	s20 =	simm.s32 $0x0;
	s21 =	simm.s32 $0x200;
	[sflag:s16] =	ssyncadd.s32 $0xFFFFD800  }
.LBB2_2:
0x16: {  	p0 =	sne.s32 s21, $0xFE00;
	[tilespmem:s20+$0x2870] =	vst v0  }
0x17: {  	[tilespmem:s20+$0x2800] =	vst v0  }
0x18: {  	[tilespmem:s20+$0x2810] =	vst v0  }
.Ltmp0:
0x19: {  	[tilespmem:s20+$0x2820] =	vst v0;
	(pc) =	sbr.rel @p0 .LBB2_2-.Ltmp0, $4  }
0x1a: {  	[tilespmem:s20+$0x2830] =	vst v0  }
0x1b: {  	[tilespmem:s20+$0x2840] =	vst v0  }
0x1c: {  	[tilespmem:s20+$0x2850] =	vst v0  }
0x1d: {  	[tilespmem:s20+$0x2860] =	vst v0;
	s20 =	sshra.s32 s21, $0x2;
	s21 =	sadd.s32 $0x200, s21  }
0x1e: {  	[tilespmem:s20+$0x2870] =	vst v0  }
0x1f: {  	[tilespmem:s20+$0x2800] =	vst v0  }
0x20: {  	[tilespmem:s20+$0x2810] =	vst v0  }
0x21: {  	[tilespmem:s20+$0x2820] =	vst v0  }
0x22: {  	[tilespmem:s20+$0x2830] =	vst v0  }
0x23: {  	[tilespmem:s20+$0x2840] =	vst v0  }
0x24: {  	[tilespmem:s20+$0x2850] =	vst v0  }
0x25: {  	[tilespmem:s20+$0x2860] =	vst v0  }
0x26: {  	[spmem:s5] =	stream.linear.scatter [tilespmem:s17], [sflag:$0x1], $0x4000, $0x38;
	[tilespmem:$0x1A800] =	vst v63  }
0x27: {  	_ =	swait.ge [sflag:s16], $0x4000  }
0x28: {  	[sflag:s16] =	ssyncset.done $0x0  }
0x29: {  	[sflag:s16] =	ssyncadd.s32 $0xFFFFC000  }
0x2a: {  	[spmem:s6] =	stream.linear.scatter [tilespmem:s17], [sflag:$0x1], $0x4000, $0x38;
	[tilespmem:$0x1A800] =	vst v63  }
0x2b: {  	_ =	swait.ge [sflag:s16], $0x4000  }
0x2c: {  	[sflag:s16] =	ssyncset.done $0x0  }
0x2d: {  	[sflag:s16] =	ssyncadd.s32 $0xFFFFC000  }
0x2e: {  	[spmem:s7] =	stream.linear.scatter [tilespmem:s17], [sflag:$0x1], $0x4000, $0x38;
	[tilespmem:$0x1A800] =	vst v63  }
0x2f: {  	_ =	swait.ge [sflag:s16], $0x4000  }
0x30: {  	[sflag:s16] =	ssyncset.done $0x0  }
0x31: {  	[sflag:s16] =	ssyncadd.s32 $0xFFFFC000  }
0x32: {  	[spmem:s8] =	stream.linear.scatter [tilespmem:s17], [sflag:$0x1], $0x4000, $0x38;
	[tilespmem:$0x1A800] =	vst v63  }
0x33: {  	_ =	swait.ge [sflag:s16], $0x4000  }
0x34: {  	[sflag:s16] =	ssyncset.done $0x0  }
0x35: {  	[sflag:s16] =	ssyncadd.s32 $0xFFFFC000  }
0x36: {  	[spmem:s9] =	stream.linear.scatter [tilespmem:s17], [sflag:$0x1], $0x4000, $0x38;
	[tilespmem:$0x1A800] =	vst v63  }
0x37: {  	_ =	swait.ge [sflag:s16], $0x4000  }
0x38: {  	[sflag:s16] =	ssyncset.done $0x0  }
0x39: {  	s20 =	simm.s32 $0x0;
	s21 =	simm.s32 $0x200;
	[sflag:s16] =	ssyncadd.s32 $0xFFFFC000  }
.LBB2_4:
0x3a: {  	p0 =	sne.s32 s21, $0xFE00;
	[tilespmem:s20+$0x2870] =	vst v1  }
0x3b: {  	[tilespmem:s20+$0x2800] =	vst v1  }
0x3c: {  	[tilespmem:s20+$0x2810] =	vst v1  }
.Ltmp1:
0x3d: {  	[tilespmem:s20+$0x2820] =	vst v1;
	(pc) =	sbr.rel @p0 .LBB2_4-.Ltmp1, $4  }
0x3e: {  	[tilespmem:s20+$0x2830] =	vst v1  }
0x3f: {  	[tilespmem:s20+$0x2840] =	vst v1  }
0x40: {  	[tilespmem:s20+$0x2850] =	vst v1  }
0x41: {  	[tilespmem:s20+$0x2860] =	vst v1;
	s20 =	sshra.s32 s21, $0x2;
	s21 =	sadd.s32 $0x200, s21  }
0x42: {  	[tilespmem:s20+$0x2870] =	vst v1  }
0x43: {  	[tilespmem:s20+$0x2800] =	vst v1  }
0x44: {  	[tilespmem:s20+$0x2810] =	vst v1  }
0x45: {  	[tilespmem:s20+$0x2820] =	vst v1  }
0x46: {  	[tilespmem:s20+$0x2830] =	vst v1  }
0x47: {  	[tilespmem:s20+$0x2840] =	vst v1  }
0x48: {  	[tilespmem:s20+$0x2850] =	vst v1  }
0x49: {  	[tilespmem:s20+$0x2860] =	vst v1  }
0x4a: {  	s31 =	simm.s32 $0x0;
	[bflag:$0x0] =	sbarrier.arrive $0xFFFF  }
0x4b: {  	[spmem:s2] =	stream.indirect.scatter.add.f32 [tilespmem:s17], [sflag:$0x1], $0x80, s31, s18, $0xb8;
	[tilespmem:$0x1A800] =	vst v63  }
0x4c: {  	_ =	swait.ge [sflag:s16], $0x4000  }
0x4d: {  	s20 =	simm.s32 $0x200;
	[sflag:s16] =	ssyncset.done $0x0  }
.LBB2_6:
0x4e: {  	s21 =	sshra.s32 s20, $0x2;
	[sflag:s16] =	ssyncadd.s32 $0xFFFFC000;
	p0 =	sne.s32 s20, $0x9E00  }
0x4f: {  	[spmem:s2] =	stream.indirect.scatter.add.f32 [tilespmem:s17], [sflag:$0x1], $0x80, s21, s18, $0xb8;
	[tilespmem:$0x1A800] =	vst v63  }
.Ltmp2:
0x50: {  	_ = 	snop;
	(pc) =	sbr.rel @p0 .LBB2_6-.Ltmp2, $4  }
0x51: {  	_ = 	snop  }
0x52: {  	s20 =	sadd.s32 $0x200, s20  }
0x53: {  	_ =	swait.ge [sflag:s16], $0x4000  }
0x54: {  	[sflag:s16] =	ssyncset.done $0x0  }
0x55: {  	[sflag:s16] =	ssyncadd.s32 $0xFFFFC000;
	s20 =	sshll.u32 s1, $0x6  }
0x56: {  	s21 =	sshrl.u32 s5, $0x3;
	[bflag:$0x0] =	sbarrier.arrive $0xFFFF;
	s20 =	sor.u32 $0x1C01, s20  }
0x57: {  	[hbm:s10], [sflag:s20] =	dma.local [spmem:s21], $0x800  }
0x58: {  	_ =	swait.ge [sflag:s16], $0x800  }
0x59: {  	[sflag:s16] =	ssyncset.done $0x0  }
0x5a: {  	s28 =	sshrl.u32 s6, $0x3;
	[sflag:s16] =	ssyncadd.s32 $0xFFFFF800  }
0x5b: {  	[hbm:s11], [sflag:s20] =	dma.local [spmem:s28], $0x800  }
0x5c: {  	_ =	swait.ge [sflag:s16], $0x800  }
0x5d: {  	[sflag:s16] =	ssyncset.done $0x0  }
0x5e: {  	s29 =	sshrl.u32 s7, $0x3;
	[sflag:s16] =	ssyncadd.s32 $0xFFFFF800  }
0x5f: {  	[hbm:s12], [sflag:s20] =	dma.local [spmem:s29], $0x800  }
0x60: {  	_ =	swait.ge [sflag:s16], $0x800  }
0x61: {  	[sflag:s16] =	ssyncset.done $0x0  }
0x62: {  	s30 =	sshrl.u32 s8, $0x3;
	[sflag:s16] =	ssyncadd.s32 $0xFFFFF800  }
0x63: {  	[hbm:s13], [sflag:s20] =	dma.local [spmem:s30], $0x800  }
0x64: {  	s19 =	sadd.s32 $0x1, s19;
	_ =	swait.ge [sflag:s16], $0x800  }
0x65: {  	p0 =	sne.s32 s19, s15;
	[sflag:s16] =	ssyncset.done $0x0  }
.Ltmp3:
0x66: {  	s31 =	sshrl.u32 s9, $0x3;
	[sflag:s16] =	ssyncadd.s32 $0xFFFFF800;
	(pc) =	sbr.rel @p0 .LBB2_1-.Ltmp3, $4  }
0x67: {  	[hbm:s14], [sflag:s20] =	dma.local [spmem:s31], $0x800  }
0x68: {  	_ =	swait.ge [sflag:s16], $0x800  }
0x69: {  	[sflag:s16] =	ssyncset.done $0x0  }
0x6a: {  	[sflag:s16] =	ssyncadd.s32 $0xFFFFF800  }
0x6b: {  	_ =	sfence.sel $0x180000  }
0x6c: {  	[bflag:$0x0] =	sbarrier.arrive $0xFFFF  }
0x6d: {  	p0 =	sne.s32 s1, $0x0;
	_ =	strace $0x9000004A  }
0x6e: {  	s0 =	sadd.s32 @!p0 $0x100000, s0;
	[bflag:$0x2] =	sbarrier.arrive $0xFFFF  }
0x6f: {  	[sflag:s0] =	ssyncadd.tile.s32 @!p0 $0x1;
	_ =	shalt  }
.Lfunc_end2:
_tile_overlayer_lowered:
.L_overlay_start_2:
0x70: {  	(tag) =	ssettag $0x2  }
0x71: {  	s0 =	rddreg [dreg:$0x0];
	s2 =	stileid.u32  }
0x72: {  	s1 =	rddreg [dreg:$0x1];
	p0 =	sne.s32 s2, $0x0  }
0x73: {  	s3 =	rddreg [dreg:$0x2];
	[bflag:$0x3] =	sbarrier.arrive $0xFFFF;
	s2 =	simm.s32 @!p0 $0x1C01  }
0x74: {  	[timem:s3], [sflag:s2] =	dma.local @!p0 [hbm:s0], s1  }
0x75: {  	s0 =	simm.s32 @!p0 $0x1  }
0x76: {  	_ =	swait.ge @!p0 [sflag:s0], s1  }
0x77: {  	s1 =	ssub.s32 @!p0 $0x0, s1;
	[sflag:s0] =	ssyncset.done @!p0 $0x0  }
0x78: {  	[sflag:s0] =	ssyncadd.s32 @!p0 s1  }
0x79: {  	[bflag:$0x3] =	sbarrier.arrive $0xFFFF  }
0x7a: {  	_ =	shalt  }

</sc_bundles>
